<compile_context>
chip_gen: v7x
topology: tpu7x:2x2x1
jax: 0.10.2.dev20260603
libtpu: 0.0.44.dev20260713+nightly
codegen_flags: <defaults>
</compile_context>

<pallas_src>
import jax
import jax.numpy as jnp
from jax import lax
from jax.experimental import pallas as pl
from jax.experimental.pallas import tpu as pltpu
from jax.experimental.pallas import tpu_sc as plsc

NUM_NODES = 1000000
DIM = 64
BATCH = 16384
NUM_NEG = 20
MARGIN = 1.0

NC = 2
NS = 16
NW = NC * NS
LANES = 16

_COMPILER_PARAMS = pltpu.CompilerParams(needs_layout_passes=False,
                                        use_tc_tiling_on_sc=True)


NBLK = NUM_NODES // 128
MAIN_ITERS = NBLK // NW
EXTRA_BLKS = NBLK - MAIN_ITERS * NW
TAIL_NODES = NUM_NODES - NBLK * 128
BLK_WORDS = 128 * DIM
NSLOT = 4


def _transpose_body(embt_hbm, tail_hbm, out_hbm, in_v, out_v, isem, osem):
    wid = lax.axis_index("c") * NS + lax.axis_index("s")
    lane_iota = lax.iota(jnp.int32, LANES)

    def fire_in(b, s):
        pltpu.make_async_copy(
            embt_hbm.at[pl.ds(0, DIM), pl.ds(b * 128, 128)],
            in_v.at[s], isem.at[s]).start()

    def wait_in(s):
        pltpu.make_async_copy(
            embt_hbm.at[pl.ds(0, DIM), pl.ds(0, 128)],
            in_v.at[s], isem.at[s]).wait()

    def fire_out(b, s):
        pltpu.make_async_copy(
            out_v.at[pl.ds(s * BLK_WORDS, BLK_WORDS)],
            out_hbm.at[pl.ds(b * BLK_WORDS, BLK_WORDS)], osem.at[s]).start()

    def wait_out(s):
        pltpu.make_async_copy(
            out_v.at[pl.ds(0, BLK_WORDS)],
            out_hbm.at[pl.ds(0, BLK_WORDS)], osem.at[s]).wait()

    def transpose_block(s):
        src = in_v.at[s]
        obase = s * BLK_WORDS

        def j_body(j, _):
            for dd in range(4):
                dvec = (lane_iota + (j * 4 + dd)) & (DIM - 1)
                for nsub in range(8):
                    nvec = lane_iota + nsub * LANES
                    val = plsc.load_gather(src, [dvec, nvec])
                    plsc.store_scatter(out_v, [obase + nvec * DIM + dvec], val)
            return 0

        lax.fori_loop(0, DIM // 4, j_body, 0)

    for p in range(NSLOT - 1):
        fire_in(p * NW + wid, p)

    def main_body(i, _):
        s = lax.rem(i, NSLOT)

        @pl.when(i + NSLOT - 1 < MAIN_ITERS)
        def _():
            fire_in((i + NSLOT - 1) * NW + wid, lax.rem(i + NSLOT - 1, NSLOT))

        wait_in(s)

        @pl.when(i >= NSLOT)
        def _():
            wait_out(s)

        transpose_block(s)
        fire_out(i * NW + wid, s)
        return 0

    lax.fori_loop(0, MAIN_ITERS, main_body, 0)
    for s in range(NSLOT):
        wait_out(s)

    @pl.when(wid < EXTRA_BLKS)
    def _():
        b = MAIN_ITERS * NW + wid
        pltpu.sync_copy(embt_hbm.at[pl.ds(0, DIM), pl.ds(b * 128, 128)],
                        in_v.at[0])
        transpose_block(0)
        pltpu.sync_copy(out_v.at[pl.ds(0, BLK_WORDS)],
                        out_hbm.at[pl.ds(b * BLK_WORDS, BLK_WORDS)])

    @pl.when(wid == EXTRA_BLKS)
    def _():
        pltpu.sync_copy(tail_hbm, out_v.at[pl.ds(0, TAIL_NODES * DIM)])
        pltpu.sync_copy(out_v.at[pl.ds(0, TAIL_NODES * DIM)],
                        out_hbm.at[pl.ds(NBLK * BLK_WORDS, TAIL_NODES * DIM)])



B_PER_W = BATCH // NW
CHUNK = 32
N_CHUNKS = B_PER_W // CHUNK
NEG_PER_CHUNK = CHUNK * NUM_NEG
NEG_IDX_ROWS = NEG_PER_CHUNK // 128
NEG_IDX_ROWS_W = B_PER_W * NUM_NEG // 128
GROUPS = CHUNK // LANES
UNROLL = 4
NBUF = 2


def _loss_body(emb_hbm, tgt_hbm, ctx_hbm, neg_hbm, out_hbm,
             t_idx, c_idx, n_idx, t_rows, c_rows, n_rows, acc_v, sem):
    wid = lax.axis_index("c") * NS + lax.axis_index("s")
    lane_iota = lax.iota(jnp.int32, LANES)
    zeros = jnp.zeros((LANES,), jnp.float32)

    pltpu.sync_copy(tgt_hbm.at[pl.ds(wid * B_PER_W, B_PER_W)], t_idx)
    pltpu.sync_copy(ctx_hbm.at[pl.ds(wid * B_PER_W, B_PER_W)], c_idx)
    pltpu.sync_copy(neg_hbm.at[pl.ds(wid * NEG_IDX_ROWS_W, NEG_IDX_ROWS_W)],
                    n_idx)

    def fire(ci, buf):
        cps = [pltpu.make_async_copy(
                   emb_hbm.at[t_idx.at[pl.ds(ci * CHUNK, CHUNK)]],
                   t_rows.at[buf], sem.at[buf]),
               pltpu.make_async_copy(
                   emb_hbm.at[c_idx.at[pl.ds(ci * CHUNK, CHUNK)]],
                   c_rows.at[buf], sem.at[buf])]
        cps += [pltpu.make_async_copy(emb_hbm.at[n_idx.at[ci * NEG_IDX_ROWS + j]],
                                      n_rows.at[buf].at[pl.ds(j * 128, 128)],
                                      sem.at[buf])
                for j in range(NEG_IDX_ROWS)]
        for cp in cps:
            cp.start()
        return cps

    def wait(ci, buf):
        for cp in fire_descr(buf):
            cp.wait()

    def fire_descr(buf):
        cps = [pltpu.make_async_copy(
                   emb_hbm.at[t_idx.at[pl.ds(0, CHUNK)]], t_rows.at[buf],
                   sem.at[buf]),
               pltpu.make_async_copy(
                   emb_hbm.at[c_idx.at[pl.ds(0, CHUNK)]], c_rows.at[buf],
                   sem.at[buf])]
        cps += [pltpu.make_async_copy(emb_hbm.at[n_idx.at[j]],
                                      n_rows.at[buf].at[pl.ds(j * 128, 128)],
                                      sem.at[buf])
                for j in range(NEG_IDX_ROWS)]
        return cps

    def compute(buf, loss_acc):
        t_r, c_r, n_r = t_rows.at[buf], c_rows.at[buf], n_rows.at[buf]

        def group_body(g, acc):
            e_lanes = lane_iota + g * LANES
            n_base = e_lanes * NUM_NEG

            def d_body(j, carry):
                pos, negs = carry
                for dd in range(UNROLL):
                    dcol = (lane_iota + (j * UNROLL + dd)) & (DIM - 1)
                    t_d = plsc.load_gather(t_r, [e_lanes, dcol])
                    c_d = plsc.load_gather(c_r, [e_lanes, dcol])
                    pos = pos + t_d * c_d
                    negs = tuple(
                        negs[k]
                        + t_d * plsc.load_gather(n_r, [n_base + k, dcol])
                        for k in range(NUM_NEG))
                return pos, negs

            pos, negs = lax.fori_loop(
                0, DIM // UNROLL, d_body, (zeros, (zeros,) * NUM_NEG))
            contrib = zeros
            for k in range(NUM_NEG):
                contrib = contrib + jnp.maximum(MARGIN - pos + negs[k], 0.0)
            return acc + contrib

        return lax.fori_loop(0, GROUPS, group_body, loss_acc)

    fire(0, 0)

    def chunk_body(ci, loss_acc):
        buf = lax.rem(ci, NBUF)
        nbuf = lax.rem(ci + 1, NBUF)

        @pl.when(ci + 1 < N_CHUNKS)
        def _():
            fire(ci + 1, nbuf)

        wait(ci, buf)
        return compute(buf, loss_acc)

    loss = lax.fori_loop(0, N_CHUNKS, chunk_body, zeros)
    acc_v[...] = loss
    pltpu.sync_copy(acc_v, out_hbm.at[wid])


@jax.jit
def _margin_loss(embeddings, targets, contexts, negatives2d):
    mesh = plsc.VectorSubcoreMesh(core_axis_name="c", subcore_axis_name="s",
                                  num_cores=NC, num_subcores=NS)

    embt = embeddings.T
    tail = embeddings[NBLK * 128:].reshape(-1)

    table_flat = pl.kernel(
        _transpose_body,
        out_type=jax.ShapeDtypeStruct((NUM_NODES * DIM,), jnp.float32),
        mesh=mesh,
        scratch_types=[
            pltpu.VMEM((NSLOT, DIM, 128), jnp.float32),
            pltpu.VMEM((NSLOT * BLK_WORDS,), jnp.float32),
            pltpu.SemaphoreType.DMA((NSLOT,)),
            pltpu.SemaphoreType.DMA((NSLOT,)),
        ],
        compiler_params=pltpu.CompilerParams(needs_layout_passes=False,
                                             use_tc_tiling_on_sc=True),
    )(embt, tail)

    partials = pl.kernel(
        _loss_body,
        out_type=jax.ShapeDtypeStruct((NW, LANES), jnp.float32),
        mesh=mesh,
        scratch_types=[
            pltpu.VMEM((B_PER_W,), jnp.int32),
            pltpu.VMEM((B_PER_W,), jnp.int32),
            pltpu.VMEM((NEG_IDX_ROWS_W, 128), jnp.int32),
            pltpu.VMEM((NBUF, CHUNK, DIM), jnp.float32),
            pltpu.VMEM((NBUF, CHUNK, DIM), jnp.float32),
            pltpu.VMEM((NBUF, NEG_PER_CHUNK, DIM), jnp.float32),
            pltpu.VMEM((LANES,), jnp.float32),
            pltpu.SemaphoreType.DMA((NBUF,)),
        ],
        compiler_params=pltpu.CompilerParams(needs_layout_passes=False,
                                             use_tc_tiling_on_sc=False),
    )(table_flat.reshape(NUM_NODES, DIM), targets, contexts, negatives2d)
    return jnp.sum(partials) / (BATCH * NUM_NEG)


def kernel(embeddings, targets, contexts, negatives):
    targets = targets.astype(jnp.int32)
    contexts = contexts.astype(jnp.int32)
    negatives2d = negatives.astype(jnp.int32).reshape(-1, 128)
    return _margin_loss(embeddings, targets, contexts, negatives2d)

# --- scband reference (transcript-rebuilt; emitter-appended) ---
"""Pipeline reference for scband-margin-ranking-loss-61735859912992 (READ-ONLY COPY).

The authoritative reference and input builder live on the scoring server;
editing this copy changes nothing except your own understanding.
"""

import jax, jax.numpy as jnp
import numpy as np

NUM_NODES = 1000000
DIM = 64
BATCH = 16384
NUM_NEG = 20
MARGIN = 1.0


def setup_inputs(seed: int = 0) -> dict:
    key = jax.random.key(seed)
    k_emb, k_t, k_c, k_n = jax.random.split(key, 4)
    embeddings = jax.random.normal(k_emb, (NUM_NODES, DIM), dtype=jnp.float32)
    targets = jax.random.randint(k_t, (BATCH,), 0, NUM_NODES, dtype=jnp.int64)
    contexts = jax.random.randint(k_c, (BATCH,), 0, NUM_NODES, dtype=jnp.int64)
    negatives = jax.random.randint(k_n, (BATCH, NUM_NEG), 0, NUM_NODES, dtype=jnp.int64)
    return {"embeddings": embeddings, "targets": targets, "contexts": contexts, "negatives": negatives}


def reference(embeddings, targets, contexts, negatives):
    target_emb = jnp.take(embeddings, targets, axis=0)          # [B, D]
    context_emb = jnp.take(embeddings, contexts, axis=0)        # [B, D]
    negative_emb = jnp.take(embeddings, negatives, axis=0)      # [B, N, D]
    pos_scores = jnp.sum(target_emb * context_emb, axis=1, keepdims=True)  # [B, 1]
    neg_scores = jnp.einsum('bnd,bd->bn', negative_emb, target_emb)        # [B, N]
    loss = jax.nn.relu(MARGIN - pos_scores + neg_scores)
    return jnp.mean(loss)

if __name__ == "__main__":
    import jax
    _d = setup_inputs()
    print(jax.jit(kernel)(*tuple(_d.values())))

</pallas_src>

<mosaic_0001>
#map = affine_map<(d0, d1) -> (0, 0)>
#map1 = affine_map<(d0, d1) -> (0)>
module attributes {stable_mosaic.version = 14 : i64} {
  func.func @_transpose_body(%arg0: i32, %arg1: i32, %arg2: memref<64x1000000xf32, #tpu.memory_space<hbm>>, %arg3: memref<4096xf32, #tpu.memory_space<hbm>>, %arg4: memref<64000000xf32, #tpu.memory_space<hbm>>, %arg5: memref<4x64x128xf32, #tpu.memory_space<vmem>>, %arg6: memref<32768xf32, #tpu.memory_space<vmem>>, %arg7: memref<4x!tpu.dma_semaphore, #tpu.memory_space<semaphore_mem>>, %arg8: memref<4x!tpu.dma_semaphore, #tpu.memory_space<semaphore_mem>>) attributes {dimension_semantics = [#tpu.dimension_semantics<core_parallel>, #tpu.dimension_semantics<subcore_parallel>], iteration_bounds = array<i64: 2, 16>, scalar_prefetch = 0 : i64, scratch_operands = 4 : i64, tpu.core_type = #tpu.core_type<sc_vector_subcore>, window_params = [{transform_indices = #map}, {transform_indices = #map1}, {transform_indices = #map1}]} {
    %mul3A = arith.constant 16 : i32
    %mul3A_0 = arith.muli %arg0, %mul3A : i32
    %add3A = arith.addi %mul3A_0, %arg1 : i32
    %iota3A = tpu.iota {dimensions = array<i32: 0>} : vector<16xi32>
    %add3A_1 = arith.constant 0 : i32
    %add3A_2 = arith.addi %add3A_1, %add3A : i32
    %mul3A_3 = arith.constant 128 : i32
    %mul3A_4 = arith.muli %add3A_2, %mul3A_3 : i32
    %dma_start3A = arith.constant 0 : i32
    %dma_start3A_5 = arith.constant 0 : i32
    %dma_start3A_6 = arith.constant 0 : i32
    %dma_start3A_7 = arith.constant 0 : i32
    %dma_start3A_8 = tpu.memref_slice %arg5[%dma_start3A, %dma_start3A_6, %dma_start3A_7] : memref<4x64x128xf32, #tpu.memory_space<vmem>> -> memref<1x64x128xf32, #tpu.memory_space<vmem>>
    %dma_start3A_9 = tpu.memref_squeeze %dma_start3A_8 : memref<1x64x128xf32, #tpu.memory_space<vmem>> -> memref<64x128xf32, #tpu.memory_space<vmem>>
    %dma_start3A_10 = arith.constant 0 : i32
    %dma_start3A_11 = tpu.memref_slice %arg2[%dma_start3A_10, %mul3A_4] : memref<64x1000000xf32, #tpu.memory_space<hbm>> -> memref<64x128xf32, #tpu.memory_space<hbm>>
    %dma_start3A_12 = tpu.memref_slice %arg7[%dma_start3A_5] : memref<4x!tpu.dma_semaphore, #tpu.memory_space<semaphore_mem>> -> memref<1x!tpu.dma_semaphore, #tpu.memory_space<semaphore_mem>>
    %dma_start3A_13 = tpu.memref_squeeze %dma_start3A_12 : memref<1x!tpu.dma_semaphore, #tpu.memory_space<semaphore_mem>> -> memref<!tpu.dma_semaphore, #tpu.memory_space<semaphore_mem>>
    %dma_start3A_14 = arith.constant 0 : i32
    %dma_start3A_15 = arith.constant 0 : i32
    %dma_start3A_16 = tpu.memref_slice %arg5[%dma_start3A, %dma_start3A_14, %dma_start3A_15] : memref<4x64x128xf32, #tpu.memory_space<vmem>> -> memref<1x64x128xf32, #tpu.memory_space<vmem>>
    %dma_start3A_17 = tpu.memref_squeeze %dma_start3A_16 : memref<1x64x128xf32, #tpu.memory_space<vmem>> -> memref<64x128xf32, #tpu.memory_space<vmem>>
    %dma_start3A_18 = arith.constant 0 : i32
    %dma_start3A_19 = tpu.memref_slice %arg2[%dma_start3A_18, %mul3A_4] : memref<64x1000000xf32, #tpu.memory_space<hbm>> -> memref<64x128xf32, #tpu.memory_space<hbm>>
    tpu.enqueue_dma source(%dma_start3A_19 : memref<64x128xf32, #tpu.memory_space<hbm>>) target(%dma_start3A_17 : memref<64x128xf32, #tpu.memory_space<vmem>>) target_semaphore(%dma_start3A_13 : memref<!tpu.dma_semaphore, #tpu.memory_space<semaphore_mem>>)
    %add3A_20 = arith.constant 32 : i32
    %add3A_21 = arith.addi %add3A_20, %add3A : i32
    %mul3A_22 = arith.constant 128 : i32
    %mul3A_23 = arith.muli %add3A_21, %mul3A_22 : i32
    %dma_start3A_24 = arith.constant 1 : i32
    %dma_start3A_25 = arith.constant 1 : i32
    %dma_start3A_26 = arith.constant 0 : i32
    %dma_start3A_27 = arith.constant 0 : i32
    %dma_start3A_28 = tpu.memref_slice %arg5[%dma_start3A_24, %dma_start3A_26, %dma_start3A_27] : memref<4x64x128xf32, #tpu.memory_space<vmem>> -> memref<1x64x128xf32, #tpu.memory_space<vmem>>
    %dma_start3A_29 = tpu.memref_squeeze %dma_start3A_28 : memref<1x64x128xf32, #tpu.memory_space<vmem>> -> memref<64x128xf32, #tpu.memory_space<vmem>>
    %dma_start3A_30 = arith.constant 0 : i32
    %dma_start3A_31 = tpu.memref_slice %arg2[%dma_start3A_30, %mul3A_23] : memref<64x1000000xf32, #tpu.memory_space<hbm>> -> memref<64x128xf32, #tpu.memory_space<hbm>>
    %dma_start3A_32 = tpu.memref_slice %arg7[%dma_start3A_25] : memref<4x!tpu.dma_semaphore, #tpu.memory_space<semaphore_mem>> -> memref<1x!tpu.dma_semaphore, #tpu.memory_space<semaphore_mem>>
    %dma_start3A_33 = tpu.memref_squeeze %dma_start3A_32 : memref<1x!tpu.dma_semaphore, #tpu.memory_space<semaphore_mem>> -> memref<!tpu.dma_semaphore, #tpu.memory_space<semaphore_mem>>
    %dma_start3A_34 = arith.constant 0 : i32
    %dma_start3A_35 = arith.constant 0 : i32
    %dma_start3A_36 = tpu.memref_slice %arg5[%dma_start3A_24, %dma_start3A_34, %dma_start3A_35] : memref<4x64x128xf32, #tpu.memory_space<vmem>> -> memref<1x64x128xf32, #tpu.memory_space<vmem>>
    %dma_start3A_37 = tpu.memref_squeeze %dma_start3A_36 : memref<1x64x128xf32, #tpu.memory_space<vmem>> -> memref<64x128xf32, #tpu.memory_space<vmem>>
    %dma_start3A_38 = arith.constant 0 : i32
    %dma_start3A_39 = tpu.memref_slice %arg2[%dma_start3A_38, %mul3A_23] : memref<64x1000000xf32, #tpu.memory_space<hbm>> -> memref<64x128xf32, #tpu.memory_space<hbm>>
    tpu.enqueue_dma source(%dma_start3A_39 : memref<64x128xf32, #tpu.memory_space<hbm>>) target(%dma_start3A_37 : memref<64x128xf32, #tpu.memory_space<vmem>>) target_semaphore(%dma_start3A_33 : memref<!tpu.dma_semaphore, #tpu.memory_space<semaphore_mem>>)
    %add3A_40 = arith.constant 64 : i32
    %add3A_41 = arith.addi %add3A_40, %add3A : i32
    %mul3A_42 = arith.constant 128 : i32
    %mul3A_43 = arith.muli %add3A_41, %mul3A_42 : i32
    %dma_start3A_44 = arith.constant 2 : i32
    %dma_start3A_45 = arith.constant 2 : i32
    %dma_start3A_46 = arith.constant 0 : i32
    %dma_start3A_47 = arith.constant 0 : i32
    %dma_start3A_48 = tpu.memref_slice %arg5[%dma_start3A_44, %dma_start3A_46, %dma_start3A_47] : memref<4x64x128xf32, #tpu.memory_space<vmem>> -> memref<1x64x128xf32, #tpu.memory_space<vmem>>
    %dma_start3A_49 = tpu.memref_squeeze %dma_start3A_48 : memref<1x64x128xf32, #tpu.memory_space<vmem>> -> memref<64x128xf32, #tpu.memory_space<vmem>>
    %dma_start3A_50 = arith.constant 0 : i32
    %dma_start3A_51 = tpu.memref_slice %arg2[%dma_start3A_50, %mul3A_43] : memref<64x1000000xf32, #tpu.memory_space<hbm>> -> memref<64x128xf32, #tpu.memory_space<hbm>>
    %dma_start3A_52 = tpu.memref_slice %arg7[%dma_start3A_45] : memref<4x!tpu.dma_semaphore, #tpu.memory_space<semaphore_mem>> -> memref<1x!tpu.dma_semaphore, #tpu.memory_space<semaphore_mem>>
    %dma_start3A_53 = tpu.memref_squeeze %dma_start3A_52 : memref<1x!tpu.dma_semaphore, #tpu.memory_space<semaphore_mem>> -> memref<!tpu.dma_semaphore, #tpu.memory_space<semaphore_mem>>
    %dma_start3A_54 = arith.constant 0 : i32
    %dma_start3A_55 = arith.constant 0 : i32
    %dma_start3A_56 = tpu.memref_slice %arg5[%dma_start3A_44, %dma_start3A_54, %dma_start3A_55] : memref<4x64x128xf32, #tpu.memory_space<vmem>> -> memref<1x64x128xf32, #tpu.memory_space<vmem>>
    %dma_start3A_57 = tpu.memref_squeeze %dma_start3A_56 : memref<1x64x128xf32, #tpu.memory_space<vmem>> -> memref<64x128xf32, #tpu.memory_space<vmem>>
    %dma_start3A_58 = arith.constant 0 : i32
    %dma_start3A_59 = tpu.memref_slice %arg2[%dma_start3A_58, %mul3A_43] : memref<64x1000000xf32, #tpu.memory_space<hbm>> -> memref<64x128xf32, #tpu.memory_space<hbm>>
    tpu.enqueue_dma source(%dma_start3A_59 : memref<64x128xf32, #tpu.memory_space<hbm>>) target(%dma_start3A_57 : memref<64x128xf32, #tpu.memory_space<vmem>>) target_semaphore(%dma_start3A_53 : memref<!tpu.dma_semaphore, #tpu.memory_space<semaphore_mem>>)
    %scan3A = arith.constant 0 : i32
    %scan3A_60 = arith.constant 0 : i32
    %scan3A_61 = arith.constant 244 : i32
    %scan3A_62 = arith.addi %scan3A_60, %scan3A_61 : i32
    %scan3A_63 = arith.constant 1 : i32
    %scan3A_64 = scf.for %scan3A_115 = %scan3A_60 to %scan3A_62 step %scan3A_63 iter_args(%scan3A_116 = %scan3A) -> (i32)  : i32 {
      %rem3A = arith.constant 4 : i32
      %rem3A_117 = arith.remsi %scan3A_115, %rem3A : i32
      %add3A_118 = arith.constant 4 : i32
      %add3A_119 = arith.addi %scan3A_115, %add3A_118 : i32
      %sub3A = arith.constant 1 : i32
      %sub3A_120 = arith.subi %add3A_119, %sub3A : i32
      %lt3A_121 = arith.constant 244 : i32
      %lt3A_122 = arith.cmpi slt, %sub3A_120, %lt3A_121 : i32
      %convert_element_type3A_123 = arith.extui %lt3A_122 : i1 to i32
      %cond3A_124 = arith.constant 0 : i32
      %cond3A_125 = arith.cmpi ne, %convert_element_type3A_123, %cond3A_124 : i32
      scf.if %cond3A_125 {
        %add3A_169 = arith.constant 4 : i32
        %add3A_170 = arith.addi %scan3A_115, %add3A_169 : i32
        %sub3A_171 = arith.constant 1 : i32
        %sub3A_172 = arith.subi %add3A_170, %sub3A_171 : i32
        %mul3A_173 = arith.constant 32 : i32
        %mul3A_174 = arith.muli %sub3A_172, %mul3A_173 : i32
        %add3A_175 = arith.addi %mul3A_174, %add3A : i32
        %add3A_176 = arith.constant 4 : i32
        %add3A_177 = arith.addi %scan3A_115, %add3A_176 : i32
        %sub3A_178 = arith.constant 1 : i32
        %sub3A_179 = arith.subi %add3A_177, %sub3A_178 : i32
        %rem3A_180 = arith.constant 4 : i32
        %rem3A_181 = arith.remsi %sub3A_179, %rem3A_180 : i32
        %mul3A_182 = arith.constant 128 : i32
        %mul3A_183 = arith.muli %add3A_175, %mul3A_182 : i32
        %dma_start3A_184 = arith.constant 0 : i32
        %dma_start3A_185 = arith.constant 0 : i32
        %dma_start3A_186 = tpu.memref_slice %arg5[%rem3A_181, %dma_start3A_184, %dma_start3A_185] : memref<4x64x128xf32, #tpu.memory_space<vmem>> -> memref<1x64x128xf32, #tpu.memory_space<vmem>>
        %dma_start3A_187 = tpu.memref_squeeze %dma_start3A_186 : memref<1x64x128xf32, #tpu.memory_space<vmem>> -> memref<64x128xf32, #tpu.memory_space<vmem>>
        %dma_start3A_188 = arith.constant 0 : i32
        %dma_start3A_189 = tpu.memref_slice %arg2[%dma_start3A_188, %mul3A_183] : memref<64x1000000xf32, #tpu.memory_space<hbm>> -> memref<64x128xf32, #tpu.memory_space<hbm>>
        %dma_start3A_190 = tpu.memref_slice %arg7[%rem3A_181] : memref<4x!tpu.dma_semaphore, #tpu.memory_space<semaphore_mem>> -> memref<1x!tpu.dma_semaphore, #tpu.memory_space<semaphore_mem>>
        %dma_start3A_191 = tpu.memref_squeeze %dma_start3A_190 : memref<1x!tpu.dma_semaphore, #tpu.memory_space<semaphore_mem>> -> memref<!tpu.dma_semaphore, #tpu.memory_space<semaphore_mem>>
        %dma_start3A_192 = arith.constant 0 : i32
        %dma_start3A_193 = arith.constant 0 : i32
        %dma_start3A_194 = tpu.memref_slice %arg5[%rem3A_181, %dma_start3A_192, %dma_start3A_193] : memref<4x64x128xf32, #tpu.memory_space<vmem>> -> memref<1x64x128xf32, #tpu.memory_space<vmem>>
        %dma_start3A_195 = tpu.memref_squeeze %dma_start3A_194 : memref<1x64x128xf32, #tpu.memory_space<vmem>> -> memref<64x128xf32, #tpu.memory_space<vmem>>
        %dma_start3A_196 = arith.constant 0 : i32
        %dma_start3A_197 = tpu.memref_slice %arg2[%dma_start3A_196, %mul3A_183] : memref<64x1000000xf32, #tpu.memory_space<hbm>> -> memref<64x128xf32, #tpu.memory_space<hbm>>
        tpu.enqueue_dma source(%dma_start3A_197 : memref<64x128xf32, #tpu.memory_space<hbm>>) target(%dma_start3A_195 : memref<64x128xf32, #tpu.memory_space<vmem>>) target_semaphore(%dma_start3A_191 : memref<!tpu.dma_semaphore, #tpu.memory_space<semaphore_mem>>)
      } else {
      }
      %dma_wait3A_126 = arith.constant 0 : i32
      %dma_wait3A_127 = arith.constant 0 : i32
      %dma_wait3A_128 = tpu.memref_slice %arg5[%rem3A_117, %dma_wait3A_126, %dma_wait3A_127] : memref<4x64x128xf32, #tpu.memory_space<vmem>> -> memref<1x64x128xf32, #tpu.memory_space<vmem>>
      %dma_wait3A_129 = tpu.memref_squeeze %dma_wait3A_128 : memref<1x64x128xf32, #tpu.memory_space<vmem>> -> memref<64x128xf32, #tpu.memory_space<vmem>>
      %dma_wait3A_130 = arith.constant 0 : i32
      %dma_wait3A_131 = arith.constant 0 : i32
      %dma_wait3A_132 = tpu.memref_slice %arg2[%dma_wait3A_130, %dma_wait3A_131] : memref<64x1000000xf32, #tpu.memory_space<hbm>> -> memref<64x128xf32, #tpu.memory_space<hbm>>
      %dma_wait3A_133 = tpu.memref_slice %arg7[%rem3A_117] : memref<4x!tpu.dma_semaphore, #tpu.memory_space<semaphore_mem>> -> memref<1x!tpu.dma_semaphore, #tpu.memory_space<semaphore_mem>>
      %dma_wait3A_134 = tpu.memref_squeeze %dma_wait3A_133 : memref<1x!tpu.dma_semaphore, #tpu.memory_space<semaphore_mem>> -> memref<!tpu.dma_semaphore, #tpu.memory_space<semaphore_mem>>
      %dma_wait3A_135 = arith.constant 0 : i32
      %dma_wait3A_136 = arith.constant 0 : i32
      %dma_wait3A_137 = tpu.memref_slice %arg5[%rem3A_117, %dma_wait3A_135, %dma_wait3A_136] : memref<4x64x128xf32, #tpu.memory_space<vmem>> -> memref<1x64x128xf32, #tpu.memory_space<vmem>>
      %dma_wait3A_138 = tpu.memref_squeeze %dma_wait3A_137 : memref<1x64x128xf32, #tpu.memory_space<vmem>> -> memref<64x128xf32, #tpu.memory_space<vmem>>
      %dma_wait3A_139 = arith.constant 0 : i32
      %dma_wait3A_140 = arith.constant 0 : i32
      %dma_wait3A_141 = tpu.memref_slice %arg2[%dma_wait3A_139, %dma_wait3A_140] : memref<64x1000000xf32, #tpu.memory_space<hbm>> -> memref<64x128xf32, #tpu.memory_space<hbm>>
      tpu.wait_dma2 semaphore(%dma_wait3A_134 : memref<!tpu.dma_semaphore, #tpu.memory_space<semaphore_mem>>) src(%dma_wait3A_141 : memref<64x128xf32, #tpu.memory_space<hbm>>) dst(%dma_wait3A_138 : memref<64x128xf32, #tpu.memory_space<vmem>>)
      %ge3A = arith.constant 4 : i32
      %ge3A_142 = arith.cmpi sge, %scan3A_115, %ge3A : i32
      %convert_element_type3A_143 = arith.extui %ge3A_142 : i1 to i32
      %cond3A_144 = arith.constant 0 : i32
      %cond3A_145 = arith.cmpi ne, %convert_element_type3A_143, %cond3A_144 : i32
      scf.if %cond3A_145 {
        %dma_wait3A_169 = arith.constant 0 : i32
        %dma_wait3A_170 = tpu.memref_slice %arg6[%dma_wait3A_169] : memref<32768xf32, #tpu.memory_space<vmem>> -> memref<8192xf32, #tpu.memory_space<vmem>>
        %dma_wait3A_171 = arith.constant 0 : i32
        %dma_wait3A_172 = tpu.memref_slice %arg4[%dma_wait3A_171] : memref<64000000xf32, #tpu.memory_space<hbm>> -> memref<8192xf32, #tpu.memory_space<hbm>>
        %dma_wait3A_173 = tpu.memref_slice %arg8[%rem3A_117] : memref<4x!tpu.dma_semaphore, #tpu.memory_space<semaphore_mem>> -> memref<1x!tpu.dma_semaphore, #tpu.memory_space<semaphore_mem>>
        %dma_wait3A_174 = tpu.memref_squeeze %dma_wait3A_173 : memref<1x!tpu.dma_semaphore, #tpu.memory_space<semaphore_mem>> -> memref<!tpu.dma_semaphore, #tpu.memory_space<semaphore_mem>>
        %dma_wait3A_175 = arith.constant 0 : i32
        %dma_wait3A_176 = tpu.memref_slice %arg4[%dma_wait3A_175] : memref<64000000xf32, #tpu.memory_space<hbm>> -> memref<8192xf32, #tpu.memory_space<hbm>>
        %dma_wait3A_177 = arith.constant 0 : i32
        %dma_wait3A_178 = tpu.memref_slice %arg6[%dma_wait3A_177] : memref<32768xf32, #tpu.memory_space<vmem>> -> memref<8192xf32, #tpu.memory_space<vmem>>
        tpu.wait_dma2 semaphore(%dma_wait3A_174 : memref<!tpu.dma_semaphore, #tpu.memory_space<semaphore_mem>>) src(%dma_wait3A_178 : memref<8192xf32, #tpu.memory_space<vmem>>) dst(%dma_wait3A_176 : memref<8192xf32, #tpu.memory_space<hbm>>)
      } else {
      }
      %mul3A_146 = arith.constant 8192 : i32
      %mul3A_147 = arith.muli %rem3A_117, %mul3A_146 : i32
      %scan3A_148 = arith.constant 0 : i32
      %scan3A_149 = arith.constant 0 : i32
      %scan3A_150 = arith.constant 16 : i32
      %scan3A_151 = arith.addi %scan3A_149, %scan3A_150 : i32
      %scan3A_152 = arith.constant 1 : i32
      %scan3A_153 = scf.for %scan3A_169 = %scan3A_149 to %scan3A_151 step %scan3A_152 iter_args(%scan3A_170 = %scan3A_148) -> (i32)  : i32 {
        %mul3A_171 = arith.constant 4 : i32
        %mul3A_172 = arith.muli %scan3A_169, %mul3A_171 : i32
        %add3A_173 = arith.constant 0 : i32
        %add3A_174 = arith.addi %mul3A_172, %add3A_173 : i32
        %add3A_175 = vector.broadcast %add3A_174 : i32 to vector<16xi32>
        %add3A_176 = arith.addi %iota3A, %add3A_175 : vector<16xi32>
        %and3A = arith.constant 63 : i32
        %and3A_177 = vector.broadcast %and3A : i32 to vector<16xi32>
        %and3A_178 = arith.andi %add3A_176, %and3A_177 : vector<16xi32>
        %add3A_179 = arith.constant 0 : i32
        %add3A_180 = vector.broadcast %add3A_179 : i32 to vector<16xi32>
        %add3A_181 = arith.addi %iota3A, %add3A_180 : vector<16xi32>
        %gather3A = arith.constant 0 : i32
        %gather3A_182 = arith.constant 0 : i32
        %gather3A_183 = tpu.memref_slice %arg5[%rem3A_117, %gather3A, %gather3A_182] : memref<4x64x128xf32, #tpu.memory_space<vmem>> -> memref<1x64x128xf32, #tpu.memory_space<vmem>>
        %gather3A_184 = tpu.memref_squeeze %gather3A_183 : memref<1x64x128xf32, #tpu.memory_space<vmem>> -> memref<64x128xf32, #tpu.memory_space<vmem>>
        %gather3A_185 = tpu.vector_load_idx %gather3A_184[%and3A_178, %add3A_181] : memref<64x128xf32, #tpu.memory_space<vmem>>[vector<16xi32>, vector<16xi32>], vector<16xf32>,
        %mul3A_186 = arith.constant 64 : i32
        %mul3A_187 = vector.broadcast %mul3A_186 : i32 to vector<16xi32>
        %mul3A_188 = arith.muli %add3A_181, %mul3A_187 : vector<16xi32>
        %add3A_189 = vector.broadcast %mul3A_147 : i32 to vector<16xi32>
        %add3A_190 = arith.addi %add3A_189, %mul3A_188 : vector<16xi32>
        %add3A_191 = arith.addi %add3A_190, %and3A_178 : vector<16xi32>
        tpu.vector_store_idx %arg6[%add3A_191], %gather3A_185 : memref<32768xf32, #tpu.memory_space<vmem>>[vector<16xi32>], vector<16xf32>,
        %add3A_192 = arith.constant 16 : i32
        %add3A_193 = vector.broadcast %add3A_192 : i32 to vector<16xi32>
        %add3A_194 = arith.addi %iota3A, %add3A_193 : vector<16xi32>
        %gather3A_195 = arith.constant 0 : i32
        %gather3A_196 = arith.constant 0 : i32
        %gather3A_197 = tpu.memref_slice %arg5[%rem3A_117, %gather3A_195, %gather3A_196] : memref<4x64x128xf32, #tpu.memory_space<vmem>> -> memref<1x64x128xf32, #tpu.memory_space<vmem>>
        %gather3A_198 = tpu.memref_squeeze %gather3A_197 : memref<1x64x128xf32, #tpu.memory_space<vmem>> -> memref<64x128xf32, #tpu.memory_space<vmem>>
        %gather3A_199 = tpu.vector_load_idx %gather3A_198[%and3A_178, %add3A_194] : memref<64x128xf32, #tpu.memory_space<vmem>>[vector<16xi32>, vector<16xi32>], vector<16xf32>,
        %mul3A_200 = arith.constant 64 : i32
        %mul3A_201 = vector.broadcast %mul3A_200 : i32 to vector<16xi32>
        %mul3A_202 = arith.muli %add3A_194, %mul3A_201 : vector<16xi32>
        %add3A_203 = vector.broadcast %mul3A_147 : i32 to vector<16xi32>
        %add3A_204 = arith.addi %add3A_203, %mul3A_202 : vector<16xi32>
        %add3A_205 = arith.addi %add3A_204, %and3A_178 : vector<16xi32>
        tpu.vector_store_idx %arg6[%add3A_205], %gather3A_199 : memref<32768xf32, #tpu.memory_space<vmem>>[vector<16xi32>], vector<16xf32>,
        %add3A_206 = arith.constant 32 : i32
        %add3A_207 = vector.broadcast %add3A_206 : i32 to vector<16xi32>
        %add3A_208 = arith.addi %iota3A, %add3A_207 : vector<16xi32>
        %gather3A_209 = arith.constant 0 : i32
        %gather3A_210 = arith.constant 0 : i32
        %gather3A_211 = tpu.memref_slice %arg5[%rem3A_117, %gather3A_209, %gather3A_210] : memref<4x64x128xf32, #tpu.memory_space<vmem>> -> memref<1x64x128xf32, #tpu.memory_space<vmem>>
        %gather3A_212 = tpu.memref_squeeze %gather3A_211 : memref<1x64x128xf32, #tpu.memory_space<vmem>> -> memref<64x128xf32, #tpu.memory_space<vmem>>
        %gather3A_213 = tpu.vector_load_idx %gather3A_212[%and3A_178, %add3A_208] : memref<64x128xf32, #tpu.memory_space<vmem>>[vector<16xi32>, vector<16xi32>], vector<16xf32>,
        %mul3A_214 = arith.constant 64 : i32
        %mul3A_215 = vector.broadcast %mul3A_214 : i32 to vector<16xi32>
        %mul3A_216 = arith.muli %add3A_208, %mul3A_215 : vector<16xi32>
        %add3A_217 = vector.broadcast %mul3A_147 : i32 to vector<16xi32>
        %add3A_218 = arith.addi %add3A_217, %mul3A_216 : vector<16xi32>
        %add3A_219 = arith.addi %add3A_218, %and3A_178 : vector<16xi32>
        tpu.vector_store_idx %arg6[%add3A_219], %gather3A_213 : memref<32768xf32, #tpu.memory_space<vmem>>[vector<16xi32>], vector<16xf32>,
        %add3A_220 = arith.constant 48 : i32
        %add3A_221 = vector.broadcast %add3A_220 : i32 to vector<16xi32>
        %add3A_222 = arith.addi %iota3A, %add3A_221 : vector<16xi32>
        %gather3A_223 = arith.constant 0 : i32
        %gather3A_224 = arith.constant 0 : i32
        %gather3A_225 = tpu.memref_slice %arg5[%rem3A_117, %gather3A_223, %gather3A_224] : memref<4x64x128xf32, #tpu.memory_space<vmem>> -> memref<1x64x128xf32, #tpu.memory_space<vmem>>
        %gather3A_226 = tpu.memref_squeeze %gather3A_225 : memref<1x64x128xf32, #tpu.memory_space<vmem>> -> memref<64x128xf32, #tpu.memory_space<vmem>>
        %gather3A_227 = tpu.vector_load_idx %gather3A_226[%and3A_178, %add3A_222] : memref<64x128xf32, #tpu.memory_space<vmem>>[vector<16xi32>, vector<16xi32>], vector<16xf32>,
        %mul3A_228 = arith.constant 64 : i32
        %mul3A_229 = vector.broadcast %mul3A_228 : i32 to vector<16xi32>
        %mul3A_230 = arith.muli %add3A_222, %mul3A_229 : vector<16xi32>
        %add3A_231 = vector.broadcast %mul3A_147 : i32 to vector<16xi32>
        %add3A_232 = arith.addi %add3A_231, %mul3A_230 : vector<16xi32>
        %add3A_233 = arith.addi %add3A_232, %and3A_178 : vector<16xi32>
        tpu.vector_store_idx %arg6[%add3A_233], %gather3A_227 : memref<32768xf32, #tpu.memory_space<vmem>>[vector<16xi32>], vector<16xf32>,
        %add3A_234 = arith.constant 64 : i32
        %add3A_235 = vector.broadcast %add3A_234 : i32 to vector<16xi32>
        %add3A_236 = arith.addi %iota3A, %add3A_235 : vector<16xi32>
        %gather3A_237 = arith.constant 0 : i32
        %gather3A_238 = arith.constant 0 : i32
        %gather3A_239 = tpu.memref_slice %arg5[%rem3A_117, %gather3A_237, %gather3A_238] : memref<4x64x128xf32, #tpu.memory_space<vmem>> -> memref<1x64x128xf32, #tpu.memory_space<vmem>>
        %gather3A_240 = tpu.memref_squeeze %gather3A_239 : memref<1x64x128xf32, #tpu.memory_space<vmem>> -> memref<64x128xf32, #tpu.memory_space<vmem>>
        %gather3A_241 = tpu.vector_load_idx %gather3A_240[%and3A_178, %add3A_236] : memref<64x128xf32, #tpu.memory_space<vmem>>[vector<16xi32>, vector<16xi32>], vector<16xf32>,
        %mul3A_242 = arith.constant 64 : i32
        %mul3A_243 = vector.broadcast %mul3A_242 : i32 to vector<16xi32>
        %mul3A_244 = arith.muli %add3A_236, %mul3A_243 : vector<16xi32>
        %add3A_245 = vector.broadcast %mul3A_147 : i32 to vector<16xi32>
        %add3A_246 = arith.addi %add3A_245, %mul3A_244 : vector<16xi32>
        %add3A_247 = arith.addi %add3A_246, %and3A_178 : vector<16xi32>
        tpu.vector_store_idx %arg6[%add3A_247], %gather3A_241 : memref<32768xf32, #tpu.memory_space<vmem>>[vector<16xi32>], vector<16xf32>,
        %add3A_248 = arith.constant 80 : i32
        %add3A_249 = vector.broadcast %add3A_248 : i32 to vector<16xi32>
        %add3A_250 = arith.addi %iota3A, %add3A_249 : vector<16xi32>
        %gather3A_251 = arith.constant 0 : i32
        %gather3A_252 = arith.constant 0 : i32
        %gather3A_253 = tpu.memref_slice %arg5[%rem3A_117, %gather3A_251, %gather3A_252] : memref<4x64x128xf32, #tpu.memory_space<vmem>> -> memref<1x64x128xf32, #tpu.memory_space<vmem>>
        %gather3A_254 = tpu.memref_squeeze %gather3A_253 : memref<1x64x128xf32, #tpu.memory_space<vmem>> -> memref<64x128xf32, #tpu.memory_space<vmem>>
        %gather3A_255 = tpu.vector_load_idx %gather3A_254[%and3A_178, %add3A_250] : memref<64x128xf32, #tpu.memory_space<vmem>>[vector<16xi32>, vector<16xi32>], vector<16xf32>,
        %mul3A_256 = arith.constant 64 : i32
        %mul3A_257 = vector.broadcast %mul3A_256 : i32 to vector<16xi32>
        %mul3A_258 = arith.muli %add3A_250, %mul3A_257 : vector<16xi32>
        %add3A_259 = vector.broadcast %mul3A_147 : i32 to vector<16xi32>
        %add3A_260 = arith.addi %add3A_259, %mul3A_258 : vector<16xi32>
        %add3A_261 = arith.addi %add3A_260, %and3A_178 : vector<16xi32>
        tpu.vector_store_idx %arg6[%add3A_261], %gather3A_255 : memref<32768xf32, #tpu.memory_space<vmem>>[vector<16xi32>], vector<16xf32>,
        %add3A_262 = arith.constant 96 : i32
        %add3A_263 = vector.broadcast %add3A_262 : i32 to vector<16xi32>
        %add3A_264 = arith.addi %iota3A, %add3A_263 : vector<16xi32>
        %gather3A_265 = arith.constant 0 : i32
        %gather3A_266 = arith.constant 0 : i32
        %gather3A_267 = tpu.memref_slice %arg5[%rem3A_117, %gather3A_265, %gather3A_266] : memref<4x64x128xf32, #tpu.memory_space<vmem>> -> memref<1x64x128xf32, #tpu.memory_space<vmem>>
        %gather3A_268 = tpu.memref_squeeze %gather3A_267 : memref<1x64x128xf32, #tpu.memory_space<vmem>> -> memref<64x128xf32, #tpu.memory_space<vmem>>
        %gather3A_269 = tpu.vector_load_idx %gather3A_268[%and3A_178, %add3A_264] : memref<64x128xf32, #tpu.memory_space<vmem>>[vector<16xi32>, vector<16xi32>], vector<16xf32>,
        %mul3A_270 = arith.constant 64 : i32
        %mul3A_271 = vector.broadcast %mul3A_270 : i32 to vector<16xi32>
        %mul3A_272 = arith.muli %add3A_264, %mul3A_271 : vector<16xi32>
        %add3A_273 = vector.broadcast %mul3A_147 : i32 to vector<16xi32>
        %add3A_274 = arith.addi %add3A_273, %mul3A_272 : vector<16xi32>
        %add3A_275 = arith.addi %add3A_274, %and3A_178 : vector<16xi32>
        tpu.vector_store_idx %arg6[%add3A_275], %gather3A_269 : memref<32768xf32, #tpu.memory_space<vmem>>[vector<16xi32>], vector<16xf32>,
        %add3A_276 = arith.constant 112 : i32
        %add3A_277 = vector.broadcast %add3A_276 : i32 to vector<16xi32>
        %add3A_278 = arith.addi %iota3A, %add3A_277 : vector<16xi32>
        %gather3A_279 = arith.constant 0 : i32
        %gather3A_280 = arith.constant 0 : i32
        %gather3A_281 = tpu.memref_slice %arg5[%rem3A_117, %gather3A_279, %gather3A_280] : memref<4x64x128xf32, #tpu.memory_space<vmem>> -> memref<1x64x128xf32, #tpu.memory_space<vmem>>
        %gather3A_282 = tpu.memref_squeeze %gather3A_281 : memref<1x64x128xf32, #tpu.memory_space<vmem>> -> memref<64x128xf32, #tpu.memory_space<vmem>>
        %gather3A_283 = tpu.vector_load_idx %gather3A_282[%and3A_178, %add3A_278] : memref<64x128xf32, #tpu.memory_space<vmem>>[vector<16xi32>, vector<16xi32>], vector<16xf32>,
        %mul3A_284 = arith.constant 64 : i32
        %mul3A_285 = vector.broadcast %mul3A_284 : i32 to vector<16xi32>
        %mul3A_286 = arith.muli %add3A_278, %mul3A_285 : vector<16xi32>
        %add3A_287 = vector.broadcast %mul3A_147 : i32 to vector<16xi32>
        %add3A_288 = arith.addi %add3A_287, %mul3A_286 : vector<16xi32>
        %add3A_289 = arith.addi %add3A_288, %and3A_178 : vector<16xi32>
        tpu.vector_store_idx %arg6[%add3A_289], %gather3A_283 : memref<32768xf32, #tpu.memory_space<vmem>>[vector<16xi32>], vector<16xf32>,
        %mul3A_290 = arith.constant 4 : i32
        %mul3A_291 = arith.muli %scan3A_169, %mul3A_290 : i32
        %add3A_292 = arith.constant 1 : i32
        %add3A_293 = arith.addi %mul3A_291, %add3A_292 : i32
        %add3A_294 = vector.broadcast %add3A_293 : i32 to vector<16xi32>
        %add3A_295 = arith.addi %iota3A, %add3A_294 : vector<16xi32>
        %and3A_296 = arith.constant 63 : i32
        %and3A_297 = vector.broadcast %and3A_296 : i32 to vector<16xi32>
        %and3A_298 = arith.andi %add3A_295, %and3A_297 : vector<16xi32>
        %add3A_299 = arith.constant 0 : i32
        %add3A_300 = vector.broadcast %add3A_299 : i32 to vector<16xi32>
        %add3A_301 = arith.addi %iota3A, %add3A_300 : vector<16xi32>
        %gather3A_302 = arith.constant 0 : i32
        %gather3A_303 = arith.constant 0 : i32
        %gather3A_304 = tpu.memref_slice %arg5[%rem3A_117, %gather3A_302, %gather3A_303] : memref<4x64x128xf32, #tpu.memory_space<vmem>> -> memref<1x64x128xf32, #tpu.memory_space<vmem>>
        %gather3A_305 = tpu.memref_squeeze %gather3A_304 : memref<1x64x128xf32, #tpu.memory_space<vmem>> -> memref<64x128xf32, #tpu.memory_space<vmem>>
        %gather3A_306 = tpu.vector_load_idx %gather3A_305[%and3A_298, %add3A_301] : memref<64x128xf32, #tpu.memory_space<vmem>>[vector<16xi32>, vector<16xi32>], vector<16xf32>,
        %mul3A_307 = arith.constant 64 : i32
        %mul3A_308 = vector.broadcast %mul3A_307 : i32 to vector<16xi32>
        %mul3A_309 = arith.muli %add3A_301, %mul3A_308 : vector<16xi32>
        %add3A_310 = vector.broadcast %mul3A_147 : i32 to vector<16xi32>
        %add3A_311 = arith.addi %add3A_310, %mul3A_309 : vector<16xi32>
        %add3A_312 = arith.addi %add3A_311, %and3A_298 : vector<16xi32>
        tpu.vector_store_idx %arg6[%add3A_312], %gather3A_306 : memref<32768xf32, #tpu.memory_space<vmem>>[vector<16xi32>], vector<16xf32>,
        %add3A_313 = arith.constant 16 : i32
        %add3A_314 = vector.broadcast %add3A_313 : i32 to vector<16xi32>
        %add3A_315 = arith.addi %iota3A, %add3A_314 : vector<16xi32>
        %gather3A_316 = arith.constant 0 : i32
        %gather3A_317 = arith.constant 0 : i32
        %gather3A_318 = tpu.memref_slice %arg5[%rem3A_117, %gather3A_316, %gather3A_317] : memref<4x64x128xf32, #tpu.memory_space<vmem>> -> memref<1x64x128xf32, #tpu.memory_space<vmem>>
        %gather3A_319 = tpu.memref_squeeze %gather3A_318 : memref<1x64x128xf32, #tpu.memory_space<vmem>> -> memref<64x128xf32, #tpu.memory_space<vmem>>
        %gather3A_320 = tpu.vector_load_idx %gather3A_319[%and3A_298, %add3A_315] : memref<64x128xf32, #tpu.memory_space<vmem>>[vector<16xi32>, vector<16xi32>], vector<16xf32>,
        %mul3A_321 = arith.constant 64 : i32
        %mul3A_322 = vector.broadcast %mul3A_321 : i32 to vector<16xi32>
        %mul3A_323 = arith.muli %add3A_315, %mul3A_322 : vector<16xi32>
        %add3A_324 = vector.broadcast %mul3A_147 : i32 to vector<16xi32>
        %add3A_325 = arith.addi %add3A_324, %mul3A_323 : vector<16xi32>
        %add3A_326 = arith.addi %add3A_325, %and3A_298 : vector<16xi32>
        tpu.vector_store_idx %arg6[%add3A_326], %gather3A_320 : memref<32768xf32, #tpu.memory_space<vmem>>[vector<16xi32>], vector<16xf32>,
        %add3A_327 = arith.constant 32 : i32
        %add3A_328 = vector.broadcast %add3A_327 : i32 to vector<16xi32>
        %add3A_329 = arith.addi %iota3A, %add3A_328 : vector<16xi32>
        %gather3A_330 = arith.constant 0 : i32
        %gather3A_331 = arith.constant 0 : i32
        %gather3A_332 = tpu.memref_slice %arg5[%rem3A_117, %gather3A_330, %gather3A_331] : memref<4x64x128xf32, #tpu.memory_space<vmem>> -> memref<1x64x128xf32, #tpu.memory_space<vmem>>
        %gather3A_333 = tpu.memref_squeeze %gather3A_332 : memref<1x64x128xf32, #tpu.memory_space<vmem>> -> memref<64x128xf32, #tpu.memory_space<vmem>>
        %gather3A_334 = tpu.vector_load_idx %gather3A_333[%and3A_298, %add3A_329] : memref<64x128xf32, #tpu.memory_space<vmem>>[vector<16xi32>, vector<16xi32>], vector<16xf32>,
        %mul3A_335 = arith.constant 64 : i32
        %mul3A_336 = vector.broadcast %mul3A_335 : i32 to vector<16xi32>
        %mul3A_337 = arith.muli %add3A_329, %mul3A_336 : vector<16xi32>
        %add3A_338 = vector.broadcast %mul3A_147 : i32 to vector<16xi32>
        %add3A_339 = arith.addi %add3A_338, %mul3A_337 : vector<16xi32>
        %add3A_340 = arith.addi %add3A_339, %and3A_298 : vector<16xi32>
        tpu.vector_store_idx %arg6[%add3A_340], %gather3A_334 : memref<32768xf32, #tpu.memory_space<vmem>>[vector<16xi32>], vector<16xf32>,
        %add3A_341 = arith.constant 48 : i32
        %add3A_342 = vector.broadcast %add3A_341 : i32 to vector<16xi32>
        %add3A_343 = arith.addi %iota3A, %add3A_342 : vector<16xi32>
        %gather3A_344 = arith.constant 0 : i32
        %gather3A_345 = arith.constant 0 : i32
        %gather3A_346 = tpu.memref_slice %arg5[%rem3A_117, %gather3A_344, %gather3A_345] : memref<4x64x128xf32, #tpu.memory_space<vmem>> -> memref<1x64x128xf32, #tpu.memory_space<vmem>>
        %gather3A_347 = tpu.memref_squeeze %gather3A_346 : memref<1x64x128xf32, #tpu.memory_space<vmem>> -> memref<64x128xf32, #tpu.memory_space<vmem>>
        %gather3A_348 = tpu.vector_load_idx %gather3A_347[%and3A_298, %add3A_343] : memref<64x128xf32, #tpu.memory_space<vmem>>[vector<16xi32>, vector<16xi32>], vector<16xf32>,
        %mul3A_349 = arith.constant 64 : i32
        %mul3A_350 = vector.broadcast %mul3A_349 : i32 to vector<16xi32>
        %mul3A_351 = arith.muli %add3A_343, %mul3A_350 : vector<16xi32>
        %add3A_352 = vector.broadcast %mul3A_147 : i32 to vector<16xi32>
        %add3A_353 = arith.addi %add3A_352, %mul3A_351 : vector<16xi32>
        %add3A_354 = arith.addi %add3A_353, %and3A_298 : vector<16xi32>
        tpu.vector_store_idx %arg6[%add3A_354], %gather3A_348 : memref<32768xf32, #tpu.memory_space<vmem>>[vector<16xi32>], vector<16xf32>,
        %add3A_355 = arith.constant 64 : i32
        %add3A_356 = vector.broadcast %add3A_355 : i32 to vector<16xi32>
        %add3A_357 = arith.addi %iota3A, %add3A_356 : vector<16xi32>
        %gather3A_358 = arith.constant 0 : i32
        %gather3A_359 = arith.constant 0 : i32
        %gather3A_360 = tpu.memref_slice %arg5[%rem3A_117, %gather3A_358, %gather3A_359] : memref<4x64x128xf32, #tpu.memory_space<vmem>> -> memref<1x64x128xf32, #tpu.memory_space<vmem>>
        %gather3A_361 = tpu.memref_squeeze %gather3A_360 : memref<1x64x128xf32, #tpu.memory_space<vmem>> -> memref<64x128xf32, #tpu.memory_space<vmem>>
        %gather3A_362 = tpu.vector_load_idx %gather3A_361[%and3A_298, %add3A_357] : memref<64x128xf32, #tpu.memory_space<vmem>>[vector<16xi32>, vector<16xi32>], vector<16xf32>,
        %mul3A_363 = arith.constant 64 : i32
        %mul3A_364 = vector.broadcast %mul3A_363 : i32 to vector<16xi32>
        %mul3A_365 = arith.muli %add3A_357, %mul3A_364 : vector<16xi32>
        %add3A_366 = vector.broadcast %mul3A_147 : i32 to vector<16xi32>
        %add3A_367 = arith.addi %add3A_366, %mul3A_365 : vector<16xi32>
        %add3A_368 = arith.addi %add3A_367, %and3A_298 : vector<16xi32>
        tpu.vector_store_idx %arg6[%add3A_368], %gather3A_362 : memref<32768xf32, #tpu.memory_space<vmem>>[vector<16xi32>], vector<16xf32>,
        %add3A_369 = arith.constant 80 : i32
        %add3A_370 = vector.broadcast %add3A_369 : i32 to vector<16xi32>
        %add3A_371 = arith.addi %iota3A, %add3A_370 : vector<16xi32>
        %gather3A_372 = arith.constant 0 : i32
        %gather3A_373 = arith.constant 0 : i32
        %gather3A_374 = tpu.memref_slice %arg5[%rem3A_117, %gather3A_372, %gather3A_373] : memref<4x64x128xf32, #tpu.memory_space<vmem>> -> memref<1x64x128xf32, #tpu.memory_space<vmem>>
        %gather3A_375 = tpu.memref_squeeze %gather3A_374 : memref<1x64x128xf32, #tpu.memory_space<vmem>> -> memref<64x128xf32, #tpu.memory_space<vmem>>
        %gather3A_376 = tpu.vector_load_idx %gather3A_375[%and3A_298, %add3A_371] : memref<64x128xf32, #tpu.memory_space<vmem>>[vector<16xi32>, vector<16xi32>], vector<16xf32>,
        %mul3A_377 = arith.constant 64 : i32
        %mul3A_378 = vector.broadcast %mul3A_377 : i32 to vector<16xi32>
        %mul3A_379 = arith.muli %add3A_371, %mul3A_378 : vector<16xi32>
        %add3A_380 = vector.broadcast %mul3A_147 : i32 to vector<16xi32>
        %add3A_381 = arith.addi %add3A_380, %mul3A_379 : vector<16xi32>
        %add3A_382 = arith.addi %add3A_381, %and3A_298 : vector<16xi32>
        tpu.vector_store_idx %arg6[%add3A_382], %gather3A_376 : memref<32768xf32, #tpu.memory_space<vmem>>[vector<16xi32>], vector<16xf32>,
        %add3A_383 = arith.constant 96 : i32
        %add3A_384 = vector.broadcast %add3A_383 : i32 to vector<16xi32>
        %add3A_385 = arith.addi %iota3A, %add3A_384 : vector<16xi32>
        %gather3A_386 = arith.constant 0 : i32
        %gather3A_387 = arith.constant 0 : i32
        %gather3A_388 = tpu.memref_slice %arg5[%rem3A_117, %gather3A_386, %gather3A_387] : memref<4x64x128xf32, #tpu.memory_space<vmem>> -> memref<1x64x128xf32, #tpu.memory_space<vmem>>
        %gather3A_389 = tpu.memref_squeeze %gather3A_388 : memref<1x64x128xf32, #tpu.memory_space<vmem>> -> memref<64x128xf32, #tpu.memory_space<vmem>>
        %gather3A_390 = tpu.vector_load_idx %gather3A_389[%and3A_298, %add3A_385] : memref<64x128xf32, #tpu.memory_space<vmem>>[vector<16xi32>, vector<16xi32>], vector<16xf32>,
        %mul3A_391 = arith.constant 64 : i32
        %mul3A_392 = vector.broadcast %mul3A_391 : i32 to vector<16xi32>
        %mul3A_393 = arith.muli %add3A_385, %mul3A_392 : vector<16xi32>
        %add3A_394 = vector.broadcast %mul3A_147 : i32 to vector<16xi32>
        %add3A_395 = arith.addi %add3A_394, %mul3A_393 : vector<16xi32>
        %add3A_396 = arith.addi %add3A_395, %and3A_298 : vector<16xi32>
        tpu.vector_store_idx %arg6[%add3A_396], %gather3A_390 : memref<32768xf32, #tpu.memory_space<vmem>>[vector<16xi32>], vector<16xf32>,
        %add3A_397 = arith.constant 112 : i32
        %add3A_398 = vector.broadcast %add3A_397 : i32 to vector<16xi32>
        %add3A_399 = arith.addi %iota3A, %add3A_398 : vector<16xi32>
        %gather3A_400 = arith.constant 0 : i32
        %gather3A_401 = arith.constant 0 : i32
        %gather3A_402 = tpu.memref_slice %arg5[%rem3A_117, %gather3A_400, %gather3A_401] : memref<4x64x128xf32, #tpu.memory_space<vmem>> -> memref<1x64x128xf32, #tpu.memory_space<vmem>>
        %gather3A_403 = tpu.memref_squeeze %gather3A_402 : memref<1x64x128xf32, #tpu.memory_space<vmem>> -> memref<64x128xf32, #tpu.memory_space<vmem>>
        %gather3A_404 = tpu.vector_load_idx %gather3A_403[%and3A_298, %add3A_399] : memref<64x128xf32, #tpu.memory_space<vmem>>[vector<16xi32>, vector<16xi32>], vector<16xf32>,
        %mul3A_405 = arith.constant 64 : i32
        %mul3A_406 = vector.broadcast %mul3A_405 : i32 to vector<16xi32>
        %mul3A_407 = arith.muli %add3A_399, %mul3A_406 : vector<16xi32>
        %add3A_408 = vector.broadcast %mul3A_147 : i32 to vector<16xi32>
        %add3A_409 = arith.addi %add3A_408, %mul3A_407 : vector<16xi32>
        %add3A_410 = arith.addi %add3A_409, %and3A_298 : vector<16xi32>
        tpu.vector_store_idx %arg6[%add3A_410], %gather3A_404 : memref<32768xf32, #tpu.memory_space<vmem>>[vector<16xi32>], vector<16xf32>,
        %mul3A_411 = arith.constant 4 : i32
        %mul3A_412 = arith.muli %scan3A_169, %mul3A_411 : i32
        %add3A_413 = arith.constant 2 : i32
        %add3A_414 = arith.addi %mul3A_412, %add3A_413 : i32
        %add3A_415 = vector.broadcast %add3A_414 : i32 to vector<16xi32>
        %add3A_416 = arith.addi %iota3A, %add3A_415 : vector<16xi32>
        %and3A_417 = arith.constant 63 : i32
        %and3A_418 = vector.broadcast %and3A_417 : i32 to vector<16xi32>
        %and3A_419 = arith.andi %add3A_416, %and3A_418 : vector<16xi32>
        %add3A_420 = arith.constant 0 : i32
        %add3A_421 = vector.broadcast %add3A_420 : i32 to vector<16xi32>
        %add3A_422 = arith.addi %iota3A, %add3A_421 : vector<16xi32>
        %gather3A_423 = arith.constant 0 : i32
        %gather3A_424 = arith.constant 0 : i32
        %gather3A_425 = tpu.memref_slice %arg5[%rem3A_117, %gather3A_423, %gather3A_424] : memref<4x64x128xf32, #tpu.memory_space<vmem>> -> memref<1x64x128xf32, #tpu.memory_space<vmem>>
        %gather3A_426 = tpu.memref_squeeze %gather3A_425 : memref<1x64x128xf32, #tpu.memory_space<vmem>> -> memref<64x128xf32, #tpu.memory_space<vmem>>
        %gather3A_427 = tpu.vector_load_idx %gather3A_426[%and3A_419, %add3A_422] : memref<64x128xf32, #tpu.memory_space<vmem>>[vector<16xi32>, vector<16xi32>], vector<16xf32>,
        %mul3A_428 = arith.constant 64 : i32
        %mul3A_429 = vector.broadcast %mul3A_428 : i32 to vector<16xi32>
        %mul3A_430 = arith.muli %add3A_422, %mul3A_429 : vector<16xi32>
        %add3A_431 = vector.broadcast %mul3A_147 : i32 to vector<16xi32>
        %add3A_432 = arith.addi %add3A_431, %mul3A_430 : vector<16xi32>
        %add3A_433 = arith.addi %add3A_432, %and3A_419 : vector<16xi32>
        tpu.vector_store_idx %arg6[%add3A_433], %gather3A_427 : memref<32768xf32, #tpu.memory_space<vmem>>[vector<16xi32>], vector<16xf32>,
        %add3A_434 = arith.constant 16 : i32
        %add3A_435 = vector.broadcast %add3A_434 : i32 to vector<16xi32>
        %add3A_436 = arith.addi %iota3A, %add3A_435 : vector<16xi32>
        %gather3A_437 = arith.constant 0 : i32
        %gather3A_438 = arith.constant 0 : i32
        %gather3A_439 = tpu.memref_slice %arg5[%rem3A_117, %gather3A_437, %gather3A_438] : memref<4x64x128xf32, #tpu.memory_space<vmem>> -> memref<1x64x128xf32, #tpu.memory_space<vmem>>
        %gather3A_440 = tpu.memref_squeeze %gather3A_439 : memref<1x64x128xf32, #tpu.memory_space<vmem>> -> memref<64x128xf32, #tpu.memory_space<vmem>>
        %gather3A_441 = tpu.vector_load_idx %gather3A_440[%and3A_419, %add3A_436] : memref<64x128xf32, #tpu.memory_space<vmem>>[vector<16xi32>, vector<16xi32>], vector<16xf32>,
        %mul3A_442 = arith.constant 64 : i32
        %mul3A_443 = vector.broadcast %mul3A_442 : i32 to vector<16xi32>
        %mul3A_444 = arith.muli %add3A_436, %mul3A_443 : vector<16xi32>
        %add3A_445 = vector.broadcast %mul3A_147 : i32 to vector<16xi32>
        %add3A_446 = arith.addi %add3A_445, %mul3A_444 : vector<16xi32>
        %add3A_447 = arith.addi %add3A_446, %and3A_419 : vector<16xi32>
        tpu.vector_store_idx %arg6[%add3A_447], %gather3A_441 : memref<32768xf32, #tpu.memory_space<vmem>>[vector<16xi32>], vector<16xf32>,
        %add3A_448 = arith.constant 32 : i32
        %add3A_449 = vector.broadcast %add3A_448 : i32 to vector<16xi32>
        %add3A_450 = arith.addi %iota3A, %add3A_449 : vector<16xi32>
        %gather3A_451 = arith.constant 0 : i32
        %gather3A_452 = arith.constant 0 : i32
        %gather3A_453 = tpu.memref_slice %arg5[%rem3A_117, %gather3A_451, %gather3A_452] : memref<4x64x128xf32, #tpu.memory_space<vmem>> -> memref<1x64x128xf32, #tpu.memory_space<vmem>>
        %gather3A_454 = tpu.memref_squeeze %gather3A_453 : memref<1x64x128xf32, #tpu.memory_space<vmem>> -> memref<64x128xf32, #tpu.memory_space<vmem>>
        %gather3A_455 = tpu.vector_load_idx %gather3A_454[%and3A_419, %add3A_450] : memref<64x128xf32, #tpu.memory_space<vmem>>[vector<16xi32>, vector<16xi32>], vector<16xf32>,
        %mul3A_456 = arith.constant 64 : i32
        %mul3A_457 = vector.broadcast %mul3A_456 : i32 to vector<16xi32>
        %mul3A_458 = arith.muli %add3A_450, %mul3A_457 : vector<16xi32>
        %add3A_459 = vector.broadcast %mul3A_147 : i32 to vector<16xi32>
        %add3A_460 = arith.addi %add3A_459, %mul3A_458 : vector<16xi32>
        %add3A_461 = arith.addi %add3A_460, %and3A_419 : vector<16xi32>
        tpu.vector_store_idx %arg6[%add3A_461], %gather3A_455 : memref<32768xf32, #tpu.memory_space<vmem>>[vector<16xi32>], vector<16xf32>,
        %add3A_462 = arith.constant 48 : i32
        %add3A_463 = vector.broadcast %add3A_462 : i32 to vector<16xi32>
        %add3A_464 = arith.addi %iota3A, %add3A_463 : vector<16xi32>
        %gather3A_465 = arith.constant 0 : i32
        %gather3A_466 = arith.constant 0 : i32
        %gather3A_467 = tpu.memref_slice %arg5[%rem3A_117, %gather3A_465, %gather3A_466] : memref<4x64x128xf32, #tpu.memory_space<vmem>> -> memref<1x64x128xf32, #tpu.memory_space<vmem>>
        %gather3A_468 = tpu.memref_squeeze %gather3A_467 : memref<1x64x128xf32, #tpu.memory_space<vmem>> -> memref<64x128xf32, #tpu.memory_space<vmem>>
        %gather3A_469 = tpu.vector_load_idx %gather3A_468[%and3A_419, %add3A_464] : memref<64x128xf32, #tpu.memory_space<vmem>>[vector<16xi32>, vector<16xi32>], vector<16xf32>,
        %mul3A_470 = arith.constant 64 : i32
        %mul3A_471 = vector.broadcast %mul3A_470 : i32 to vector<16xi32>
        %mul3A_472 = arith.muli %add3A_464, %mul3A_471 : vector<16xi32>
        %add3A_473 = vector.broadcast %mul3A_147 : i32 to vector<16xi32>
        %add3A_474 = arith.addi %add3A_473, %mul3A_472 : vector<16xi32>
        %add3A_475 = arith.addi %add3A_474, %and3A_419 : vector<16xi32>
        tpu.vector_store_idx %arg6[%add3A_475], %gather3A_469 : memref<32768xf32, #tpu.memory_space<vmem>>[vector<16xi32>], vector<16xf32>,
        %add3A_476 = arith.constant 64 : i32
        %add3A_477 = vector.broadcast %add3A_476 : i32 to vector<16xi32>
        %add3A_478 = arith.addi %iota3A, %add3A_477 : vector<16xi32>
        %gather3A_479 = arith.constant 0 : i32
        %gather3A_480 = arith.constant 0 : i32
        %gather3A_481 = tpu.memref_slice %arg5[%rem3A_117, %gather3A_479, %gather3A_480] : memref<4x64x128xf32, #tpu.memory_space<vmem>> -> memref<1x64x128xf32, #tpu.memory_space<vmem>>
        %gather3A_482 = tpu.memref_squeeze %gather3A_481 : memref<1x64x128xf32, #tpu.memory_space<vmem>> -> memref<64x128xf32, #tpu.memory_space<vmem>>
        %gather3A_483 = tpu.vector_load_idx %gather3A_482[%and3A_419, %add3A_478] : memref<64x128xf32, #tpu.memory_space<vmem>>[vector<16xi32>, vector<16xi32>], vector<16xf32>,
        %mul3A_484 = arith.constant 64 : i32
        %mul3A_485 = vector.broadcast %mul3A_484 : i32 to vector<16xi32>
        %mul3A_486 = arith.muli %add3A_478, %mul3A_485 : vector<16xi32>
        %add3A_487 = vector.broadcast %mul3A_147 : i32 to vector<16xi32>
        %add3A_488 = arith.addi %add3A_487, %mul3A_486 : vector<16xi32>
        %add3A_489 = arith.addi %add3A_488, %and3A_419 : vector<16xi32>
        tpu.vector_store_idx %arg6[%add3A_489], %gather3A_483 : memref<32768xf32, #tpu.memory_space<vmem>>[vector<16xi32>], vector<16xf32>,
        %add3A_490 = arith.constant 80 : i32
        %add3A_491 = vector.broadcast %add3A_490 : i32 to vector<16xi32>
        %add3A_492 = arith.addi %iota3A, %add3A_491 : vector<16xi32>
        %gather3A_493 = arith.constant 0 : i32
        %gather3A_494 = arith.constant 0 : i32
        %gather3A_495 = tpu.memref_slice %arg5[%rem3A_117, %gather3A_493, %gather3A_494] : memref<4x64x128xf32, #tpu.memory_space<vmem>> -> memref<1x64x128xf32, #tpu.memory_space<vmem>>
        %gather3A_496 = tpu.memref_squeeze %gather3A_495 : memref<1x64x128xf32, #tpu.memory_space<vmem>> -> memref<64x128xf32, #tpu.memory_space<vmem>>
        %gather3A_497 = tpu.vector_load_idx %gather3A_496[%and3A_419, %add3A_492] : memref<64x128xf32, #tpu.memory_space<vmem>>[vector<16xi32>, vector<16xi32>], vector<16xf32>,
        %mul3A_498 = arith.constant 64 : i32
        %mul3A_499 = vector.broadcast %mul3A_498 : i32 to vector<16xi32>
        %mul3A_500 = arith.muli %add3A_492, %mul3A_499 : vector<16xi32>
        %add3A_501 = vector.broadcast %mul3A_147 : i32 to vector<16xi32>
        %add3A_502 = arith.addi %add3A_501, %mul3A_500 : vector<16xi32>
        %add3A_503 = arith.addi %add3A_502, %and3A_419 : vector<16xi32>
        tpu.vector_store_idx %arg6[%add3A_503], %gather3A_497 : memref<32768xf32, #tpu.memory_space<vmem>>[vector<16xi32>], vector<16xf32>,
        %add3A_504 = arith.constant 96 : i32
        %add3A_505 = vector.broadcast %add3A_504 : i32 to vector<16xi32>
        %add3A_506 = arith.addi %iota3A, %add3A_505 : vector<16xi32>
        %gather3A_507 = arith.constant 0 : i32
        %gather3A_508 = arith.constant 0 : i32
        %gather3A_509 = tpu.memref_slice %arg5[%rem3A_117, %gather3A_507, %gather3A_508] : memref<4x64x128xf32, #tpu.memory_space<vmem>> -> memref<1x64x128xf32, #tpu.memory_space<vmem>>
        %gather3A_510 = tpu.memref_squeeze %gather3A_509 : memref<1x64x128xf32, #tpu.memory_space<vmem>> -> memref<64x128xf32, #tpu.memory_space<vmem>>
        %gather3A_511 = tpu.vector_load_idx %gather3A_510[%and3A_419, %add3A_506] : memref<64x128xf32, #tpu.memory_space<vmem>>[vector<16xi32>, vector<16xi32>], vector<16xf32>,
        %mul3A_512 = arith.constant 64 : i32
        %mul3A_513 = vector.broadcast %mul3A_512 : i32 to vector<16xi32>
        %mul3A_514 = arith.muli %add3A_506, %mul3A_513 : vector<16xi32>
        %add3A_515 = vector.broadcast %mul3A_147 : i32 to vector<16xi32>
        %add3A_516 = arith.addi %add3A_515, %mul3A_514 : vector<16xi32>
        %add3A_517 = arith.addi %add3A_516, %and3A_419 : vector<16xi32>
        tpu.vector_store_idx %arg6[%add3A_517], %gather3A_511 : memref<32768xf32, #tpu.memory_space<vmem>>[vector<16xi32>], vector<16xf32>,
        %add3A_518 = arith.constant 112 : i32
        %add3A_519 = vector.broadcast %add3A_518 : i32 to vector<16xi32>
        %add3A_520 = arith.addi %iota3A, %add3A_519 : vector<16xi32>
        %gather3A_521 = arith.constant 0 : i32
        %gather3A_522 = arith.constant 0 : i32
        %gather3A_523 = tpu.memref_slice %arg5[%rem3A_117, %gather3A_521, %gather3A_522] : memref<4x64x128xf32, #tpu.memory_space<vmem>> -> memref<1x64x128xf32, #tpu.memory_space<vmem>>
        %gather3A_524 = tpu.memref_squeeze %gather3A_523 : memref<1x64x128xf32, #tpu.memory_space<vmem>> -> memref<64x128xf32, #tpu.memory_space<vmem>>
        %gather3A_525 = tpu.vector_load_idx %gather3A_524[%and3A_419, %add3A_520] : memref<64x128xf32, #tpu.memory_space<vmem>>[vector<16xi32>, vector<16xi32>], vector<16xf32>,
        %mul3A_526 = arith.constant 64 : i32
        %mul3A_527 = vector.broadcast %mul3A_526 : i32 to vector<16xi32>
        %mul3A_528 = arith.muli %add3A_520, %mul3A_527 : vector<16xi32>
        %add3A_529 = vector.broadcast %mul3A_147 : i32 to vector<16xi32>
        %add3A_530 = arith.addi %add3A_529, %mul3A_528 : vector<16xi32>
        %add3A_531 = arith.addi %add3A_530, %and3A_419 : vector<16xi32>
        tpu.vector_store_idx %arg6[%add3A_531], %gather3A_525 : memref<32768xf32, #tpu.memory_space<vmem>>[vector<16xi32>], vector<16xf32>,
        %mul3A_532 = arith.constant 4 : i32
        %mul3A_533 = arith.muli %scan3A_169, %mul3A_532 : i32
        %add3A_534 = arith.constant 3 : i32
        %add3A_535 = arith.addi %mul3A_533, %add3A_534 : i32
        %add3A_536 = vector.broadcast %add3A_535 : i32 to vector<16xi32>
        %add3A_537 = arith.addi %iota3A, %add3A_536 : vector<16xi32>
        %and3A_538 = arith.constant 63 : i32
        %and3A_539 = vector.broadcast %and3A_538 : i32 to vector<16xi32>
        %and3A_540 = arith.andi %add3A_537, %and3A_539 : vector<16xi32>
        %add3A_541 = arith.constant 0 : i32
        %add3A_542 = vector.broadcast %add3A_541 : i32 to vector<16xi32>
        %add3A_543 = arith.addi %iota3A, %add3A_542 : vector<16xi32>
        %gather3A_544 = arith.constant 0 : i32
        %gather3A_545 = arith.constant 0 : i32
        %gather3A_546 = tpu.memref_slice %arg5[%rem3A_117, %gather3A_544, %gather3A_545] : memref<4x64x128xf32, #tpu.memory_space<vmem>> -> memref<1x64x128xf32, #tpu.memory_space<vmem>>
        %gather3A_547 = tpu.memref_squeeze %gather3A_546 : memref<1x64x128xf32, #tpu.memory_space<vmem>> -> memref<64x128xf32, #tpu.memory_space<vmem>>
        %gather3A_548 = tpu.vector_load_idx %gather3A_547[%and3A_540, %add3A_543] : memref<64x128xf32, #tpu.memory_space<vmem>>[vector<16xi32>, vector<16xi32>], vector<16xf32>,
        %mul3A_549 = arith.constant 64 : i32
        %mul3A_550 = vector.broadcast %mul3A_549 : i32 to vector<16xi32>
        %mul3A_551 = arith.muli %add3A_543, %mul3A_550 : vector<16xi32>
        %add3A_552 = vector.broadcast %mul3A_147 : i32 to vector<16xi32>
        %add3A_553 = arith.addi %add3A_552, %mul3A_551 : vector<16xi32>
        %add3A_554 = arith.addi %add3A_553, %and3A_540 : vector<16xi32>
        tpu.vector_store_idx %arg6[%add3A_554], %gather3A_548 : memref<32768xf32, #tpu.memory_space<vmem>>[vector<16xi32>], vector<16xf32>,
        %add3A_555 = arith.constant 16 : i32
        %add3A_556 = vector.broadcast %add3A_555 : i32 to vector<16xi32>
        %add3A_557 = arith.addi %iota3A, %add3A_556 : vector<16xi32>
        %gather3A_558 = arith.constant 0 : i32
        %gather3A_559 = arith.constant 0 : i32
        %gather3A_560 = tpu.memref_slice %arg5[%rem3A_117, %gather3A_558, %gather3A_559] : memref<4x64x128xf32, #tpu.memory_space<vmem>> -> memref<1x64x128xf32, #tpu.memory_space<vmem>>
        %gather3A_561 = tpu.memref_squeeze %gather3A_560 : memref<1x64x128xf32, #tpu.memory_space<vmem>> -> memref<64x128xf32, #tpu.memory_space<vmem>>
        %gather3A_562 = tpu.vector_load_idx %gather3A_561[%and3A_540, %add3A_557] : memref<64x128xf32, #tpu.memory_space<vmem>>[vector<16xi32>, vector<16xi32>], vector<16xf32>,
        %mul3A_563 = arith.constant 64 : i32
        %mul3A_564 = vector.broadcast %mul3A_563 : i32 to vector<16xi32>
        %mul3A_565 = arith.muli %add3A_557, %mul3A_564 : vector<16xi32>
        %add3A_566 = vector.broadcast %mul3A_147 : i32 to vector<16xi32>
        %add3A_567 = arith.addi %add3A_566, %mul3A_565 : vector<16xi32>
        %add3A_568 = arith.addi %add3A_567, %and3A_540 : vector<16xi32>
        tpu.vector_store_idx %arg6[%add3A_568], %gather3A_562 : memref<32768xf32, #tpu.memory_space<vmem>>[vector<16xi32>], vector<16xf32>,
        %add3A_569 = arith.constant 32 : i32
        %add3A_570 = vector.broadcast %add3A_569 : i32 to vector<16xi32>
        %add3A_571 = arith.addi %iota3A, %add3A_570 : vector<16xi32>
        %gather3A_572 = arith.constant 0 : i32
        %gather3A_573 = arith.constant 0 : i32
        %gather3A_574 = tpu.memref_slice %arg5[%rem3A_117, %gather3A_572, %gather3A_573] : memref<4x64x128xf32, #tpu.memory_space<vmem>> -> memref<1x64x128xf32, #tpu.memory_space<vmem>>
        %gather3A_575 = tpu.memref_squeeze %gather3A_574 : memref<1x64x128xf32, #tpu.memory_space<vmem>> -> memref<64x128xf32, #tpu.memory_space<vmem>>
        %gather3A_576 = tpu.vector_load_idx %gather3A_575[%and3A_540, %add3A_571] : memref<64x128xf32, #tpu.memory_space<vmem>>[vector<16xi32>, vector<16xi32>], vector<16xf32>,
        %mul3A_577 = arith.constant 64 : i32
        %mul3A_578 = vector.broadcast %mul3A_577 : i32 to vector<16xi32>
        %mul3A_579 = arith.muli %add3A_571, %mul3A_578 : vector<16xi32>
        %add3A_580 = vector.broadcast %mul3A_147 : i32 to vector<16xi32>
        %add3A_581 = arith.addi %add3A_580, %mul3A_579 : vector<16xi32>
        %add3A_582 = arith.addi %add3A_581, %and3A_540 : vector<16xi32>
        tpu.vector_store_idx %arg6[%add3A_582], %gather3A_576 : memref<32768xf32, #tpu.memory_space<vmem>>[vector<16xi32>], vector<16xf32>,
        %add3A_583 = arith.constant 48 : i32
        %add3A_584 = vector.broadcast %add3A_583 : i32 to vector<16xi32>
        %add3A_585 = arith.addi %iota3A, %add3A_584 : vector<16xi32>
        %gather3A_586 = arith.constant 0 : i32
        %gather3A_587 = arith.constant 0 : i32
        %gather3A_588 = tpu.memref_slice %arg5[%rem3A_117, %gather3A_586, %gather3A_587] : memref<4x64x128xf32, #tpu.memory_space<vmem>> -> memref<1x64x128xf32, #tpu.memory_space<vmem>>
        %gather3A_589 = tpu.memref_squeeze %gather3A_588 : memref<1x64x128xf32, #tpu.memory_space<vmem>> -> memref<64x128xf32, #tpu.memory_space<vmem>>
        %gather3A_590 = tpu.vector_load_idx %gather3A_589[%and3A_540, %add3A_585] : memref<64x128xf32, #tpu.memory_space<vmem>>[vector<16xi32>, vector<16xi32>], vector<16xf32>,
        %mul3A_591 = arith.constant 64 : i32
        %mul3A_592 = vector.broadcast %mul3A_591 : i32 to vector<16xi32>
        %mul3A_593 = arith.muli %add3A_585, %mul3A_592 : vector<16xi32>
        %add3A_594 = vector.broadcast %mul3A_147 : i32 to vector<16xi32>
        %add3A_595 = arith.addi %add3A_594, %mul3A_593 : vector<16xi32>
        %add3A_596 = arith.addi %add3A_595, %and3A_540 : vector<16xi32>
        tpu.vector_store_idx %arg6[%add3A_596], %gather3A_590 : memref<32768xf32, #tpu.memory_space<vmem>>[vector<16xi32>], vector<16xf32>,
        %add3A_597 = arith.constant 64 : i32
        %add3A_598 = vector.broadcast %add3A_597 : i32 to vector<16xi32>
        %add3A_599 = arith.addi %iota3A, %add3A_598 : vector<16xi32>
        %gather3A_600 = arith.constant 0 : i32
        %gather3A_601 = arith.constant 0 : i32
        %gather3A_602 = tpu.memref_slice %arg5[%rem3A_117, %gather3A_600, %gather3A_601] : memref<4x64x128xf32, #tpu.memory_space<vmem>> -> memref<1x64x128xf32, #tpu.memory_space<vmem>>
        %gather3A_603 = tpu.memref_squeeze %gather3A_602 : memref<1x64x128xf32, #tpu.memory_space<vmem>> -> memref<64x128xf32, #tpu.memory_space<vmem>>
        %gather3A_604 = tpu.vector_load_idx %gather3A_603[%and3A_540, %add3A_599] : memref<64x128xf32, #tpu.memory_space<vmem>>[vector<16xi32>, vector<16xi32>], vector<16xf32>,
        %mul3A_605 = arith.constant 64 : i32
        %mul3A_606 = vector.broadcast %mul3A_605 : i32 to vector<16xi32>
        %mul3A_607 = arith.muli %add3A_599, %mul3A_606 : vector<16xi32>
        %add3A_608 = vector.broadcast %mul3A_147 : i32 to vector<16xi32>
        %add3A_609 = arith.addi %add3A_608, %mul3A_607 : vector<16xi32>
        %add3A_610 = arith.addi %add3A_609, %and3A_540 : vector<16xi32>
        tpu.vector_store_idx %arg6[%add3A_610], %gather3A_604 : memref<32768xf32, #tpu.memory_space<vmem>>[vector<16xi32>], vector<16xf32>,
        %add3A_611 = arith.constant 80 : i32
        %add3A_612 = vector.broadcast %add3A_611 : i32 to vector<16xi32>
        %add3A_613 = arith.addi %iota3A, %add3A_612 : vector<16xi32>
        %gather3A_614 = arith.constant 0 : i32
        %gather3A_615 = arith.constant 0 : i32
        %gather3A_616 = tpu.memref_slice %arg5[%rem3A_117, %gather3A_614, %gather3A_615] : memref<4x64x128xf32, #tpu.memory_space<vmem>> -> memref<1x64x128xf32, #tpu.memory_space<vmem>>
        %gather3A_617 = tpu.memref_squeeze %gather3A_616 : memref<1x64x128xf32, #tpu.memory_space<vmem>> -> memref<64x128xf32, #tpu.memory_space<vmem>>
        %gather3A_618 = tpu.vector_load_idx %gather3A_617[%and3A_540, %add3A_613] : memref<64x128xf32, #tpu.memory_space<vmem>>[vector<16xi32>, vector<16xi32>], vector<16xf32>,
        %mul3A_619 = arith.constant 64 : i32
        %mul3A_620 = vector.broadcast %mul3A_619 : i32 to vector<16xi32>
        %mul3A_621 = arith.muli %add3A_613, %mul3A_620 : vector<16xi32>
        %add3A_622 = vector.broadcast %mul3A_147 : i32 to vector<16xi32>
        %add3A_623 = arith.addi %add3A_622, %mul3A_621 : vector<16xi32>
        %add3A_624 = arith.addi %add3A_623, %and3A_540 : vector<16xi32>
        tpu.vector_store_idx %arg6[%add3A_624], %gather3A_618 : memref<32768xf32, #tpu.memory_space<vmem>>[vector<16xi32>], vector<16xf32>,
        %add3A_625 = arith.constant 96 : i32
        %add3A_626 = vector.broadcast %add3A_625 : i32 to vector<16xi32>
        %add3A_627 = arith.addi %iota3A, %add3A_626 : vector<16xi32>
        %gather3A_628 = arith.constant 0 : i32
        %gather3A_629 = arith.constant 0 : i32
        %gather3A_630 = tpu.memref_slice %arg5[%rem3A_117, %gather3A_628, %gather3A_629] : memref<4x64x128xf32, #tpu.memory_space<vmem>> -> memref<1x64x128xf32, #tpu.memory_space<vmem>>
        %gather3A_631 = tpu.memref_squeeze %gather3A_630 : memref<1x64x128xf32, #tpu.memory_space<vmem>> -> memref<64x128xf32, #tpu.memory_space<vmem>>
        %gather3A_632 = tpu.vector_load_idx %gather3A_631[%and3A_540, %add3A_627] : memref<64x128xf32, #tpu.memory_space<vmem>>[vector<16xi32>, vector<16xi32>], vector<16xf32>,
        %mul3A_633 = arith.constant 64 : i32
        %mul3A_634 = vector.broadcast %mul3A_633 : i32 to vector<16xi32>
        %mul3A_635 = arith.muli %add3A_627, %mul3A_634 : vector<16xi32>
        %add3A_636 = vector.broadcast %mul3A_147 : i32 to vector<16xi32>
        %add3A_637 = arith.addi %add3A_636, %mul3A_635 : vector<16xi32>
        %add3A_638 = arith.addi %add3A_637, %and3A_540 : vector<16xi32>
        tpu.vector_store_idx %arg6[%add3A_638], %gather3A_632 : memref<32768xf32, #tpu.memory_space<vmem>>[vector<16xi32>], vector<16xf32>,
        %add3A_639 = arith.constant 112 : i32
        %add3A_640 = vector.broadcast %add3A_639 : i32 to vector<16xi32>
        %add3A_641 = arith.addi %iota3A, %add3A_640 : vector<16xi32>
        %gather3A_642 = arith.constant 0 : i32
        %gather3A_643 = arith.constant 0 : i32
        %gather3A_644 = tpu.memref_slice %arg5[%rem3A_117, %gather3A_642, %gather3A_643] : memref<4x64x128xf32, #tpu.memory_space<vmem>> -> memref<1x64x128xf32, #tpu.memory_space<vmem>>
        %gather3A_645 = tpu.memref_squeeze %gather3A_644 : memref<1x64x128xf32, #tpu.memory_space<vmem>> -> memref<64x128xf32, #tpu.memory_space<vmem>>
        %gather3A_646 = tpu.vector_load_idx %gather3A_645[%and3A_540, %add3A_641] : memref<64x128xf32, #tpu.memory_space<vmem>>[vector<16xi32>, vector<16xi32>], vector<16xf32>,
        %mul3A_647 = arith.constant 64 : i32
        %mul3A_648 = vector.broadcast %mul3A_647 : i32 to vector<16xi32>
        %mul3A_649 = arith.muli %add3A_641, %mul3A_648 : vector<16xi32>
        %add3A_650 = vector.broadcast %mul3A_147 : i32 to vector<16xi32>
        %add3A_651 = arith.addi %add3A_650, %mul3A_649 : vector<16xi32>
        %add3A_652 = arith.addi %add3A_651, %and3A_540 : vector<16xi32>
        tpu.vector_store_idx %arg6[%add3A_652], %gather3A_646 : memref<32768xf32, #tpu.memory_space<vmem>>[vector<16xi32>], vector<16xf32>,
        %scan3A_653 = arith.constant 0 : i32
        scf.yield %scan3A_653 : i32
      }
      %scan3A_154 = arith.constant 16 : i32
      %mul3A_155 = arith.constant 32 : i32
      %mul3A_156 = arith.muli %scan3A_115, %mul3A_155 : i32
      %add3A_157 = arith.addi %mul3A_156, %add3A : i32
      %mul3A_158 = arith.constant 8192 : i32
      %mul3A_159 = arith.muli %rem3A_117, %mul3A_158 : i32
      %mul3A_160 = arith.constant 8192 : i32
      %mul3A_161 = arith.muli %add3A_157, %mul3A_160 : i32
      %dma_start3A_162 = tpu.memref_slice %arg6[%mul3A_159] : memref<32768xf32, #tpu.memory_space<vmem>> -> memref<8192xf32, #tpu.memory_space<vmem>>
      %dma_start3A_163 = tpu.memref_slice %arg4[%mul3A_161] : memref<64000000xf32, #tpu.memory_space<hbm>> -> memref<8192xf32, #tpu.memory_space<hbm>>
      %dma_start3A_164 = tpu.memref_slice %arg8[%rem3A_117] : memref<4x!tpu.dma_semaphore, #tpu.memory_space<semaphore_mem>> -> memref<1x!tpu.dma_semaphore, #tpu.memory_space<semaphore_mem>>
      %dma_start3A_165 = tpu.memref_squeeze %dma_start3A_164 : memref<1x!tpu.dma_semaphore, #tpu.memory_space<semaphore_mem>> -> memref<!tpu.dma_semaphore, #tpu.memory_space<semaphore_mem>>
      %dma_start3A_166 = tpu.memref_slice %arg4[%mul3A_161] : memref<64000000xf32, #tpu.memory_space<hbm>> -> memref<8192xf32, #tpu.memory_space<hbm>>
      %dma_start3A_167 = tpu.memref_slice %arg6[%mul3A_159] : memref<32768xf32, #tpu.memory_space<vmem>> -> memref<8192xf32, #tpu.memory_space<vmem>>
      tpu.enqueue_dma source(%dma_start3A_167 : memref<8192xf32, #tpu.memory_space<vmem>>) target(%dma_start3A_166 : memref<8192xf32, #tpu.memory_space<hbm>>) target_semaphore(%dma_start3A_165 : memref<!tpu.dma_semaphore, #tpu.memory_space<semaphore_mem>>)
      %scan3A_168 = arith.constant 0 : i32
      scf.yield %scan3A_168 : i32
    }
    %scan3A_65 = arith.constant 244 : i32
    %dma_wait3A = arith.constant 0 : i32
    %dma_wait3A_66 = arith.constant 0 : i32
    %dma_wait3A_67 = tpu.memref_slice %arg6[%dma_wait3A_66] : memref<32768xf32, #tpu.memory_space<vmem>> -> memref<8192xf32, #tpu.memory_space<vmem>>
    %dma_wait3A_68 = arith.constant 0 : i32
    %dma_wait3A_69 = tpu.memref_slice %arg4[%dma_wait3A_68] : memref<64000000xf32, #tpu.memory_space<hbm>> -> memref<8192xf32, #tpu.memory_space<hbm>>
    %dma_wait3A_70 = tpu.memref_slice %arg8[%dma_wait3A] : memref<4x!tpu.dma_semaphore, #tpu.memory_space<semaphore_mem>> -> memref<1x!tpu.dma_semaphore, #tpu.memory_space<semaphore_mem>>
    %dma_wait3A_71 = tpu.memref_squeeze %dma_wait3A_70 : memref<1x!tpu.dma_semaphore, #tpu.memory_space<semaphore_mem>> -> memref<!tpu.dma_semaphore, #tpu.memory_space<semaphore_mem>>
    %dma_wait3A_72 = arith.constant 0 : i32
    %dma_wait3A_73 = tpu.memref_slice %arg4[%dma_wait3A_72] : memref<64000000xf32, #tpu.memory_space<hbm>> -> memref<8192xf32, #tpu.memory_space<hbm>>
    %dma_wait3A_74 = arith.constant 0 : i32
    %dma_wait3A_75 = tpu.memref_slice %arg6[%dma_wait3A_74] : memref<32768xf32, #tpu.memory_space<vmem>> -> memref<8192xf32, #tpu.memory_space<vmem>>
    tpu.wait_dma2 semaphore(%dma_wait3A_71 : memref<!tpu.dma_semaphore, #tpu.memory_space<semaphore_mem>>) src(%dma_wait3A_75 : memref<8192xf32, #tpu.memory_space<vmem>>) dst(%dma_wait3A_73 : memref<8192xf32, #tpu.memory_space<hbm>>)
    %dma_wait3A_76 = arith.constant 1 : i32
    %dma_wait3A_77 = arith.constant 0 : i32
    %dma_wait3A_78 = tpu.memref_slice %arg6[%dma_wait3A_77] : memref<32768xf32, #tpu.memory_space<vmem>> -> memref<8192xf32, #tpu.memory_space<vmem>>
    %dma_wait3A_79 = arith.constant 0 : i32
    %dma_wait3A_80 = tpu.memref_slice %arg4[%dma_wait3A_79] : memref<64000000xf32, #tpu.memory_space<hbm>> -> memref<8192xf32, #tpu.memory_space<hbm>>
    %dma_wait3A_81 = tpu.memref_slice %arg8[%dma_wait3A_76] : memref<4x!tpu.dma_semaphore, #tpu.memory_space<semaphore_mem>> -> memref<1x!tpu.dma_semaphore, #tpu.memory_space<semaphore_mem>>
    %dma_wait3A_82 = tpu.memref_squeeze %dma_wait3A_81 : memref<1x!tpu.dma_semaphore, #tpu.memory_space<semaphore_mem>> -> memref<!tpu.dma_semaphore, #tpu.memory_space<semaphore_mem>>
    %dma_wait3A_83 = arith.constant 0 : i32
    %dma_wait3A_84 = tpu.memref_slice %arg4[%dma_wait3A_83] : memref<64000000xf32, #tpu.memory_space<hbm>> -> memref<8192xf32, #tpu.memory_space<hbm>>
    %dma_wait3A_85 = arith.constant 0 : i32
    %dma_wait3A_86 = tpu.memref_slice %arg6[%dma_wait3A_85] : memref<32768xf32, #tpu.memory_space<vmem>> -> memref<8192xf32, #tpu.memory_space<vmem>>
    tpu.wait_dma2 semaphore(%dma_wait3A_82 : memref<!tpu.dma_semaphore, #tpu.memory_space<semaphore_mem>>) src(%dma_wait3A_86 : memref<8192xf32, #tpu.memory_space<vmem>>) dst(%dma_wait3A_84 : memref<8192xf32, #tpu.memory_space<hbm>>)
    %dma_wait3A_87 = arith.constant 2 : i32
    %dma_wait3A_88 = arith.constant 0 : i32
    %dma_wait3A_89 = tpu.memref_slice %arg6[%dma_wait3A_88] : memref<32768xf32, #tpu.memory_space<vmem>> -> memref<8192xf32, #tpu.memory_space<vmem>>
    %dma_wait3A_90 = arith.constant 0 : i32
    %dma_wait3A_91 = tpu.memref_slice %arg4[%dma_wait3A_90] : memref<64000000xf32, #tpu.memory_space<hbm>> -> memref<8192xf32, #tpu.memory_space<hbm>>
    %dma_wait3A_92 = tpu.memref_slice %arg8[%dma_wait3A_87] : memref<4x!tpu.dma_semaphore, #tpu.memory_space<semaphore_mem>> -> memref<1x!tpu.dma_semaphore, #tpu.memory_space<semaphore_mem>>
    %dma_wait3A_93 = tpu.memref_squeeze %dma_wait3A_92 : memref<1x!tpu.dma_semaphore, #tpu.memory_space<semaphore_mem>> -> memref<!tpu.dma_semaphore, #tpu.memory_space<semaphore_mem>>
    %dma_wait3A_94 = arith.constant 0 : i32
    %dma_wait3A_95 = tpu.memref_slice %arg4[%dma_wait3A_94] : memref<64000000xf32, #tpu.memory_space<hbm>> -> memref<8192xf32, #tpu.memory_space<hbm>>
    %dma_wait3A_96 = arith.constant 0 : i32
    %dma_wait3A_97 = tpu.memref_slice %arg6[%dma_wait3A_96] : memref<32768xf32, #tpu.memory_space<vmem>> -> memref<8192xf32, #tpu.memory_space<vmem>>
    tpu.wait_dma2 semaphore(%dma_wait3A_93 : memref<!tpu.dma_semaphore, #tpu.memory_space<semaphore_mem>>) src(%dma_wait3A_97 : memref<8192xf32, #tpu.memory_space<vmem>>) dst(%dma_wait3A_95 : memref<8192xf32, #tpu.memory_space<hbm>>)
    %dma_wait3A_98 = arith.constant 3 : i32
    %dma_wait3A_99 = arith.constant 0 : i32
    %dma_wait3A_100 = tpu.memref_slice %arg6[%dma_wait3A_99] : memref<32768xf32, #tpu.memory_space<vmem>> -> memref<8192xf32, #tpu.memory_space<vmem>>
    %dma_wait3A_101 = arith.constant 0 : i32
    %dma_wait3A_102 = tpu.memref_slice %arg4[%dma_wait3A_101] : memref<64000000xf32, #tpu.memory_space<hbm>> -> memref<8192xf32, #tpu.memory_space<hbm>>
    %dma_wait3A_103 = tpu.memref_slice %arg8[%dma_wait3A_98] : memref<4x!tpu.dma_semaphore, #tpu.memory_space<semaphore_mem>> -> memref<1x!tpu.dma_semaphore, #tpu.memory_space<semaphore_mem>>
    %dma_wait3A_104 = tpu.memref_squeeze %dma_wait3A_103 : memref<1x!tpu.dma_semaphore, #tpu.memory_space<semaphore_mem>> -> memref<!tpu.dma_semaphore, #tpu.memory_space<semaphore_mem>>
    %dma_wait3A_105 = arith.constant 0 : i32
    %dma_wait3A_106 = tpu.memref_slice %arg4[%dma_wait3A_105] : memref<64000000xf32, #tpu.memory_space<hbm>> -> memref<8192xf32, #tpu.memory_space<hbm>>
    %dma_wait3A_107 = arith.constant 0 : i32
    %dma_wait3A_108 = tpu.memref_slice %arg6[%dma_wait3A_107] : memref<32768xf32, #tpu.memory_space<vmem>> -> memref<8192xf32, #tpu.memory_space<vmem>>
    tpu.wait_dma2 semaphore(%dma_wait3A_104 : memref<!tpu.dma_semaphore, #tpu.memory_space<semaphore_mem>>) src(%dma_wait3A_108 : memref<8192xf32, #tpu.memory_space<vmem>>) dst(%dma_wait3A_106 : memref<8192xf32, #tpu.memory_space<hbm>>)
    %lt3A = arith.constant 4 : i32
    %lt3A_109 = arith.cmpi slt, %add3A, %lt3A : i32
    %convert_element_type3A = arith.extui %lt3A_109 : i1 to i32
    %cond3A = arith.constant 0 : i32
    %cond3A_110 = arith.cmpi ne, %convert_element_type3A, %cond3A : i32
    scf.if %cond3A_110 {
      %add3A_115 = arith.constant 7808 : i32
      %add3A_116 = arith.addi %add3A_115, %add3A : i32
      %mul3A_117 = arith.constant 128 : i32
      %mul3A_118 = arith.muli %add3A_116, %mul3A_117 : i32
      %run_scoped3A = arith.constant 0 : i32
      "tpu.region"() ({
        %run_scoped3A_129 = tpu.sem_alloc : memref<!tpu.dma_semaphore, #tpu.memory_space<semaphore_mem>>
        %dma_start3A_130 = arith.constant 0 : i32
        %dma_start3A_131 = arith.constant 0 : i32
        %dma_start3A_132 = tpu.memref_slice %arg5[%run_scoped3A, %dma_start3A_130, %dma_start3A_131] : memref<4x64x128xf32, #tpu.memory_space<vmem>> -> memref<1x64x128xf32, #tpu.memory_space<vmem>>
        %dma_start3A_133 = tpu.memref_squeeze %dma_start3A_132 : memref<1x64x128xf32, #tpu.memory_space<vmem>> -> memref<64x128xf32, #tpu.memory_space<vmem>>
        %dma_start3A_134 = arith.constant 0 : i32
        %dma_start3A_135 = tpu.memref_slice %arg2[%dma_start3A_134, %mul3A_118] : memref<64x1000000xf32, #tpu.memory_space<hbm>> -> memref<64x128xf32, #tpu.memory_space<hbm>>
        %dma_start3A_136 = arith.constant 0 : i32
        %dma_start3A_137 = arith.constant 0 : i32
        %dma_start3A_138 = tpu.memref_slice %arg5[%run_scoped3A, %dma_start3A_136, %dma_start3A_137] : memref<4x64x128xf32, #tpu.memory_space<vmem>> -> memref<1x64x128xf32, #tpu.memory_space<vmem>>
        %dma_start3A_139 = tpu.memref_squeeze %dma_start3A_138 : memref<1x64x128xf32, #tpu.memory_space<vmem>> -> memref<64x128xf32, #tpu.memory_space<vmem>>
        %dma_start3A_140 = arith.constant 0 : i32
        %dma_start3A_141 = tpu.memref_slice %arg2[%dma_start3A_140, %mul3A_118] : memref<64x1000000xf32, #tpu.memory_space<hbm>> -> memref<64x128xf32, #tpu.memory_space<hbm>>
        tpu.enqueue_dma source(%dma_start3A_141 : memref<64x128xf32, #tpu.memory_space<hbm>>) target(%dma_start3A_139 : memref<64x128xf32, #tpu.memory_space<vmem>>) target_semaphore(%run_scoped3A_129 : memref<!tpu.dma_semaphore, #tpu.memory_space<semaphore_mem>>)
        %dma_wait3A_142 = arith.constant 0 : i32
        %dma_wait3A_143 = arith.constant 0 : i32
        %dma_wait3A_144 = tpu.memref_slice %arg5[%run_scoped3A, %dma_wait3A_142, %dma_wait3A_143] : memref<4x64x128xf32, #tpu.memory_space<vmem>> -> memref<1x64x128xf32, #tpu.memory_space<vmem>>
        %dma_wait3A_145 = tpu.memref_squeeze %dma_wait3A_144 : memref<1x64x128xf32, #tpu.memory_space<vmem>> -> memref<64x128xf32, #tpu.memory_space<vmem>>
        %dma_wait3A_146 = arith.constant 0 : i32
        %dma_wait3A_147 = tpu.memref_slice %arg2[%dma_wait3A_146, %mul3A_118] : memref<64x1000000xf32, #tpu.memory_space<hbm>> -> memref<64x128xf32, #tpu.memory_space<hbm>>
        %dma_wait3A_148 = arith.constant 0 : i32
        %dma_wait3A_149 = arith.constant 0 : i32
        %dma_wait3A_150 = tpu.memref_slice %arg5[%run_scoped3A, %dma_wait3A_148, %dma_wait3A_149] : memref<4x64x128xf32, #tpu.memory_space<vmem>> -> memref<1x64x128xf32, #tpu.memory_space<vmem>>
        %dma_wait3A_151 = tpu.memref_squeeze %dma_wait3A_150 : memref<1x64x128xf32, #tpu.memory_space<vmem>> -> memref<64x128xf32, #tpu.memory_space<vmem>>
        %dma_wait3A_152 = arith.constant 0 : i32
        %dma_wait3A_153 = tpu.memref_slice %arg2[%dma_wait3A_152, %mul3A_118] : memref<64x1000000xf32, #tpu.memory_space<hbm>> -> memref<64x128xf32, #tpu.memory_space<hbm>>
        tpu.wait_dma2 semaphore(%run_scoped3A_129 : memref<!tpu.dma_semaphore, #tpu.memory_space<semaphore_mem>>) src(%dma_wait3A_153 : memref<64x128xf32, #tpu.memory_space<hbm>>) dst(%dma_wait3A_151 : memref<64x128xf32, #tpu.memory_space<vmem>>)
        tpu.yield
      }) : () -> ()
      %scan3A_119 = arith.constant 0 : i32
      %scan3A_120 = arith.constant 0 : i32
      %scan3A_121 = arith.constant 0 : i32
      %scan3A_122 = arith.constant 16 : i32
      %scan3A_123 = arith.addi %scan3A_121, %scan3A_122 : i32
      %scan3A_124 = arith.constant 1 : i32
      %scan3A_125 = scf.for %scan3A_129 = %scan3A_121 to %scan3A_123 step %scan3A_124 iter_args(%scan3A_130 = %scan3A_120) -> (i32)  : i32 {
        %mul3A_131 = arith.constant 4 : i32
        %mul3A_132 = arith.muli %scan3A_129, %mul3A_131 : i32
        %add3A_133 = arith.constant 0 : i32
        %add3A_134 = arith.addi %mul3A_132, %add3A_133 : i32
        %add3A_135 = vector.broadcast %add3A_134 : i32 to vector<16xi32>
        %add3A_136 = arith.addi %iota3A, %add3A_135 : vector<16xi32>
        %and3A = arith.constant 63 : i32
        %and3A_137 = vector.broadcast %and3A : i32 to vector<16xi32>
        %and3A_138 = arith.andi %add3A_136, %and3A_137 : vector<16xi32>
        %add3A_139 = arith.constant 0 : i32
        %add3A_140 = vector.broadcast %add3A_139 : i32 to vector<16xi32>
        %add3A_141 = arith.addi %iota3A, %add3A_140 : vector<16xi32>
        %gather3A = arith.constant 0 : i32
        %gather3A_142 = arith.constant 0 : i32
        %gather3A_143 = tpu.memref_slice %arg5[%scan3A_119, %gather3A, %gather3A_142] : memref<4x64x128xf32, #tpu.memory_space<vmem>> -> memref<1x64x128xf32, #tpu.memory_space<vmem>>
        %gather3A_144 = tpu.memref_squeeze %gather3A_143 : memref<1x64x128xf32, #tpu.memory_space<vmem>> -> memref<64x128xf32, #tpu.memory_space<vmem>>
        %gather3A_145 = tpu.vector_load_idx %gather3A_144[%and3A_138, %add3A_141] : memref<64x128xf32, #tpu.memory_space<vmem>>[vector<16xi32>, vector<16xi32>], vector<16xf32>,
        %mul3A_146 = arith.constant 64 : i32
        %mul3A_147 = vector.broadcast %mul3A_146 : i32 to vector<16xi32>
        %mul3A_148 = arith.muli %add3A_141, %mul3A_147 : vector<16xi32>
        %add3A_149 = arith.constant 0 : i32
        %add3A_150 = vector.broadcast %add3A_149 : i32 to vector<16xi32>
        %add3A_151 = arith.addi %add3A_150, %mul3A_148 : vector<16xi32>
        %add3A_152 = arith.addi %add3A_151, %and3A_138 : vector<16xi32>
        tpu.vector_store_idx %arg6[%add3A_152], %gather3A_145 : memref<32768xf32, #tpu.memory_space<vmem>>[vector<16xi32>], vector<16xf32>,
        %add3A_153 = arith.constant 16 : i32
        %add3A_154 = vector.broadcast %add3A_153 : i32 to vector<16xi32>
        %add3A_155 = arith.addi %iota3A, %add3A_154 : vector<16xi32>
        %gather3A_156 = arith.constant 0 : i32
        %gather3A_157 = arith.constant 0 : i32
        %gather3A_158 = tpu.memref_slice %arg5[%scan3A_119, %gather3A_156, %gather3A_157] : memref<4x64x128xf32, #tpu.memory_space<vmem>> -> memref<1x64x128xf32, #tpu.memory_space<vmem>>
        %gather3A_159 = tpu.memref_squeeze %gather3A_158 : memref<1x64x128xf32, #tpu.memory_space<vmem>> -> memref<64x128xf32, #tpu.memory_space<vmem>>
        %gather3A_160 = tpu.vector_load_idx %gather3A_159[%and3A_138, %add3A_155] : memref<64x128xf32, #tpu.memory_space<vmem>>[vector<16xi32>, vector<16xi32>], vector<16xf32>,
        %mul3A_161 = arith.constant 64 : i32
        %mul3A_162 = vector.broadcast %mul3A_161 : i32 to vector<16xi32>
        %mul3A_163 = arith.muli %add3A_155, %mul3A_162 : vector<16xi32>
        %add3A_164 = arith.constant 0 : i32
        %add3A_165 = vector.broadcast %add3A_164 : i32 to vector<16xi32>
        %add3A_166 = arith.addi %add3A_165, %mul3A_163 : vector<16xi32>
        %add3A_167 = arith.addi %add3A_166, %and3A_138 : vector<16xi32>
        tpu.vector_store_idx %arg6[%add3A_167], %gather3A_160 : memref<32768xf32, #tpu.memory_space<vmem>>[vector<16xi32>], vector<16xf32>,
        %add3A_168 = arith.constant 32 : i32
        %add3A_169 = vector.broadcast %add3A_168 : i32 to vector<16xi32>
        %add3A_170 = arith.addi %iota3A, %add3A_169 : vector<16xi32>
        %gather3A_171 = arith.constant 0 : i32
        %gather3A_172 = arith.constant 0 : i32
        %gather3A_173 = tpu.memref_slice %arg5[%scan3A_119, %gather3A_171, %gather3A_172] : memref<4x64x128xf32, #tpu.memory_space<vmem>> -> memref<1x64x128xf32, #tpu.memory_space<vmem>>
        %gather3A_174 = tpu.memref_squeeze %gather3A_173 : memref<1x64x128xf32, #tpu.memory_space<vmem>> -> memref<64x128xf32, #tpu.memory_space<vmem>>
        %gather3A_175 = tpu.vector_load_idx %gather3A_174[%and3A_138, %add3A_170] : memref<64x128xf32, #tpu.memory_space<vmem>>[vector<16xi32>, vector<16xi32>], vector<16xf32>,
        %mul3A_176 = arith.constant 64 : i32
        %mul3A_177 = vector.broadcast %mul3A_176 : i32 to vector<16xi32>
        %mul3A_178 = arith.muli %add3A_170, %mul3A_177 : vector<16xi32>
        %add3A_179 = arith.constant 0 : i32
        %add3A_180 = vector.broadcast %add3A_179 : i32 to vector<16xi32>
        %add3A_181 = arith.addi %add3A_180, %mul3A_178 : vector<16xi32>
        %add3A_182 = arith.addi %add3A_181, %and3A_138 : vector<16xi32>
        tpu.vector_store_idx %arg6[%add3A_182], %gather3A_175 : memref<32768xf32, #tpu.memory_space<vmem>>[vector<16xi32>], vector<16xf32>,
        %add3A_183 = arith.constant 48 : i32
        %add3A_184 = vector.broadcast %add3A_183 : i32 to vector<16xi32>
        %add3A_185 = arith.addi %iota3A, %add3A_184 : vector<16xi32>
        %gather3A_186 = arith.constant 0 : i32
        %gather3A_187 = arith.constant 0 : i32
        %gather3A_188 = tpu.memref_slice %arg5[%scan3A_119, %gather3A_186, %gather3A_187] : memref<4x64x128xf32, #tpu.memory_space<vmem>> -> memref<1x64x128xf32, #tpu.memory_space<vmem>>
        %gather3A_189 = tpu.memref_squeeze %gather3A_188 : memref<1x64x128xf32, #tpu.memory_space<vmem>> -> memref<64x128xf32, #tpu.memory_space<vmem>>
        %gather3A_190 = tpu.vector_load_idx %gather3A_189[%and3A_138, %add3A_185] : memref<64x128xf32, #tpu.memory_space<vmem>>[vector<16xi32>, vector<16xi32>], vector<16xf32>,
        %mul3A_191 = arith.constant 64 : i32
        %mul3A_192 = vector.broadcast %mul3A_191 : i32 to vector<16xi32>
        %mul3A_193 = arith.muli %add3A_185, %mul3A_192 : vector<16xi32>
        %add3A_194 = arith.constant 0 : i32
        %add3A_195 = vector.broadcast %add3A_194 : i32 to vector<16xi32>
        %add3A_196 = arith.addi %add3A_195, %mul3A_193 : vector<16xi32>
        %add3A_197 = arith.addi %add3A_196, %and3A_138 : vector<16xi32>
        tpu.vector_store_idx %arg6[%add3A_197], %gather3A_190 : memref<32768xf32, #tpu.memory_space<vmem>>[vector<16xi32>], vector<16xf32>,
        %add3A_198 = arith.constant 64 : i32
        %add3A_199 = vector.broadcast %add3A_198 : i32 to vector<16xi32>
        %add3A_200 = arith.addi %iota3A, %add3A_199 : vector<16xi32>
        %gather3A_201 = arith.constant 0 : i32
        %gather3A_202 = arith.constant 0 : i32
        %gather3A_203 = tpu.memref_slice %arg5[%scan3A_119, %gather3A_201, %gather3A_202] : memref<4x64x128xf32, #tpu.memory_space<vmem>> -> memref<1x64x128xf32, #tpu.memory_space<vmem>>
        %gather3A_204 = tpu.memref_squeeze %gather3A_203 : memref<1x64x128xf32, #tpu.memory_space<vmem>> -> memref<64x128xf32, #tpu.memory_space<vmem>>
        %gather3A_205 = tpu.vector_load_idx %gather3A_204[%and3A_138, %add3A_200] : memref<64x128xf32, #tpu.memory_space<vmem>>[vector<16xi32>, vector<16xi32>], vector<16xf32>,
        %mul3A_206 = arith.constant 64 : i32
        %mul3A_207 = vector.broadcast %mul3A_206 : i32 to vector<16xi32>
        %mul3A_208 = arith.muli %add3A_200, %mul3A_207 : vector<16xi32>
        %add3A_209 = arith.constant 0 : i32
        %add3A_210 = vector.broadcast %add3A_209 : i32 to vector<16xi32>
        %add3A_211 = arith.addi %add3A_210, %mul3A_208 : vector<16xi32>
        %add3A_212 = arith.addi %add3A_211, %and3A_138 : vector<16xi32>
        tpu.vector_store_idx %arg6[%add3A_212], %gather3A_205 : memref<32768xf32, #tpu.memory_space<vmem>>[vector<16xi32>], vector<16xf32>,
        %add3A_213 = arith.constant 80 : i32
        %add3A_214 = vector.broadcast %add3A_213 : i32 to vector<16xi32>
        %add3A_215 = arith.addi %iota3A, %add3A_214 : vector<16xi32>
        %gather3A_216 = arith.constant 0 : i32
        %gather3A_217 = arith.constant 0 : i32
        %gather3A_218 = tpu.memref_slice %arg5[%scan3A_119, %gather3A_216, %gather3A_217] : memref<4x64x128xf32, #tpu.memory_space<vmem>> -> memref<1x64x128xf32, #tpu.memory_space<vmem>>
        %gather3A_219 = tpu.memref_squeeze %gather3A_218 : memref<1x64x128xf32, #tpu.memory_space<vmem>> -> memref<64x128xf32, #tpu.memory_space<vmem>>
        %gather3A_220 = tpu.vector_load_idx %gather3A_219[%and3A_138, %add3A_215] : memref<64x128xf32, #tpu.memory_space<vmem>>[vector<16xi32>, vector<16xi32>], vector<16xf32>,
        %mul3A_221 = arith.constant 64 : i32
        %mul3A_222 = vector.broadcast %mul3A_221 : i32 to vector<16xi32>
        %mul3A_223 = arith.muli %add3A_215, %mul3A_222 : vector<16xi32>
        %add3A_224 = arith.constant 0 : i32
        %add3A_225 = vector.broadcast %add3A_224 : i32 to vector<16xi32>
        %add3A_226 = arith.addi %add3A_225, %mul3A_223 : vector<16xi32>
        %add3A_227 = arith.addi %add3A_226, %and3A_138 : vector<16xi32>
        tpu.vector_store_idx %arg6[%add3A_227], %gather3A_220 : memref<32768xf32, #tpu.memory_space<vmem>>[vector<16xi32>], vector<16xf32>,
        %add3A_228 = arith.constant 96 : i32
        %add3A_229 = vector.broadcast %add3A_228 : i32 to vector<16xi32>
        %add3A_230 = arith.addi %iota3A, %add3A_229 : vector<16xi32>
        %gather3A_231 = arith.constant 0 : i32
        %gather3A_232 = arith.constant 0 : i32
        %gather3A_233 = tpu.memref_slice %arg5[%scan3A_119, %gather3A_231, %gather3A_232] : memref<4x64x128xf32, #tpu.memory_space<vmem>> -> memref<1x64x128xf32, #tpu.memory_space<vmem>>
        %gather3A_234 = tpu.memref_squeeze %gather3A_233 : memref<1x64x128xf32, #tpu.memory_space<vmem>> -> memref<64x128xf32, #tpu.memory_space<vmem>>
        %gather3A_235 = tpu.vector_load_idx %gather3A_234[%and3A_138, %add3A_230] : memref<64x128xf32, #tpu.memory_space<vmem>>[vector<16xi32>, vector<16xi32>], vector<16xf32>,
        %mul3A_236 = arith.constant 64 : i32
        %mul3A_237 = vector.broadcast %mul3A_236 : i32 to vector<16xi32>
        %mul3A_238 = arith.muli %add3A_230, %mul3A_237 : vector<16xi32>
        %add3A_239 = arith.constant 0 : i32
        %add3A_240 = vector.broadcast %add3A_239 : i32 to vector<16xi32>
        %add3A_241 = arith.addi %add3A_240, %mul3A_238 : vector<16xi32>
        %add3A_242 = arith.addi %add3A_241, %and3A_138 : vector<16xi32>
        tpu.vector_store_idx %arg6[%add3A_242], %gather3A_235 : memref<32768xf32, #tpu.memory_space<vmem>>[vector<16xi32>], vector<16xf32>,
        %add3A_243 = arith.constant 112 : i32
        %add3A_244 = vector.broadcast %add3A_243 : i32 to vector<16xi32>
        %add3A_245 = arith.addi %iota3A, %add3A_244 : vector<16xi32>
        %gather3A_246 = arith.constant 0 : i32
        %gather3A_247 = arith.constant 0 : i32
        %gather3A_248 = tpu.memref_slice %arg5[%scan3A_119, %gather3A_246, %gather3A_247] : memref<4x64x128xf32, #tpu.memory_space<vmem>> -> memref<1x64x128xf32, #tpu.memory_space<vmem>>
        %gather3A_249 = tpu.memref_squeeze %gather3A_248 : memref<1x64x128xf32, #tpu.memory_space<vmem>> -> memref<64x128xf32, #tpu.memory_space<vmem>>
        %gather3A_250 = tpu.vector_load_idx %gather3A_249[%and3A_138, %add3A_245] : memref<64x128xf32, #tpu.memory_space<vmem>>[vector<16xi32>, vector<16xi32>], vector<16xf32>,
        %mul3A_251 = arith.constant 64 : i32
        %mul3A_252 = vector.broadcast %mul3A_251 : i32 to vector<16xi32>
        %mul3A_253 = arith.muli %add3A_245, %mul3A_252 : vector<16xi32>
        %add3A_254 = arith.constant 0 : i32
        %add3A_255 = vector.broadcast %add3A_254 : i32 to vector<16xi32>
        %add3A_256 = arith.addi %add3A_255, %mul3A_253 : vector<16xi32>
        %add3A_257 = arith.addi %add3A_256, %and3A_138 : vector<16xi32>
        tpu.vector_store_idx %arg6[%add3A_257], %gather3A_250 : memref<32768xf32, #tpu.memory_space<vmem>>[vector<16xi32>], vector<16xf32>,
        %mul3A_258 = arith.constant 4 : i32
        %mul3A_259 = arith.muli %scan3A_129, %mul3A_258 : i32
        %add3A_260 = arith.constant 1 : i32
        %add3A_261 = arith.addi %mul3A_259, %add3A_260 : i32
        %add3A_262 = vector.broadcast %add3A_261 : i32 to vector<16xi32>
        %add3A_263 = arith.addi %iota3A, %add3A_262 : vector<16xi32>
        %and3A_264 = arith.constant 63 : i32
        %and3A_265 = vector.broadcast %and3A_264 : i32 to vector<16xi32>
        %and3A_266 = arith.andi %add3A_263, %and3A_265 : vector<16xi32>
        %add3A_267 = arith.constant 0 : i32
        %add3A_268 = vector.broadcast %add3A_267 : i32 to vector<16xi32>
        %add3A_269 = arith.addi %iota3A, %add3A_268 : vector<16xi32>
        %gather3A_270 = arith.constant 0 : i32
        %gather3A_271 = arith.constant 0 : i32
        %gather3A_272 = tpu.memref_slice %arg5[%scan3A_119, %gather3A_270, %gather3A_271] : memref<4x64x128xf32, #tpu.memory_space<vmem>> -> memref<1x64x128xf32, #tpu.memory_space<vmem>>
        %gather3A_273 = tpu.memref_squeeze %gather3A_272 : memref<1x64x128xf32, #tpu.memory_space<vmem>> -> memref<64x128xf32, #tpu.memory_space<vmem>>
        %gather3A_274 = tpu.vector_load_idx %gather3A_273[%and3A_266, %add3A_269] : memref<64x128xf32, #tpu.memory_space<vmem>>[vector<16xi32>, vector<16xi32>], vector<16xf32>,
        %mul3A_275 = arith.constant 64 : i32
        %mul3A_276 = vector.broadcast %mul3A_275 : i32 to vector<16xi32>
        %mul3A_277 = arith.muli %add3A_269, %mul3A_276 : vector<16xi32>
        %add3A_278 = arith.constant 0 : i32
        %add3A_279 = vector.broadcast %add3A_278 : i32 to vector<16xi32>
        %add3A_280 = arith.addi %add3A_279, %mul3A_277 : vector<16xi32>
        %add3A_281 = arith.addi %add3A_280, %and3A_266 : vector<16xi32>
        tpu.vector_store_idx %arg6[%add3A_281], %gather3A_274 : memref<32768xf32, #tpu.memory_space<vmem>>[vector<16xi32>], vector<16xf32>,
        %add3A_282 = arith.constant 16 : i32
        %add3A_283 = vector.broadcast %add3A_282 : i32 to vector<16xi32>
        %add3A_284 = arith.addi %iota3A, %add3A_283 : vector<16xi32>
        %gather3A_285 = arith.constant 0 : i32
        %gather3A_286 = arith.constant 0 : i32
        %gather3A_287 = tpu.memref_slice %arg5[%scan3A_119, %gather3A_285, %gather3A_286] : memref<4x64x128xf32, #tpu.memory_space<vmem>> -> memref<1x64x128xf32, #tpu.memory_space<vmem>>
        %gather3A_288 = tpu.memref_squeeze %gather3A_287 : memref<1x64x128xf32, #tpu.memory_space<vmem>> -> memref<64x128xf32, #tpu.memory_space<vmem>>
        %gather3A_289 = tpu.vector_load_idx %gather3A_288[%and3A_266, %add3A_284] : memref<64x128xf32, #tpu.memory_space<vmem>>[vector<16xi32>, vector<16xi32>], vector<16xf32>,
        %mul3A_290 = arith.constant 64 : i32
        %mul3A_291 = vector.broadcast %mul3A_290 : i32 to vector<16xi32>
        %mul3A_292 = arith.muli %add3A_284, %mul3A_291 : vector<16xi32>
        %add3A_293 = arith.constant 0 : i32
        %add3A_294 = vector.broadcast %add3A_293 : i32 to vector<16xi32>
        %add3A_295 = arith.addi %add3A_294, %mul3A_292 : vector<16xi32>
        %add3A_296 = arith.addi %add3A_295, %and3A_266 : vector<16xi32>
        tpu.vector_store_idx %arg6[%add3A_296], %gather3A_289 : memref<32768xf32, #tpu.memory_space<vmem>>[vector<16xi32>], vector<16xf32>,
        %add3A_297 = arith.constant 32 : i32
        %add3A_298 = vector.broadcast %add3A_297 : i32 to vector<16xi32>
        %add3A_299 = arith.addi %iota3A, %add3A_298 : vector<16xi32>
        %gather3A_300 = arith.constant 0 : i32
        %gather3A_301 = arith.constant 0 : i32
        %gather3A_302 = tpu.memref_slice %arg5[%scan3A_119, %gather3A_300, %gather3A_301] : memref<4x64x128xf32, #tpu.memory_space<vmem>> -> memref<1x64x128xf32, #tpu.memory_space<vmem>>
        %gather3A_303 = tpu.memref_squeeze %gather3A_302 : memref<1x64x128xf32, #tpu.memory_space<vmem>> -> memref<64x128xf32, #tpu.memory_space<vmem>>
        %gather3A_304 = tpu.vector_load_idx %gather3A_303[%and3A_266, %add3A_299] : memref<64x128xf32, #tpu.memory_space<vmem>>[vector<16xi32>, vector<16xi32>], vector<16xf32>,
        %mul3A_305 = arith.constant 64 : i32
        %mul3A_306 = vector.broadcast %mul3A_305 : i32 to vector<16xi32>
        %mul3A_307 = arith.muli %add3A_299, %mul3A_306 : vector<16xi32>
        %add3A_308 = arith.constant 0 : i32
        %add3A_309 = vector.broadcast %add3A_308 : i32 to vector<16xi32>
        %add3A_310 = arith.addi %add3A_309, %mul3A_307 : vector<16xi32>
        %add3A_311 = arith.addi %add3A_310, %and3A_266 : vector<16xi32>
        tpu.vector_store_idx %arg6[%add3A_311], %gather3A_304 : memref<32768xf32, #tpu.memory_space<vmem>>[vector<16xi32>], vector<16xf32>,
        %add3A_312 = arith.constant 48 : i32
        %add3A_313 = vector.broadcast %add3A_312 : i32 to vector<16xi32>
        %add3A_314 = arith.addi %iota3A, %add3A_313 : vector<16xi32>
        %gather3A_315 = arith.constant 0 : i32
        %gather3A_316 = arith.constant 0 : i32
        %gather3A_317 = tpu.memref_slice %arg5[%scan3A_119, %gather3A_315, %gather3A_316] : memref<4x64x128xf32, #tpu.memory_space<vmem>> -> memref<1x64x128xf32, #tpu.memory_space<vmem>>
        %gather3A_318 = tpu.memref_squeeze %gather3A_317 : memref<1x64x128xf32, #tpu.memory_space<vmem>> -> memref<64x128xf32, #tpu.memory_space<vmem>>
        %gather3A_319 = tpu.vector_load_idx %gather3A_318[%and3A_266, %add3A_314] : memref<64x128xf32, #tpu.memory_space<vmem>>[vector<16xi32>, vector<16xi32>], vector<16xf32>,
        %mul3A_320 = arith.constant 64 : i32
        %mul3A_321 = vector.broadcast %mul3A_320 : i32 to vector<16xi32>
        %mul3A_322 = arith.muli %add3A_314, %mul3A_321 : vector<16xi32>
        %add3A_323 = arith.constant 0 : i32
        %add3A_324 = vector.broadcast %add3A_323 : i32 to vector<16xi32>
        %add3A_325 = arith.addi %add3A_324, %mul3A_322 : vector<16xi32>
        %add3A_326 = arith.addi %add3A_325, %and3A_266 : vector<16xi32>
        tpu.vector_store_idx %arg6[%add3A_326], %gather3A_319 : memref<32768xf32, #tpu.memory_space<vmem>>[vector<16xi32>], vector<16xf32>,
        %add3A_327 = arith.constant 64 : i32
        %add3A_328 = vector.broadcast %add3A_327 : i32 to vector<16xi32>
        %add3A_329 = arith.addi %iota3A, %add3A_328 : vector<16xi32>
        %gather3A_330 = arith.constant 0 : i32
        %gather3A_331 = arith.constant 0 : i32
        %gather3A_332 = tpu.memref_slice %arg5[%scan3A_119, %gather3A_330, %gather3A_331] : memref<4x64x128xf32, #tpu.memory_space<vmem>> -> memref<1x64x128xf32, #tpu.memory_space<vmem>>
        %gather3A_333 = tpu.memref_squeeze %gather3A_332 : memref<1x64x128xf32, #tpu.memory_space<vmem>> -> memref<64x128xf32, #tpu.memory_space<vmem>>
        %gather3A_334 = tpu.vector_load_idx %gather3A_333[%and3A_266, %add3A_329] : memref<64x128xf32, #tpu.memory_space<vmem>>[vector<16xi32>, vector<16xi32>], vector<16xf32>,
        %mul3A_335 = arith.constant 64 : i32
        %mul3A_336 = vector.broadcast %mul3A_335 : i32 to vector<16xi32>
        %mul3A_337 = arith.muli %add3A_329, %mul3A_336 : vector<16xi32>
        %add3A_338 = arith.constant 0 : i32
        %add3A_339 = vector.broadcast %add3A_338 : i32 to vector<16xi32>
        %add3A_340 = arith.addi %add3A_339, %mul3A_337 : vector<16xi32>
        %add3A_341 = arith.addi %add3A_340, %and3A_266 : vector<16xi32>
        tpu.vector_store_idx %arg6[%add3A_341], %gather3A_334 : memref<32768xf32, #tpu.memory_space<vmem>>[vector<16xi32>], vector<16xf32>,
        %add3A_342 = arith.constant 80 : i32
        %add3A_343 = vector.broadcast %add3A_342 : i32 to vector<16xi32>
        %add3A_344 = arith.addi %iota3A, %add3A_343 : vector<16xi32>
        %gather3A_345 = arith.constant 0 : i32
        %gather3A_346 = arith.constant 0 : i32
        %gather3A_347 = tpu.memref_slice %arg5[%scan3A_119, %gather3A_345, %gather3A_346] : memref<4x64x128xf32, #tpu.memory_space<vmem>> -> memref<1x64x128xf32, #tpu.memory_space<vmem>>
        %gather3A_348 = tpu.memref_squeeze %gather3A_347 : memref<1x64x128xf32, #tpu.memory_space<vmem>> -> memref<64x128xf32, #tpu.memory_space<vmem>>
        %gather3A_349 = tpu.vector_load_idx %gather3A_348[%and3A_266, %add3A_344] : memref<64x128xf32, #tpu.memory_space<vmem>>[vector<16xi32>, vector<16xi32>], vector<16xf32>,
        %mul3A_350 = arith.constant 64 : i32
        %mul3A_351 = vector.broadcast %mul3A_350 : i32 to vector<16xi32>
        %mul3A_352 = arith.muli %add3A_344, %mul3A_351 : vector<16xi32>
        %add3A_353 = arith.constant 0 : i32
        %add3A_354 = vector.broadcast %add3A_353 : i32 to vector<16xi32>
        %add3A_355 = arith.addi %add3A_354, %mul3A_352 : vector<16xi32>
        %add3A_356 = arith.addi %add3A_355, %and3A_266 : vector<16xi32>
        tpu.vector_store_idx %arg6[%add3A_356], %gather3A_349 : memref<32768xf32, #tpu.memory_space<vmem>>[vector<16xi32>], vector<16xf32>,
        %add3A_357 = arith.constant 96 : i32
        %add3A_358 = vector.broadcast %add3A_357 : i32 to vector<16xi32>
        %add3A_359 = arith.addi %iota3A, %add3A_358 : vector<16xi32>
        %gather3A_360 = arith.constant 0 : i32
        %gather3A_361 = arith.constant 0 : i32
        %gather3A_362 = tpu.memref_slice %arg5[%scan3A_119, %gather3A_360, %gather3A_361] : memref<4x64x128xf32, #tpu.memory_space<vmem>> -> memref<1x64x128xf32, #tpu.memory_space<vmem>>
        %gather3A_363 = tpu.memref_squeeze %gather3A_362 : memref<1x64x128xf32, #tpu.memory_space<vmem>> -> memref<64x128xf32, #tpu.memory_space<vmem>>
        %gather3A_364 = tpu.vector_load_idx %gather3A_363[%and3A_266, %add3A_359] : memref<64x128xf32, #tpu.memory_space<vmem>>[vector<16xi32>, vector<16xi32>], vector<16xf32>,
        %mul3A_365 = arith.constant 64 : i32
        %mul3A_366 = vector.broadcast %mul3A_365 : i32 to vector<16xi32>
        %mul3A_367 = arith.muli %add3A_359, %mul3A_366 : vector<16xi32>
        %add3A_368 = arith.constant 0 : i32
        %add3A_369 = vector.broadcast %add3A_368 : i32 to vector<16xi32>
        %add3A_370 = arith.addi %add3A_369, %mul3A_367 : vector<16xi32>
        %add3A_371 = arith.addi %add3A_370, %and3A_266 : vector<16xi32>
        tpu.vector_store_idx %arg6[%add3A_371], %gather3A_364 : memref<32768xf32, #tpu.memory_space<vmem>>[vector<16xi32>], vector<16xf32>,
        %add3A_372 = arith.constant 112 : i32
        %add3A_373 = vector.broadcast %add3A_372 : i32 to vector<16xi32>
        %add3A_374 = arith.addi %iota3A, %add3A_373 : vector<16xi32>
        %gather3A_375 = arith.constant 0 : i32
        %gather3A_376 = arith.constant 0 : i32
        %gather3A_377 = tpu.memref_slice %arg5[%scan3A_119, %gather3A_375, %gather3A_376] : memref<4x64x128xf32, #tpu.memory_space<vmem>> -> memref<1x64x128xf32, #tpu.memory_space<vmem>>
        %gather3A_378 = tpu.memref_squeeze %gather3A_377 : memref<1x64x128xf32, #tpu.memory_space<vmem>> -> memref<64x128xf32, #tpu.memory_space<vmem>>
        %gather3A_379 = tpu.vector_load_idx %gather3A_378[%and3A_266, %add3A_374] : memref<64x128xf32, #tpu.memory_space<vmem>>[vector<16xi32>, vector<16xi32>], vector<16xf32>,
        %mul3A_380 = arith.constant 64 : i32
        %mul3A_381 = vector.broadcast %mul3A_380 : i32 to vector<16xi32>
        %mul3A_382 = arith.muli %add3A_374, %mul3A_381 : vector<16xi32>
        %add3A_383 = arith.constant 0 : i32
        %add3A_384 = vector.broadcast %add3A_383 : i32 to vector<16xi32>
        %add3A_385 = arith.addi %add3A_384, %mul3A_382 : vector<16xi32>
        %add3A_386 = arith.addi %add3A_385, %and3A_266 : vector<16xi32>
        tpu.vector_store_idx %arg6[%add3A_386], %gather3A_379 : memref<32768xf32, #tpu.memory_space<vmem>>[vector<16xi32>], vector<16xf32>,
        %mul3A_387 = arith.constant 4 : i32
        %mul3A_388 = arith.muli %scan3A_129, %mul3A_387 : i32
        %add3A_389 = arith.constant 2 : i32
        %add3A_390 = arith.addi %mul3A_388, %add3A_389 : i32
        %add3A_391 = vector.broadcast %add3A_390 : i32 to vector<16xi32>
        %add3A_392 = arith.addi %iota3A, %add3A_391 : vector<16xi32>
        %and3A_393 = arith.constant 63 : i32
        %and3A_394 = vector.broadcast %and3A_393 : i32 to vector<16xi32>
        %and3A_395 = arith.andi %add3A_392, %and3A_394 : vector<16xi32>
        %add3A_396 = arith.constant 0 : i32
        %add3A_397 = vector.broadcast %add3A_396 : i32 to vector<16xi32>
        %add3A_398 = arith.addi %iota3A, %add3A_397 : vector<16xi32>
        %gather3A_399 = arith.constant 0 : i32
        %gather3A_400 = arith.constant 0 : i32
        %gather3A_401 = tpu.memref_slice %arg5[%scan3A_119, %gather3A_399, %gather3A_400] : memref<4x64x128xf32, #tpu.memory_space<vmem>> -> memref<1x64x128xf32, #tpu.memory_space<vmem>>
        %gather3A_402 = tpu.memref_squeeze %gather3A_401 : memref<1x64x128xf32, #tpu.memory_space<vmem>> -> memref<64x128xf32, #tpu.memory_space<vmem>>
        %gather3A_403 = tpu.vector_load_idx %gather3A_402[%and3A_395, %add3A_398] : memref<64x128xf32, #tpu.memory_space<vmem>>[vector<16xi32>, vector<16xi32>], vector<16xf32>,
        %mul3A_404 = arith.constant 64 : i32
        %mul3A_405 = vector.broadcast %mul3A_404 : i32 to vector<16xi32>
        %mul3A_406 = arith.muli %add3A_398, %mul3A_405 : vector<16xi32>
        %add3A_407 = arith.constant 0 : i32
        %add3A_408 = vector.broadcast %add3A_407 : i32 to vector<16xi32>
        %add3A_409 = arith.addi %add3A_408, %mul3A_406 : vector<16xi32>
        %add3A_410 = arith.addi %add3A_409, %and3A_395 : vector<16xi32>
        tpu.vector_store_idx %arg6[%add3A_410], %gather3A_403 : memref<32768xf32, #tpu.memory_space<vmem>>[vector<16xi32>], vector<16xf32>,
        %add3A_411 = arith.constant 16 : i32
        %add3A_412 = vector.broadcast %add3A_411 : i32 to vector<16xi32>
        %add3A_413 = arith.addi %iota3A, %add3A_412 : vector<16xi32>
        %gather3A_414 = arith.constant 0 : i32
        %gather3A_415 = arith.constant 0 : i32
        %gather3A_416 = tpu.memref_slice %arg5[%scan3A_119, %gather3A_414, %gather3A_415] : memref<4x64x128xf32, #tpu.memory_space<vmem>> -> memref<1x64x128xf32, #tpu.memory_space<vmem>>
        %gather3A_417 = tpu.memref_squeeze %gather3A_416 : memref<1x64x128xf32, #tpu.memory_space<vmem>> -> memref<64x128xf32, #tpu.memory_space<vmem>>
        %gather3A_418 = tpu.vector_load_idx %gather3A_417[%and3A_395, %add3A_413] : memref<64x128xf32, #tpu.memory_space<vmem>>[vector<16xi32>, vector<16xi32>], vector<16xf32>,
        %mul3A_419 = arith.constant 64 : i32
        %mul3A_420 = vector.broadcast %mul3A_419 : i32 to vector<16xi32>
        %mul3A_421 = arith.muli %add3A_413, %mul3A_420 : vector<16xi32>
        %add3A_422 = arith.constant 0 : i32
        %add3A_423 = vector.broadcast %add3A_422 : i32 to vector<16xi32>
        %add3A_424 = arith.addi %add3A_423, %mul3A_421 : vector<16xi32>
        %add3A_425 = arith.addi %add3A_424, %and3A_395 : vector<16xi32>
        tpu.vector_store_idx %arg6[%add3A_425], %gather3A_418 : memref<32768xf32, #tpu.memory_space<vmem>>[vector<16xi32>], vector<16xf32>,
        %add3A_426 = arith.constant 32 : i32
        %add3A_427 = vector.broadcast %add3A_426 : i32 to vector<16xi32>
        %add3A_428 = arith.addi %iota3A, %add3A_427 : vector<16xi32>
        %gather3A_429 = arith.constant 0 : i32
        %gather3A_430 = arith.constant 0 : i32
        %gather3A_431 = tpu.memref_slice %arg5[%scan3A_119, %gather3A_429, %gather3A_430] : memref<4x64x128xf32, #tpu.memory_space<vmem>> -> memref<1x64x128xf32, #tpu.memory_space<vmem>>
        %gather3A_432 = tpu.memref_squeeze %gather3A_431 : memref<1x64x128xf32, #tpu.memory_space<vmem>> -> memref<64x128xf32, #tpu.memory_space<vmem>>
        %gather3A_433 = tpu.vector_load_idx %gather3A_432[%and3A_395, %add3A_428] : memref<64x128xf32, #tpu.memory_space<vmem>>[vector<16xi32>, vector<16xi32>], vector<16xf32>,
        %mul3A_434 = arith.constant 64 : i32
        %mul3A_435 = vector.broadcast %mul3A_434 : i32 to vector<16xi32>
        %mul3A_436 = arith.muli %add3A_428, %mul3A_435 : vector<16xi32>
        %add3A_437 = arith.constant 0 : i32
        %add3A_438 = vector.broadcast %add3A_437 : i32 to vector<16xi32>
        %add3A_439 = arith.addi %add3A_438, %mul3A_436 : vector<16xi32>
        %add3A_440 = arith.addi %add3A_439, %and3A_395 : vector<16xi32>
        tpu.vector_store_idx %arg6[%add3A_440], %gather3A_433 : memref<32768xf32, #tpu.memory_space<vmem>>[vector<16xi32>], vector<16xf32>,
        %add3A_441 = arith.constant 48 : i32
        %add3A_442 = vector.broadcast %add3A_441 : i32 to vector<16xi32>
        %add3A_443 = arith.addi %iota3A, %add3A_442 : vector<16xi32>
        %gather3A_444 = arith.constant 0 : i32
        %gather3A_445 = arith.constant 0 : i32
        %gather3A_446 = tpu.memref_slice %arg5[%scan3A_119, %gather3A_444, %gather3A_445] : memref<4x64x128xf32, #tpu.memory_space<vmem>> -> memref<1x64x128xf32, #tpu.memory_space<vmem>>
        %gather3A_447 = tpu.memref_squeeze %gather3A_446 : memref<1x64x128xf32, #tpu.memory_space<vmem>> -> memref<64x128xf32, #tpu.memory_space<vmem>>
        %gather3A_448 = tpu.vector_load_idx %gather3A_447[%and3A_395, %add3A_443] : memref<64x128xf32, #tpu.memory_space<vmem>>[vector<16xi32>, vector<16xi32>], vector<16xf32>,
        %mul3A_449 = arith.constant 64 : i32
        %mul3A_450 = vector.broadcast %mul3A_449 : i32 to vector<16xi32>
        %mul3A_451 = arith.muli %add3A_443, %mul3A_450 : vector<16xi32>
        %add3A_452 = arith.constant 0 : i32
        %add3A_453 = vector.broadcast %add3A_452 : i32 to vector<16xi32>
        %add3A_454 = arith.addi %add3A_453, %mul3A_451 : vector<16xi32>
        %add3A_455 = arith.addi %add3A_454, %and3A_395 : vector<16xi32>
        tpu.vector_store_idx %arg6[%add3A_455], %gather3A_448 : memref<32768xf32, #tpu.memory_space<vmem>>[vector<16xi32>], vector<16xf32>,
        %add3A_456 = arith.constant 64 : i32
        %add3A_457 = vector.broadcast %add3A_456 : i32 to vector<16xi32>
        %add3A_458 = arith.addi %iota3A, %add3A_457 : vector<16xi32>
        %gather3A_459 = arith.constant 0 : i32
        %gather3A_460 = arith.constant 0 : i32
        %gather3A_461 = tpu.memref_slice %arg5[%scan3A_119, %gather3A_459, %gather3A_460] : memref<4x64x128xf32, #tpu.memory_space<vmem>> -> memref<1x64x128xf32, #tpu.memory_space<vmem>>
        %gather3A_462 = tpu.memref_squeeze %gather3A_461 : memref<1x64x128xf32, #tpu.memory_space<vmem>> -> memref<64x128xf32, #tpu.memory_space<vmem>>
        %gather3A_463 = tpu.vector_load_idx %gather3A_462[%and3A_395, %add3A_458] : memref<64x128xf32, #tpu.memory_space<vmem>>[vector<16xi32>, vector<16xi32>], vector<16xf32>,
        %mul3A_464 = arith.constant 64 : i32
        %mul3A_465 = vector.broadcast %mul3A_464 : i32 to vector<16xi32>
        %mul3A_466 = arith.muli %add3A_458, %mul3A_465 : vector<16xi32>
        %add3A_467 = arith.constant 0 : i32
        %add3A_468 = vector.broadcast %add3A_467 : i32 to vector<16xi32>
        %add3A_469 = arith.addi %add3A_468, %mul3A_466 : vector<16xi32>
        %add3A_470 = arith.addi %add3A_469, %and3A_395 : vector<16xi32>
        tpu.vector_store_idx %arg6[%add3A_470], %gather3A_463 : memref<32768xf32, #tpu.memory_space<vmem>>[vector<16xi32>], vector<16xf32>,
        %add3A_471 = arith.constant 80 : i32
        %add3A_472 = vector.broadcast %add3A_471 : i32 to vector<16xi32>
        %add3A_473 = arith.addi %iota3A, %add3A_472 : vector<16xi32>
        %gather3A_474 = arith.constant 0 : i32
        %gather3A_475 = arith.constant 0 : i32
        %gather3A_476 = tpu.memref_slice %arg5[%scan3A_119, %gather3A_474, %gather3A_475] : memref<4x64x128xf32, #tpu.memory_space<vmem>> -> memref<1x64x128xf32, #tpu.memory_space<vmem>>
        %gather3A_477 = tpu.memref_squeeze %gather3A_476 : memref<1x64x128xf32, #tpu.memory_space<vmem>> -> memref<64x128xf32, #tpu.memory_space<vmem>>
        %gather3A_478 = tpu.vector_load_idx %gather3A_477[%and3A_395, %add3A_473] : memref<64x128xf32, #tpu.memory_space<vmem>>[vector<16xi32>, vector<16xi32>], vector<16xf32>,
        %mul3A_479 = arith.constant 64 : i32
        %mul3A_480 = vector.broadcast %mul3A_479 : i32 to vector<16xi32>
        %mul3A_481 = arith.muli %add3A_473, %mul3A_480 : vector<16xi32>
        %add3A_482 = arith.constant 0 : i32
        %add3A_483 = vector.broadcast %add3A_482 : i32 to vector<16xi32>
        %add3A_484 = arith.addi %add3A_483, %mul3A_481 : vector<16xi32>
        %add3A_485 = arith.addi %add3A_484, %and3A_395 : vector<16xi32>
        tpu.vector_store_idx %arg6[%add3A_485], %gather3A_478 : memref<32768xf32, #tpu.memory_space<vmem>>[vector<16xi32>], vector<16xf32>,
        %add3A_486 = arith.constant 96 : i32
        %add3A_487 = vector.broadcast %add3A_486 : i32 to vector<16xi32>
        %add3A_488 = arith.addi %iota3A, %add3A_487 : vector<16xi32>
        %gather3A_489 = arith.constant 0 : i32
        %gather3A_490 = arith.constant 0 : i32
        %gather3A_491 = tpu.memref_slice %arg5[%scan3A_119, %gather3A_489, %gather3A_490] : memref<4x64x128xf32, #tpu.memory_space<vmem>> -> memref<1x64x128xf32, #tpu.memory_space<vmem>>
        %gather3A_492 = tpu.memref_squeeze %gather3A_491 : memref<1x64x128xf32, #tpu.memory_space<vmem>> -> memref<64x128xf32, #tpu.memory_space<vmem>>
        %gather3A_493 = tpu.vector_load_idx %gather3A_492[%and3A_395, %add3A_488] : memref<64x128xf32, #tpu.memory_space<vmem>>[vector<16xi32>, vector<16xi32>], vector<16xf32>,
        %mul3A_494 = arith.constant 64 : i32
        %mul3A_495 = vector.broadcast %mul3A_494 : i32 to vector<16xi32>
        %mul3A_496 = arith.muli %add3A_488, %mul3A_495 : vector<16xi32>
        %add3A_497 = arith.constant 0 : i32
        %add3A_498 = vector.broadcast %add3A_497 : i32 to vector<16xi32>
        %add3A_499 = arith.addi %add3A_498, %mul3A_496 : vector<16xi32>
        %add3A_500 = arith.addi %add3A_499, %and3A_395 : vector<16xi32>
        tpu.vector_store_idx %arg6[%add3A_500], %gather3A_493 : memref<32768xf32, #tpu.memory_space<vmem>>[vector<16xi32>], vector<16xf32>,
        %add3A_501 = arith.constant 112 : i32
        %add3A_502 = vector.broadcast %add3A_501 : i32 to vector<16xi32>
        %add3A_503 = arith.addi %iota3A, %add3A_502 : vector<16xi32>
        %gather3A_504 = arith.constant 0 : i32
        %gather3A_505 = arith.constant 0 : i32
        %gather3A_506 = tpu.memref_slice %arg5[%scan3A_119, %gather3A_504, %gather3A_505] : memref<4x64x128xf32, #tpu.memory_space<vmem>> -> memref<1x64x128xf32, #tpu.memory_space<vmem>>
        %gather3A_507 = tpu.memref_squeeze %gather3A_506 : memref<1x64x128xf32, #tpu.memory_space<vmem>> -> memref<64x128xf32, #tpu.memory_space<vmem>>
        %gather3A_508 = tpu.vector_load_idx %gather3A_507[%and3A_395, %add3A_503] : memref<64x128xf32, #tpu.memory_space<vmem>>[vector<16xi32>, vector<16xi32>], vector<16xf32>,
        %mul3A_509 = arith.constant 64 : i32
        %mul3A_510 = vector.broadcast %mul3A_509 : i32 to vector<16xi32>
        %mul3A_511 = arith.muli %add3A_503, %mul3A_510 : vector<16xi32>
        %add3A_512 = arith.constant 0 : i32
        %add3A_513 = vector.broadcast %add3A_512 : i32 to vector<16xi32>
        %add3A_514 = arith.addi %add3A_513, %mul3A_511 : vector<16xi32>
        %add3A_515 = arith.addi %add3A_514, %and3A_395 : vector<16xi32>
        tpu.vector_store_idx %arg6[%add3A_515], %gather3A_508 : memref<32768xf32, #tpu.memory_space<vmem>>[vector<16xi32>], vector<16xf32>,
        %mul3A_516 = arith.constant 4 : i32
        %mul3A_517 = arith.muli %scan3A_129, %mul3A_516 : i32
        %add3A_518 = arith.constant 3 : i32
        %add3A_519 = arith.addi %mul3A_517, %add3A_518 : i32
        %add3A_520 = vector.broadcast %add3A_519 : i32 to vector<16xi32>
        %add3A_521 = arith.addi %iota3A, %add3A_520 : vector<16xi32>
        %and3A_522 = arith.constant 63 : i32
        %and3A_523 = vector.broadcast %and3A_522 : i32 to vector<16xi32>
        %and3A_524 = arith.andi %add3A_521, %and3A_523 : vector<16xi32>
        %add3A_525 = arith.constant 0 : i32
        %add3A_526 = vector.broadcast %add3A_525 : i32 to vector<16xi32>
        %add3A_527 = arith.addi %iota3A, %add3A_526 : vector<16xi32>
        %gather3A_528 = arith.constant 0 : i32
        %gather3A_529 = arith.constant 0 : i32
        %gather3A_530 = tpu.memref_slice %arg5[%scan3A_119, %gather3A_528, %gather3A_529] : memref<4x64x128xf32, #tpu.memory_space<vmem>> -> memref<1x64x128xf32, #tpu.memory_space<vmem>>
        %gather3A_531 = tpu.memref_squeeze %gather3A_530 : memref<1x64x128xf32, #tpu.memory_space<vmem>> -> memref<64x128xf32, #tpu.memory_space<vmem>>
        %gather3A_532 = tpu.vector_load_idx %gather3A_531[%and3A_524, %add3A_527] : memref<64x128xf32, #tpu.memory_space<vmem>>[vector<16xi32>, vector<16xi32>], vector<16xf32>,
        %mul3A_533 = arith.constant 64 : i32
        %mul3A_534 = vector.broadcast %mul3A_533 : i32 to vector<16xi32>
        %mul3A_535 = arith.muli %add3A_527, %mul3A_534 : vector<16xi32>
        %add3A_536 = arith.constant 0 : i32
        %add3A_537 = vector.broadcast %add3A_536 : i32 to vector<16xi32>
        %add3A_538 = arith.addi %add3A_537, %mul3A_535 : vector<16xi32>
        %add3A_539 = arith.addi %add3A_538, %and3A_524 : vector<16xi32>
        tpu.vector_store_idx %arg6[%add3A_539], %gather3A_532 : memref<32768xf32, #tpu.memory_space<vmem>>[vector<16xi32>], vector<16xf32>,
        %add3A_540 = arith.constant 16 : i32
        %add3A_541 = vector.broadcast %add3A_540 : i32 to vector<16xi32>
        %add3A_542 = arith.addi %iota3A, %add3A_541 : vector<16xi32>
        %gather3A_543 = arith.constant 0 : i32
        %gather3A_544 = arith.constant 0 : i32
        %gather3A_545 = tpu.memref_slice %arg5[%scan3A_119, %gather3A_543, %gather3A_544] : memref<4x64x128xf32, #tpu.memory_space<vmem>> -> memref<1x64x128xf32, #tpu.memory_space<vmem>>
        %gather3A_546 = tpu.memref_squeeze %gather3A_545 : memref<1x64x128xf32, #tpu.memory_space<vmem>> -> memref<64x128xf32, #tpu.memory_space<vmem>>
        %gather3A_547 = tpu.vector_load_idx %gather3A_546[%and3A_524, %add3A_542] : memref<64x128xf32, #tpu.memory_space<vmem>>[vector<16xi32>, vector<16xi32>], vector<16xf32>,
        %mul3A_548 = arith.constant 64 : i32
        %mul3A_549 = vector.broadcast %mul3A_548 : i32 to vector<16xi32>
        %mul3A_550 = arith.muli %add3A_542, %mul3A_549 : vector<16xi32>
        %add3A_551 = arith.constant 0 : i32
        %add3A_552 = vector.broadcast %add3A_551 : i32 to vector<16xi32>
        %add3A_553 = arith.addi %add3A_552, %mul3A_550 : vector<16xi32>
        %add3A_554 = arith.addi %add3A_553, %and3A_524 : vector<16xi32>
        tpu.vector_store_idx %arg6[%add3A_554], %gather3A_547 : memref<32768xf32, #tpu.memory_space<vmem>>[vector<16xi32>], vector<16xf32>,
        %add3A_555 = arith.constant 32 : i32
        %add3A_556 = vector.broadcast %add3A_555 : i32 to vector<16xi32>
        %add3A_557 = arith.addi %iota3A, %add3A_556 : vector<16xi32>
        %gather3A_558 = arith.constant 0 : i32
        %gather3A_559 = arith.constant 0 : i32
        %gather3A_560 = tpu.memref_slice %arg5[%scan3A_119, %gather3A_558, %gather3A_559] : memref<4x64x128xf32, #tpu.memory_space<vmem>> -> memref<1x64x128xf32, #tpu.memory_space<vmem>>
        %gather3A_561 = tpu.memref_squeeze %gather3A_560 : memref<1x64x128xf32, #tpu.memory_space<vmem>> -> memref<64x128xf32, #tpu.memory_space<vmem>>
        %gather3A_562 = tpu.vector_load_idx %gather3A_561[%and3A_524, %add3A_557] : memref<64x128xf32, #tpu.memory_space<vmem>>[vector<16xi32>, vector<16xi32>], vector<16xf32>,
        %mul3A_563 = arith.constant 64 : i32
        %mul3A_564 = vector.broadcast %mul3A_563 : i32 to vector<16xi32>
        %mul3A_565 = arith.muli %add3A_557, %mul3A_564 : vector<16xi32>
        %add3A_566 = arith.constant 0 : i32
        %add3A_567 = vector.broadcast %add3A_566 : i32 to vector<16xi32>
        %add3A_568 = arith.addi %add3A_567, %mul3A_565 : vector<16xi32>
        %add3A_569 = arith.addi %add3A_568, %and3A_524 : vector<16xi32>
        tpu.vector_store_idx %arg6[%add3A_569], %gather3A_562 : memref<32768xf32, #tpu.memory_space<vmem>>[vector<16xi32>], vector<16xf32>,
        %add3A_570 = arith.constant 48 : i32
        %add3A_571 = vector.broadcast %add3A_570 : i32 to vector<16xi32>
        %add3A_572 = arith.addi %iota3A, %add3A_571 : vector<16xi32>
        %gather3A_573 = arith.constant 0 : i32
        %gather3A_574 = arith.constant 0 : i32
        %gather3A_575 = tpu.memref_slice %arg5[%scan3A_119, %gather3A_573, %gather3A_574] : memref<4x64x128xf32, #tpu.memory_space<vmem>> -> memref<1x64x128xf32, #tpu.memory_space<vmem>>
        %gather3A_576 = tpu.memref_squeeze %gather3A_575 : memref<1x64x128xf32, #tpu.memory_space<vmem>> -> memref<64x128xf32, #tpu.memory_space<vmem>>
        %gather3A_577 = tpu.vector_load_idx %gather3A_576[%and3A_524, %add3A_572] : memref<64x128xf32, #tpu.memory_space<vmem>>[vector<16xi32>, vector<16xi32>], vector<16xf32>,
        %mul3A_578 = arith.constant 64 : i32
        %mul3A_579 = vector.broadcast %mul3A_578 : i32 to vector<16xi32>
        %mul3A_580 = arith.muli %add3A_572, %mul3A_579 : vector<16xi32>
        %add3A_581 = arith.constant 0 : i32
        %add3A_582 = vector.broadcast %add3A_581 : i32 to vector<16xi32>
        %add3A_583 = arith.addi %add3A_582, %mul3A_580 : vector<16xi32>
        %add3A_584 = arith.addi %add3A_583, %and3A_524 : vector<16xi32>
        tpu.vector_store_idx %arg6[%add3A_584], %gather3A_577 : memref<32768xf32, #tpu.memory_space<vmem>>[vector<16xi32>], vector<16xf32>,
        %add3A_585 = arith.constant 64 : i32
        %add3A_586 = vector.broadcast %add3A_585 : i32 to vector<16xi32>
        %add3A_587 = arith.addi %iota3A, %add3A_586 : vector<16xi32>
        %gather3A_588 = arith.constant 0 : i32
        %gather3A_589 = arith.constant 0 : i32
        %gather3A_590 = tpu.memref_slice %arg5[%scan3A_119, %gather3A_588, %gather3A_589] : memref<4x64x128xf32, #tpu.memory_space<vmem>> -> memref<1x64x128xf32, #tpu.memory_space<vmem>>
        %gather3A_591 = tpu.memref_squeeze %gather3A_590 : memref<1x64x128xf32, #tpu.memory_space<vmem>> -> memref<64x128xf32, #tpu.memory_space<vmem>>
        %gather3A_592 = tpu.vector_load_idx %gather3A_591[%and3A_524, %add3A_587] : memref<64x128xf32, #tpu.memory_space<vmem>>[vector<16xi32>, vector<16xi32>], vector<16xf32>,
        %mul3A_593 = arith.constant 64 : i32
        %mul3A_594 = vector.broadcast %mul3A_593 : i32 to vector<16xi32>
        %mul3A_595 = arith.muli %add3A_587, %mul3A_594 : vector<16xi32>
        %add3A_596 = arith.constant 0 : i32
        %add3A_597 = vector.broadcast %add3A_596 : i32 to vector<16xi32>
        %add3A_598 = arith.addi %add3A_597, %mul3A_595 : vector<16xi32>
        %add3A_599 = arith.addi %add3A_598, %and3A_524 : vector<16xi32>
        tpu.vector_store_idx %arg6[%add3A_599], %gather3A_592 : memref<32768xf32, #tpu.memory_space<vmem>>[vector<16xi32>], vector<16xf32>,
        %add3A_600 = arith.constant 80 : i32
        %add3A_601 = vector.broadcast %add3A_600 : i32 to vector<16xi32>
        %add3A_602 = arith.addi %iota3A, %add3A_601 : vector<16xi32>
        %gather3A_603 = arith.constant 0 : i32
        %gather3A_604 = arith.constant 0 : i32
        %gather3A_605 = tpu.memref_slice %arg5[%scan3A_119, %gather3A_603, %gather3A_604] : memref<4x64x128xf32, #tpu.memory_space<vmem>> -> memref<1x64x128xf32, #tpu.memory_space<vmem>>
        %gather3A_606 = tpu.memref_squeeze %gather3A_605 : memref<1x64x128xf32, #tpu.memory_space<vmem>> -> memref<64x128xf32, #tpu.memory_space<vmem>>
        %gather3A_607 = tpu.vector_load_idx %gather3A_606[%and3A_524, %add3A_602] : memref<64x128xf32, #tpu.memory_space<vmem>>[vector<16xi32>, vector<16xi32>], vector<16xf32>,
        %mul3A_608 = arith.constant 64 : i32
        %mul3A_609 = vector.broadcast %mul3A_608 : i32 to vector<16xi32>
        %mul3A_610 = arith.muli %add3A_602, %mul3A_609 : vector<16xi32>
        %add3A_611 = arith.constant 0 : i32
        %add3A_612 = vector.broadcast %add3A_611 : i32 to vector<16xi32>
        %add3A_613 = arith.addi %add3A_612, %mul3A_610 : vector<16xi32>
        %add3A_614 = arith.addi %add3A_613, %and3A_524 : vector<16xi32>
        tpu.vector_store_idx %arg6[%add3A_614], %gather3A_607 : memref<32768xf32, #tpu.memory_space<vmem>>[vector<16xi32>], vector<16xf32>,
        %add3A_615 = arith.constant 96 : i32
        %add3A_616 = vector.broadcast %add3A_615 : i32 to vector<16xi32>
        %add3A_617 = arith.addi %iota3A, %add3A_616 : vector<16xi32>
        %gather3A_618 = arith.constant 0 : i32
        %gather3A_619 = arith.constant 0 : i32
        %gather3A_620 = tpu.memref_slice %arg5[%scan3A_119, %gather3A_618, %gather3A_619] : memref<4x64x128xf32, #tpu.memory_space<vmem>> -> memref<1x64x128xf32, #tpu.memory_space<vmem>>
        %gather3A_621 = tpu.memref_squeeze %gather3A_620 : memref<1x64x128xf32, #tpu.memory_space<vmem>> -> memref<64x128xf32, #tpu.memory_space<vmem>>
        %gather3A_622 = tpu.vector_load_idx %gather3A_621[%and3A_524, %add3A_617] : memref<64x128xf32, #tpu.memory_space<vmem>>[vector<16xi32>, vector<16xi32>], vector<16xf32>,
        %mul3A_623 = arith.constant 64 : i32
        %mul3A_624 = vector.broadcast %mul3A_623 : i32 to vector<16xi32>
        %mul3A_625 = arith.muli %add3A_617, %mul3A_624 : vector<16xi32>
        %add3A_626 = arith.constant 0 : i32
        %add3A_627 = vector.broadcast %add3A_626 : i32 to vector<16xi32>
        %add3A_628 = arith.addi %add3A_627, %mul3A_625 : vector<16xi32>
        %add3A_629 = arith.addi %add3A_628, %and3A_524 : vector<16xi32>
        tpu.vector_store_idx %arg6[%add3A_629], %gather3A_622 : memref<32768xf32, #tpu.memory_space<vmem>>[vector<16xi32>], vector<16xf32>,
        %add3A_630 = arith.constant 112 : i32
        %add3A_631 = vector.broadcast %add3A_630 : i32 to vector<16xi32>
        %add3A_632 = arith.addi %iota3A, %add3A_631 : vector<16xi32>
        %gather3A_633 = arith.constant 0 : i32
        %gather3A_634 = arith.constant 0 : i32
        %gather3A_635 = tpu.memref_slice %arg5[%scan3A_119, %gather3A_633, %gather3A_634] : memref<4x64x128xf32, #tpu.memory_space<vmem>> -> memref<1x64x128xf32, #tpu.memory_space<vmem>>
        %gather3A_636 = tpu.memref_squeeze %gather3A_635 : memref<1x64x128xf32, #tpu.memory_space<vmem>> -> memref<64x128xf32, #tpu.memory_space<vmem>>
        %gather3A_637 = tpu.vector_load_idx %gather3A_636[%and3A_524, %add3A_632] : memref<64x128xf32, #tpu.memory_space<vmem>>[vector<16xi32>, vector<16xi32>], vector<16xf32>,
        %mul3A_638 = arith.constant 64 : i32
        %mul3A_639 = vector.broadcast %mul3A_638 : i32 to vector<16xi32>
        %mul3A_640 = arith.muli %add3A_632, %mul3A_639 : vector<16xi32>
        %add3A_641 = arith.constant 0 : i32
        %add3A_642 = vector.broadcast %add3A_641 : i32 to vector<16xi32>
        %add3A_643 = arith.addi %add3A_642, %mul3A_640 : vector<16xi32>
        %add3A_644 = arith.addi %add3A_643, %and3A_524 : vector<16xi32>
        tpu.vector_store_idx %arg6[%add3A_644], %gather3A_637 : memref<32768xf32, #tpu.memory_space<vmem>>[vector<16xi32>], vector<16xf32>,
        %scan3A_645 = arith.constant 0 : i32
        scf.yield %scan3A_645 : i32
      }
      %scan3A_126 = arith.constant 16 : i32
      %mul3A_127 = arith.constant 8192 : i32
      %mul3A_128 = arith.muli %add3A_116, %mul3A_127 : i32
      "tpu.region"() ({
        %run_scoped3A_129 = tpu.sem_alloc : memref<!tpu.dma_semaphore, #tpu.memory_space<semaphore_mem>>
        %dma_start3A_130 = arith.constant 0 : i32
        %dma_start3A_131 = tpu.memref_slice %arg6[%dma_start3A_130] : memref<32768xf32, #tpu.memory_space<vmem>> -> memref<8192xf32, #tpu.memory_space<vmem>>
        %dma_start3A_132 = tpu.memref_slice %arg4[%mul3A_128] : memref<64000000xf32, #tpu.memory_space<hbm>> -> memref<8192xf32, #tpu.memory_space<hbm>>
        %dma_start3A_133 = tpu.memref_slice %arg4[%mul3A_128] : memref<64000000xf32, #tpu.memory_space<hbm>> -> memref<8192xf32, #tpu.memory_space<hbm>>
        %dma_start3A_134 = arith.constant 0 : i32
        %dma_start3A_135 = tpu.memref_slice %arg6[%dma_start3A_134] : memref<32768xf32, #tpu.memory_space<vmem>> -> memref<8192xf32, #tpu.memory_space<vmem>>
        tpu.enqueue_dma source(%dma_start3A_135 : memref<8192xf32, #tpu.memory_space<vmem>>) target(%dma_start3A_133 : memref<8192xf32, #tpu.memory_space<hbm>>) target_semaphore(%run_scoped3A_129 : memref<!tpu.dma_semaphore, #tpu.memory_space<semaphore_mem>>)
        %dma_wait3A_136 = arith.constant 0 : i32
        %dma_wait3A_137 = tpu.memref_slice %arg6[%dma_wait3A_136] : memref<32768xf32, #tpu.memory_space<vmem>> -> memref<8192xf32, #tpu.memory_space<vmem>>
        %dma_wait3A_138 = tpu.memref_slice %arg4[%mul3A_128] : memref<64000000xf32, #tpu.memory_space<hbm>> -> memref<8192xf32, #tpu.memory_space<hbm>>
        %dma_wait3A_139 = tpu.memref_slice %arg4[%mul3A_128] : memref<64000000xf32, #tpu.memory_space<hbm>> -> memref<8192xf32, #tpu.memory_space<hbm>>
        %dma_wait3A_140 = arith.constant 0 : i32
        %dma_wait3A_141 = tpu.memref_slice %arg6[%dma_wait3A_140] : memref<32768xf32, #tpu.memory_space<vmem>> -> memref<8192xf32, #tpu.memory_space<vmem>>
        tpu.wait_dma2 semaphore(%run_scoped3A_129 : memref<!tpu.dma_semaphore, #tpu.memory_space<semaphore_mem>>) src(%dma_wait3A_141 : memref<8192xf32, #tpu.memory_space<vmem>>) dst(%dma_wait3A_139 : memref<8192xf32, #tpu.memory_space<hbm>>)
        tpu.yield
      }) : () -> ()
    } else {
    }
    %eq3A = arith.constant 4 : i32
    %eq3A_111 = arith.cmpi eq, %add3A, %eq3A : i32
    %convert_element_type3A_112 = arith.extui %eq3A_111 : i1 to i32
    %cond3A_113 = arith.constant 0 : i32
    %cond3A_114 = arith.cmpi ne, %convert_element_type3A_112, %cond3A_113 : i32
    scf.if %cond3A_114 {
      "tpu.region"() ({
        %run_scoped3A = tpu.sem_alloc : memref<!tpu.dma_semaphore, #tpu.memory_space<semaphore_mem>>
        %dma_start3A_115 = arith.constant 0 : i32
        %dma_start3A_116 = tpu.memref_slice %arg6[%dma_start3A_115] : memref<32768xf32, #tpu.memory_space<vmem>> -> memref<4096xf32, #tpu.memory_space<vmem>>
        %dma_start3A_117 = arith.constant 0 : i32
        %dma_start3A_118 = tpu.memref_slice %arg6[%dma_start3A_117] : memref<32768xf32, #tpu.memory_space<vmem>> -> memref<4096xf32, #tpu.memory_space<vmem>>
        tpu.enqueue_dma source(%arg3 : memref<4096xf32, #tpu.memory_space<hbm>>) target(%dma_start3A_118 : memref<4096xf32, #tpu.memory_space<vmem>>) target_semaphore(%run_scoped3A : memref<!tpu.dma_semaphore, #tpu.memory_space<semaphore_mem>>)
        %dma_wait3A_119 = arith.constant 0 : i32
        %dma_wait3A_120 = tpu.memref_slice %arg6[%dma_wait3A_119] : memref<32768xf32, #tpu.memory_space<vmem>> -> memref<4096xf32, #tpu.memory_space<vmem>>
        %dma_wait3A_121 = arith.constant 0 : i32
        %dma_wait3A_122 = tpu.memref_slice %arg6[%dma_wait3A_121] : memref<32768xf32, #tpu.memory_space<vmem>> -> memref<4096xf32, #tpu.memory_space<vmem>>
        tpu.wait_dma2 semaphore(%run_scoped3A : memref<!tpu.dma_semaphore, #tpu.memory_space<semaphore_mem>>) src(%arg3 : memref<4096xf32, #tpu.memory_space<hbm>>) dst(%dma_wait3A_122 : memref<4096xf32, #tpu.memory_space<vmem>>)
        tpu.yield
      }) : () -> ()
      "tpu.region"() ({
        %run_scoped3A = tpu.sem_alloc : memref<!tpu.dma_semaphore, #tpu.memory_space<semaphore_mem>>
        %dma_start3A_115 = arith.constant 0 : i32
        %dma_start3A_116 = tpu.memref_slice %arg6[%dma_start3A_115] : memref<32768xf32, #tpu.memory_space<vmem>> -> memref<4096xf32, #tpu.memory_space<vmem>>
        %dma_start3A_117 = arith.constant 63995904 : i32
        %dma_start3A_118 = tpu.memref_slice %arg4[%dma_start3A_117] : memref<64000000xf32, #tpu.memory_space<hbm>> -> memref<4096xf32, #tpu.memory_space<hbm>>
        %dma_start3A_119 = arith.constant 63995904 : i32
        %dma_start3A_120 = tpu.memref_slice %arg4[%dma_start3A_119] : memref<64000000xf32, #tpu.memory_space<hbm>> -> memref<4096xf32, #tpu.memory_space<hbm>>
        %dma_start3A_121 = arith.constant 0 : i32
        %dma_start3A_122 = tpu.memref_slice %arg6[%dma_start3A_121] : memref<32768xf32, #tpu.memory_space<vmem>> -> memref<4096xf32, #tpu.memory_space<vmem>>
        tpu.enqueue_dma source(%dma_start3A_122 : memref<4096xf32, #tpu.memory_space<vmem>>) target(%dma_start3A_120 : memref<4096xf32, #tpu.memory_space<hbm>>) target_semaphore(%run_scoped3A : memref<!tpu.dma_semaphore, #tpu.memory_space<semaphore_mem>>)
        %dma_wait3A_123 = arith.constant 0 : i32
        %dma_wait3A_124 = tpu.memref_slice %arg6[%dma_wait3A_123] : memref<32768xf32, #tpu.memory_space<vmem>> -> memref<4096xf32, #tpu.memory_space<vmem>>
        %dma_wait3A_125 = arith.constant 63995904 : i32
        %dma_wait3A_126 = tpu.memref_slice %arg4[%dma_wait3A_125] : memref<64000000xf32, #tpu.memory_space<hbm>> -> memref<4096xf32, #tpu.memory_space<hbm>>
        %dma_wait3A_127 = arith.constant 63995904 : i32
        %dma_wait3A_128 = tpu.memref_slice %arg4[%dma_wait3A_127] : memref<64000000xf32, #tpu.memory_space<hbm>> -> memref<4096xf32, #tpu.memory_space<hbm>>
        %dma_wait3A_129 = arith.constant 0 : i32
        %dma_wait3A_130 = tpu.memref_slice %arg6[%dma_wait3A_129] : memref<32768xf32, #tpu.memory_space<vmem>> -> memref<4096xf32, #tpu.memory_space<vmem>>
        tpu.wait_dma2 semaphore(%run_scoped3A : memref<!tpu.dma_semaphore, #tpu.memory_space<semaphore_mem>>) src(%dma_wait3A_130 : memref<4096xf32, #tpu.memory_space<vmem>>) dst(%dma_wait3A_128 : memref<4096xf32, #tpu.memory_space<hbm>>)
        tpu.yield
      }) : () -> ()
    } else {
    }
    return
  }
}

#map = affine_map<(d0, d1) -> (0, 0)>
#map1 = affine_map<(d0, d1) -> (0)>
module attributes {stable_mosaic.version = 14 : i64} {
  func.func @_loss_body(%arg0: i32, %arg1: i32, %arg2: memref<1000000x64xf32, #tpu.memory_space<hbm>>, %arg3: memref<16384xi32, #tpu.memory_space<hbm>>, %arg4: memref<16384xi32, #tpu.memory_space<hbm>>, %arg5: memref<2560x128xi32, #tpu.memory_space<hbm>>, %arg6: memref<32x16xf32, #tpu.memory_space<hbm>>, %arg7: memref<512xi32, #tpu.memory_space<vmem>>, %arg8: memref<512xi32, #tpu.memory_space<vmem>>, %arg9: memref<80x128xi32, #tpu.memory_space<vmem>>, %arg10: memref<2x32x64xf32, #tpu.memory_space<vmem>>, %arg11: memref<2x32x64xf32, #tpu.memory_space<vmem>>, %arg12: memref<2x640x64xf32, #tpu.memory_space<vmem>>, %arg13: memref<16xf32, #tpu.memory_space<vmem>>, %arg14: memref<2x!tpu.dma_semaphore, #tpu.memory_space<semaphore_mem>>) attributes {dimension_semantics = [#tpu.dimension_semantics<core_parallel>, #tpu.dimension_semantics<subcore_parallel>], iteration_bounds = array<i64: 2, 16>, scalar_prefetch = 0 : i64, scratch_operands = 8 : i64, tpu.core_type = #tpu.core_type<sc_vector_subcore>, window_params = [{transform_indices = #map}, {transform_indices = #map1}, {transform_indices = #map1}, {transform_indices = #map}, {transform_indices = #map}]} {
    %mul3A = arith.constant 16 : i32
    %mul3A_0 = arith.muli %arg0, %mul3A : i32
    %add3A = arith.addi %mul3A_0, %arg1 : i32
    %iota3A = tpu.iota {dimensions = array<i32: 0>} : vector<16xi32>
    %broadcast_in_dim3A = arith.constant 0.000000e+00 : f32
    %broadcast_in_dim3A_1 = vector.broadcast %broadcast_in_dim3A : f32 to vector<16xf32>
    %mul3A_2 = arith.constant 512 : i32
    %mul3A_3 = arith.muli %add3A, %mul3A_2 : i32
    "tpu.region"() ({
      %run_scoped3A = tpu.sem_alloc : memref<!tpu.dma_semaphore, #tpu.memory_space<semaphore_mem>>
      %dma_start3A_129 = tpu.memref_slice %arg3[%mul3A_3] : memref<16384xi32, #tpu.memory_space<hbm>> -> memref<512xi32, #tpu.memory_space<hbm>>
      %dma_start3A_130 = tpu.memref_slice %arg3[%mul3A_3] : memref<16384xi32, #tpu.memory_space<hbm>> -> memref<512xi32, #tpu.memory_space<hbm>>
      tpu.enqueue_dma source(%dma_start3A_130 : memref<512xi32, #tpu.memory_space<hbm>>) target(%arg7 : memref<512xi32, #tpu.memory_space<vmem>>) target_semaphore(%run_scoped3A : memref<!tpu.dma_semaphore, #tpu.memory_space<semaphore_mem>>)
      %dma_wait3A = tpu.memref_slice %arg3[%mul3A_3] : memref<16384xi32, #tpu.memory_space<hbm>> -> memref<512xi32, #tpu.memory_space<hbm>>
      %dma_wait3A_131 = tpu.memref_slice %arg3[%mul3A_3] : memref<16384xi32, #tpu.memory_space<hbm>> -> memref<512xi32, #tpu.memory_space<hbm>>
      tpu.wait_dma2 semaphore(%run_scoped3A : memref<!tpu.dma_semaphore, #tpu.memory_space<semaphore_mem>>) src(%dma_wait3A_131 : memref<512xi32, #tpu.memory_space<hbm>>) dst(%arg7 : memref<512xi32, #tpu.memory_space<vmem>>)
      tpu.yield
    }) : () -> ()
    %mul3A_4 = arith.constant 512 : i32
    %mul3A_5 = arith.muli %add3A, %mul3A_4 : i32
    "tpu.region"() ({
      %run_scoped3A = tpu.sem_alloc : memref<!tpu.dma_semaphore, #tpu.memory_space<semaphore_mem>>
      %dma_start3A_129 = tpu.memref_slice %arg4[%mul3A_5] : memref<16384xi32, #tpu.memory_space<hbm>> -> memref<512xi32, #tpu.memory_space<hbm>>
      %dma_start3A_130 = tpu.memref_slice %arg4[%mul3A_5] : memref<16384xi32, #tpu.memory_space<hbm>> -> memref<512xi32, #tpu.memory_space<hbm>>
      tpu.enqueue_dma source(%dma_start3A_130 : memref<512xi32, #tpu.memory_space<hbm>>) target(%arg8 : memref<512xi32, #tpu.memory_space<vmem>>) target_semaphore(%run_scoped3A : memref<!tpu.dma_semaphore, #tpu.memory_space<semaphore_mem>>)
      %dma_wait3A = tpu.memref_slice %arg4[%mul3A_5] : memref<16384xi32, #tpu.memory_space<hbm>> -> memref<512xi32, #tpu.memory_space<hbm>>
      %dma_wait3A_131 = tpu.memref_slice %arg4[%mul3A_5] : memref<16384xi32, #tpu.memory_space<hbm>> -> memref<512xi32, #tpu.memory_space<hbm>>
      tpu.wait_dma2 semaphore(%run_scoped3A : memref<!tpu.dma_semaphore, #tpu.memory_space<semaphore_mem>>) src(%dma_wait3A_131 : memref<512xi32, #tpu.memory_space<hbm>>) dst(%arg8 : memref<512xi32, #tpu.memory_space<vmem>>)
      tpu.yield
    }) : () -> ()
    %mul3A_6 = arith.constant 80 : i32
    %mul3A_7 = arith.muli %add3A, %mul3A_6 : i32
    "tpu.region"() ({
      %run_scoped3A = tpu.sem_alloc : memref<!tpu.dma_semaphore, #tpu.memory_space<semaphore_mem>>
      %dma_start3A_129 = arith.constant 0 : i32
      %dma_start3A_130 = tpu.memref_slice %arg5[%mul3A_7, %dma_start3A_129] : memref<2560x128xi32, #tpu.memory_space<hbm>> -> memref<80x128xi32, #tpu.memory_space<hbm>>
      %dma_start3A_131 = arith.constant 0 : i32
      %dma_start3A_132 = tpu.memref_slice %arg5[%mul3A_7, %dma_start3A_131] : memref<2560x128xi32, #tpu.memory_space<hbm>> -> memref<80x128xi32, #tpu.memory_space<hbm>>
      tpu.enqueue_dma source(%dma_start3A_132 : memref<80x128xi32, #tpu.memory_space<hbm>>) target(%arg9 : memref<80x128xi32, #tpu.memory_space<vmem>>) target_semaphore(%run_scoped3A : memref<!tpu.dma_semaphore, #tpu.memory_space<semaphore_mem>>)
      %dma_wait3A = arith.constant 0 : i32
      %dma_wait3A_133 = tpu.memref_slice %arg5[%mul3A_7, %dma_wait3A] : memref<2560x128xi32, #tpu.memory_space<hbm>> -> memref<80x128xi32, #tpu.memory_space<hbm>>
      %dma_wait3A_134 = arith.constant 0 : i32
      %dma_wait3A_135 = tpu.memref_slice %arg5[%mul3A_7, %dma_wait3A_134] : memref<2560x128xi32, #tpu.memory_space<hbm>> -> memref<80x128xi32, #tpu.memory_space<hbm>>
      tpu.wait_dma2 semaphore(%run_scoped3A : memref<!tpu.dma_semaphore, #tpu.memory_space<semaphore_mem>>) src(%dma_wait3A_135 : memref<80x128xi32, #tpu.memory_space<hbm>>) dst(%arg9 : memref<80x128xi32, #tpu.memory_space<vmem>>)
      tpu.yield
    }) : () -> ()
    %dma_start3A = arith.constant 0 : i32
    %dma_start3A_8 = arith.constant 0 : i32
    %dma_start3A_9 = arith.constant 0 : i32
    %dma_start3A_10 = arith.constant 0 : i32
    %dma_start3A_11 = tpu.memref_slice %arg10[%dma_start3A, %dma_start3A_9, %dma_start3A_10] : memref<2x32x64xf32, #tpu.memory_space<vmem>> -> memref<1x32x64xf32, #tpu.memory_space<vmem>>
    %dma_start3A_12 = tpu.memref_squeeze %dma_start3A_11 : memref<1x32x64xf32, #tpu.memory_space<vmem>> -> memref<32x64xf32, #tpu.memory_space<vmem>>
    %dma_start3A_13 = arith.constant 0 : i32
    %dma_start3A_14 = tpu.memref_slice %arg7[%dma_start3A_13] : memref<512xi32, #tpu.memory_space<vmem>> -> memref<32xi32, #tpu.memory_space<vmem>>
    %dma_start3A_15 = arith.constant 0 : i32
    %dma_start3A_16 = arith.constant 0 : i32
    %dma_start3A_17 = tpu.memref_slice %arg2[%dma_start3A_15, %dma_start3A_16] : memref<1000000x64xf32, #tpu.memory_space<hbm>> -> memref<1000000x64xf32, #tpu.memory_space<hbm>>
    %dma_start3A_18 = tpu.memref_slice %arg14[%dma_start3A_8] : memref<2x!tpu.dma_semaphore, #tpu.memory_space<semaphore_mem>> -> memref<1x!tpu.dma_semaphore, #tpu.memory_space<semaphore_mem>>
    %dma_start3A_19 = tpu.memref_squeeze %dma_start3A_18 : memref<1x!tpu.dma_semaphore, #tpu.memory_space<semaphore_mem>> -> memref<!tpu.dma_semaphore, #tpu.memory_space<semaphore_mem>>
    tpu.enqueue_indirect_dma source(%dma_start3A_17 : memref<1000000x64xf32, #tpu.memory_space<hbm>>) target(%dma_start3A_12 : memref<32x64xf32, #tpu.memory_space<vmem>>) offsets(%dma_start3A_14 : memref<32xi32, #tpu.memory_space<vmem>>) semaphore(%dma_start3A_19 : memref<!tpu.dma_semaphore, #tpu.memory_space<semaphore_mem>>)
    %dma_start3A_20 = arith.constant 0 : i32
    %dma_start3A_21 = arith.constant 0 : i32
    %dma_start3A_22 = arith.constant 0 : i32
    %dma_start3A_23 = arith.constant 0 : i32
    %dma_start3A_24 = tpu.memref_slice %arg11[%dma_start3A_20, %dma_start3A_22, %dma_start3A_23] : memref<2x32x64xf32, #tpu.memory_space<vmem>> -> memref<1x32x64xf32, #tpu.memory_space<vmem>>
    %dma_start3A_25 = tpu.memref_squeeze %dma_start3A_24 : memref<1x32x64xf32, #tpu.memory_space<vmem>> -> memref<32x64xf32, #tpu.memory_space<vmem>>
    %dma_start3A_26 = arith.constant 0 : i32
    %dma_start3A_27 = tpu.memref_slice %arg8[%dma_start3A_26] : memref<512xi32, #tpu.memory_space<vmem>> -> memref<32xi32, #tpu.memory_space<vmem>>
    %dma_start3A_28 = arith.constant 0 : i32
    %dma_start3A_29 = arith.constant 0 : i32
    %dma_start3A_30 = tpu.memref_slice %arg2[%dma_start3A_28, %dma_start3A_29] : memref<1000000x64xf32, #tpu.memory_space<hbm>> -> memref<1000000x64xf32, #tpu.memory_space<hbm>>
    %dma_start3A_31 = tpu.memref_slice %arg14[%dma_start3A_21] : memref<2x!tpu.dma_semaphore, #tpu.memory_space<semaphore_mem>> -> memref<1x!tpu.dma_semaphore, #tpu.memory_space<semaphore_mem>>
    %dma_start3A_32 = tpu.memref_squeeze %dma_start3A_31 : memref<1x!tpu.dma_semaphore, #tpu.memory_space<semaphore_mem>> -> memref<!tpu.dma_semaphore, #tpu.memory_space<semaphore_mem>>
    tpu.enqueue_indirect_dma source(%dma_start3A_30 : memref<1000000x64xf32, #tpu.memory_space<hbm>>) target(%dma_start3A_25 : memref<32x64xf32, #tpu.memory_space<vmem>>) offsets(%dma_start3A_27 : memref<32xi32, #tpu.memory_space<vmem>>) semaphore(%dma_start3A_32 : memref<!tpu.dma_semaphore, #tpu.memory_space<semaphore_mem>>)
    %dma_start3A_33 = arith.constant 0 : i32
    %dma_start3A_34 = arith.constant 0 : i32
    %dma_start3A_35 = arith.constant 0 : i32
    %dma_start3A_36 = arith.constant 0 : i32
    %dma_start3A_37 = arith.constant 0 : i32
    %dma_start3A_38 = tpu.memref_slice %arg12[%dma_start3A_34, %dma_start3A_36, %dma_start3A_37] : memref<2x640x64xf32, #tpu.memory_space<vmem>> -> memref<1x640x64xf32, #tpu.memory_space<vmem>>
    %dma_start3A_39 = tpu.memref_squeeze %dma_start3A_38 : memref<1x640x64xf32, #tpu.memory_space<vmem>> -> memref<640x64xf32, #tpu.memory_space<vmem>>
    %dma_start3A_40 = arith.constant 0 : i32
    %dma_start3A_41 = arith.constant 0 : i32
    %dma_start3A_42 = tpu.memref_slice %dma_start3A_39[%dma_start3A_40, %dma_start3A_41] : memref<640x64xf32, #tpu.memory_space<vmem>> -> memref<128x64xf32, #tpu.memory_space<vmem>>
    %dma_start3A_43 = arith.constant 0 : i32
    %dma_start3A_44 = tpu.memref_slice %arg9[%dma_start3A_33, %dma_start3A_43] : memref<80x128xi32, #tpu.memory_space<vmem>> -> memref<1x128xi32, #tpu.memory_space<vmem>>
    %dma_start3A_45 = tpu.memref_squeeze %dma_start3A_44 : memref<1x128xi32, #tpu.memory_space<vmem>> -> memref<128xi32, #tpu.memory_space<vmem>>
    %dma_start3A_46 = arith.constant 0 : i32
    %dma_start3A_47 = arith.constant 0 : i32
    %dma_start3A_48 = tpu.memref_slice %arg2[%dma_start3A_46, %dma_start3A_47] : memref<1000000x64xf32, #tpu.memory_space<hbm>> -> memref<1000000x64xf32, #tpu.memory_space<hbm>>
    %dma_start3A_49 = tpu.memref_slice %arg14[%dma_start3A_35] : memref<2x!tpu.dma_semaphore, #tpu.memory_space<semaphore_mem>> -> memref<1x!tpu.dma_semaphore, #tpu.memory_space<semaphore_mem>>
    %dma_start3A_50 = tpu.memref_squeeze %dma_start3A_49 : memref<1x!tpu.dma_semaphore, #tpu.memory_space<semaphore_mem>> -> memref<!tpu.dma_semaphore, #tpu.memory_space<semaphore_mem>>
    tpu.enqueue_indirect_dma source(%dma_start3A_48 : memref<1000000x64xf32, #tpu.memory_space<hbm>>) target(%dma_start3A_42 : memref<128x64xf32, #tpu.memory_space<vmem>>) offsets(%dma_start3A_45 : memref<128xi32, #tpu.memory_space<vmem>>) semaphore(%dma_start3A_50 : memref<!tpu.dma_semaphore, #tpu.memory_space<semaphore_mem>>)
    %dma_start3A_51 = arith.constant 1 : i32
    %dma_start3A_52 = arith.constant 0 : i32
    %dma_start3A_53 = arith.constant 0 : i32
    %dma_start3A_54 = arith.constant 0 : i32
    %dma_start3A_55 = arith.constant 0 : i32
    %dma_start3A_56 = tpu.memref_slice %arg12[%dma_start3A_52, %dma_start3A_54, %dma_start3A_55] : memref<2x640x64xf32, #tpu.memory_space<vmem>> -> memref<1x640x64xf32, #tpu.memory_space<vmem>>
    %dma_start3A_57 = tpu.memref_squeeze %dma_start3A_56 : memref<1x640x64xf32, #tpu.memory_space<vmem>> -> memref<640x64xf32, #tpu.memory_space<vmem>>
    %dma_start3A_58 = arith.constant 128 : i32
    %dma_start3A_59 = arith.constant 0 : i32
    %dma_start3A_60 = tpu.memref_slice %dma_start3A_57[%dma_start3A_58, %dma_start3A_59] : memref<640x64xf32, #tpu.memory_space<vmem>> -> memref<128x64xf32, #tpu.memory_space<vmem>>
    %dma_start3A_61 = arith.constant 0 : i32
    %dma_start3A_62 = tpu.memref_slice %arg9[%dma_start3A_51, %dma_start3A_61] : memref<80x128xi32, #tpu.memory_space<vmem>> -> memref<1x128xi32, #tpu.memory_space<vmem>>
    %dma_start3A_63 = tpu.memref_squeeze %dma_start3A_62 : memref<1x128xi32, #tpu.memory_space<vmem>> -> memref<128xi32, #tpu.memory_space<vmem>>
    %dma_start3A_64 = arith.constant 0 : i32
    %dma_start3A_65 = arith.constant 0 : i32
    %dma_start3A_66 = tpu.memref_slice %arg2[%dma_start3A_64, %dma_start3A_65] : memref<1000000x64xf32, #tpu.memory_space<hbm>> -> memref<1000000x64xf32, #tpu.memory_space<hbm>>
    %dma_start3A_67 = tpu.memref_slice %arg14[%dma_start3A_53] : memref<2x!tpu.dma_semaphore, #tpu.memory_space<semaphore_mem>> -> memref<1x!tpu.dma_semaphore, #tpu.memory_space<semaphore_mem>>
    %dma_start3A_68 = tpu.memref_squeeze %dma_start3A_67 : memref<1x!tpu.dma_semaphore, #tpu.memory_space<semaphore_mem>> -> memref<!tpu.dma_semaphore, #tpu.memory_space<semaphore_mem>>
    tpu.enqueue_indirect_dma source(%dma_start3A_66 : memref<1000000x64xf32, #tpu.memory_space<hbm>>) target(%dma_start3A_60 : memref<128x64xf32, #tpu.memory_space<vmem>>) offsets(%dma_start3A_63 : memref<128xi32, #tpu.memory_space<vmem>>) semaphore(%dma_start3A_68 : memref<!tpu.dma_semaphore, #tpu.memory_space<semaphore_mem>>)
    %dma_start3A_69 = arith.constant 2 : i32
    %dma_start3A_70 = arith.constant 0 : i32
    %dma_start3A_71 = arith.constant 0 : i32
    %dma_start3A_72 = arith.constant 0 : i32
    %dma_start3A_73 = arith.constant 0 : i32
    %dma_start3A_74 = tpu.memref_slice %arg12[%dma_start3A_70, %dma_start3A_72, %dma_start3A_73] : memref<2x640x64xf32, #tpu.memory_space<vmem>> -> memref<1x640x64xf32, #tpu.memory_space<vmem>>
    %dma_start3A_75 = tpu.memref_squeeze %dma_start3A_74 : memref<1x640x64xf32, #tpu.memory_space<vmem>> -> memref<640x64xf32, #tpu.memory_space<vmem>>
    %dma_start3A_76 = arith.constant 256 : i32
    %dma_start3A_77 = arith.constant 0 : i32
    %dma_start3A_78 = tpu.memref_slice %dma_start3A_75[%dma_start3A_76, %dma_start3A_77] : memref<640x64xf32, #tpu.memory_space<vmem>> -> memref<128x64xf32, #tpu.memory_space<vmem>>
    %dma_start3A_79 = arith.constant 0 : i32
    %dma_start3A_80 = tpu.memref_slice %arg9[%dma_start3A_69, %dma_start3A_79] : memref<80x128xi32, #tpu.memory_space<vmem>> -> memref<1x128xi32, #tpu.memory_space<vmem>>
    %dma_start3A_81 = tpu.memref_squeeze %dma_start3A_80 : memref<1x128xi32, #tpu.memory_space<vmem>> -> memref<128xi32, #tpu.memory_space<vmem>>
    %dma_start3A_82 = arith.constant 0 : i32
    %dma_start3A_83 = arith.constant 0 : i32
    %dma_start3A_84 = tpu.memref_slice %arg2[%dma_start3A_82, %dma_start3A_83] : memref<1000000x64xf32, #tpu.memory_space<hbm>> -> memref<1000000x64xf32, #tpu.memory_space<hbm>>
    %dma_start3A_85 = tpu.memref_slice %arg14[%dma_start3A_71] : memref<2x!tpu.dma_semaphore, #tpu.memory_space<semaphore_mem>> -> memref<1x!tpu.dma_semaphore, #tpu.memory_space<semaphore_mem>>
    %dma_start3A_86 = tpu.memref_squeeze %dma_start3A_85 : memref<1x!tpu.dma_semaphore, #tpu.memory_space<semaphore_mem>> -> memref<!tpu.dma_semaphore, #tpu.memory_space<semaphore_mem>>
    tpu.enqueue_indirect_dma source(%dma_start3A_84 : memref<1000000x64xf32, #tpu.memory_space<hbm>>) target(%dma_start3A_78 : memref<128x64xf32, #tpu.memory_space<vmem>>) offsets(%dma_start3A_81 : memref<128xi32, #tpu.memory_space<vmem>>) semaphore(%dma_start3A_86 : memref<!tpu.dma_semaphore, #tpu.memory_space<semaphore_mem>>)
    %dma_start3A_87 = arith.constant 3 : i32
    %dma_start3A_88 = arith.constant 0 : i32
    %dma_start3A_89 = arith.constant 0 : i32
    %dma_start3A_90 = arith.constant 0 : i32
    %dma_start3A_91 = arith.constant 0 : i32
    %dma_start3A_92 = tpu.memref_slice %arg12[%dma_start3A_88, %dma_start3A_90, %dma_start3A_91] : memref<2x640x64xf32, #tpu.memory_space<vmem>> -> memref<1x640x64xf32, #tpu.memory_space<vmem>>
    %dma_start3A_93 = tpu.memref_squeeze %dma_start3A_92 : memref<1x640x64xf32, #tpu.memory_space<vmem>> -> memref<640x64xf32, #tpu.memory_space<vmem>>
    %dma_start3A_94 = arith.constant 384 : i32
    %dma_start3A_95 = arith.constant 0 : i32
    %dma_start3A_96 = tpu.memref_slice %dma_start3A_93[%dma_start3A_94, %dma_start3A_95] : memref<640x64xf32, #tpu.memory_space<vmem>> -> memref<128x64xf32, #tpu.memory_space<vmem>>
    %dma_start3A_97 = arith.constant 0 : i32
    %dma_start3A_98 = tpu.memref_slice %arg9[%dma_start3A_87, %dma_start3A_97] : memref<80x128xi32, #tpu.memory_space<vmem>> -> memref<1x128xi32, #tpu.memory_space<vmem>>
    %dma_start3A_99 = tpu.memref_squeeze %dma_start3A_98 : memref<1x128xi32, #tpu.memory_space<vmem>> -> memref<128xi32, #tpu.memory_space<vmem>>
    %dma_start3A_100 = arith.constant 0 : i32
    %dma_start3A_101 = arith.constant 0 : i32
    %dma_start3A_102 = tpu.memref_slice %arg2[%dma_start3A_100, %dma_start3A_101] : memref<1000000x64xf32, #tpu.memory_space<hbm>> -> memref<1000000x64xf32, #tpu.memory_space<hbm>>
    %dma_start3A_103 = tpu.memref_slice %arg14[%dma_start3A_89] : memref<2x!tpu.dma_semaphore, #tpu.memory_space<semaphore_mem>> -> memref<1x!tpu.dma_semaphore, #tpu.memory_space<semaphore_mem>>
    %dma_start3A_104 = tpu.memref_squeeze %dma_start3A_103 : memref<1x!tpu.dma_semaphore, #tpu.memory_space<semaphore_mem>> -> memref<!tpu.dma_semaphore, #tpu.memory_space<semaphore_mem>>
    tpu.enqueue_indirect_dma source(%dma_start3A_102 : memref<1000000x64xf32, #tpu.memory_space<hbm>>) target(%dma_start3A_96 : memref<128x64xf32, #tpu.memory_space<vmem>>) offsets(%dma_start3A_99 : memref<128xi32, #tpu.memory_space<vmem>>) semaphore(%dma_start3A_104 : memref<!tpu.dma_semaphore, #tpu.memory_space<semaphore_mem>>)
    %dma_start3A_105 = arith.constant 4 : i32
    %dma_start3A_106 = arith.constant 0 : i32
    %dma_start3A_107 = arith.constant 0 : i32
    %dma_start3A_108 = arith.constant 0 : i32
    %dma_start3A_109 = arith.constant 0 : i32
    %dma_start3A_110 = tpu.memref_slice %arg12[%dma_start3A_106, %dma_start3A_108, %dma_start3A_109] : memref<2x640x64xf32, #tpu.memory_space<vmem>> -> memref<1x640x64xf32, #tpu.memory_space<vmem>>
    %dma_start3A_111 = tpu.memref_squeeze %dma_start3A_110 : memref<1x640x64xf32, #tpu.memory_space<vmem>> -> memref<640x64xf32, #tpu.memory_space<vmem>>
    %dma_start3A_112 = arith.constant 512 : i32
    %dma_start3A_113 = arith.constant 0 : i32
    %dma_start3A_114 = tpu.memref_slice %dma_start3A_111[%dma_start3A_112, %dma_start3A_113] : memref<640x64xf32, #tpu.memory_space<vmem>> -> memref<128x64xf32, #tpu.memory_space<vmem>>
    %dma_start3A_115 = arith.constant 0 : i32
    %dma_start3A_116 = tpu.memref_slice %arg9[%dma_start3A_105, %dma_start3A_115] : memref<80x128xi32, #tpu.memory_space<vmem>> -> memref<1x128xi32, #tpu.memory_space<vmem>>
    %dma_start3A_117 = tpu.memref_squeeze %dma_start3A_116 : memref<1x128xi32, #tpu.memory_space<vmem>> -> memref<128xi32, #tpu.memory_space<vmem>>
    %dma_start3A_118 = arith.constant 0 : i32
    %dma_start3A_119 = arith.constant 0 : i32
    %dma_start3A_120 = tpu.memref_slice %arg2[%dma_start3A_118, %dma_start3A_119] : memref<1000000x64xf32, #tpu.memory_space<hbm>> -> memref<1000000x64xf32, #tpu.memory_space<hbm>>
    %dma_start3A_121 = tpu.memref_slice %arg14[%dma_start3A_107] : memref<2x!tpu.dma_semaphore, #tpu.memory_space<semaphore_mem>> -> memref<1x!tpu.dma_semaphore, #tpu.memory_space<semaphore_mem>>
    %dma_start3A_122 = tpu.memref_squeeze %dma_start3A_121 : memref<1x!tpu.dma_semaphore, #tpu.memory_space<semaphore_mem>> -> memref<!tpu.dma_semaphore, #tpu.memory_space<semaphore_mem>>
    tpu.enqueue_indirect_dma source(%dma_start3A_120 : memref<1000000x64xf32, #tpu.memory_space<hbm>>) target(%dma_start3A_114 : memref<128x64xf32, #tpu.memory_space<vmem>>) offsets(%dma_start3A_117 : memref<128xi32, #tpu.memory_space<vmem>>) semaphore(%dma_start3A_122 : memref<!tpu.dma_semaphore, #tpu.memory_space<semaphore_mem>>)
    %scan3A = arith.constant 0 : i32
    %scan3A_123 = arith.constant 16 : i32
    %scan3A_124 = arith.addi %scan3A, %scan3A_123 : i32
    %scan3A_125 = arith.constant 1 : i32
    %scan3A_126 = scf.for %scan3A_129 = %scan3A to %scan3A_124 step %scan3A_125 iter_args(%scan3A_130 = %broadcast_in_dim3A_1) -> (vector<16xf32>)  : i32 {
      %rem3A = arith.constant 2 : i32
      %rem3A_131 = arith.remsi %scan3A_129, %rem3A : i32
      %add3A_132 = arith.constant 1 : i32
      %add3A_133 = arith.addi %scan3A_129, %add3A_132 : i32
      %rem3A_134 = arith.constant 2 : i32
      %rem3A_135 = arith.remsi %add3A_133, %rem3A_134 : i32
      %add3A_136 = arith.constant 1 : i32
      %add3A_137 = arith.addi %scan3A_129, %add3A_136 : i32
      %lt3A = arith.constant 16 : i32
      %lt3A_138 = arith.cmpi slt, %add3A_137, %lt3A : i32
      %convert_element_type3A = arith.extui %lt3A_138 : i1 to i32
      %cond3A = arith.constant 0 : i32
      %cond3A_139 = arith.cmpi ne, %convert_element_type3A, %cond3A : i32
      scf.if %cond3A_139 {
        %add3A_247 = arith.constant 1 : i32
        %add3A_248 = arith.addi %scan3A_129, %add3A_247 : i32
        %mul3A_249 = arith.constant 32 : i32
        %mul3A_250 = arith.muli %add3A_248, %mul3A_249 : i32
        %mul3A_251 = arith.constant 32 : i32
        %mul3A_252 = arith.muli %add3A_248, %mul3A_251 : i32
        %mul3A_253 = arith.constant 5 : i32
        %mul3A_254 = arith.muli %add3A_248, %mul3A_253 : i32
        %add3A_255 = arith.constant 0 : i32
        %add3A_256 = arith.addi %mul3A_254, %add3A_255 : i32
        %mul3A_257 = arith.constant 5 : i32
        %mul3A_258 = arith.muli %add3A_248, %mul3A_257 : i32
        %add3A_259 = arith.constant 1 : i32
        %add3A_260 = arith.addi %mul3A_258, %add3A_259 : i32
        %mul3A_261 = arith.constant 5 : i32
        %mul3A_262 = arith.muli %add3A_248, %mul3A_261 : i32
        %add3A_263 = arith.constant 2 : i32
        %add3A_264 = arith.addi %mul3A_262, %add3A_263 : i32
        %mul3A_265 = arith.constant 5 : i32
        %mul3A_266 = arith.muli %add3A_248, %mul3A_265 : i32
        %add3A_267 = arith.constant 3 : i32
        %add3A_268 = arith.addi %mul3A_266, %add3A_267 : i32
        %mul3A_269 = arith.constant 5 : i32
        %mul3A_270 = arith.muli %add3A_248, %mul3A_269 : i32
        %add3A_271 = arith.constant 4 : i32
        %add3A_272 = arith.addi %mul3A_270, %add3A_271 : i32
        %dma_start3A_273 = arith.constant 0 : i32
        %dma_start3A_274 = arith.constant 0 : i32
        %dma_start3A_275 = tpu.memref_slice %arg10[%rem3A_135, %dma_start3A_273, %dma_start3A_274] : memref<2x32x64xf32, #tpu.memory_space<vmem>> -> memref<1x32x64xf32, #tpu.memory_space<vmem>>
        %dma_start3A_276 = tpu.memref_squeeze %dma_start3A_275 : memref<1x32x64xf32, #tpu.memory_space<vmem>> -> memref<32x64xf32, #tpu.memory_space<vmem>>
        %dma_start3A_277 = tpu.memref_slice %arg7[%mul3A_250] : memref<512xi32, #tpu.memory_space<vmem>> -> memref<32xi32, #tpu.memory_space<vmem>>
        %dma_start3A_278 = arith.constant 0 : i32
        %dma_start3A_279 = arith.constant 0 : i32
        %dma_start3A_280 = tpu.memref_slice %arg2[%dma_start3A_278, %dma_start3A_279] : memref<1000000x64xf32, #tpu.memory_space<hbm>> -> memref<1000000x64xf32, #tpu.memory_space<hbm>>
        %dma_start3A_281 = tpu.memref_slice %arg14[%rem3A_135] : memref<2x!tpu.dma_semaphore, #tpu.memory_space<semaphore_mem>> -> memref<1x!tpu.dma_semaphore, #tpu.memory_space<semaphore_mem>>
        %dma_start3A_282 = tpu.memref_squeeze %dma_start3A_281 : memref<1x!tpu.dma_semaphore, #tpu.memory_space<semaphore_mem>> -> memref<!tpu.dma_semaphore, #tpu.memory_space<semaphore_mem>>
        tpu.enqueue_indirect_dma source(%dma_start3A_280 : memref<1000000x64xf32, #tpu.memory_space<hbm>>) target(%dma_start3A_276 : memref<32x64xf32, #tpu.memory_space<vmem>>) offsets(%dma_start3A_277 : memref<32xi32, #tpu.memory_space<vmem>>) semaphore(%dma_start3A_282 : memref<!tpu.dma_semaphore, #tpu.memory_space<semaphore_mem>>)
        %dma_start3A_283 = arith.constant 0 : i32
        %dma_start3A_284 = arith.constant 0 : i32
        %dma_start3A_285 = tpu.memref_slice %arg11[%rem3A_135, %dma_start3A_283, %dma_start3A_284] : memref<2x32x64xf32, #tpu.memory_space<vmem>> -> memref<1x32x64xf32, #tpu.memory_space<vmem>>
        %dma_start3A_286 = tpu.memref_squeeze %dma_start3A_285 : memref<1x32x64xf32, #tpu.memory_space<vmem>> -> memref<32x64xf32, #tpu.memory_space<vmem>>
        %dma_start3A_287 = tpu.memref_slice %arg8[%mul3A_252] : memref<512xi32, #tpu.memory_space<vmem>> -> memref<32xi32, #tpu.memory_space<vmem>>
        %dma_start3A_288 = arith.constant 0 : i32
        %dma_start3A_289 = arith.constant 0 : i32
        %dma_start3A_290 = tpu.memref_slice %arg2[%dma_start3A_288, %dma_start3A_289] : memref<1000000x64xf32, #tpu.memory_space<hbm>> -> memref<1000000x64xf32, #tpu.memory_space<hbm>>
        %dma_start3A_291 = tpu.memref_slice %arg14[%rem3A_135] : memref<2x!tpu.dma_semaphore, #tpu.memory_space<semaphore_mem>> -> memref<1x!tpu.dma_semaphore, #tpu.memory_space<semaphore_mem>>
        %dma_start3A_292 = tpu.memref_squeeze %dma_start3A_291 : memref<1x!tpu.dma_semaphore, #tpu.memory_space<semaphore_mem>> -> memref<!tpu.dma_semaphore, #tpu.memory_space<semaphore_mem>>
        tpu.enqueue_indirect_dma source(%dma_start3A_290 : memref<1000000x64xf32, #tpu.memory_space<hbm>>) target(%dma_start3A_286 : memref<32x64xf32, #tpu.memory_space<vmem>>) offsets(%dma_start3A_287 : memref<32xi32, #tpu.memory_space<vmem>>) semaphore(%dma_start3A_292 : memref<!tpu.dma_semaphore, #tpu.memory_space<semaphore_mem>>)
        %dma_start3A_293 = arith.constant 0 : i32
        %dma_start3A_294 = arith.constant 0 : i32
        %dma_start3A_295 = tpu.memref_slice %arg12[%rem3A_135, %dma_start3A_293, %dma_start3A_294] : memref<2x640x64xf32, #tpu.memory_space<vmem>> -> memref<1x640x64xf32, #tpu.memory_space<vmem>>
        %dma_start3A_296 = tpu.memref_squeeze %dma_start3A_295 : memref<1x640x64xf32, #tpu.memory_space<vmem>> -> memref<640x64xf32, #tpu.memory_space<vmem>>
        %dma_start3A_297 = arith.constant 0 : i32
        %dma_start3A_298 = arith.constant 0 : i32
        %dma_start3A_299 = tpu.memref_slice %dma_start3A_296[%dma_start3A_297, %dma_start3A_298] : memref<640x64xf32, #tpu.memory_space<vmem>> -> memref<128x64xf32, #tpu.memory_space<vmem>>
        %dma_start3A_300 = arith.constant 0 : i32
        %dma_start3A_301 = tpu.memref_slice %arg9[%add3A_256, %dma_start3A_300] : memref<80x128xi32, #tpu.memory_space<vmem>> -> memref<1x128xi32, #tpu.memory_space<vmem>>
        %dma_start3A_302 = tpu.memref_squeeze %dma_start3A_301 : memref<1x128xi32, #tpu.memory_space<vmem>> -> memref<128xi32, #tpu.memory_space<vmem>>
        %dma_start3A_303 = arith.constant 0 : i32
        %dma_start3A_304 = arith.constant 0 : i32
        %dma_start3A_305 = tpu.memref_slice %arg2[%dma_start3A_303, %dma_start3A_304] : memref<1000000x64xf32, #tpu.memory_space<hbm>> -> memref<1000000x64xf32, #tpu.memory_space<hbm>>
        %dma_start3A_306 = tpu.memref_slice %arg14[%rem3A_135] : memref<2x!tpu.dma_semaphore, #tpu.memory_space<semaphore_mem>> -> memref<1x!tpu.dma_semaphore, #tpu.memory_space<semaphore_mem>>
        %dma_start3A_307 = tpu.memref_squeeze %dma_start3A_306 : memref<1x!tpu.dma_semaphore, #tpu.memory_space<semaphore_mem>> -> memref<!tpu.dma_semaphore, #tpu.memory_space<semaphore_mem>>
        tpu.enqueue_indirect_dma source(%dma_start3A_305 : memref<1000000x64xf32, #tpu.memory_space<hbm>>) target(%dma_start3A_299 : memref<128x64xf32, #tpu.memory_space<vmem>>) offsets(%dma_start3A_302 : memref<128xi32, #tpu.memory_space<vmem>>) semaphore(%dma_start3A_307 : memref<!tpu.dma_semaphore, #tpu.memory_space<semaphore_mem>>)
        %dma_start3A_308 = arith.constant 0 : i32
        %dma_start3A_309 = arith.constant 0 : i32
        %dma_start3A_310 = tpu.memref_slice %arg12[%rem3A_135, %dma_start3A_308, %dma_start3A_309] : memref<2x640x64xf32, #tpu.memory_space<vmem>> -> memref<1x640x64xf32, #tpu.memory_space<vmem>>
        %dma_start3A_311 = tpu.memref_squeeze %dma_start3A_310 : memref<1x640x64xf32, #tpu.memory_space<vmem>> -> memref<640x64xf32, #tpu.memory_space<vmem>>
        %dma_start3A_312 = arith.constant 128 : i32
        %dma_start3A_313 = arith.constant 0 : i32
        %dma_start3A_314 = tpu.memref_slice %dma_start3A_311[%dma_start3A_312, %dma_start3A_313] : memref<640x64xf32, #tpu.memory_space<vmem>> -> memref<128x64xf32, #tpu.memory_space<vmem>>
        %dma_start3A_315 = arith.constant 0 : i32
        %dma_start3A_316 = tpu.memref_slice %arg9[%add3A_260, %dma_start3A_315] : memref<80x128xi32, #tpu.memory_space<vmem>> -> memref<1x128xi32, #tpu.memory_space<vmem>>
        %dma_start3A_317 = tpu.memref_squeeze %dma_start3A_316 : memref<1x128xi32, #tpu.memory_space<vmem>> -> memref<128xi32, #tpu.memory_space<vmem>>
        %dma_start3A_318 = arith.constant 0 : i32
        %dma_start3A_319 = arith.constant 0 : i32
        %dma_start3A_320 = tpu.memref_slice %arg2[%dma_start3A_318, %dma_start3A_319] : memref<1000000x64xf32, #tpu.memory_space<hbm>> -> memref<1000000x64xf32, #tpu.memory_space<hbm>>
        %dma_start3A_321 = tpu.memref_slice %arg14[%rem3A_135] : memref<2x!tpu.dma_semaphore, #tpu.memory_space<semaphore_mem>> -> memref<1x!tpu.dma_semaphore, #tpu.memory_space<semaphore_mem>>
        %dma_start3A_322 = tpu.memref_squeeze %dma_start3A_321 : memref<1x!tpu.dma_semaphore, #tpu.memory_space<semaphore_mem>> -> memref<!tpu.dma_semaphore, #tpu.memory_space<semaphore_mem>>
        tpu.enqueue_indirect_dma source(%dma_start3A_320 : memref<1000000x64xf32, #tpu.memory_space<hbm>>) target(%dma_start3A_314 : memref<128x64xf32, #tpu.memory_space<vmem>>) offsets(%dma_start3A_317 : memref<128xi32, #tpu.memory_space<vmem>>) semaphore(%dma_start3A_322 : memref<!tpu.dma_semaphore, #tpu.memory_space<semaphore_mem>>)
        %dma_start3A_323 = arith.constant 0 : i32
        %dma_start3A_324 = arith.constant 0 : i32
        %dma_start3A_325 = tpu.memref_slice %arg12[%rem3A_135, %dma_start3A_323, %dma_start3A_324] : memref<2x640x64xf32, #tpu.memory_space<vmem>> -> memref<1x640x64xf32, #tpu.memory_space<vmem>>
        %dma_start3A_326 = tpu.memref_squeeze %dma_start3A_325 : memref<1x640x64xf32, #tpu.memory_space<vmem>> -> memref<640x64xf32, #tpu.memory_space<vmem>>
        %dma_start3A_327 = arith.constant 256 : i32
        %dma_start3A_328 = arith.constant 0 : i32
        %dma_start3A_329 = tpu.memref_slice %dma_start3A_326[%dma_start3A_327, %dma_start3A_328] : memref<640x64xf32, #tpu.memory_space<vmem>> -> memref<128x64xf32, #tpu.memory_space<vmem>>
        %dma_start3A_330 = arith.constant 0 : i32
        %dma_start3A_331 = tpu.memref_slice %arg9[%add3A_264, %dma_start3A_330] : memref<80x128xi32, #tpu.memory_space<vmem>> -> memref<1x128xi32, #tpu.memory_space<vmem>>
        %dma_start3A_332 = tpu.memref_squeeze %dma_start3A_331 : memref<1x128xi32, #tpu.memory_space<vmem>> -> memref<128xi32, #tpu.memory_space<vmem>>
        %dma_start3A_333 = arith.constant 0 : i32
        %dma_start3A_334 = arith.constant 0 : i32
        %dma_start3A_335 = tpu.memref_slice %arg2[%dma_start3A_333, %dma_start3A_334] : memref<1000000x64xf32, #tpu.memory_space<hbm>> -> memref<1000000x64xf32, #tpu.memory_space<hbm>>
        %dma_start3A_336 = tpu.memref_slice %arg14[%rem3A_135] : memref<2x!tpu.dma_semaphore, #tpu.memory_space<semaphore_mem>> -> memref<1x!tpu.dma_semaphore, #tpu.memory_space<semaphore_mem>>
        %dma_start3A_337 = tpu.memref_squeeze %dma_start3A_336 : memref<1x!tpu.dma_semaphore, #tpu.memory_space<semaphore_mem>> -> memref<!tpu.dma_semaphore, #tpu.memory_space<semaphore_mem>>
        tpu.enqueue_indirect_dma source(%dma_start3A_335 : memref<1000000x64xf32, #tpu.memory_space<hbm>>) target(%dma_start3A_329 : memref<128x64xf32, #tpu.memory_space<vmem>>) offsets(%dma_start3A_332 : memref<128xi32, #tpu.memory_space<vmem>>) semaphore(%dma_start3A_337 : memref<!tpu.dma_semaphore, #tpu.memory_space<semaphore_mem>>)
        %dma_start3A_338 = arith.constant 0 : i32
        %dma_start3A_339 = arith.constant 0 : i32
        %dma_start3A_340 = tpu.memref_slice %arg12[%rem3A_135, %dma_start3A_338, %dma_start3A_339] : memref<2x640x64xf32, #tpu.memory_space<vmem>> -> memref<1x640x64xf32, #tpu.memory_space<vmem>>
        %dma_start3A_341 = tpu.memref_squeeze %dma_start3A_340 : memref<1x640x64xf32, #tpu.memory_space<vmem>> -> memref<640x64xf32, #tpu.memory_space<vmem>>
        %dma_start3A_342 = arith.constant 384 : i32
        %dma_start3A_343 = arith.constant 0 : i32
        %dma_start3A_344 = tpu.memref_slice %dma_start3A_341[%dma_start3A_342, %dma_start3A_343] : memref<640x64xf32, #tpu.memory_space<vmem>> -> memref<128x64xf32, #tpu.memory_space<vmem>>
        %dma_start3A_345 = arith.constant 0 : i32
        %dma_start3A_346 = tpu.memref_slice %arg9[%add3A_268, %dma_start3A_345] : memref<80x128xi32, #tpu.memory_space<vmem>> -> memref<1x128xi32, #tpu.memory_space<vmem>>
        %dma_start3A_347 = tpu.memref_squeeze %dma_start3A_346 : memref<1x128xi32, #tpu.memory_space<vmem>> -> memref<128xi32, #tpu.memory_space<vmem>>
        %dma_start3A_348 = arith.constant 0 : i32
        %dma_start3A_349 = arith.constant 0 : i32
        %dma_start3A_350 = tpu.memref_slice %arg2[%dma_start3A_348, %dma_start3A_349] : memref<1000000x64xf32, #tpu.memory_space<hbm>> -> memref<1000000x64xf32, #tpu.memory_space<hbm>>
        %dma_start3A_351 = tpu.memref_slice %arg14[%rem3A_135] : memref<2x!tpu.dma_semaphore, #tpu.memory_space<semaphore_mem>> -> memref<1x!tpu.dma_semaphore, #tpu.memory_space<semaphore_mem>>
        %dma_start3A_352 = tpu.memref_squeeze %dma_start3A_351 : memref<1x!tpu.dma_semaphore, #tpu.memory_space<semaphore_mem>> -> memref<!tpu.dma_semaphore, #tpu.memory_space<semaphore_mem>>
        tpu.enqueue_indirect_dma source(%dma_start3A_350 : memref<1000000x64xf32, #tpu.memory_space<hbm>>) target(%dma_start3A_344 : memref<128x64xf32, #tpu.memory_space<vmem>>) offsets(%dma_start3A_347 : memref<128xi32, #tpu.memory_space<vmem>>) semaphore(%dma_start3A_352 : memref<!tpu.dma_semaphore, #tpu.memory_space<semaphore_mem>>)
        %dma_start3A_353 = arith.constant 0 : i32
        %dma_start3A_354 = arith.constant 0 : i32
        %dma_start3A_355 = tpu.memref_slice %arg12[%rem3A_135, %dma_start3A_353, %dma_start3A_354] : memref<2x640x64xf32, #tpu.memory_space<vmem>> -> memref<1x640x64xf32, #tpu.memory_space<vmem>>
        %dma_start3A_356 = tpu.memref_squeeze %dma_start3A_355 : memref<1x640x64xf32, #tpu.memory_space<vmem>> -> memref<640x64xf32, #tpu.memory_space<vmem>>
        %dma_start3A_357 = arith.constant 512 : i32
        %dma_start3A_358 = arith.constant 0 : i32
        %dma_start3A_359 = tpu.memref_slice %dma_start3A_356[%dma_start3A_357, %dma_start3A_358] : memref<640x64xf32, #tpu.memory_space<vmem>> -> memref<128x64xf32, #tpu.memory_space<vmem>>
        %dma_start3A_360 = arith.constant 0 : i32
        %dma_start3A_361 = tpu.memref_slice %arg9[%add3A_272, %dma_start3A_360] : memref<80x128xi32, #tpu.memory_space<vmem>> -> memref<1x128xi32, #tpu.memory_space<vmem>>
        %dma_start3A_362 = tpu.memref_squeeze %dma_start3A_361 : memref<1x128xi32, #tpu.memory_space<vmem>> -> memref<128xi32, #tpu.memory_space<vmem>>
        %dma_start3A_363 = arith.constant 0 : i32
        %dma_start3A_364 = arith.constant 0 : i32
        %dma_start3A_365 = tpu.memref_slice %arg2[%dma_start3A_363, %dma_start3A_364] : memref<1000000x64xf32, #tpu.memory_space<hbm>> -> memref<1000000x64xf32, #tpu.memory_space<hbm>>
        %dma_start3A_366 = tpu.memref_slice %arg14[%rem3A_135] : memref<2x!tpu.dma_semaphore, #tpu.memory_space<semaphore_mem>> -> memref<1x!tpu.dma_semaphore, #tpu.memory_space<semaphore_mem>>
        %dma_start3A_367 = tpu.memref_squeeze %dma_start3A_366 : memref<1x!tpu.dma_semaphore, #tpu.memory_space<semaphore_mem>> -> memref<!tpu.dma_semaphore, #tpu.memory_space<semaphore_mem>>
        tpu.enqueue_indirect_dma source(%dma_start3A_365 : memref<1000000x64xf32, #tpu.memory_space<hbm>>) target(%dma_start3A_359 : memref<128x64xf32, #tpu.memory_space<vmem>>) offsets(%dma_start3A_362 : memref<128xi32, #tpu.memory_space<vmem>>) semaphore(%dma_start3A_367 : memref<!tpu.dma_semaphore, #tpu.memory_space<semaphore_mem>>)
      } else {
      }
      %dma_wait3A = arith.constant 0 : i32
      %dma_wait3A_140 = arith.constant 0 : i32
      %dma_wait3A_141 = tpu.memref_slice %arg10[%rem3A_131, %dma_wait3A, %dma_wait3A_140] : memref<2x32x64xf32, #tpu.memory_space<vmem>> -> memref<1x32x64xf32, #tpu.memory_space<vmem>>
      %dma_wait3A_142 = tpu.memref_squeeze %dma_wait3A_141 : memref<1x32x64xf32, #tpu.memory_space<vmem>> -> memref<32x64xf32, #tpu.memory_space<vmem>>
      %dma_wait3A_143 = arith.constant 0 : i32
      %dma_wait3A_144 = tpu.memref_slice %arg7[%dma_wait3A_143] : memref<512xi32, #tpu.memory_space<vmem>> -> memref<32xi32, #tpu.memory_space<vmem>>
      %dma_wait3A_145 = arith.constant 0 : i32
      %dma_wait3A_146 = arith.constant 0 : i32
      %dma_wait3A_147 = tpu.memref_slice %arg2[%dma_wait3A_145, %dma_wait3A_146] : memref<1000000x64xf32, #tpu.memory_space<hbm>> -> memref<1000000x64xf32, #tpu.memory_space<hbm>>
      %dma_wait3A_148 = tpu.memref_slice %arg14[%rem3A_131] : memref<2x!tpu.dma_semaphore, #tpu.memory_space<semaphore_mem>> -> memref<1x!tpu.dma_semaphore, #tpu.memory_space<semaphore_mem>>
      %dma_wait3A_149 = tpu.memref_squeeze %dma_wait3A_148 : memref<1x!tpu.dma_semaphore, #tpu.memory_space<semaphore_mem>> -> memref<!tpu.dma_semaphore, #tpu.memory_space<semaphore_mem>>
      tpu.wait_indirect_dma semaphore(%dma_wait3A_149 : memref<!tpu.dma_semaphore, #tpu.memory_space<semaphore_mem>>) src(%dma_wait3A_147 : memref<1000000x64xf32, #tpu.memory_space<hbm>>) dst(%dma_wait3A_142 : memref<32x64xf32, #tpu.memory_space<vmem>>)
      %dma_wait3A_150 = arith.constant 0 : i32
      %dma_wait3A_151 = arith.constant 0 : i32
      %dma_wait3A_152 = tpu.memref_slice %arg11[%rem3A_131, %dma_wait3A_150, %dma_wait3A_151] : memref<2x32x64xf32, #tpu.memory_space<vmem>> -> memref<1x32x64xf32, #tpu.memory_space<vmem>>
      %dma_wait3A_153 = tpu.memref_squeeze %dma_wait3A_152 : memref<1x32x64xf32, #tpu.memory_space<vmem>> -> memref<32x64xf32, #tpu.memory_space<vmem>>
      %dma_wait3A_154 = arith.constant 0 : i32
      %dma_wait3A_155 = tpu.memref_slice %arg8[%dma_wait3A_154] : memref<512xi32, #tpu.memory_space<vmem>> -> memref<32xi32, #tpu.memory_space<vmem>>
      %dma_wait3A_156 = arith.constant 0 : i32
      %dma_wait3A_157 = arith.constant 0 : i32
      %dma_wait3A_158 = tpu.memref_slice %arg2[%dma_wait3A_156, %dma_wait3A_157] : memref<1000000x64xf32, #tpu.memory_space<hbm>> -> memref<1000000x64xf32, #tpu.memory_space<hbm>>
      %dma_wait3A_159 = tpu.memref_slice %arg14[%rem3A_131] : memref<2x!tpu.dma_semaphore, #tpu.memory_space<semaphore_mem>> -> memref<1x!tpu.dma_semaphore, #tpu.memory_space<semaphore_mem>>
      %dma_wait3A_160 = tpu.memref_squeeze %dma_wait3A_159 : memref<1x!tpu.dma_semaphore, #tpu.memory_space<semaphore_mem>> -> memref<!tpu.dma_semaphore, #tpu.memory_space<semaphore_mem>>
      tpu.wait_indirect_dma semaphore(%dma_wait3A_160 : memref<!tpu.dma_semaphore, #tpu.memory_space<semaphore_mem>>) src(%dma_wait3A_158 : memref<1000000x64xf32, #tpu.memory_space<hbm>>) dst(%dma_wait3A_153 : memref<32x64xf32, #tpu.memory_space<vmem>>)
      %dma_wait3A_161 = arith.constant 0 : i32
      %dma_wait3A_162 = arith.constant 0 : i32
      %dma_wait3A_163 = arith.constant 0 : i32
      %dma_wait3A_164 = tpu.memref_slice %arg12[%rem3A_131, %dma_wait3A_162, %dma_wait3A_163] : memref<2x640x64xf32, #tpu.memory_space<vmem>> -> memref<1x640x64xf32, #tpu.memory_space<vmem>>
      %dma_wait3A_165 = tpu.memref_squeeze %dma_wait3A_164 : memref<1x640x64xf32, #tpu.memory_space<vmem>> -> memref<640x64xf32, #tpu.memory_space<vmem>>
      %dma_wait3A_166 = arith.constant 0 : i32
      %dma_wait3A_167 = arith.constant 0 : i32
      %dma_wait3A_168 = tpu.memref_slice %dma_wait3A_165[%dma_wait3A_166, %dma_wait3A_167] : memref<640x64xf32, #tpu.memory_space<vmem>> -> memref<128x64xf32, #tpu.memory_space<vmem>>
      %dma_wait3A_169 = arith.constant 0 : i32
      %dma_wait3A_170 = tpu.memref_slice %arg9[%dma_wait3A_161, %dma_wait3A_169] : memref<80x128xi32, #tpu.memory_space<vmem>> -> memref<1x128xi32, #tpu.memory_space<vmem>>
      %dma_wait3A_171 = tpu.memref_squeeze %dma_wait3A_170 : memref<1x128xi32, #tpu.memory_space<vmem>> -> memref<128xi32, #tpu.memory_space<vmem>>
      %dma_wait3A_172 = arith.constant 0 : i32
      %dma_wait3A_173 = arith.constant 0 : i32
      %dma_wait3A_174 = tpu.memref_slice %arg2[%dma_wait3A_172, %dma_wait3A_173] : memref<1000000x64xf32, #tpu.memory_space<hbm>> -> memref<1000000x64xf32, #tpu.memory_space<hbm>>
      %dma_wait3A_175 = tpu.memref_slice %arg14[%rem3A_131] : memref<2x!tpu.dma_semaphore, #tpu.memory_space<semaphore_mem>> -> memref<1x!tpu.dma_semaphore, #tpu.memory_space<semaphore_mem>>
      %dma_wait3A_176 = tpu.memref_squeeze %dma_wait3A_175 : memref<1x!tpu.dma_semaphore, #tpu.memory_space<semaphore_mem>> -> memref<!tpu.dma_semaphore, #tpu.memory_space<semaphore_mem>>
      tpu.wait_indirect_dma semaphore(%dma_wait3A_176 : memref<!tpu.dma_semaphore, #tpu.memory_space<semaphore_mem>>) src(%dma_wait3A_174 : memref<1000000x64xf32, #tpu.memory_space<hbm>>) dst(%dma_wait3A_168 : memref<128x64xf32, #tpu.memory_space<vmem>>)
      %dma_wait3A_177 = arith.constant 1 : i32
      %dma_wait3A_178 = arith.constant 0 : i32
      %dma_wait3A_179 = arith.constant 0 : i32
      %dma_wait3A_180 = tpu.memref_slice %arg12[%rem3A_131, %dma_wait3A_178, %dma_wait3A_179] : memref<2x640x64xf32, #tpu.memory_space<vmem>> -> memref<1x640x64xf32, #tpu.memory_space<vmem>>
      %dma_wait3A_181 = tpu.memref_squeeze %dma_wait3A_180 : memref<1x640x64xf32, #tpu.memory_space<vmem>> -> memref<640x64xf32, #tpu.memory_space<vmem>>
      %dma_wait3A_182 = arith.constant 128 : i32
      %dma_wait3A_183 = arith.constant 0 : i32
      %dma_wait3A_184 = tpu.memref_slice %dma_wait3A_181[%dma_wait3A_182, %dma_wait3A_183] : memref<640x64xf32, #tpu.memory_space<vmem>> -> memref<128x64xf32, #tpu.memory_space<vmem>>
      %dma_wait3A_185 = arith.constant 0 : i32
      %dma_wait3A_186 = tpu.memref_slice %arg9[%dma_wait3A_177, %dma_wait3A_185] : memref<80x128xi32, #tpu.memory_space<vmem>> -> memref<1x128xi32, #tpu.memory_space<vmem>>
      %dma_wait3A_187 = tpu.memref_squeeze %dma_wait3A_186 : memref<1x128xi32, #tpu.memory_space<vmem>> -> memref<128xi32, #tpu.memory_space<vmem>>
      %dma_wait3A_188 = arith.constant 0 : i32
      %dma_wait3A_189 = arith.constant 0 : i32
      %dma_wait3A_190 = tpu.memref_slice %arg2[%dma_wait3A_188, %dma_wait3A_189] : memref<1000000x64xf32, #tpu.memory_space<hbm>> -> memref<1000000x64xf32, #tpu.memory_space<hbm>>
      %dma_wait3A_191 = tpu.memref_slice %arg14[%rem3A_131] : memref<2x!tpu.dma_semaphore, #tpu.memory_space<semaphore_mem>> -> memref<1x!tpu.dma_semaphore, #tpu.memory_space<semaphore_mem>>
      %dma_wait3A_192 = tpu.memref_squeeze %dma_wait3A_191 : memref<1x!tpu.dma_semaphore, #tpu.memory_space<semaphore_mem>> -> memref<!tpu.dma_semaphore, #tpu.memory_space<semaphore_mem>>
      tpu.wait_indirect_dma semaphore(%dma_wait3A_192 : memref<!tpu.dma_semaphore, #tpu.memory_space<semaphore_mem>>) src(%dma_wait3A_190 : memref<1000000x64xf32, #tpu.memory_space<hbm>>) dst(%dma_wait3A_184 : memref<128x64xf32, #tpu.memory_space<vmem>>)
      %dma_wait3A_193 = arith.constant 2 : i32
      %dma_wait3A_194 = arith.constant 0 : i32
      %dma_wait3A_195 = arith.constant 0 : i32
      %dma_wait3A_196 = tpu.memref_slice %arg12[%rem3A_131, %dma_wait3A_194, %dma_wait3A_195] : memref<2x640x64xf32, #tpu.memory_space<vmem>> -> memref<1x640x64xf32, #tpu.memory_space<vmem>>
      %dma_wait3A_197 = tpu.memref_squeeze %dma_wait3A_196 : memref<1x640x64xf32, #tpu.memory_space<vmem>> -> memref<640x64xf32, #tpu.memory_space<vmem>>
      %dma_wait3A_198 = arith.constant 256 : i32
      %dma_wait3A_199 = arith.constant 0 : i32
      %dma_wait3A_200 = tpu.memref_slice %dma_wait3A_197[%dma_wait3A_198, %dma_wait3A_199] : memref<640x64xf32, #tpu.memory_space<vmem>> -> memref<128x64xf32, #tpu.memory_space<vmem>>
      %dma_wait3A_201 = arith.constant 0 : i32
      %dma_wait3A_202 = tpu.memref_slice %arg9[%dma_wait3A_193, %dma_wait3A_201] : memref<80x128xi32, #tpu.memory_space<vmem>> -> memref<1x128xi32, #tpu.memory_space<vmem>>
      %dma_wait3A_203 = tpu.memref_squeeze %dma_wait3A_202 : memref<1x128xi32, #tpu.memory_space<vmem>> -> memref<128xi32, #tpu.memory_space<vmem>>
      %dma_wait3A_204 = arith.constant 0 : i32
      %dma_wait3A_205 = arith.constant 0 : i32
      %dma_wait3A_206 = tpu.memref_slice %arg2[%dma_wait3A_204, %dma_wait3A_205] : memref<1000000x64xf32, #tpu.memory_space<hbm>> -> memref<1000000x64xf32, #tpu.memory_space<hbm>>
      %dma_wait3A_207 = tpu.memref_slice %arg14[%rem3A_131] : memref<2x!tpu.dma_semaphore, #tpu.memory_space<semaphore_mem>> -> memref<1x!tpu.dma_semaphore, #tpu.memory_space<semaphore_mem>>
      %dma_wait3A_208 = tpu.memref_squeeze %dma_wait3A_207 : memref<1x!tpu.dma_semaphore, #tpu.memory_space<semaphore_mem>> -> memref<!tpu.dma_semaphore, #tpu.memory_space<semaphore_mem>>
      tpu.wait_indirect_dma semaphore(%dma_wait3A_208 : memref<!tpu.dma_semaphore, #tpu.memory_space<semaphore_mem>>) src(%dma_wait3A_206 : memref<1000000x64xf32, #tpu.memory_space<hbm>>) dst(%dma_wait3A_200 : memref<128x64xf32, #tpu.memory_space<vmem>>)
      %dma_wait3A_209 = arith.constant 3 : i32
      %dma_wait3A_210 = arith.constant 0 : i32
      %dma_wait3A_211 = arith.constant 0 : i32
      %dma_wait3A_212 = tpu.memref_slice %arg12[%rem3A_131, %dma_wait3A_210, %dma_wait3A_211] : memref<2x640x64xf32, #tpu.memory_space<vmem>> -> memref<1x640x64xf32, #tpu.memory_space<vmem>>
      %dma_wait3A_213 = tpu.memref_squeeze %dma_wait3A_212 : memref<1x640x64xf32, #tpu.memory_space<vmem>> -> memref<640x64xf32, #tpu.memory_space<vmem>>
      %dma_wait3A_214 = arith.constant 384 : i32
      %dma_wait3A_215 = arith.constant 0 : i32
      %dma_wait3A_216 = tpu.memref_slice %dma_wait3A_213[%dma_wait3A_214, %dma_wait3A_215] : memref<640x64xf32, #tpu.memory_space<vmem>> -> memref<128x64xf32, #tpu.memory_space<vmem>>
      %dma_wait3A_217 = arith.constant 0 : i32
      %dma_wait3A_218 = tpu.memref_slice %arg9[%dma_wait3A_209, %dma_wait3A_217] : memref<80x128xi32, #tpu.memory_space<vmem>> -> memref<1x128xi32, #tpu.memory_space<vmem>>
      %dma_wait3A_219 = tpu.memref_squeeze %dma_wait3A_218 : memref<1x128xi32, #tpu.memory_space<vmem>> -> memref<128xi32, #tpu.memory_space<vmem>>
      %dma_wait3A_220 = arith.constant 0 : i32
      %dma_wait3A_221 = arith.constant 0 : i32
      %dma_wait3A_222 = tpu.memref_slice %arg2[%dma_wait3A_220, %dma_wait3A_221] : memref<1000000x64xf32, #tpu.memory_space<hbm>> -> memref<1000000x64xf32, #tpu.memory_space<hbm>>
      %dma_wait3A_223 = tpu.memref_slice %arg14[%rem3A_131] : memref<2x!tpu.dma_semaphore, #tpu.memory_space<semaphore_mem>> -> memref<1x!tpu.dma_semaphore, #tpu.memory_space<semaphore_mem>>
      %dma_wait3A_224 = tpu.memref_squeeze %dma_wait3A_223 : memref<1x!tpu.dma_semaphore, #tpu.memory_space<semaphore_mem>> -> memref<!tpu.dma_semaphore, #tpu.memory_space<semaphore_mem>>
      tpu.wait_indirect_dma semaphore(%dma_wait3A_224 : memref<!tpu.dma_semaphore, #tpu.memory_space<semaphore_mem>>) src(%dma_wait3A_222 : memref<1000000x64xf32, #tpu.memory_space<hbm>>) dst(%dma_wait3A_216 : memref<128x64xf32, #tpu.memory_space<vmem>>)
      %dma_wait3A_225 = arith.constant 4 : i32
      %dma_wait3A_226 = arith.constant 0 : i32
      %dma_wait3A_227 = arith.constant 0 : i32
      %dma_wait3A_228 = tpu.memref_slice %arg12[%rem3A_131, %dma_wait3A_226, %dma_wait3A_227] : memref<2x640x64xf32, #tpu.memory_space<vmem>> -> memref<1x640x64xf32, #tpu.memory_space<vmem>>
      %dma_wait3A_229 = tpu.memref_squeeze %dma_wait3A_228 : memref<1x640x64xf32, #tpu.memory_space<vmem>> -> memref<640x64xf32, #tpu.memory_space<vmem>>
      %dma_wait3A_230 = arith.constant 512 : i32
      %dma_wait3A_231 = arith.constant 0 : i32
      %dma_wait3A_232 = tpu.memref_slice %dma_wait3A_229[%dma_wait3A_230, %dma_wait3A_231] : memref<640x64xf32, #tpu.memory_space<vmem>> -> memref<128x64xf32, #tpu.memory_space<vmem>>
      %dma_wait3A_233 = arith.constant 0 : i32
      %dma_wait3A_234 = tpu.memref_slice %arg9[%dma_wait3A_225, %dma_wait3A_233] : memref<80x128xi32, #tpu.memory_space<vmem>> -> memref<1x128xi32, #tpu.memory_space<vmem>>
      %dma_wait3A_235 = tpu.memref_squeeze %dma_wait3A_234 : memref<1x128xi32, #tpu.memory_space<vmem>> -> memref<128xi32, #tpu.memory_space<vmem>>
      %dma_wait3A_236 = arith.constant 0 : i32
      %dma_wait3A_237 = arith.constant 0 : i32
      %dma_wait3A_238 = tpu.memref_slice %arg2[%dma_wait3A_236, %dma_wait3A_237] : memref<1000000x64xf32, #tpu.memory_space<hbm>> -> memref<1000000x64xf32, #tpu.memory_space<hbm>>
      %dma_wait3A_239 = tpu.memref_slice %arg14[%rem3A_131] : memref<2x!tpu.dma_semaphore, #tpu.memory_space<semaphore_mem>> -> memref<1x!tpu.dma_semaphore, #tpu.memory_space<semaphore_mem>>
      %dma_wait3A_240 = tpu.memref_squeeze %dma_wait3A_239 : memref<1x!tpu.dma_semaphore, #tpu.memory_space<semaphore_mem>> -> memref<!tpu.dma_semaphore, #tpu.memory_space<semaphore_mem>>
      tpu.wait_indirect_dma semaphore(%dma_wait3A_240 : memref<!tpu.dma_semaphore, #tpu.memory_space<semaphore_mem>>) src(%dma_wait3A_238 : memref<1000000x64xf32, #tpu.memory_space<hbm>>) dst(%dma_wait3A_232 : memref<128x64xf32, #tpu.memory_space<vmem>>)
      %scan3A_241 = arith.constant 0 : i32
      %scan3A_242 = arith.constant 2 : i32
      %scan3A_243 = arith.addi %scan3A_241, %scan3A_242 : i32
      %scan3A_244 = arith.constant 1 : i32
      %scan3A_245 = scf.for %scan3A_247 = %scan3A_241 to %scan3A_243 step %scan3A_244 iter_args(%scan3A_248 = %scan3A_130) -> (vector<16xf32>)  : i32 {
        %mul3A_249 = arith.constant 16 : i32
        %mul3A_250 = arith.muli %scan3A_247, %mul3A_249 : i32
        %add3A_251 = vector.broadcast %mul3A_250 : i32 to vector<16xi32>
        %add3A_252 = arith.addi %iota3A, %add3A_251 : vector<16xi32>
        %mul3A_253 = arith.constant 20 : i32
        %mul3A_254 = vector.broadcast %mul3A_253 : i32 to vector<16xi32>
        %mul3A_255 = arith.muli %add3A_252, %mul3A_254 : vector<16xi32>
        %scan3A_256 = arith.constant 0 : i32
        %scan3A_257 = arith.constant 16 : i32
        %scan3A_258 = arith.addi %scan3A_256, %scan3A_257 : i32
        %scan3A_259 = arith.constant 1 : i32
        %scan3A_260:21 = scf.for %scan3A_421 = %scan3A_256 to %scan3A_258 step %scan3A_259 iter_args(%scan3A_422 = %broadcast_in_dim3A_1, %scan3A_423 = %broadcast_in_dim3A_1, %scan3A_424 = %broadcast_in_dim3A_1, %scan3A_425 = %broadcast_in_dim3A_1, %scan3A_426 = %broadcast_in_dim3A_1, %scan3A_427 = %broadcast_in_dim3A_1, %scan3A_428 = %broadcast_in_dim3A_1, %scan3A_429 = %broadcast_in_dim3A_1, %scan3A_430 = %broadcast_in_dim3A_1, %scan3A_431 = %broadcast_in_dim3A_1, %scan3A_432 = %broadcast_in_dim3A_1, %scan3A_433 = %broadcast_in_dim3A_1, %scan3A_434 = %broadcast_in_dim3A_1, %scan3A_435 = %broadcast_in_dim3A_1, %scan3A_436 = %broadcast_in_dim3A_1, %scan3A_437 = %broadcast_in_dim3A_1, %scan3A_438 = %broadcast_in_dim3A_1, %scan3A_439 = %broadcast_in_dim3A_1, %scan3A_440 = %broadcast_in_dim3A_1, %scan3A_441 = %broadcast_in_dim3A_1, %scan3A_442 = %broadcast_in_dim3A_1) -> (vector<16xf32>, vector<16xf32>, vector<16xf32>, vector<16xf32>, vector<16xf32>, vector<16xf32>, vector<16xf32>, vector<16xf32>, vector<16xf32>, vector<16xf32>, vector<16xf32>, vector<16xf32>, vector<16xf32>, vector<16xf32>, vector<16xf32>, vector<16xf32>, vector<16xf32>, vector<16xf32>, vector<16xf32>, vector<16xf32>, vector<16xf32>)  : i32 {
          %mul3A_443 = arith.constant 4 : i32
          %mul3A_444 = arith.muli %scan3A_421, %mul3A_443 : i32
          %add3A_445 = arith.constant 0 : i32
          %add3A_446 = arith.addi %mul3A_444, %add3A_445 : i32
          %add3A_447 = vector.broadcast %add3A_446 : i32 to vector<16xi32>
          %add3A_448 = arith.addi %iota3A, %add3A_447 : vector<16xi32>
          %and3A = arith.constant 63 : i32
          %and3A_449 = vector.broadcast %and3A : i32 to vector<16xi32>
          %and3A_450 = arith.andi %add3A_448, %and3A_449 : vector<16xi32>
          %gather3A = arith.constant 0 : i32
          %gather3A_451 = arith.constant 0 : i32
          %gather3A_452 = tpu.memref_slice %arg10[%rem3A_131, %gather3A, %gather3A_451] : memref<2x32x64xf32, #tpu.memory_space<vmem>> -> memref<1x32x64xf32, #tpu.memory_space<vmem>>
          %gather3A_453 = tpu.memref_squeeze %gather3A_452 : memref<1x32x64xf32, #tpu.memory_space<vmem>> -> memref<32x64xf32, #tpu.memory_space<vmem>>
          %gather3A_454 = tpu.vector_load_idx %gather3A_453[%add3A_252, %and3A_450] : memref<32x64xf32, #tpu.memory_space<vmem>>[vector<16xi32>, vector<16xi32>], vector<16xf32>,
          %gather3A_455 = arith.constant 0 : i32
          %gather3A_456 = arith.constant 0 : i32
          %gather3A_457 = tpu.memref_slice %arg11[%rem3A_131, %gather3A_455, %gather3A_456] : memref<2x32x64xf32, #tpu.memory_space<vmem>> -> memref<1x32x64xf32, #tpu.memory_space<vmem>>
          %gather3A_458 = tpu.memref_squeeze %gather3A_457 : memref<1x32x64xf32, #tpu.memory_space<vmem>> -> memref<32x64xf32, #tpu.memory_space<vmem>>
          %gather3A_459 = tpu.vector_load_idx %gather3A_458[%add3A_252, %and3A_450] : memref<32x64xf32, #tpu.memory_space<vmem>>[vector<16xi32>, vector<16xi32>], vector<16xf32>,
          %mul3A_460 = arith.mulf %gather3A_454, %gather3A_459 : vector<16xf32>
          %add3A_461 = arith.addf %scan3A_422, %mul3A_460 : vector<16xf32>
          %add3A_462 = arith.constant 0 : i32
          %add3A_463 = vector.broadcast %add3A_462 : i32 to vector<16xi32>
          %add3A_464 = arith.addi %mul3A_255, %add3A_463 : vector<16xi32>
          %gather3A_465 = arith.constant 0 : i32
          %gather3A_466 = arith.constant 0 : i32
          %gather3A_467 = tpu.memref_slice %arg12[%rem3A_131, %gather3A_465, %gather3A_466] : memref<2x640x64xf32, #tpu.memory_space<vmem>> -> memref<1x640x64xf32, #tpu.memory_space<vmem>>
          %gather3A_468 = tpu.memref_squeeze %gather3A_467 : memref<1x640x64xf32, #tpu.memory_space<vmem>> -> memref<640x64xf32, #tpu.memory_space<vmem>>
          %gather3A_469 = tpu.vector_load_idx %gather3A_468[%add3A_464, %and3A_450] : memref<640x64xf32, #tpu.memory_space<vmem>>[vector<16xi32>, vector<16xi32>], vector<16xf32>,
          %mul3A_470 = arith.mulf %gather3A_454, %gather3A_469 : vector<16xf32>
          %add3A_471 = arith.addf %scan3A_423, %mul3A_470 : vector<16xf32>
          %add3A_472 = arith.constant 1 : i32
          %add3A_473 = vector.broadcast %add3A_472 : i32 to vector<16xi32>
          %add3A_474 = arith.addi %mul3A_255, %add3A_473 : vector<16xi32>
          %gather3A_475 = arith.constant 0 : i32
          %gather3A_476 = arith.constant 0 : i32
          %gather3A_477 = tpu.memref_slice %arg12[%rem3A_131, %gather3A_475, %gather3A_476] : memref<2x640x64xf32, #tpu.memory_space<vmem>> -> memref<1x640x64xf32, #tpu.memory_space<vmem>>
          %gather3A_478 = tpu.memref_squeeze %gather3A_477 : memref<1x640x64xf32, #tpu.memory_space<vmem>> -> memref<640x64xf32, #tpu.memory_space<vmem>>
          %gather3A_479 = tpu.vector_load_idx %gather3A_478[%add3A_474, %and3A_450] : memref<640x64xf32, #tpu.memory_space<vmem>>[vector<16xi32>, vector<16xi32>], vector<16xf32>,
          %mul3A_480 = arith.mulf %gather3A_454, %gather3A_479 : vector<16xf32>
          %add3A_481 = arith.addf %scan3A_424, %mul3A_480 : vector<16xf32>
          %add3A_482 = arith.constant 2 : i32
          %add3A_483 = vector.broadcast %add3A_482 : i32 to vector<16xi32>
          %add3A_484 = arith.addi %mul3A_255, %add3A_483 : vector<16xi32>
          %gather3A_485 = arith.constant 0 : i32
          %gather3A_486 = arith.constant 0 : i32
          %gather3A_487 = tpu.memref_slice %arg12[%rem3A_131, %gather3A_485, %gather3A_486] : memref<2x640x64xf32, #tpu.memory_space<vmem>> -> memref<1x640x64xf32, #tpu.memory_space<vmem>>
          %gather3A_488 = tpu.memref_squeeze %gather3A_487 : memref<1x640x64xf32, #tpu.memory_space<vmem>> -> memref<640x64xf32, #tpu.memory_space<vmem>>
          %gather3A_489 = tpu.vector_load_idx %gather3A_488[%add3A_484, %and3A_450] : memref<640x64xf32, #tpu.memory_space<vmem>>[vector<16xi32>, vector<16xi32>], vector<16xf32>,
          %mul3A_490 = arith.mulf %gather3A_454, %gather3A_489 : vector<16xf32>
          %add3A_491 = arith.addf %scan3A_425, %mul3A_490 : vector<16xf32>
          %add3A_492 = arith.constant 3 : i32
          %add3A_493 = vector.broadcast %add3A_492 : i32 to vector<16xi32>
          %add3A_494 = arith.addi %mul3A_255, %add3A_493 : vector<16xi32>
          %gather3A_495 = arith.constant 0 : i32
          %gather3A_496 = arith.constant 0 : i32
          %gather3A_497 = tpu.memref_slice %arg12[%rem3A_131, %gather3A_495, %gather3A_496] : memref<2x640x64xf32, #tpu.memory_space<vmem>> -> memref<1x640x64xf32, #tpu.memory_space<vmem>>
          %gather3A_498 = tpu.memref_squeeze %gather3A_497 : memref<1x640x64xf32, #tpu.memory_space<vmem>> -> memref<640x64xf32, #tpu.memory_space<vmem>>
          %gather3A_499 = tpu.vector_load_idx %gather3A_498[%add3A_494, %and3A_450] : memref<640x64xf32, #tpu.memory_space<vmem>>[vector<16xi32>, vector<16xi32>], vector<16xf32>,
          %mul3A_500 = arith.mulf %gather3A_454, %gather3A_499 : vector<16xf32>
          %add3A_501 = arith.addf %scan3A_426, %mul3A_500 : vector<16xf32>
          %add3A_502 = arith.constant 4 : i32
          %add3A_503 = vector.broadcast %add3A_502 : i32 to vector<16xi32>
          %add3A_504 = arith.addi %mul3A_255, %add3A_503 : vector<16xi32>
          %gather3A_505 = arith.constant 0 : i32
          %gather3A_506 = arith.constant 0 : i32
          %gather3A_507 = tpu.memref_slice %arg12[%rem3A_131, %gather3A_505, %gather3A_506] : memref<2x640x64xf32, #tpu.memory_space<vmem>> -> memref<1x640x64xf32, #tpu.memory_space<vmem>>
          %gather3A_508 = tpu.memref_squeeze %gather3A_507 : memref<1x640x64xf32, #tpu.memory_space<vmem>> -> memref<640x64xf32, #tpu.memory_space<vmem>>
          %gather3A_509 = tpu.vector_load_idx %gather3A_508[%add3A_504, %and3A_450] : memref<640x64xf32, #tpu.memory_space<vmem>>[vector<16xi32>, vector<16xi32>], vector<16xf32>,
          %mul3A_510 = arith.mulf %gather3A_454, %gather3A_509 : vector<16xf32>
          %add3A_511 = arith.addf %scan3A_427, %mul3A_510 : vector<16xf32>
          %add3A_512 = arith.constant 5 : i32
          %add3A_513 = vector.broadcast %add3A_512 : i32 to vector<16xi32>
          %add3A_514 = arith.addi %mul3A_255, %add3A_513 : vector<16xi32>
          %gather3A_515 = arith.constant 0 : i32
          %gather3A_516 = arith.constant 0 : i32
          %gather3A_517 = tpu.memref_slice %arg12[%rem3A_131, %gather3A_515, %gather3A_516] : memref<2x640x64xf32, #tpu.memory_space<vmem>> -> memref<1x640x64xf32, #tpu.memory_space<vmem>>
          %gather3A_518 = tpu.memref_squeeze %gather3A_517 : memref<1x640x64xf32, #tpu.memory_space<vmem>> -> memref<640x64xf32, #tpu.memory_space<vmem>>
          %gather3A_519 = tpu.vector_load_idx %gather3A_518[%add3A_514, %and3A_450] : memref<640x64xf32, #tpu.memory_space<vmem>>[vector<16xi32>, vector<16xi32>], vector<16xf32>,
          %mul3A_520 = arith.mulf %gather3A_454, %gather3A_519 : vector<16xf32>
          %add3A_521 = arith.addf %scan3A_428, %mul3A_520 : vector<16xf32>
          %add3A_522 = arith.constant 6 : i32
          %add3A_523 = vector.broadcast %add3A_522 : i32 to vector<16xi32>
          %add3A_524 = arith.addi %mul3A_255, %add3A_523 : vector<16xi32>
          %gather3A_525 = arith.constant 0 : i32
          %gather3A_526 = arith.constant 0 : i32
          %gather3A_527 = tpu.memref_slice %arg12[%rem3A_131, %gather3A_525, %gather3A_526] : memref<2x640x64xf32, #tpu.memory_space<vmem>> -> memref<1x640x64xf32, #tpu.memory_space<vmem>>
          %gather3A_528 = tpu.memref_squeeze %gather3A_527 : memref<1x640x64xf32, #tpu.memory_space<vmem>> -> memref<640x64xf32, #tpu.memory_space<vmem>>
          %gather3A_529 = tpu.vector_load_idx %gather3A_528[%add3A_524, %and3A_450] : memref<640x64xf32, #tpu.memory_space<vmem>>[vector<16xi32>, vector<16xi32>], vector<16xf32>,
          %mul3A_530 = arith.mulf %gather3A_454, %gather3A_529 : vector<16xf32>
          %add3A_531 = arith.addf %scan3A_429, %mul3A_530 : vector<16xf32>
          %add3A_532 = arith.constant 7 : i32
          %add3A_533 = vector.broadcast %add3A_532 : i32 to vector<16xi32>
          %add3A_534 = arith.addi %mul3A_255, %add3A_533 : vector<16xi32>
          %gather3A_535 = arith.constant 0 : i32
          %gather3A_536 = arith.constant 0 : i32
          %gather3A_537 = tpu.memref_slice %arg12[%rem3A_131, %gather3A_535, %gather3A_536] : memref<2x640x64xf32, #tpu.memory_space<vmem>> -> memref<1x640x64xf32, #tpu.memory_space<vmem>>
          %gather3A_538 = tpu.memref_squeeze %gather3A_537 : memref<1x640x64xf32, #tpu.memory_space<vmem>> -> memref<640x64xf32, #tpu.memory_space<vmem>>
          %gather3A_539 = tpu.vector_load_idx %gather3A_538[%add3A_534, %and3A_450] : memref<640x64xf32, #tpu.memory_space<vmem>>[vector<16xi32>, vector<16xi32>], vector<16xf32>,
          %mul3A_540 = arith.mulf %gather3A_454, %gather3A_539 : vector<16xf32>
          %add3A_541 = arith.addf %scan3A_430, %mul3A_540 : vector<16xf32>
          %add3A_542 = arith.constant 8 : i32
          %add3A_543 = vector.broadcast %add3A_542 : i32 to vector<16xi32>
          %add3A_544 = arith.addi %mul3A_255, %add3A_543 : vector<16xi32>
          %gather3A_545 = arith.constant 0 : i32
          %gather3A_546 = arith.constant 0 : i32
          %gather3A_547 = tpu.memref_slice %arg12[%rem3A_131, %gather3A_545, %gather3A_546] : memref<2x640x64xf32, #tpu.memory_space<vmem>> -> memref<1x640x64xf32, #tpu.memory_space<vmem>>
          %gather3A_548 = tpu.memref_squeeze %gather3A_547 : memref<1x640x64xf32, #tpu.memory_space<vmem>> -> memref<640x64xf32, #tpu.memory_space<vmem>>
          %gather3A_549 = tpu.vector_load_idx %gather3A_548[%add3A_544, %and3A_450] : memref<640x64xf32, #tpu.memory_space<vmem>>[vector<16xi32>, vector<16xi32>], vector<16xf32>,
          %mul3A_550 = arith.mulf %gather3A_454, %gather3A_549 : vector<16xf32>
          %add3A_551 = arith.addf %scan3A_431, %mul3A_550 : vector<16xf32>
          %add3A_552 = arith.constant 9 : i32
          %add3A_553 = vector.broadcast %add3A_552 : i32 to vector<16xi32>
          %add3A_554 = arith.addi %mul3A_255, %add3A_553 : vector<16xi32>
          %gather3A_555 = arith.constant 0 : i32
          %gather3A_556 = arith.constant 0 : i32
          %gather3A_557 = tpu.memref_slice %arg12[%rem3A_131, %gather3A_555, %gather3A_556] : memref<2x640x64xf32, #tpu.memory_space<vmem>> -> memref<1x640x64xf32, #tpu.memory_space<vmem>>
          %gather3A_558 = tpu.memref_squeeze %gather3A_557 : memref<1x640x64xf32, #tpu.memory_space<vmem>> -> memref<640x64xf32, #tpu.memory_space<vmem>>
          %gather3A_559 = tpu.vector_load_idx %gather3A_558[%add3A_554, %and3A_450] : memref<640x64xf32, #tpu.memory_space<vmem>>[vector<16xi32>, vector<16xi32>], vector<16xf32>,
          %mul3A_560 = arith.mulf %gather3A_454, %gather3A_559 : vector<16xf32>
          %add3A_561 = arith.addf %scan3A_432, %mul3A_560 : vector<16xf32>
          %add3A_562 = arith.constant 10 : i32
          %add3A_563 = vector.broadcast %add3A_562 : i32 to vector<16xi32>
          %add3A_564 = arith.addi %mul3A_255, %add3A_563 : vector<16xi32>
          %gather3A_565 = arith.constant 0 : i32
          %gather3A_566 = arith.constant 0 : i32
          %gather3A_567 = tpu.memref_slice %arg12[%rem3A_131, %gather3A_565, %gather3A_566] : memref<2x640x64xf32, #tpu.memory_space<vmem>> -> memref<1x640x64xf32, #tpu.memory_space<vmem>>
          %gather3A_568 = tpu.memref_squeeze %gather3A_567 : memref<1x640x64xf32, #tpu.memory_space<vmem>> -> memref<640x64xf32, #tpu.memory_space<vmem>>
          %gather3A_569 = tpu.vector_load_idx %gather3A_568[%add3A_564, %and3A_450] : memref<640x64xf32, #tpu.memory_space<vmem>>[vector<16xi32>, vector<16xi32>], vector<16xf32>,
          %mul3A_570 = arith.mulf %gather3A_454, %gather3A_569 : vector<16xf32>
          %add3A_571 = arith.addf %scan3A_433, %mul3A_570 : vector<16xf32>
          %add3A_572 = arith.constant 11 : i32
          %add3A_573 = vector.broadcast %add3A_572 : i32 to vector<16xi32>
          %add3A_574 = arith.addi %mul3A_255, %add3A_573 : vector<16xi32>
          %gather3A_575 = arith.constant 0 : i32
          %gather3A_576 = arith.constant 0 : i32
          %gather3A_577 = tpu.memref_slice %arg12[%rem3A_131, %gather3A_575, %gather3A_576] : memref<2x640x64xf32, #tpu.memory_space<vmem>> -> memref<1x640x64xf32, #tpu.memory_space<vmem>>
          %gather3A_578 = tpu.memref_squeeze %gather3A_577 : memref<1x640x64xf32, #tpu.memory_space<vmem>> -> memref<640x64xf32, #tpu.memory_space<vmem>>
          %gather3A_579 = tpu.vector_load_idx %gather3A_578[%add3A_574, %and3A_450] : memref<640x64xf32, #tpu.memory_space<vmem>>[vector<16xi32>, vector<16xi32>], vector<16xf32>,
          %mul3A_580 = arith.mulf %gather3A_454, %gather3A_579 : vector<16xf32>
          %add3A_581 = arith.addf %scan3A_434, %mul3A_580 : vector<16xf32>
          %add3A_582 = arith.constant 12 : i32
          %add3A_583 = vector.broadcast %add3A_582 : i32 to vector<16xi32>
          %add3A_584 = arith.addi %mul3A_255, %add3A_583 : vector<16xi32>
          %gather3A_585 = arith.constant 0 : i32
          %gather3A_586 = arith.constant 0 : i32
          %gather3A_587 = tpu.memref_slice %arg12[%rem3A_131, %gather3A_585, %gather3A_586] : memref<2x640x64xf32, #tpu.memory_space<vmem>> -> memref<1x640x64xf32, #tpu.memory_space<vmem>>
          %gather3A_588 = tpu.memref_squeeze %gather3A_587 : memref<1x640x64xf32, #tpu.memory_space<vmem>> -> memref<640x64xf32, #tpu.memory_space<vmem>>
          %gather3A_589 = tpu.vector_load_idx %gather3A_588[%add3A_584, %and3A_450] : memref<640x64xf32, #tpu.memory_space<vmem>>[vector<16xi32>, vector<16xi32>], vector<16xf32>,
          %mul3A_590 = arith.mulf %gather3A_454, %gather3A_589 : vector<16xf32>
          %add3A_591 = arith.addf %scan3A_435, %mul3A_590 : vector<16xf32>
          %add3A_592 = arith.constant 13 : i32
          %add3A_593 = vector.broadcast %add3A_592 : i32 to vector<16xi32>
          %add3A_594 = arith.addi %mul3A_255, %add3A_593 : vector<16xi32>
          %gather3A_595 = arith.constant 0 : i32
          %gather3A_596 = arith.constant 0 : i32
          %gather3A_597 = tpu.memref_slice %arg12[%rem3A_131, %gather3A_595, %gather3A_596] : memref<2x640x64xf32, #tpu.memory_space<vmem>> -> memref<1x640x64xf32, #tpu.memory_space<vmem>>
          %gather3A_598 = tpu.memref_squeeze %gather3A_597 : memref<1x640x64xf32, #tpu.memory_space<vmem>> -> memref<640x64xf32, #tpu.memory_space<vmem>>
          %gather3A_599 = tpu.vector_load_idx %gather3A_598[%add3A_594, %and3A_450] : memref<640x64xf32, #tpu.memory_space<vmem>>[vector<16xi32>, vector<16xi32>], vector<16xf32>,
          %mul3A_600 = arith.mulf %gather3A_454, %gather3A_599 : vector<16xf32>
          %add3A_601 = arith.addf %scan3A_436, %mul3A_600 : vector<16xf32>
          %add3A_602 = arith.constant 14 : i32
          %add3A_603 = vector.broadcast %add3A_602 : i32 to vector<16xi32>
          %add3A_604 = arith.addi %mul3A_255, %add3A_603 : vector<16xi32>
          %gather3A_605 = arith.constant 0 : i32
          %gather3A_606 = arith.constant 0 : i32
          %gather3A_607 = tpu.memref_slice %arg12[%rem3A_131, %gather3A_605, %gather3A_606] : memref<2x640x64xf32, #tpu.memory_space<vmem>> -> memref<1x640x64xf32, #tpu.memory_space<vmem>>
          %gather3A_608 = tpu.memref_squeeze %gather3A_607 : memref<1x640x64xf32, #tpu.memory_space<vmem>> -> memref<640x64xf32, #tpu.memory_space<vmem>>
          %gather3A_609 = tpu.vector_load_idx %gather3A_608[%add3A_604, %and3A_450] : memref<640x64xf32, #tpu.memory_space<vmem>>[vector<16xi32>, vector<16xi32>], vector<16xf32>,
          %mul3A_610 = arith.mulf %gather3A_454, %gather3A_609 : vector<16xf32>
          %add3A_611 = arith.addf %scan3A_437, %mul3A_610 : vector<16xf32>
          %add3A_612 = arith.constant 15 : i32
          %add3A_613 = vector.broadcast %add3A_612 : i32 to vector<16xi32>
          %add3A_614 = arith.addi %mul3A_255, %add3A_613 : vector<16xi32>
          %gather3A_615 = arith.constant 0 : i32
          %gather3A_616 = arith.constant 0 : i32
          %gather3A_617 = tpu.memref_slice %arg12[%rem3A_131, %gather3A_615, %gather3A_616] : memref<2x640x64xf32, #tpu.memory_space<vmem>> -> memref<1x640x64xf32, #tpu.memory_space<vmem>>
          %gather3A_618 = tpu.memref_squeeze %gather3A_617 : memref<1x640x64xf32, #tpu.memory_space<vmem>> -> memref<640x64xf32, #tpu.memory_space<vmem>>
          %gather3A_619 = tpu.vector_load_idx %gather3A_618[%add3A_614, %and3A_450] : memref<640x64xf32, #tpu.memory_space<vmem>>[vector<16xi32>, vector<16xi32>], vector<16xf32>,
          %mul3A_620 = arith.mulf %gather3A_454, %gather3A_619 : vector<16xf32>
          %add3A_621 = arith.addf %scan3A_438, %mul3A_620 : vector<16xf32>
          %add3A_622 = arith.constant 16 : i32
          %add3A_623 = vector.broadcast %add3A_622 : i32 to vector<16xi32>
          %add3A_624 = arith.addi %mul3A_255, %add3A_623 : vector<16xi32>
          %gather3A_625 = arith.constant 0 : i32
          %gather3A_626 = arith.constant 0 : i32
          %gather3A_627 = tpu.memref_slice %arg12[%rem3A_131, %gather3A_625, %gather3A_626] : memref<2x640x64xf32, #tpu.memory_space<vmem>> -> memref<1x640x64xf32, #tpu.memory_space<vmem>>
          %gather3A_628 = tpu.memref_squeeze %gather3A_627 : memref<1x640x64xf32, #tpu.memory_space<vmem>> -> memref<640x64xf32, #tpu.memory_space<vmem>>
          %gather3A_629 = tpu.vector_load_idx %gather3A_628[%add3A_624, %and3A_450] : memref<640x64xf32, #tpu.memory_space<vmem>>[vector<16xi32>, vector<16xi32>], vector<16xf32>,
          %mul3A_630 = arith.mulf %gather3A_454, %gather3A_629 : vector<16xf32>
          %add3A_631 = arith.addf %scan3A_439, %mul3A_630 : vector<16xf32>
          %add3A_632 = arith.constant 17 : i32
          %add3A_633 = vector.broadcast %add3A_632 : i32 to vector<16xi32>
          %add3A_634 = arith.addi %mul3A_255, %add3A_633 : vector<16xi32>
          %gather3A_635 = arith.constant 0 : i32
          %gather3A_636 = arith.constant 0 : i32
          %gather3A_637 = tpu.memref_slice %arg12[%rem3A_131, %gather3A_635, %gather3A_636] : memref<2x640x64xf32, #tpu.memory_space<vmem>> -> memref<1x640x64xf32, #tpu.memory_space<vmem>>
          %gather3A_638 = tpu.memref_squeeze %gather3A_637 : memref<1x640x64xf32, #tpu.memory_space<vmem>> -> memref<640x64xf32, #tpu.memory_space<vmem>>
          %gather3A_639 = tpu.vector_load_idx %gather3A_638[%add3A_634, %and3A_450] : memref<640x64xf32, #tpu.memory_space<vmem>>[vector<16xi32>, vector<16xi32>], vector<16xf32>,
          %mul3A_640 = arith.mulf %gather3A_454, %gather3A_639 : vector<16xf32>
          %add3A_641 = arith.addf %scan3A_440, %mul3A_640 : vector<16xf32>
          %add3A_642 = arith.constant 18 : i32
          %add3A_643 = vector.broadcast %add3A_642 : i32 to vector<16xi32>
          %add3A_644 = arith.addi %mul3A_255, %add3A_643 : vector<16xi32>
          %gather3A_645 = arith.constant 0 : i32
          %gather3A_646 = arith.constant 0 : i32
          %gather3A_647 = tpu.memref_slice %arg12[%rem3A_131, %gather3A_645, %gather3A_646] : memref<2x640x64xf32, #tpu.memory_space<vmem>> -> memref<1x640x64xf32, #tpu.memory_space<vmem>>
          %gather3A_648 = tpu.memref_squeeze %gather3A_647 : memref<1x640x64xf32, #tpu.memory_space<vmem>> -> memref<640x64xf32, #tpu.memory_space<vmem>>
          %gather3A_649 = tpu.vector_load_idx %gather3A_648[%add3A_644, %and3A_450] : memref<640x64xf32, #tpu.memory_space<vmem>>[vector<16xi32>, vector<16xi32>], vector<16xf32>,
          %mul3A_650 = arith.mulf %gather3A_454, %gather3A_649 : vector<16xf32>
          %add3A_651 = arith.addf %scan3A_441, %mul3A_650 : vector<16xf32>
          %add3A_652 = arith.constant 19 : i32
          %add3A_653 = vector.broadcast %add3A_652 : i32 to vector<16xi32>
          %add3A_654 = arith.addi %mul3A_255, %add3A_653 : vector<16xi32>
          %gather3A_655 = arith.constant 0 : i32
          %gather3A_656 = arith.constant 0 : i32
          %gather3A_657 = tpu.memref_slice %arg12[%rem3A_131, %gather3A_655, %gather3A_656] : memref<2x640x64xf32, #tpu.memory_space<vmem>> -> memref<1x640x64xf32, #tpu.memory_space<vmem>>
          %gather3A_658 = tpu.memref_squeeze %gather3A_657 : memref<1x640x64xf32, #tpu.memory_space<vmem>> -> memref<640x64xf32, #tpu.memory_space<vmem>>
          %gather3A_659 = tpu.vector_load_idx %gather3A_658[%add3A_654, %and3A_450] : memref<640x64xf32, #tpu.memory_space<vmem>>[vector<16xi32>, vector<16xi32>], vector<16xf32>,
          %mul3A_660 = arith.mulf %gather3A_454, %gather3A_659 : vector<16xf32>
          %add3A_661 = arith.addf %scan3A_442, %mul3A_660 : vector<16xf32>
          %mul3A_662 = arith.constant 4 : i32
          %mul3A_663 = arith.muli %scan3A_421, %mul3A_662 : i32
          %add3A_664 = arith.constant 1 : i32
          %add3A_665 = arith.addi %mul3A_663, %add3A_664 : i32
          %add3A_666 = vector.broadcast %add3A_665 : i32 to vector<16xi32>
          %add3A_667 = arith.addi %iota3A, %add3A_666 : vector<16xi32>
          %and3A_668 = arith.constant 63 : i32
          %and3A_669 = vector.broadcast %and3A_668 : i32 to vector<16xi32>
          %and3A_670 = arith.andi %add3A_667, %and3A_669 : vector<16xi32>
          %gather3A_671 = arith.constant 0 : i32
          %gather3A_672 = arith.constant 0 : i32
          %gather3A_673 = tpu.memref_slice %arg10[%rem3A_131, %gather3A_671, %gather3A_672] : memref<2x32x64xf32, #tpu.memory_space<vmem>> -> memref<1x32x64xf32, #tpu.memory_space<vmem>>
          %gather3A_674 = tpu.memref_squeeze %gather3A_673 : memref<1x32x64xf32, #tpu.memory_space<vmem>> -> memref<32x64xf32, #tpu.memory_space<vmem>>
          %gather3A_675 = tpu.vector_load_idx %gather3A_674[%add3A_252, %and3A_670] : memref<32x64xf32, #tpu.memory_space<vmem>>[vector<16xi32>, vector<16xi32>], vector<16xf32>,
          %gather3A_676 = arith.constant 0 : i32
          %gather3A_677 = arith.constant 0 : i32
          %gather3A_678 = tpu.memref_slice %arg11[%rem3A_131, %gather3A_676, %gather3A_677] : memref<2x32x64xf32, #tpu.memory_space<vmem>> -> memref<1x32x64xf32, #tpu.memory_space<vmem>>
          %gather3A_679 = tpu.memref_squeeze %gather3A_678 : memref<1x32x64xf32, #tpu.memory_space<vmem>> -> memref<32x64xf32, #tpu.memory_space<vmem>>
          %gather3A_680 = tpu.vector_load_idx %gather3A_679[%add3A_252, %and3A_670] : memref<32x64xf32, #tpu.memory_space<vmem>>[vector<16xi32>, vector<16xi32>], vector<16xf32>,
          %mul3A_681 = arith.mulf %gather3A_675, %gather3A_680 : vector<16xf32>
          %add3A_682 = arith.addf %add3A_461, %mul3A_681 : vector<16xf32>
          %add3A_683 = arith.constant 0 : i32
          %add3A_684 = vector.broadcast %add3A_683 : i32 to vector<16xi32>
          %add3A_685 = arith.addi %mul3A_255, %add3A_684 : vector<16xi32>
          %gather3A_686 = arith.constant 0 : i32
          %gather3A_687 = arith.constant 0 : i32
          %gather3A_688 = tpu.memref_slice %arg12[%rem3A_131, %gather3A_686, %gather3A_687] : memref<2x640x64xf32, #tpu.memory_space<vmem>> -> memref<1x640x64xf32, #tpu.memory_space<vmem>>
          %gather3A_689 = tpu.memref_squeeze %gather3A_688 : memref<1x640x64xf32, #tpu.memory_space<vmem>> -> memref<640x64xf32, #tpu.memory_space<vmem>>
          %gather3A_690 = tpu.vector_load_idx %gather3A_689[%add3A_685, %and3A_670] : memref<640x64xf32, #tpu.memory_space<vmem>>[vector<16xi32>, vector<16xi32>], vector<16xf32>,
          %mul3A_691 = arith.mulf %gather3A_675, %gather3A_690 : vector<16xf32>
          %add3A_692 = arith.addf %add3A_471, %mul3A_691 : vector<16xf32>
          %add3A_693 = arith.constant 1 : i32
          %add3A_694 = vector.broadcast %add3A_693 : i32 to vector<16xi32>
          %add3A_695 = arith.addi %mul3A_255, %add3A_694 : vector<16xi32>
          %gather3A_696 = arith.constant 0 : i32
          %gather3A_697 = arith.constant 0 : i32
          %gather3A_698 = tpu.memref_slice %arg12[%rem3A_131, %gather3A_696, %gather3A_697] : memref<2x640x64xf32, #tpu.memory_space<vmem>> -> memref<1x640x64xf32, #tpu.memory_space<vmem>>
          %gather3A_699 = tpu.memref_squeeze %gather3A_698 : memref<1x640x64xf32, #tpu.memory_space<vmem>> -> memref<640x64xf32, #tpu.memory_space<vmem>>
          %gather3A_700 = tpu.vector_load_idx %gather3A_699[%add3A_695, %and3A_670] : memref<640x64xf32, #tpu.memory_space<vmem>>[vector<16xi32>, vector<16xi32>], vector<16xf32>,
          %mul3A_701 = arith.mulf %gather3A_675, %gather3A_700 : vector<16xf32>
          %add3A_702 = arith.addf %add3A_481, %mul3A_701 : vector<16xf32>
          %add3A_703 = arith.constant 2 : i32
          %add3A_704 = vector.broadcast %add3A_703 : i32 to vector<16xi32>
          %add3A_705 = arith.addi %mul3A_255, %add3A_704 : vector<16xi32>
          %gather3A_706 = arith.constant 0 : i32
          %gather3A_707 = arith.constant 0 : i32
          %gather3A_708 = tpu.memref_slice %arg12[%rem3A_131, %gather3A_706, %gather3A_707] : memref<2x640x64xf32, #tpu.memory_space<vmem>> -> memref<1x640x64xf32, #tpu.memory_space<vmem>>
          %gather3A_709 = tpu.memref_squeeze %gather3A_708 : memref<1x640x64xf32, #tpu.memory_space<vmem>> -> memref<640x64xf32, #tpu.memory_space<vmem>>
          %gather3A_710 = tpu.vector_load_idx %gather3A_709[%add3A_705, %and3A_670] : memref<640x64xf32, #tpu.memory_space<vmem>>[vector<16xi32>, vector<16xi32>], vector<16xf32>,
          %mul3A_711 = arith.mulf %gather3A_675, %gather3A_710 : vector<16xf32>
          %add3A_712 = arith.addf %add3A_491, %mul3A_711 : vector<16xf32>
          %add3A_713 = arith.constant 3 : i32
          %add3A_714 = vector.broadcast %add3A_713 : i32 to vector<16xi32>
          %add3A_715 = arith.addi %mul3A_255, %add3A_714 : vector<16xi32>
          %gather3A_716 = arith.constant 0 : i32
          %gather3A_717 = arith.constant 0 : i32
          %gather3A_718 = tpu.memref_slice %arg12[%rem3A_131, %gather3A_716, %gather3A_717] : memref<2x640x64xf32, #tpu.memory_space<vmem>> -> memref<1x640x64xf32, #tpu.memory_space<vmem>>
          %gather3A_719 = tpu.memref_squeeze %gather3A_718 : memref<1x640x64xf32, #tpu.memory_space<vmem>> -> memref<640x64xf32, #tpu.memory_space<vmem>>
          %gather3A_720 = tpu.vector_load_idx %gather3A_719[%add3A_715, %and3A_670] : memref<640x64xf32, #tpu.memory_space<vmem>>[vector<16xi32>, vector<16xi32>], vector<16xf32>,
          %mul3A_721 = arith.mulf %gather3A_675, %gather3A_720 : vector<16xf32>
          %add3A_722 = arith.addf %add3A_501, %mul3A_721 : vector<16xf32>
          %add3A_723 = arith.constant 4 : i32
          %add3A_724 = vector.broadcast %add3A_723 : i32 to vector<16xi32>
          %add3A_725 = arith.addi %mul3A_255, %add3A_724 : vector<16xi32>
          %gather3A_726 = arith.constant 0 : i32
          %gather3A_727 = arith.constant 0 : i32
          %gather3A_728 = tpu.memref_slice %arg12[%rem3A_131, %gather3A_726, %gather3A_727] : memref<2x640x64xf32, #tpu.memory_space<vmem>> -> memref<1x640x64xf32, #tpu.memory_space<vmem>>
          %gather3A_729 = tpu.memref_squeeze %gather3A_728 : memref<1x640x64xf32, #tpu.memory_space<vmem>> -> memref<640x64xf32, #tpu.memory_space<vmem>>
          %gather3A_730 = tpu.vector_load_idx %gather3A_729[%add3A_725, %and3A_670] : memref<640x64xf32, #tpu.memory_space<vmem>>[vector<16xi32>, vector<16xi32>], vector<16xf32>,
          %mul3A_731 = arith.mulf %gather3A_675, %gather3A_730 : vector<16xf32>
          %add3A_732 = arith.addf %add3A_511, %mul3A_731 : vector<16xf32>
          %add3A_733 = arith.constant 5 : i32
          %add3A_734 = vector.broadcast %add3A_733 : i32 to vector<16xi32>
          %add3A_735 = arith.addi %mul3A_255, %add3A_734 : vector<16xi32>
          %gather3A_736 = arith.constant 0 : i32
          %gather3A_737 = arith.constant 0 : i32
          %gather3A_738 = tpu.memref_slice %arg12[%rem3A_131, %gather3A_736, %gather3A_737] : memref<2x640x64xf32, #tpu.memory_space<vmem>> -> memref<1x640x64xf32, #tpu.memory_space<vmem>>
          %gather3A_739 = tpu.memref_squeeze %gather3A_738 : memref<1x640x64xf32, #tpu.memory_space<vmem>> -> memref<640x64xf32, #tpu.memory_space<vmem>>
          %gather3A_740 = tpu.vector_load_idx %gather3A_739[%add3A_735, %and3A_670] : memref<640x64xf32, #tpu.memory_space<vmem>>[vector<16xi32>, vector<16xi32>], vector<16xf32>,
          %mul3A_741 = arith.mulf %gather3A_675, %gather3A_740 : vector<16xf32>
          %add3A_742 = arith.addf %add3A_521, %mul3A_741 : vector<16xf32>
          %add3A_743 = arith.constant 6 : i32
          %add3A_744 = vector.broadcast %add3A_743 : i32 to vector<16xi32>
          %add3A_745 = arith.addi %mul3A_255, %add3A_744 : vector<16xi32>
          %gather3A_746 = arith.constant 0 : i32
          %gather3A_747 = arith.constant 0 : i32
          %gather3A_748 = tpu.memref_slice %arg12[%rem3A_131, %gather3A_746, %gather3A_747] : memref<2x640x64xf32, #tpu.memory_space<vmem>> -> memref<1x640x64xf32, #tpu.memory_space<vmem>>
          %gather3A_749 = tpu.memref_squeeze %gather3A_748 : memref<1x640x64xf32, #tpu.memory_space<vmem>> -> memref<640x64xf32, #tpu.memory_space<vmem>>
          %gather3A_750 = tpu.vector_load_idx %gather3A_749[%add3A_745, %and3A_670] : memref<640x64xf32, #tpu.memory_space<vmem>>[vector<16xi32>, vector<16xi32>], vector<16xf32>,
          %mul3A_751 = arith.mulf %gather3A_675, %gather3A_750 : vector<16xf32>
          %add3A_752 = arith.addf %add3A_531, %mul3A_751 : vector<16xf32>
          %add3A_753 = arith.constant 7 : i32
          %add3A_754 = vector.broadcast %add3A_753 : i32 to vector<16xi32>
          %add3A_755 = arith.addi %mul3A_255, %add3A_754 : vector<16xi32>
          %gather3A_756 = arith.constant 0 : i32
          %gather3A_757 = arith.constant 0 : i32
          %gather3A_758 = tpu.memref_slice %arg12[%rem3A_131, %gather3A_756, %gather3A_757] : memref<2x640x64xf32, #tpu.memory_space<vmem>> -> memref<1x640x64xf32, #tpu.memory_space<vmem>>
          %gather3A_759 = tpu.memref_squeeze %gather3A_758 : memref<1x640x64xf32, #tpu.memory_space<vmem>> -> memref<640x64xf32, #tpu.memory_space<vmem>>
          %gather3A_760 = tpu.vector_load_idx %gather3A_759[%add3A_755, %and3A_670] : memref<640x64xf32, #tpu.memory_space<vmem>>[vector<16xi32>, vector<16xi32>], vector<16xf32>,
          %mul3A_761 = arith.mulf %gather3A_675, %gather3A_760 : vector<16xf32>
          %add3A_762 = arith.addf %add3A_541, %mul3A_761 : vector<16xf32>
          %add3A_763 = arith.constant 8 : i32
          %add3A_764 = vector.broadcast %add3A_763 : i32 to vector<16xi32>
          %add3A_765 = arith.addi %mul3A_255, %add3A_764 : vector<16xi32>
          %gather3A_766 = arith.constant 0 : i32
          %gather3A_767 = arith.constant 0 : i32
          %gather3A_768 = tpu.memref_slice %arg12[%rem3A_131, %gather3A_766, %gather3A_767] : memref<2x640x64xf32, #tpu.memory_space<vmem>> -> memref<1x640x64xf32, #tpu.memory_space<vmem>>
          %gather3A_769 = tpu.memref_squeeze %gather3A_768 : memref<1x640x64xf32, #tpu.memory_space<vmem>> -> memref<640x64xf32, #tpu.memory_space<vmem>>
          %gather3A_770 = tpu.vector_load_idx %gather3A_769[%add3A_765, %and3A_670] : memref<640x64xf32, #tpu.memory_space<vmem>>[vector<16xi32>, vector<16xi32>], vector<16xf32>,
          %mul3A_771 = arith.mulf %gather3A_675, %gather3A_770 : vector<16xf32>
          %add3A_772 = arith.addf %add3A_551, %mul3A_771 : vector<16xf32>
          %add3A_773 = arith.constant 9 : i32
          %add3A_774 = vector.broadcast %add3A_773 : i32 to vector<16xi32>
          %add3A_775 = arith.addi %mul3A_255, %add3A_774 : vector<16xi32>
          %gather3A_776 = arith.constant 0 : i32
          %gather3A_777 = arith.constant 0 : i32
          %gather3A_778 = tpu.memref_slice %arg12[%rem3A_131, %gather3A_776, %gather3A_777] : memref<2x640x64xf32, #tpu.memory_space<vmem>> -> memref<1x640x64xf32, #tpu.memory_space<vmem>>
          %gather3A_779 = tpu.memref_squeeze %gather3A_778 : memref<1x640x64xf32, #tpu.memory_space<vmem>> -> memref<640x64xf32, #tpu.memory_space<vmem>>
          %gather3A_780 = tpu.vector_load_idx %gather3A_779[%add3A_775, %and3A_670] : memref<640x64xf32, #tpu.memory_space<vmem>>[vector<16xi32>, vector<16xi32>], vector<16xf32>,
          %mul3A_781 = arith.mulf %gather3A_675, %gather3A_780 : vector<16xf32>
          %add3A_782 = arith.addf %add3A_561, %mul3A_781 : vector<16xf32>
          %add3A_783 = arith.constant 10 : i32
          %add3A_784 = vector.broadcast %add3A_783 : i32 to vector<16xi32>
          %add3A_785 = arith.addi %mul3A_255, %add3A_784 : vector<16xi32>
          %gather3A_786 = arith.constant 0 : i32
          %gather3A_787 = arith.constant 0 : i32
          %gather3A_788 = tpu.memref_slice %arg12[%rem3A_131, %gather3A_786, %gather3A_787] : memref<2x640x64xf32, #tpu.memory_space<vmem>> -> memref<1x640x64xf32, #tpu.memory_space<vmem>>
          %gather3A_789 = tpu.memref_squeeze %gather3A_788 : memref<1x640x64xf32, #tpu.memory_space<vmem>> -> memref<640x64xf32, #tpu.memory_space<vmem>>
          %gather3A_790 = tpu.vector_load_idx %gather3A_789[%add3A_785, %and3A_670] : memref<640x64xf32, #tpu.memory_space<vmem>>[vector<16xi32>, vector<16xi32>], vector<16xf32>,
          %mul3A_791 = arith.mulf %gather3A_675, %gather3A_790 : vector<16xf32>
          %add3A_792 = arith.addf %add3A_571, %mul3A_791 : vector<16xf32>
          %add3A_793 = arith.constant 11 : i32
          %add3A_794 = vector.broadcast %add3A_793 : i32 to vector<16xi32>
          %add3A_795 = arith.addi %mul3A_255, %add3A_794 : vector<16xi32>
          %gather3A_796 = arith.constant 0 : i32
          %gather3A_797 = arith.constant 0 : i32
          %gather3A_798 = tpu.memref_slice %arg12[%rem3A_131, %gather3A_796, %gather3A_797] : memref<2x640x64xf32, #tpu.memory_space<vmem>> -> memref<1x640x64xf32, #tpu.memory_space<vmem>>
          %gather3A_799 = tpu.memref_squeeze %gather3A_798 : memref<1x640x64xf32, #tpu.memory_space<vmem>> -> memref<640x64xf32, #tpu.memory_space<vmem>>
          %gather3A_800 = tpu.vector_load_idx %gather3A_799[%add3A_795, %and3A_670] : memref<640x64xf32, #tpu.memory_space<vmem>>[vector<16xi32>, vector<16xi32>], vector<16xf32>,
          %mul3A_801 = arith.mulf %gather3A_675, %gather3A_800 : vector<16xf32>
          %add3A_802 = arith.addf %add3A_581, %mul3A_801 : vector<16xf32>
          %add3A_803 = arith.constant 12 : i32
          %add3A_804 = vector.broadcast %add3A_803 : i32 to vector<16xi32>
          %add3A_805 = arith.addi %mul3A_255, %add3A_804 : vector<16xi32>
          %gather3A_806 = arith.constant 0 : i32
          %gather3A_807 = arith.constant 0 : i32
          %gather3A_808 = tpu.memref_slice %arg12[%rem3A_131, %gather3A_806, %gather3A_807] : memref<2x640x64xf32, #tpu.memory_space<vmem>> -> memref<1x640x64xf32, #tpu.memory_space<vmem>>
          %gather3A_809 = tpu.memref_squeeze %gather3A_808 : memref<1x640x64xf32, #tpu.memory_space<vmem>> -> memref<640x64xf32, #tpu.memory_space<vmem>>
          %gather3A_810 = tpu.vector_load_idx %gather3A_809[%add3A_805, %and3A_670] : memref<640x64xf32, #tpu.memory_space<vmem>>[vector<16xi32>, vector<16xi32>], vector<16xf32>,
          %mul3A_811 = arith.mulf %gather3A_675, %gather3A_810 : vector<16xf32>
          %add3A_812 = arith.addf %add3A_591, %mul3A_811 : vector<16xf32>
          %add3A_813 = arith.constant 13 : i32
          %add3A_814 = vector.broadcast %add3A_813 : i32 to vector<16xi32>
          %add3A_815 = arith.addi %mul3A_255, %add3A_814 : vector<16xi32>
          %gather3A_816 = arith.constant 0 : i32
          %gather3A_817 = arith.constant 0 : i32
          %gather3A_818 = tpu.memref_slice %arg12[%rem3A_131, %gather3A_816, %gather3A_817] : memref<2x640x64xf32, #tpu.memory_space<vmem>> -> memref<1x640x64xf32, #tpu.memory_space<vmem>>
          %gather3A_819 = tpu.memref_squeeze %gather3A_818 : memref<1x640x64xf32, #tpu.memory_space<vmem>> -> memref<640x64xf32, #tpu.memory_space<vmem>>
          %gather3A_820 = tpu.vector_load_idx %gather3A_819[%add3A_815, %and3A_670] : memref<640x64xf32, #tpu.memory_space<vmem>>[vector<16xi32>, vector<16xi32>], vector<16xf32>,
          %mul3A_821 = arith.mulf %gather3A_675, %gather3A_820 : vector<16xf32>
          %add3A_822 = arith.addf %add3A_601, %mul3A_821 : vector<16xf32>
          %add3A_823 = arith.constant 14 : i32
          %add3A_824 = vector.broadcast %add3A_823 : i32 to vector<16xi32>
          %add3A_825 = arith.addi %mul3A_255, %add3A_824 : vector<16xi32>
          %gather3A_826 = arith.constant 0 : i32
          %gather3A_827 = arith.constant 0 : i32
          %gather3A_828 = tpu.memref_slice %arg12[%rem3A_131, %gather3A_826, %gather3A_827] : memref<2x640x64xf32, #tpu.memory_space<vmem>> -> memref<1x640x64xf32, #tpu.memory_space<vmem>>
          %gather3A_829 = tpu.memref_squeeze %gather3A_828 : memref<1x640x64xf32, #tpu.memory_space<vmem>> -> memref<640x64xf32, #tpu.memory_space<vmem>>
          %gather3A_830 = tpu.vector_load_idx %gather3A_829[%add3A_825, %and3A_670] : memref<640x64xf32, #tpu.memory_space<vmem>>[vector<16xi32>, vector<16xi32>], vector<16xf32>,
          %mul3A_831 = arith.mulf %gather3A_675, %gather3A_830 : vector<16xf32>
          %add3A_832 = arith.addf %add3A_611, %mul3A_831 : vector<16xf32>
          %add3A_833 = arith.constant 15 : i32
          %add3A_834 = vector.broadcast %add3A_833 : i32 to vector<16xi32>
          %add3A_835 = arith.addi %mul3A_255, %add3A_834 : vector<16xi32>
          %gather3A_836 = arith.constant 0 : i32
          %gather3A_837 = arith.constant 0 : i32
          %gather3A_838 = tpu.memref_slice %arg12[%rem3A_131, %gather3A_836, %gather3A_837] : memref<2x640x64xf32, #tpu.memory_space<vmem>> -> memref<1x640x64xf32, #tpu.memory_space<vmem>>
          %gather3A_839 = tpu.memref_squeeze %gather3A_838 : memref<1x640x64xf32, #tpu.memory_space<vmem>> -> memref<640x64xf32, #tpu.memory_space<vmem>>
          %gather3A_840 = tpu.vector_load_idx %gather3A_839[%add3A_835, %and3A_670] : memref<640x64xf32, #tpu.memory_space<vmem>>[vector<16xi32>, vector<16xi32>], vector<16xf32>,
          %mul3A_841 = arith.mulf %gather3A_675, %gather3A_840 : vector<16xf32>
          %add3A_842 = arith.addf %add3A_621, %mul3A_841 : vector<16xf32>
          %add3A_843 = arith.constant 16 : i32
          %add3A_844 = vector.broadcast %add3A_843 : i32 to vector<16xi32>
          %add3A_845 = arith.addi %mul3A_255, %add3A_844 : vector<16xi32>
          %gather3A_846 = arith.constant 0 : i32
          %gather3A_847 = arith.constant 0 : i32
          %gather3A_848 = tpu.memref_slice %arg12[%rem3A_131, %gather3A_846, %gather3A_847] : memref<2x640x64xf32, #tpu.memory_space<vmem>> -> memref<1x640x64xf32, #tpu.memory_space<vmem>>
          %gather3A_849 = tpu.memref_squeeze %gather3A_848 : memref<1x640x64xf32, #tpu.memory_space<vmem>> -> memref<640x64xf32, #tpu.memory_space<vmem>>
          %gather3A_850 = tpu.vector_load_idx %gather3A_849[%add3A_845, %and3A_670] : memref<640x64xf32, #tpu.memory_space<vmem>>[vector<16xi32>, vector<16xi32>], vector<16xf32>,
          %mul3A_851 = arith.mulf %gather3A_675, %gather3A_850 : vector<16xf32>
          %add3A_852 = arith.addf %add3A_631, %mul3A_851 : vector<16xf32>
          %add3A_853 = arith.constant 17 : i32
          %add3A_854 = vector.broadcast %add3A_853 : i32 to vector<16xi32>
          %add3A_855 = arith.addi %mul3A_255, %add3A_854 : vector<16xi32>
          %gather3A_856 = arith.constant 0 : i32
          %gather3A_857 = arith.constant 0 : i32
          %gather3A_858 = tpu.memref_slice %arg12[%rem3A_131, %gather3A_856, %gather3A_857] : memref<2x640x64xf32, #tpu.memory_space<vmem>> -> memref<1x640x64xf32, #tpu.memory_space<vmem>>
          %gather3A_859 = tpu.memref_squeeze %gather3A_858 : memref<1x640x64xf32, #tpu.memory_space<vmem>> -> memref<640x64xf32, #tpu.memory_space<vmem>>
          %gather3A_860 = tpu.vector_load_idx %gather3A_859[%add3A_855, %and3A_670] : memref<640x64xf32, #tpu.memory_space<vmem>>[vector<16xi32>, vector<16xi32>], vector<16xf32>,
          %mul3A_861 = arith.mulf %gather3A_675, %gather3A_860 : vector<16xf32>
          %add3A_862 = arith.addf %add3A_641, %mul3A_861 : vector<16xf32>
          %add3A_863 = arith.constant 18 : i32
          %add3A_864 = vector.broadcast %add3A_863 : i32 to vector<16xi32>
          %add3A_865 = arith.addi %mul3A_255, %add3A_864 : vector<16xi32>
          %gather3A_866 = arith.constant 0 : i32
          %gather3A_867 = arith.constant 0 : i32
          %gather3A_868 = tpu.memref_slice %arg12[%rem3A_131, %gather3A_866, %gather3A_867] : memref<2x640x64xf32, #tpu.memory_space<vmem>> -> memref<1x640x64xf32, #tpu.memory_space<vmem>>
          %gather3A_869 = tpu.memref_squeeze %gather3A_868 : memref<1x640x64xf32, #tpu.memory_space<vmem>> -> memref<640x64xf32, #tpu.memory_space<vmem>>
          %gather3A_870 = tpu.vector_load_idx %gather3A_869[%add3A_865, %and3A_670] : memref<640x64xf32, #tpu.memory_space<vmem>>[vector<16xi32>, vector<16xi32>], vector<16xf32>,
          %mul3A_871 = arith.mulf %gather3A_675, %gather3A_870 : vector<16xf32>
          %add3A_872 = arith.addf %add3A_651, %mul3A_871 : vector<16xf32>
          %add3A_873 = arith.constant 19 : i32
          %add3A_874 = vector.broadcast %add3A_873 : i32 to vector<16xi32>
          %add3A_875 = arith.addi %mul3A_255, %add3A_874 : vector<16xi32>
          %gather3A_876 = arith.constant 0 : i32
          %gather3A_877 = arith.constant 0 : i32
          %gather3A_878 = tpu.memref_slice %arg12[%rem3A_131, %gather3A_876, %gather3A_877] : memref<2x640x64xf32, #tpu.memory_space<vmem>> -> memref<1x640x64xf32, #tpu.memory_space<vmem>>
          %gather3A_879 = tpu.memref_squeeze %gather3A_878 : memref<1x640x64xf32, #tpu.memory_space<vmem>> -> memref<640x64xf32, #tpu.memory_space<vmem>>
          %gather3A_880 = tpu.vector_load_idx %gather3A_879[%add3A_875, %and3A_670] : memref<640x64xf32, #tpu.memory_space<vmem>>[vector<16xi32>, vector<16xi32>], vector<16xf32>,
          %mul3A_881 = arith.mulf %gather3A_675, %gather3A_880 : vector<16xf32>
          %add3A_882 = arith.addf %add3A_661, %mul3A_881 : vector<16xf32>
          %mul3A_883 = arith.constant 4 : i32
          %mul3A_884 = arith.muli %scan3A_421, %mul3A_883 : i32
          %add3A_885 = arith.constant 2 : i32
          %add3A_886 = arith.addi %mul3A_884, %add3A_885 : i32
          %add3A_887 = vector.broadcast %add3A_886 : i32 to vector<16xi32>
          %add3A_888 = arith.addi %iota3A, %add3A_887 : vector<16xi32>
          %and3A_889 = arith.constant 63 : i32
          %and3A_890 = vector.broadcast %and3A_889 : i32 to vector<16xi32>
          %and3A_891 = arith.andi %add3A_888, %and3A_890 : vector<16xi32>
          %gather3A_892 = arith.constant 0 : i32
          %gather3A_893 = arith.constant 0 : i32
          %gather3A_894 = tpu.memref_slice %arg10[%rem3A_131, %gather3A_892, %gather3A_893] : memref<2x32x64xf32, #tpu.memory_space<vmem>> -> memref<1x32x64xf32, #tpu.memory_space<vmem>>
          %gather3A_895 = tpu.memref_squeeze %gather3A_894 : memref<1x32x64xf32, #tpu.memory_space<vmem>> -> memref<32x64xf32, #tpu.memory_space<vmem>>
          %gather3A_896 = tpu.vector_load_idx %gather3A_895[%add3A_252, %and3A_891] : memref<32x64xf32, #tpu.memory_space<vmem>>[vector<16xi32>, vector<16xi32>], vector<16xf32>,
          %gather3A_897 = arith.constant 0 : i32
          %gather3A_898 = arith.constant 0 : i32
          %gather3A_899 = tpu.memref_slice %arg11[%rem3A_131, %gather3A_897, %gather3A_898] : memref<2x32x64xf32, #tpu.memory_space<vmem>> -> memref<1x32x64xf32, #tpu.memory_space<vmem>>
          %gather3A_900 = tpu.memref_squeeze %gather3A_899 : memref<1x32x64xf32, #tpu.memory_space<vmem>> -> memref<32x64xf32, #tpu.memory_space<vmem>>
          %gather3A_901 = tpu.vector_load_idx %gather3A_900[%add3A_252, %and3A_891] : memref<32x64xf32, #tpu.memory_space<vmem>>[vector<16xi32>, vector<16xi32>], vector<16xf32>,
          %mul3A_902 = arith.mulf %gather3A_896, %gather3A_901 : vector<16xf32>
          %add3A_903 = arith.addf %add3A_682, %mul3A_902 : vector<16xf32>
          %add3A_904 = arith.constant 0 : i32
          %add3A_905 = vector.broadcast %add3A_904 : i32 to vector<16xi32>
          %add3A_906 = arith.addi %mul3A_255, %add3A_905 : vector<16xi32>
          %gather3A_907 = arith.constant 0 : i32
          %gather3A_908 = arith.constant 0 : i32
          %gather3A_909 = tpu.memref_slice %arg12[%rem3A_131, %gather3A_907, %gather3A_908] : memref<2x640x64xf32, #tpu.memory_space<vmem>> -> memref<1x640x64xf32, #tpu.memory_space<vmem>>
          %gather3A_910 = tpu.memref_squeeze %gather3A_909 : memref<1x640x64xf32, #tpu.memory_space<vmem>> -> memref<640x64xf32, #tpu.memory_space<vmem>>
          %gather3A_911 = tpu.vector_load_idx %gather3A_910[%add3A_906, %and3A_891] : memref<640x64xf32, #tpu.memory_space<vmem>>[vector<16xi32>, vector<16xi32>], vector<16xf32>,
          %mul3A_912 = arith.mulf %gather3A_896, %gather3A_911 : vector<16xf32>
          %add3A_913 = arith.addf %add3A_692, %mul3A_912 : vector<16xf32>
          %add3A_914 = arith.constant 1 : i32
          %add3A_915 = vector.broadcast %add3A_914 : i32 to vector<16xi32>
          %add3A_916 = arith.addi %mul3A_255, %add3A_915 : vector<16xi32>
          %gather3A_917 = arith.constant 0 : i32
          %gather3A_918 = arith.constant 0 : i32
          %gather3A_919 = tpu.memref_slice %arg12[%rem3A_131, %gather3A_917, %gather3A_918] : memref<2x640x64xf32, #tpu.memory_space<vmem>> -> memref<1x640x64xf32, #tpu.memory_space<vmem>>
          %gather3A_920 = tpu.memref_squeeze %gather3A_919 : memref<1x640x64xf32, #tpu.memory_space<vmem>> -> memref<640x64xf32, #tpu.memory_space<vmem>>
          %gather3A_921 = tpu.vector_load_idx %gather3A_920[%add3A_916, %and3A_891] : memref<640x64xf32, #tpu.memory_space<vmem>>[vector<16xi32>, vector<16xi32>], vector<16xf32>,
          %mul3A_922 = arith.mulf %gather3A_896, %gather3A_921 : vector<16xf32>
          %add3A_923 = arith.addf %add3A_702, %mul3A_922 : vector<16xf32>
          %add3A_924 = arith.constant 2 : i32
          %add3A_925 = vector.broadcast %add3A_924 : i32 to vector<16xi32>
          %add3A_926 = arith.addi %mul3A_255, %add3A_925 : vector<16xi32>
          %gather3A_927 = arith.constant 0 : i32
          %gather3A_928 = arith.constant 0 : i32
          %gather3A_929 = tpu.memref_slice %arg12[%rem3A_131, %gather3A_927, %gather3A_928] : memref<2x640x64xf32, #tpu.memory_space<vmem>> -> memref<1x640x64xf32, #tpu.memory_space<vmem>>
          %gather3A_930 = tpu.memref_squeeze %gather3A_929 : memref<1x640x64xf32, #tpu.memory_space<vmem>> -> memref<640x64xf32, #tpu.memory_space<vmem>>
          %gather3A_931 = tpu.vector_load_idx %gather3A_930[%add3A_926, %and3A_891] : memref<640x64xf32, #tpu.memory_space<vmem>>[vector<16xi32>, vector<16xi32>], vector<16xf32>,
          %mul3A_932 = arith.mulf %gather3A_896, %gather3A_931 : vector<16xf32>
          %add3A_933 = arith.addf %add3A_712, %mul3A_932 : vector<16xf32>
          %add3A_934 = arith.constant 3 : i32
          %add3A_935 = vector.broadcast %add3A_934 : i32 to vector<16xi32>
          %add3A_936 = arith.addi %mul3A_255, %add3A_935 : vector<16xi32>
          %gather3A_937 = arith.constant 0 : i32
          %gather3A_938 = arith.constant 0 : i32
          %gather3A_939 = tpu.memref_slice %arg12[%rem3A_131, %gather3A_937, %gather3A_938] : memref<2x640x64xf32, #tpu.memory_space<vmem>> -> memref<1x640x64xf32, #tpu.memory_space<vmem>>
          %gather3A_940 = tpu.memref_squeeze %gather3A_939 : memref<1x640x64xf32, #tpu.memory_space<vmem>> -> memref<640x64xf32, #tpu.memory_space<vmem>>
          %gather3A_941 = tpu.vector_load_idx %gather3A_940[%add3A_936, %and3A_891] : memref<640x64xf32, #tpu.memory_space<vmem>>[vector<16xi32>, vector<16xi32>], vector<16xf32>,
          %mul3A_942 = arith.mulf %gather3A_896, %gather3A_941 : vector<16xf32>
          %add3A_943 = arith.addf %add3A_722, %mul3A_942 : vector<16xf32>
          %add3A_944 = arith.constant 4 : i32
          %add3A_945 = vector.broadcast %add3A_944 : i32 to vector<16xi32>
          %add3A_946 = arith.addi %mul3A_255, %add3A_945 : vector<16xi32>
          %gather3A_947 = arith.constant 0 : i32
          %gather3A_948 = arith.constant 0 : i32
          %gather3A_949 = tpu.memref_slice %arg12[%rem3A_131, %gather3A_947, %gather3A_948] : memref<2x640x64xf32, #tpu.memory_space<vmem>> -> memref<1x640x64xf32, #tpu.memory_space<vmem>>
          %gather3A_950 = tpu.memref_squeeze %gather3A_949 : memref<1x640x64xf32, #tpu.memory_space<vmem>> -> memref<640x64xf32, #tpu.memory_space<vmem>>
          %gather3A_951 = tpu.vector_load_idx %gather3A_950[%add3A_946, %and3A_891] : memref<640x64xf32, #tpu.memory_space<vmem>>[vector<16xi32>, vector<16xi32>], vector<16xf32>,
          %mul3A_952 = arith.mulf %gather3A_896, %gather3A_951 : vector<16xf32>
          %add3A_953 = arith.addf %add3A_732, %mul3A_952 : vector<16xf32>
          %add3A_954 = arith.constant 5 : i32
          %add3A_955 = vector.broadcast %add3A_954 : i32 to vector<16xi32>
          %add3A_956 = arith.addi %mul3A_255, %add3A_955 : vector<16xi32>
          %gather3A_957 = arith.constant 0 : i32
          %gather3A_958 = arith.constant 0 : i32
          %gather3A_959 = tpu.memref_slice %arg12[%rem3A_131, %gather3A_957, %gather3A_958] : memref<2x640x64xf32, #tpu.memory_space<vmem>> -> memref<1x640x64xf32, #tpu.memory_space<vmem>>
          %gather3A_960 = tpu.memref_squeeze %gather3A_959 : memref<1x640x64xf32, #tpu.memory_space<vmem>> -> memref<640x64xf32, #tpu.memory_space<vmem>>
          %gather3A_961 = tpu.vector_load_idx %gather3A_960[%add3A_956, %and3A_891] : memref<640x64xf32, #tpu.memory_space<vmem>>[vector<16xi32>, vector<16xi32>], vector<16xf32>,
          %mul3A_962 = arith.mulf %gather3A_896, %gather3A_961 : vector<16xf32>
          %add3A_963 = arith.addf %add3A_742, %mul3A_962 : vector<16xf32>
          %add3A_964 = arith.constant 6 : i32
          %add3A_965 = vector.broadcast %add3A_964 : i32 to vector<16xi32>
          %add3A_966 = arith.addi %mul3A_255, %add3A_965 : vector<16xi32>
          %gather3A_967 = arith.constant 0 : i32
          %gather3A_968 = arith.constant 0 : i32
          %gather3A_969 = tpu.memref_slice %arg12[%rem3A_131, %gather3A_967, %gather3A_968] : memref<2x640x64xf32, #tpu.memory_space<vmem>> -> memref<1x640x64xf32, #tpu.memory_space<vmem>>
          %gather3A_970 = tpu.memref_squeeze %gather3A_969 : memref<1x640x64xf32, #tpu.memory_space<vmem>> -> memref<640x64xf32, #tpu.memory_space<vmem>>
          %gather3A_971 = tpu.vector_load_idx %gather3A_970[%add3A_966, %and3A_891] : memref<640x64xf32, #tpu.memory_space<vmem>>[vector<16xi32>, vector<16xi32>], vector<16xf32>,
          %mul3A_972 = arith.mulf %gather3A_896, %gather3A_971 : vector<16xf32>
          %add3A_973 = arith.addf %add3A_752, %mul3A_972 : vector<16xf32>
          %add3A_974 = arith.constant 7 : i32
          %add3A_975 = vector.broadcast %add3A_974 : i32 to vector<16xi32>
          %add3A_976 = arith.addi %mul3A_255, %add3A_975 : vector<16xi32>
          %gather3A_977 = arith.constant 0 : i32
          %gather3A_978 = arith.constant 0 : i32
          %gather3A_979 = tpu.memref_slice %arg12[%rem3A_131, %gather3A_977, %gather3A_978] : memref<2x640x64xf32, #tpu.memory_space<vmem>> -> memref<1x640x64xf32, #tpu.memory_space<vmem>>
          %gather3A_980 = tpu.memref_squeeze %gather3A_979 : memref<1x640x64xf32, #tpu.memory_space<vmem>> -> memref<640x64xf32, #tpu.memory_space<vmem>>
          %gather3A_981 = tpu.vector_load_idx %gather3A_980[%add3A_976, %and3A_891] : memref<640x64xf32, #tpu.memory_space<vmem>>[vector<16xi32>, vector<16xi32>], vector<16xf32>,
          %mul3A_982 = arith.mulf %gather3A_896, %gather3A_981 : vector<16xf32>
          %add3A_983 = arith.addf %add3A_762, %mul3A_982 : vector<16xf32>
          %add3A_984 = arith.constant 8 : i32
          %add3A_985 = vector.broadcast %add3A_984 : i32 to vector<16xi32>
          %add3A_986 = arith.addi %mul3A_255, %add3A_985 : vector<16xi32>
          %gather3A_987 = arith.constant 0 : i32
          %gather3A_988 = arith.constant 0 : i32
          %gather3A_989 = tpu.memref_slice %arg12[%rem3A_131, %gather3A_987, %gather3A_988] : memref<2x640x64xf32, #tpu.memory_space<vmem>> -> memref<1x640x64xf32, #tpu.memory_space<vmem>>
          %gather3A_990 = tpu.memref_squeeze %gather3A_989 : memref<1x640x64xf32, #tpu.memory_space<vmem>> -> memref<640x64xf32, #tpu.memory_space<vmem>>
          %gather3A_991 = tpu.vector_load_idx %gather3A_990[%add3A_986, %and3A_891] : memref<640x64xf32, #tpu.memory_space<vmem>>[vector<16xi32>, vector<16xi32>], vector<16xf32>,
          %mul3A_992 = arith.mulf %gather3A_896, %gather3A_991 : vector<16xf32>
          %add3A_993 = arith.addf %add3A_772, %mul3A_992 : vector<16xf32>
          %add3A_994 = arith.constant 9 : i32
          %add3A_995 = vector.broadcast %add3A_994 : i32 to vector<16xi32>
          %add3A_996 = arith.addi %mul3A_255, %add3A_995 : vector<16xi32>
          %gather3A_997 = arith.constant 0 : i32
          %gather3A_998 = arith.constant 0 : i32
          %gather3A_999 = tpu.memref_slice %arg12[%rem3A_131, %gather3A_997, %gather3A_998] : memref<2x640x64xf32, #tpu.memory_space<vmem>> -> memref<1x640x64xf32, #tpu.memory_space<vmem>>
          %gather3A_1000 = tpu.memref_squeeze %gather3A_999 : memref<1x640x64xf32, #tpu.memory_space<vmem>> -> memref<640x64xf32, #tpu.memory_space<vmem>>
          %gather3A_1001 = tpu.vector_load_idx %gather3A_1000[%add3A_996, %and3A_891] : memref<640x64xf32, #tpu.memory_space<vmem>>[vector<16xi32>, vector<16xi32>], vector<16xf32>,
          %mul3A_1002 = arith.mulf %gather3A_896, %gather3A_1001 : vector<16xf32>
          %add3A_1003 = arith.addf %add3A_782, %mul3A_1002 : vector<16xf32>
          %add3A_1004 = arith.constant 10 : i32
          %add3A_1005 = vector.broadcast %add3A_1004 : i32 to vector<16xi32>
          %add3A_1006 = arith.addi %mul3A_255, %add3A_1005 : vector<16xi32>
          %gather3A_1007 = arith.constant 0 : i32
          %gather3A_1008 = arith.constant 0 : i32
          %gather3A_1009 = tpu.memref_slice %arg12[%rem3A_131, %gather3A_1007, %gather3A_1008] : memref<2x640x64xf32, #tpu.memory_space<vmem>> -> memref<1x640x64xf32, #tpu.memory_space<vmem>>
          %gather3A_1010 = tpu.memref_squeeze %gather3A_1009 : memref<1x640x64xf32, #tpu.memory_space<vmem>> -> memref<640x64xf32, #tpu.memory_space<vmem>>
          %gather3A_1011 = tpu.vector_load_idx %gather3A_1010[%add3A_1006, %and3A_891] : memref<640x64xf32, #tpu.memory_space<vmem>>[vector<16xi32>, vector<16xi32>], vector<16xf32>,
          %mul3A_1012 = arith.mulf %gather3A_896, %gather3A_1011 : vector<16xf32>
          %add3A_1013 = arith.addf %add3A_792, %mul3A_1012 : vector<16xf32>
          %add3A_1014 = arith.constant 11 : i32
          %add3A_1015 = vector.broadcast %add3A_1014 : i32 to vector<16xi32>
          %add3A_1016 = arith.addi %mul3A_255, %add3A_1015 : vector<16xi32>
          %gather3A_1017 = arith.constant 0 : i32
          %gather3A_1018 = arith.constant 0 : i32
          %gather3A_1019 = tpu.memref_slice %arg12[%rem3A_131, %gather3A_1017, %gather3A_1018] : memref<2x640x64xf32, #tpu.memory_space<vmem>> -> memref<1x640x64xf32, #tpu.memory_space<vmem>>
          %gather3A_1020 = tpu.memref_squeeze %gather3A_1019 : memref<1x640x64xf32, #tpu.memory_space<vmem>> -> memref<640x64xf32, #tpu.memory_space<vmem>>
          %gather3A_1021 = tpu.vector_load_idx %gather3A_1020[%add3A_1016, %and3A_891] : memref<640x64xf32, #tpu.memory_space<vmem>>[vector<16xi32>, vector<16xi32>], vector<16xf32>,
          %mul3A_1022 = arith.mulf %gather3A_896, %gather3A_1021 : vector<16xf32>
          %add3A_1023 = arith.addf %add3A_802, %mul3A_1022 : vector<16xf32>
          %add3A_1024 = arith.constant 12 : i32
          %add3A_1025 = vector.broadcast %add3A_1024 : i32 to vector<16xi32>
          %add3A_1026 = arith.addi %mul3A_255, %add3A_1025 : vector<16xi32>
          %gather3A_1027 = arith.constant 0 : i32
          %gather3A_1028 = arith.constant 0 : i32
          %gather3A_1029 = tpu.memref_slice %arg12[%rem3A_131, %gather3A_1027, %gather3A_1028] : memref<2x640x64xf32, #tpu.memory_space<vmem>> -> memref<1x640x64xf32, #tpu.memory_space<vmem>>
          %gather3A_1030 = tpu.memref_squeeze %gather3A_1029 : memref<1x640x64xf32, #tpu.memory_space<vmem>> -> memref<640x64xf32, #tpu.memory_space<vmem>>
          %gather3A_1031 = tpu.vector_load_idx %gather3A_1030[%add3A_1026, %and3A_891] : memref<640x64xf32, #tpu.memory_space<vmem>>[vector<16xi32>, vector<16xi32>], vector<16xf32>,
          %mul3A_1032 = arith.mulf %gather3A_896, %gather3A_1031 : vector<16xf32>
          %add3A_1033 = arith.addf %add3A_812, %mul3A_1032 : vector<16xf32>
          %add3A_1034 = arith.constant 13 : i32
          %add3A_1035 = vector.broadcast %add3A_1034 : i32 to vector<16xi32>
          %add3A_1036 = arith.addi %mul3A_255, %add3A_1035 : vector<16xi32>
          %gather3A_1037 = arith.constant 0 : i32
          %gather3A_1038 = arith.constant 0 : i32
          %gather3A_1039 = tpu.memref_slice %arg12[%rem3A_131, %gather3A_1037, %gather3A_1038] : memref<2x640x64xf32, #tpu.memory_space<vmem>> -> memref<1x640x64xf32, #tpu.memory_space<vmem>>
          %gather3A_1040 = tpu.memref_squeeze %gather3A_1039 : memref<1x640x64xf32, #tpu.memory_space<vmem>> -> memref<640x64xf32, #tpu.memory_space<vmem>>
          %gather3A_1041 = tpu.vector_load_idx %gather3A_1040[%add3A_1036, %and3A_891] : memref<640x64xf32, #tpu.memory_space<vmem>>[vector<16xi32>, vector<16xi32>], vector<16xf32>,
          %mul3A_1042 = arith.mulf %gather3A_896, %gather3A_1041 : vector<16xf32>
          %add3A_1043 = arith.addf %add3A_822, %mul3A_1042 : vector<16xf32>
          %add3A_1044 = arith.constant 14 : i32
          %add3A_1045 = vector.broadcast %add3A_1044 : i32 to vector<16xi32>
          %add3A_1046 = arith.addi %mul3A_255, %add3A_1045 : vector<16xi32>
          %gather3A_1047 = arith.constant 0 : i32
          %gather3A_1048 = arith.constant 0 : i32
          %gather3A_1049 = tpu.memref_slice %arg12[%rem3A_131, %gather3A_1047, %gather3A_1048] : memref<2x640x64xf32, #tpu.memory_space<vmem>> -> memref<1x640x64xf32, #tpu.memory_space<vmem>>
          %gather3A_1050 = tpu.memref_squeeze %gather3A_1049 : memref<1x640x64xf32, #tpu.memory_space<vmem>> -> memref<640x64xf32, #tpu.memory_space<vmem>>
          %gather3A_1051 = tpu.vector_load_idx %gather3A_1050[%add3A_1046, %and3A_891] : memref<640x64xf32, #tpu.memory_space<vmem>>[vector<16xi32>, vector<16xi32>], vector<16xf32>,
          %mul3A_1052 = arith.mulf %gather3A_896, %gather3A_1051 : vector<16xf32>
          %add3A_1053 = arith.addf %add3A_832, %mul3A_1052 : vector<16xf32>
          %add3A_1054 = arith.constant 15 : i32
          %add3A_1055 = vector.broadcast %add3A_1054 : i32 to vector<16xi32>
          %add3A_1056 = arith.addi %mul3A_255, %add3A_1055 : vector<16xi32>
          %gather3A_1057 = arith.constant 0 : i32
          %gather3A_1058 = arith.constant 0 : i32
          %gather3A_1059 = tpu.memref_slice %arg12[%rem3A_131, %gather3A_1057, %gather3A_1058] : memref<2x640x64xf32, #tpu.memory_space<vmem>> -> memref<1x640x64xf32, #tpu.memory_space<vmem>>
          %gather3A_1060 = tpu.memref_squeeze %gather3A_1059 : memref<1x640x64xf32, #tpu.memory_space<vmem>> -> memref<640x64xf32, #tpu.memory_space<vmem>>
          %gather3A_1061 = tpu.vector_load_idx %gather3A_1060[%add3A_1056, %and3A_891] : memref<640x64xf32, #tpu.memory_space<vmem>>[vector<16xi32>, vector<16xi32>], vector<16xf32>,
          %mul3A_1062 = arith.mulf %gather3A_896, %gather3A_1061 : vector<16xf32>
          %add3A_1063 = arith.addf %add3A_842, %mul3A_1062 : vector<16xf32>
          %add3A_1064 = arith.constant 16 : i32
          %add3A_1065 = vector.broadcast %add3A_1064 : i32 to vector<16xi32>
          %add3A_1066 = arith.addi %mul3A_255, %add3A_1065 : vector<16xi32>
          %gather3A_1067 = arith.constant 0 : i32
          %gather3A_1068 = arith.constant 0 : i32
          %gather3A_1069 = tpu.memref_slice %arg12[%rem3A_131, %gather3A_1067, %gather3A_1068] : memref<2x640x64xf32, #tpu.memory_space<vmem>> -> memref<1x640x64xf32, #tpu.memory_space<vmem>>
          %gather3A_1070 = tpu.memref_squeeze %gather3A_1069 : memref<1x640x64xf32, #tpu.memory_space<vmem>> -> memref<640x64xf32, #tpu.memory_space<vmem>>
          %gather3A_1071 = tpu.vector_load_idx %gather3A_1070[%add3A_1066, %and3A_891] : memref<640x64xf32, #tpu.memory_space<vmem>>[vector<16xi32>, vector<16xi32>], vector<16xf32>,
          %mul3A_1072 = arith.mulf %gather3A_896, %gather3A_1071 : vector<16xf32>
          %add3A_1073 = arith.addf %add3A_852, %mul3A_1072 : vector<16xf32>
          %add3A_1074 = arith.constant 17 : i32
          %add3A_1075 = vector.broadcast %add3A_1074 : i32 to vector<16xi32>
          %add3A_1076 = arith.addi %mul3A_255, %add3A_1075 : vector<16xi32>
          %gather3A_1077 = arith.constant 0 : i32
          %gather3A_1078 = arith.constant 0 : i32
          %gather3A_1079 = tpu.memref_slice %arg12[%rem3A_131, %gather3A_1077, %gather3A_1078] : memref<2x640x64xf32, #tpu.memory_space<vmem>> -> memref<1x640x64xf32, #tpu.memory_space<vmem>>
          %gather3A_1080 = tpu.memref_squeeze %gather3A_1079 : memref<1x640x64xf32, #tpu.memory_space<vmem>> -> memref<640x64xf32, #tpu.memory_space<vmem>>
          %gather3A_1081 = tpu.vector_load_idx %gather3A_1080[%add3A_1076, %and3A_891] : memref<640x64xf32, #tpu.memory_space<vmem>>[vector<16xi32>, vector<16xi32>], vector<16xf32>,
          %mul3A_1082 = arith.mulf %gather3A_896, %gather3A_1081 : vector<16xf32>
          %add3A_1083 = arith.addf %add3A_862, %mul3A_1082 : vector<16xf32>
          %add3A_1084 = arith.constant 18 : i32
          %add3A_1085 = vector.broadcast %add3A_1084 : i32 to vector<16xi32>
          %add3A_1086 = arith.addi %mul3A_255, %add3A_1085 : vector<16xi32>
          %gather3A_1087 = arith.constant 0 : i32
          %gather3A_1088 = arith.constant 0 : i32
          %gather3A_1089 = tpu.memref_slice %arg12[%rem3A_131, %gather3A_1087, %gather3A_1088] : memref<2x640x64xf32, #tpu.memory_space<vmem>> -> memref<1x640x64xf32, #tpu.memory_space<vmem>>
          %gather3A_1090 = tpu.memref_squeeze %gather3A_1089 : memref<1x640x64xf32, #tpu.memory_space<vmem>> -> memref<640x64xf32, #tpu.memory_space<vmem>>
          %gather3A_1091 = tpu.vector_load_idx %gather3A_1090[%add3A_1086, %and3A_891] : memref<640x64xf32, #tpu.memory_space<vmem>>[vector<16xi32>, vector<16xi32>], vector<16xf32>,
          %mul3A_1092 = arith.mulf %gather3A_896, %gather3A_1091 : vector<16xf32>
          %add3A_1093 = arith.addf %add3A_872, %mul3A_1092 : vector<16xf32>
          %add3A_1094 = arith.constant 19 : i32
          %add3A_1095 = vector.broadcast %add3A_1094 : i32 to vector<16xi32>
          %add3A_1096 = arith.addi %mul3A_255, %add3A_1095 : vector<16xi32>
          %gather3A_1097 = arith.constant 0 : i32
          %gather3A_1098 = arith.constant 0 : i32
          %gather3A_1099 = tpu.memref_slice %arg12[%rem3A_131, %gather3A_1097, %gather3A_1098] : memref<2x640x64xf32, #tpu.memory_space<vmem>> -> memref<1x640x64xf32, #tpu.memory_space<vmem>>
          %gather3A_1100 = tpu.memref_squeeze %gather3A_1099 : memref<1x640x64xf32, #tpu.memory_space<vmem>> -> memref<640x64xf32, #tpu.memory_space<vmem>>
          %gather3A_1101 = tpu.vector_load_idx %gather3A_1100[%add3A_1096, %and3A_891] : memref<640x64xf32, #tpu.memory_space<vmem>>[vector<16xi32>, vector<16xi32>], vector<16xf32>,
          %mul3A_1102 = arith.mulf %gather3A_896, %gather3A_1101 : vector<16xf32>
          %add3A_1103 = arith.addf %add3A_882, %mul3A_1102 : vector<16xf32>
          %mul3A_1104 = arith.constant 4 : i32
          %mul3A_1105 = arith.muli %scan3A_421, %mul3A_1104 : i32
          %add3A_1106 = arith.constant 3 : i32
          %add3A_1107 = arith.addi %mul3A_1105, %add3A_1106 : i32
          %add3A_1108 = vector.broadcast %add3A_1107 : i32 to vector<16xi32>
          %add3A_1109 = arith.addi %iota3A, %add3A_1108 : vector<16xi32>
          %and3A_1110 = arith.constant 63 : i32
          %and3A_1111 = vector.broadcast %and3A_1110 : i32 to vector<16xi32>
          %and3A_1112 = arith.andi %add3A_1109, %and3A_1111 : vector<16xi32>
          %gather3A_1113 = arith.constant 0 : i32
          %gather3A_1114 = arith.constant 0 : i32
          %gather3A_1115 = tpu.memref_slice %arg10[%rem3A_131, %gather3A_1113, %gather3A_1114] : memref<2x32x64xf32, #tpu.memory_space<vmem>> -> memref<1x32x64xf32, #tpu.memory_space<vmem>>
          %gather3A_1116 = tpu.memref_squeeze %gather3A_1115 : memref<1x32x64xf32, #tpu.memory_space<vmem>> -> memref<32x64xf32, #tpu.memory_space<vmem>>
          %gather3A_1117 = tpu.vector_load_idx %gather3A_1116[%add3A_252, %and3A_1112] : memref<32x64xf32, #tpu.memory_space<vmem>>[vector<16xi32>, vector<16xi32>], vector<16xf32>,
          %gather3A_1118 = arith.constant 0 : i32
          %gather3A_1119 = arith.constant 0 : i32
          %gather3A_1120 = tpu.memref_slice %arg11[%rem3A_131, %gather3A_1118, %gather3A_1119] : memref<2x32x64xf32, #tpu.memory_space<vmem>> -> memref<1x32x64xf32, #tpu.memory_space<vmem>>
          %gather3A_1121 = tpu.memref_squeeze %gather3A_1120 : memref<1x32x64xf32, #tpu.memory_space<vmem>> -> memref<32x64xf32, #tpu.memory_space<vmem>>
          %gather3A_1122 = tpu.vector_load_idx %gather3A_1121[%add3A_252, %and3A_1112] : memref<32x64xf32, #tpu.memory_space<vmem>>[vector<16xi32>, vector<16xi32>], vector<16xf32>,
          %mul3A_1123 = arith.mulf %gather3A_1117, %gather3A_1122 : vector<16xf32>
          %add3A_1124 = arith.addf %add3A_903, %mul3A_1123 : vector<16xf32>
          %add3A_1125 = arith.constant 0 : i32
          %add3A_1126 = vector.broadcast %add3A_1125 : i32 to vector<16xi32>
          %add3A_1127 = arith.addi %mul3A_255, %add3A_1126 : vector<16xi32>
          %gather3A_1128 = arith.constant 0 : i32
          %gather3A_1129 = arith.constant 0 : i32
          %gather3A_1130 = tpu.memref_slice %arg12[%rem3A_131, %gather3A_1128, %gather3A_1129] : memref<2x640x64xf32, #tpu.memory_space<vmem>> -> memref<1x640x64xf32, #tpu.memory_space<vmem>>
          %gather3A_1131 = tpu.memref_squeeze %gather3A_1130 : memref<1x640x64xf32, #tpu.memory_space<vmem>> -> memref<640x64xf32, #tpu.memory_space<vmem>>
          %gather3A_1132 = tpu.vector_load_idx %gather3A_1131[%add3A_1127, %and3A_1112] : memref<640x64xf32, #tpu.memory_space<vmem>>[vector<16xi32>, vector<16xi32>], vector<16xf32>,
          %mul3A_1133 = arith.mulf %gather3A_1117, %gather3A_1132 : vector<16xf32>
          %add3A_1134 = arith.addf %add3A_913, %mul3A_1133 : vector<16xf32>
          %add3A_1135 = arith.constant 1 : i32
          %add3A_1136 = vector.broadcast %add3A_1135 : i32 to vector<16xi32>
          %add3A_1137 = arith.addi %mul3A_255, %add3A_1136 : vector<16xi32>
          %gather3A_1138 = arith.constant 0 : i32
          %gather3A_1139 = arith.constant 0 : i32
          %gather3A_1140 = tpu.memref_slice %arg12[%rem3A_131, %gather3A_1138, %gather3A_1139] : memref<2x640x64xf32, #tpu.memory_space<vmem>> -> memref<1x640x64xf32, #tpu.memory_space<vmem>>
          %gather3A_1141 = tpu.memref_squeeze %gather3A_1140 : memref<1x640x64xf32, #tpu.memory_space<vmem>> -> memref<640x64xf32, #tpu.memory_space<vmem>>
          %gather3A_1142 = tpu.vector_load_idx %gather3A_1141[%add3A_1137, %and3A_1112] : memref<640x64xf32, #tpu.memory_space<vmem>>[vector<16xi32>, vector<16xi32>], vector<16xf32>,
          %mul3A_1143 = arith.mulf %gather3A_1117, %gather3A_1142 : vector<16xf32>
          %add3A_1144 = arith.addf %add3A_923, %mul3A_1143 : vector<16xf32>
          %add3A_1145 = arith.constant 2 : i32
          %add3A_1146 = vector.broadcast %add3A_1145 : i32 to vector<16xi32>
          %add3A_1147 = arith.addi %mul3A_255, %add3A_1146 : vector<16xi32>
          %gather3A_1148 = arith.constant 0 : i32
          %gather3A_1149 = arith.constant 0 : i32
          %gather3A_1150 = tpu.memref_slice %arg12[%rem3A_131, %gather3A_1148, %gather3A_1149] : memref<2x640x64xf32, #tpu.memory_space<vmem>> -> memref<1x640x64xf32, #tpu.memory_space<vmem>>
          %gather3A_1151 = tpu.memref_squeeze %gather3A_1150 : memref<1x640x64xf32, #tpu.memory_space<vmem>> -> memref<640x64xf32, #tpu.memory_space<vmem>>
          %gather3A_1152 = tpu.vector_load_idx %gather3A_1151[%add3A_1147, %and3A_1112] : memref<640x64xf32, #tpu.memory_space<vmem>>[vector<16xi32>, vector<16xi32>], vector<16xf32>,
          %mul3A_1153 = arith.mulf %gather3A_1117, %gather3A_1152 : vector<16xf32>
          %add3A_1154 = arith.addf %add3A_933, %mul3A_1153 : vector<16xf32>
          %add3A_1155 = arith.constant 3 : i32
          %add3A_1156 = vector.broadcast %add3A_1155 : i32 to vector<16xi32>
          %add3A_1157 = arith.addi %mul3A_255, %add3A_1156 : vector<16xi32>
          %gather3A_1158 = arith.constant 0 : i32
          %gather3A_1159 = arith.constant 0 : i32
          %gather3A_1160 = tpu.memref_slice %arg12[%rem3A_131, %gather3A_1158, %gather3A_1159] : memref<2x640x64xf32, #tpu.memory_space<vmem>> -> memref<1x640x64xf32, #tpu.memory_space<vmem>>
          %gather3A_1161 = tpu.memref_squeeze %gather3A_1160 : memref<1x640x64xf32, #tpu.memory_space<vmem>> -> memref<640x64xf32, #tpu.memory_space<vmem>>
          %gather3A_1162 = tpu.vector_load_idx %gather3A_1161[%add3A_1157, %and3A_1112] : memref<640x64xf32, #tpu.memory_space<vmem>>[vector<16xi32>, vector<16xi32>], vector<16xf32>,
          %mul3A_1163 = arith.mulf %gather3A_1117, %gather3A_1162 : vector<16xf32>
          %add3A_1164 = arith.addf %add3A_943, %mul3A_1163 : vector<16xf32>
          %add3A_1165 = arith.constant 4 : i32
          %add3A_1166 = vector.broadcast %add3A_1165 : i32 to vector<16xi32>
          %add3A_1167 = arith.addi %mul3A_255, %add3A_1166 : vector<16xi32>
          %gather3A_1168 = arith.constant 0 : i32
          %gather3A_1169 = arith.constant 0 : i32
          %gather3A_1170 = tpu.memref_slice %arg12[%rem3A_131, %gather3A_1168, %gather3A_1169] : memref<2x640x64xf32, #tpu.memory_space<vmem>> -> memref<1x640x64xf32, #tpu.memory_space<vmem>>
          %gather3A_1171 = tpu.memref_squeeze %gather3A_1170 : memref<1x640x64xf32, #tpu.memory_space<vmem>> -> memref<640x64xf32, #tpu.memory_space<vmem>>
          %gather3A_1172 = tpu.vector_load_idx %gather3A_1171[%add3A_1167, %and3A_1112] : memref<640x64xf32, #tpu.memory_space<vmem>>[vector<16xi32>, vector<16xi32>], vector<16xf32>,
          %mul3A_1173 = arith.mulf %gather3A_1117, %gather3A_1172 : vector<16xf32>
          %add3A_1174 = arith.addf %add3A_953, %mul3A_1173 : vector<16xf32>
          %add3A_1175 = arith.constant 5 : i32
          %add3A_1176 = vector.broadcast %add3A_1175 : i32 to vector<16xi32>
          %add3A_1177 = arith.addi %mul3A_255, %add3A_1176 : vector<16xi32>
          %gather3A_1178 = arith.constant 0 : i32
          %gather3A_1179 = arith.constant 0 : i32
          %gather3A_1180 = tpu.memref_slice %arg12[%rem3A_131, %gather3A_1178, %gather3A_1179] : memref<2x640x64xf32, #tpu.memory_space<vmem>> -> memref<1x640x64xf32, #tpu.memory_space<vmem>>
          %gather3A_1181 = tpu.memref_squeeze %gather3A_1180 : memref<1x640x64xf32, #tpu.memory_space<vmem>> -> memref<640x64xf32, #tpu.memory_space<vmem>>
          %gather3A_1182 = tpu.vector_load_idx %gather3A_1181[%add3A_1177, %and3A_1112] : memref<640x64xf32, #tpu.memory_space<vmem>>[vector<16xi32>, vector<16xi32>], vector<16xf32>,
          %mul3A_1183 = arith.mulf %gather3A_1117, %gather3A_1182 : vector<16xf32>
          %add3A_1184 = arith.addf %add3A_963, %mul3A_1183 : vector<16xf32>
          %add3A_1185 = arith.constant 6 : i32
          %add3A_1186 = vector.broadcast %add3A_1185 : i32 to vector<16xi32>
          %add3A_1187 = arith.addi %mul3A_255, %add3A_1186 : vector<16xi32>
          %gather3A_1188 = arith.constant 0 : i32
          %gather3A_1189 = arith.constant 0 : i32
          %gather3A_1190 = tpu.memref_slice %arg12[%rem3A_131, %gather3A_1188, %gather3A_1189] : memref<2x640x64xf32, #tpu.memory_space<vmem>> -> memref<1x640x64xf32, #tpu.memory_space<vmem>>
          %gather3A_1191 = tpu.memref_squeeze %gather3A_1190 : memref<1x640x64xf32, #tpu.memory_space<vmem>> -> memref<640x64xf32, #tpu.memory_space<vmem>>
          %gather3A_1192 = tpu.vector_load_idx %gather3A_1191[%add3A_1187, %and3A_1112] : memref<640x64xf32, #tpu.memory_space<vmem>>[vector<16xi32>, vector<16xi32>], vector<16xf32>,
          %mul3A_1193 = arith.mulf %gather3A_1117, %gather3A_1192 : vector<16xf32>
          %add3A_1194 = arith.addf %add3A_973, %mul3A_1193 : vector<16xf32>
          %add3A_1195 = arith.constant 7 : i32
          %add3A_1196 = vector.broadcast %add3A_1195 : i32 to vector<16xi32>
          %add3A_1197 = arith.addi %mul3A_255, %add3A_1196 : vector<16xi32>
          %gather3A_1198 = arith.constant 0 : i32
          %gather3A_1199 = arith.constant 0 : i32
          %gather3A_1200 = tpu.memref_slice %arg12[%rem3A_131, %gather3A_1198, %gather3A_1199] : memref<2x640x64xf32, #tpu.memory_space<vmem>> -> memref<1x640x64xf32, #tpu.memory_space<vmem>>
          %gather3A_1201 = tpu.memref_squeeze %gather3A_1200 : memref<1x640x64xf32, #tpu.memory_space<vmem>> -> memref<640x64xf32, #tpu.memory_space<vmem>>
          %gather3A_1202 = tpu.vector_load_idx %gather3A_1201[%add3A_1197, %and3A_1112] : memref<640x64xf32, #tpu.memory_space<vmem>>[vector<16xi32>, vector<16xi32>], vector<16xf32>,
          %mul3A_1203 = arith.mulf %gather3A_1117, %gather3A_1202 : vector<16xf32>
          %add3A_1204 = arith.addf %add3A_983, %mul3A_1203 : vector<16xf32>
          %add3A_1205 = arith.constant 8 : i32
          %add3A_1206 = vector.broadcast %add3A_1205 : i32 to vector<16xi32>
          %add3A_1207 = arith.addi %mul3A_255, %add3A_1206 : vector<16xi32>
          %gather3A_1208 = arith.constant 0 : i32
          %gather3A_1209 = arith.constant 0 : i32
          %gather3A_1210 = tpu.memref_slice %arg12[%rem3A_131, %gather3A_1208, %gather3A_1209] : memref<2x640x64xf32, #tpu.memory_space<vmem>> -> memref<1x640x64xf32, #tpu.memory_space<vmem>>
          %gather3A_1211 = tpu.memref_squeeze %gather3A_1210 : memref<1x640x64xf32, #tpu.memory_space<vmem>> -> memref<640x64xf32, #tpu.memory_space<vmem>>
          %gather3A_1212 = tpu.vector_load_idx %gather3A_1211[%add3A_1207, %and3A_1112] : memref<640x64xf32, #tpu.memory_space<vmem>>[vector<16xi32>, vector<16xi32>], vector<16xf32>,
          %mul3A_1213 = arith.mulf %gather3A_1117, %gather3A_1212 : vector<16xf32>
          %add3A_1214 = arith.addf %add3A_993, %mul3A_1213 : vector<16xf32>
          %add3A_1215 = arith.constant 9 : i32
          %add3A_1216 = vector.broadcast %add3A_1215 : i32 to vector<16xi32>
          %add3A_1217 = arith.addi %mul3A_255, %add3A_1216 : vector<16xi32>
          %gather3A_1218 = arith.constant 0 : i32
          %gather3A_1219 = arith.constant 0 : i32
          %gather3A_1220 = tpu.memref_slice %arg12[%rem3A_131, %gather3A_1218, %gather3A_1219] : memref<2x640x64xf32, #tpu.memory_space<vmem>> -> memref<1x640x64xf32, #tpu.memory_space<vmem>>
          %gather3A_1221 = tpu.memref_squeeze %gather3A_1220 : memref<1x640x64xf32, #tpu.memory_space<vmem>> -> memref<640x64xf32, #tpu.memory_space<vmem>>
          %gather3A_1222 = tpu.vector_load_idx %gather3A_1221[%add3A_1217, %and3A_1112] : memref<640x64xf32, #tpu.memory_space<vmem>>[vector<16xi32>, vector<16xi32>], vector<16xf32>,
          %mul3A_1223 = arith.mulf %gather3A_1117, %gather3A_1222 : vector<16xf32>
          %add3A_1224 = arith.addf %add3A_1003, %mul3A_1223 : vector<16xf32>
          %add3A_1225 = arith.constant 10 : i32
          %add3A_1226 = vector.broadcast %add3A_1225 : i32 to vector<16xi32>
          %add3A_1227 = arith.addi %mul3A_255, %add3A_1226 : vector<16xi32>
          %gather3A_1228 = arith.constant 0 : i32
          %gather3A_1229 = arith.constant 0 : i32
          %gather3A_1230 = tpu.memref_slice %arg12[%rem3A_131, %gather3A_1228, %gather3A_1229] : memref<2x640x64xf32, #tpu.memory_space<vmem>> -> memref<1x640x64xf32, #tpu.memory_space<vmem>>
          %gather3A_1231 = tpu.memref_squeeze %gather3A_1230 : memref<1x640x64xf32, #tpu.memory_space<vmem>> -> memref<640x64xf32, #tpu.memory_space<vmem>>
          %gather3A_1232 = tpu.vector_load_idx %gather3A_1231[%add3A_1227, %and3A_1112] : memref<640x64xf32, #tpu.memory_space<vmem>>[vector<16xi32>, vector<16xi32>], vector<16xf32>,
          %mul3A_1233 = arith.mulf %gather3A_1117, %gather3A_1232 : vector<16xf32>
          %add3A_1234 = arith.addf %add3A_1013, %mul3A_1233 : vector<16xf32>
          %add3A_1235 = arith.constant 11 : i32
          %add3A_1236 = vector.broadcast %add3A_1235 : i32 to vector<16xi32>
          %add3A_1237 = arith.addi %mul3A_255, %add3A_1236 : vector<16xi32>
          %gather3A_1238 = arith.constant 0 : i32
          %gather3A_1239 = arith.constant 0 : i32
          %gather3A_1240 = tpu.memref_slice %arg12[%rem3A_131, %gather3A_1238, %gather3A_1239] : memref<2x640x64xf32, #tpu.memory_space<vmem>> -> memref<1x640x64xf32, #tpu.memory_space<vmem>>
          %gather3A_1241 = tpu.memref_squeeze %gather3A_1240 : memref<1x640x64xf32, #tpu.memory_space<vmem>> -> memref<640x64xf32, #tpu.memory_space<vmem>>
          %gather3A_1242 = tpu.vector_load_idx %gather3A_1241[%add3A_1237, %and3A_1112] : memref<640x64xf32, #tpu.memory_space<vmem>>[vector<16xi32>, vector<16xi32>], vector<16xf32>,
          %mul3A_1243 = arith.mulf %gather3A_1117, %gather3A_1242 : vector<16xf32>
          %add3A_1244 = arith.addf %add3A_1023, %mul3A_1243 : vector<16xf32>
          %add3A_1245 = arith.constant 12 : i32
          %add3A_1246 = vector.broadcast %add3A_1245 : i32 to vector<16xi32>
          %add3A_1247 = arith.addi %mul3A_255, %add3A_1246 : vector<16xi32>
          %gather3A_1248 = arith.constant 0 : i32
          %gather3A_1249 = arith.constant 0 : i32
          %gather3A_1250 = tpu.memref_slice %arg12[%rem3A_131, %gather3A_1248, %gather3A_1249] : memref<2x640x64xf32, #tpu.memory_space<vmem>> -> memref<1x640x64xf32, #tpu.memory_space<vmem>>
          %gather3A_1251 = tpu.memref_squeeze %gather3A_1250 : memref<1x640x64xf32, #tpu.memory_space<vmem>> -> memref<640x64xf32, #tpu.memory_space<vmem>>
          %gather3A_1252 = tpu.vector_load_idx %gather3A_1251[%add3A_1247, %and3A_1112] : memref<640x64xf32, #tpu.memory_space<vmem>>[vector<16xi32>, vector<16xi32>], vector<16xf32>,
          %mul3A_1253 = arith.mulf %gather3A_1117, %gather3A_1252 : vector<16xf32>
          %add3A_1254 = arith.addf %add3A_1033, %mul3A_1253 : vector<16xf32>
          %add3A_1255 = arith.constant 13 : i32
          %add3A_1256 = vector.broadcast %add3A_1255 : i32 to vector<16xi32>
          %add3A_1257 = arith.addi %mul3A_255, %add3A_1256 : vector<16xi32>
          %gather3A_1258 = arith.constant 0 : i32
          %gather3A_1259 = arith.constant 0 : i32
          %gather3A_1260 = tpu.memref_slice %arg12[%rem3A_131, %gather3A_1258, %gather3A_1259] : memref<2x640x64xf32, #tpu.memory_space<vmem>> -> memref<1x640x64xf32, #tpu.memory_space<vmem>>
          %gather3A_1261 = tpu.memref_squeeze %gather3A_1260 : memref<1x640x64xf32, #tpu.memory_space<vmem>> -> memref<640x64xf32, #tpu.memory_space<vmem>>
          %gather3A_1262 = tpu.vector_load_idx %gather3A_1261[%add3A_1257, %and3A_1112] : memref<640x64xf32, #tpu.memory_space<vmem>>[vector<16xi32>, vector<16xi32>], vector<16xf32>,
          %mul3A_1263 = arith.mulf %gather3A_1117, %gather3A_1262 : vector<16xf32>
          %add3A_1264 = arith.addf %add3A_1043, %mul3A_1263 : vector<16xf32>
          %add3A_1265 = arith.constant 14 : i32
          %add3A_1266 = vector.broadcast %add3A_1265 : i32 to vector<16xi32>
          %add3A_1267 = arith.addi %mul3A_255, %add3A_1266 : vector<16xi32>
          %gather3A_1268 = arith.constant 0 : i32
          %gather3A_1269 = arith.constant 0 : i32
          %gather3A_1270 = tpu.memref_slice %arg12[%rem3A_131, %gather3A_1268, %gather3A_1269] : memref<2x640x64xf32, #tpu.memory_space<vmem>> -> memref<1x640x64xf32, #tpu.memory_space<vmem>>
          %gather3A_1271 = tpu.memref_squeeze %gather3A_1270 : memref<1x640x64xf32, #tpu.memory_space<vmem>> -> memref<640x64xf32, #tpu.memory_space<vmem>>
          %gather3A_1272 = tpu.vector_load_idx %gather3A_1271[%add3A_1267, %and3A_1112] : memref<640x64xf32, #tpu.memory_space<vmem>>[vector<16xi32>, vector<16xi32>], vector<16xf32>,
          %mul3A_1273 = arith.mulf %gather3A_1117, %gather3A_1272 : vector<16xf32>
          %add3A_1274 = arith.addf %add3A_1053, %mul3A_1273 : vector<16xf32>
          %add3A_1275 = arith.constant 15 : i32
          %add3A_1276 = vector.broadcast %add3A_1275 : i32 to vector<16xi32>
          %add3A_1277 = arith.addi %mul3A_255, %add3A_1276 : vector<16xi32>
          %gather3A_1278 = arith.constant 0 : i32
          %gather3A_1279 = arith.constant 0 : i32
          %gather3A_1280 = tpu.memref_slice %arg12[%rem3A_131, %gather3A_1278, %gather3A_1279] : memref<2x640x64xf32, #tpu.memory_space<vmem>> -> memref<1x640x64xf32, #tpu.memory_space<vmem>>
          %gather3A_1281 = tpu.memref_squeeze %gather3A_1280 : memref<1x640x64xf32, #tpu.memory_space<vmem>> -> memref<640x64xf32, #tpu.memory_space<vmem>>
          %gather3A_1282 = tpu.vector_load_idx %gather3A_1281[%add3A_1277, %and3A_1112] : memref<640x64xf32, #tpu.memory_space<vmem>>[vector<16xi32>, vector<16xi32>], vector<16xf32>,
          %mul3A_1283 = arith.mulf %gather3A_1117, %gather3A_1282 : vector<16xf32>
          %add3A_1284 = arith.addf %add3A_1063, %mul3A_1283 : vector<16xf32>
          %add3A_1285 = arith.constant 16 : i32
          %add3A_1286 = vector.broadcast %add3A_1285 : i32 to vector<16xi32>
          %add3A_1287 = arith.addi %mul3A_255, %add3A_1286 : vector<16xi32>
          %gather3A_1288 = arith.constant 0 : i32
          %gather3A_1289 = arith.constant 0 : i32
          %gather3A_1290 = tpu.memref_slice %arg12[%rem3A_131, %gather3A_1288, %gather3A_1289] : memref<2x640x64xf32, #tpu.memory_space<vmem>> -> memref<1x640x64xf32, #tpu.memory_space<vmem>>
          %gather3A_1291 = tpu.memref_squeeze %gather3A_1290 : memref<1x640x64xf32, #tpu.memory_space<vmem>> -> memref<640x64xf32, #tpu.memory_space<vmem>>
          %gather3A_1292 = tpu.vector_load_idx %gather3A_1291[%add3A_1287, %and3A_1112] : memref<640x64xf32, #tpu.memory_space<vmem>>[vector<16xi32>, vector<16xi32>], vector<16xf32>,
          %mul3A_1293 = arith.mulf %gather3A_1117, %gather3A_1292 : vector<16xf32>
          %add3A_1294 = arith.addf %add3A_1073, %mul3A_1293 : vector<16xf32>
          %add3A_1295 = arith.constant 17 : i32
          %add3A_1296 = vector.broadcast %add3A_1295 : i32 to vector<16xi32>
          %add3A_1297 = arith.addi %mul3A_255, %add3A_1296 : vector<16xi32>
          %gather3A_1298 = arith.constant 0 : i32
          %gather3A_1299 = arith.constant 0 : i32
          %gather3A_1300 = tpu.memref_slice %arg12[%rem3A_131, %gather3A_1298, %gather3A_1299] : memref<2x640x64xf32, #tpu.memory_space<vmem>> -> memref<1x640x64xf32, #tpu.memory_space<vmem>>
          %gather3A_1301 = tpu.memref_squeeze %gather3A_1300 : memref<1x640x64xf32, #tpu.memory_space<vmem>> -> memref<640x64xf32, #tpu.memory_space<vmem>>
          %gather3A_1302 = tpu.vector_load_idx %gather3A_1301[%add3A_1297, %and3A_1112] : memref<640x64xf32, #tpu.memory_space<vmem>>[vector<16xi32>, vector<16xi32>], vector<16xf32>,
          %mul3A_1303 = arith.mulf %gather3A_1117, %gather3A_1302 : vector<16xf32>
          %add3A_1304 = arith.addf %add3A_1083, %mul3A_1303 : vector<16xf32>
          %add3A_1305 = arith.constant 18 : i32
          %add3A_1306 = vector.broadcast %add3A_1305 : i32 to vector<16xi32>
          %add3A_1307 = arith.addi %mul3A_255, %add3A_1306 : vector<16xi32>
          %gather3A_1308 = arith.constant 0 : i32
          %gather3A_1309 = arith.constant 0 : i32
          %gather3A_1310 = tpu.memref_slice %arg12[%rem3A_131, %gather3A_1308, %gather3A_1309] : memref<2x640x64xf32, #tpu.memory_space<vmem>> -> memref<1x640x64xf32, #tpu.memory_space<vmem>>
          %gather3A_1311 = tpu.memref_squeeze %gather3A_1310 : memref<1x640x64xf32, #tpu.memory_space<vmem>> -> memref<640x64xf32, #tpu.memory_space<vmem>>
          %gather3A_1312 = tpu.vector_load_idx %gather3A_1311[%add3A_1307, %and3A_1112] : memref<640x64xf32, #tpu.memory_space<vmem>>[vector<16xi32>, vector<16xi32>], vector<16xf32>,
          %mul3A_1313 = arith.mulf %gather3A_1117, %gather3A_1312 : vector<16xf32>
          %add3A_1314 = arith.addf %add3A_1093, %mul3A_1313 : vector<16xf32>
          %add3A_1315 = arith.constant 19 : i32
          %add3A_1316 = vector.broadcast %add3A_1315 : i32 to vector<16xi32>
          %add3A_1317 = arith.addi %mul3A_255, %add3A_1316 : vector<16xi32>
          %gather3A_1318 = arith.constant 0 : i32
          %gather3A_1319 = arith.constant 0 : i32
          %gather3A_1320 = tpu.memref_slice %arg12[%rem3A_131, %gather3A_1318, %gather3A_1319] : memref<2x640x64xf32, #tpu.memory_space<vmem>> -> memref<1x640x64xf32, #tpu.memory_space<vmem>>
          %gather3A_1321 = tpu.memref_squeeze %gather3A_1320 : memref<1x640x64xf32, #tpu.memory_space<vmem>> -> memref<640x64xf32, #tpu.memory_space<vmem>>
          %gather3A_1322 = tpu.vector_load_idx %gather3A_1321[%add3A_1317, %and3A_1112] : memref<640x64xf32, #tpu.memory_space<vmem>>[vector<16xi32>, vector<16xi32>], vector<16xf32>,
          %mul3A_1323 = arith.mulf %gather3A_1117, %gather3A_1322 : vector<16xf32>
          %add3A_1324 = arith.addf %add3A_1103, %mul3A_1323 : vector<16xf32>
          scf.yield %add3A_1124, %add3A_1134, %add3A_1144, %add3A_1154, %add3A_1164, %add3A_1174, %add3A_1184, %add3A_1194, %add3A_1204, %add3A_1214, %add3A_1224, %add3A_1234, %add3A_1244, %add3A_1254, %add3A_1264, %add3A_1274, %add3A_1284, %add3A_1294, %add3A_1304, %add3A_1314, %add3A_1324 : vector<16xf32>, vector<16xf32>, vector<16xf32>, vector<16xf32>, vector<16xf32>, vector<16xf32>, vector<16xf32>, vector<16xf32>, vector<16xf32>, vector<16xf32>, vector<16xf32>, vector<16xf32>, vector<16xf32>, vector<16xf32>, vector<16xf32>, vector<16xf32>, vector<16xf32>, vector<16xf32>, vector<16xf32>, vector<16xf32>, vector<16xf32>
        }
        %scan3A_261 = arith.constant 16 : i32
        %sub3A = arith.constant 1.000000e+00 : f32
        %sub3A_262 = vector.broadcast %sub3A : f32 to vector<16xf32>
        %sub3A_263 = arith.subf %sub3A_262, %scan3A_260#0 : vector<16xf32>
        %add3A_264 = arith.addf %sub3A_263, %scan3A_260#1 : vector<16xf32>
        %max3A = arith.constant 0.000000e+00 : f32
        %max3A_265 = vector.broadcast %max3A : f32 to vector<16xf32>
        %max3A_266 = arith.maximumf %add3A_264, %max3A_265 : vector<16xf32>
        %add3A_267 = arith.addf %broadcast_in_dim3A_1, %max3A_266 : vector<16xf32>
        %sub3A_268 = arith.constant 1.000000e+00 : f32
        %sub3A_269 = vector.broadcast %sub3A_268 : f32 to vector<16xf32>
        %sub3A_270 = arith.subf %sub3A_269, %scan3A_260#0 : vector<16xf32>
        %add3A_271 = arith.addf %sub3A_270, %scan3A_260#2 : vector<16xf32>
        %max3A_272 = arith.constant 0.000000e+00 : f32
        %max3A_273 = vector.broadcast %max3A_272 : f32 to vector<16xf32>
        %max3A_274 = arith.maximumf %add3A_271, %max3A_273 : vector<16xf32>
        %add3A_275 = arith.addf %add3A_267, %max3A_274 : vector<16xf32>
        %sub3A_276 = arith.constant 1.000000e+00 : f32
        %sub3A_277 = vector.broadcast %sub3A_276 : f32 to vector<16xf32>
        %sub3A_278 = arith.subf %sub3A_277, %scan3A_260#0 : vector<16xf32>
        %add3A_279 = arith.addf %sub3A_278, %scan3A_260#3 : vector<16xf32>
        %max3A_280 = arith.constant 0.000000e+00 : f32
        %max3A_281 = vector.broadcast %max3A_280 : f32 to vector<16xf32>
        %max3A_282 = arith.maximumf %add3A_279, %max3A_281 : vector<16xf32>
        %add3A_283 = arith.addf %add3A_275, %max3A_282 : vector<16xf32>
        %sub3A_284 = arith.constant 1.000000e+00 : f32
        %sub3A_285 = vector.broadcast %sub3A_284 : f32 to vector<16xf32>
        %sub3A_286 = arith.subf %sub3A_285, %scan3A_260#0 : vector<16xf32>
        %add3A_287 = arith.addf %sub3A_286, %scan3A_260#4 : vector<16xf32>
        %max3A_288 = arith.constant 0.000000e+00 : f32
        %max3A_289 = vector.broadcast %max3A_288 : f32 to vector<16xf32>
        %max3A_290 = arith.maximumf %add3A_287, %max3A_289 : vector<16xf32>
        %add3A_291 = arith.addf %add3A_283, %max3A_290 : vector<16xf32>
        %sub3A_292 = arith.constant 1.000000e+00 : f32
        %sub3A_293 = vector.broadcast %sub3A_292 : f32 to vector<16xf32>
        %sub3A_294 = arith.subf %sub3A_293, %scan3A_260#0 : vector<16xf32>
        %add3A_295 = arith.addf %sub3A_294, %scan3A_260#5 : vector<16xf32>
        %max3A_296 = arith.constant 0.000000e+00 : f32
        %max3A_297 = vector.broadcast %max3A_296 : f32 to vector<16xf32>
        %max3A_298 = arith.maximumf %add3A_295, %max3A_297 : vector<16xf32>
        %add3A_299 = arith.addf %add3A_291, %max3A_298 : vector<16xf32>
        %sub3A_300 = arith.constant 1.000000e+00 : f32
        %sub3A_301 = vector.broadcast %sub3A_300 : f32 to vector<16xf32>
        %sub3A_302 = arith.subf %sub3A_301, %scan3A_260#0 : vector<16xf32>
        %add3A_303 = arith.addf %sub3A_302, %scan3A_260#6 : vector<16xf32>
        %max3A_304 = arith.constant 0.000000e+00 : f32
        %max3A_305 = vector.broadcast %max3A_304 : f32 to vector<16xf32>
        %max3A_306 = arith.maximumf %add3A_303, %max3A_305 : vector<16xf32>
        %add3A_307 = arith.addf %add3A_299, %max3A_306 : vector<16xf32>
        %sub3A_308 = arith.constant 1.000000e+00 : f32
        %sub3A_309 = vector.broadcast %sub3A_308 : f32 to vector<16xf32>
        %sub3A_310 = arith.subf %sub3A_309, %scan3A_260#0 : vector<16xf32>
        %add3A_311 = arith.addf %sub3A_310, %scan3A_260#7 : vector<16xf32>
        %max3A_312 = arith.constant 0.000000e+00 : f32
        %max3A_313 = vector.broadcast %max3A_312 : f32 to vector<16xf32>
        %max3A_314 = arith.maximumf %add3A_311, %max3A_313 : vector<16xf32>
        %add3A_315 = arith.addf %add3A_307, %max3A_314 : vector<16xf32>
        %sub3A_316 = arith.constant 1.000000e+00 : f32
        %sub3A_317 = vector.broadcast %sub3A_316 : f32 to vector<16xf32>
        %sub3A_318 = arith.subf %sub3A_317, %scan3A_260#0 : vector<16xf32>
        %add3A_319 = arith.addf %sub3A_318, %scan3A_260#8 : vector<16xf32>
        %max3A_320 = arith.constant 0.000000e+00 : f32
        %max3A_321 = vector.broadcast %max3A_320 : f32 to vector<16xf32>
        %max3A_322 = arith.maximumf %add3A_319, %max3A_321 : vector<16xf32>
        %add3A_323 = arith.addf %add3A_315, %max3A_322 : vector<16xf32>
        %sub3A_324 = arith.constant 1.000000e+00 : f32
        %sub3A_325 = vector.broadcast %sub3A_324 : f32 to vector<16xf32>
        %sub3A_326 = arith.subf %sub3A_325, %scan3A_260#0 : vector<16xf32>
        %add3A_327 = arith.addf %sub3A_326, %scan3A_260#9 : vector<16xf32>
        %max3A_328 = arith.constant 0.000000e+00 : f32
        %max3A_329 = vector.broadcast %max3A_328 : f32 to vector<16xf32>
        %max3A_330 = arith.maximumf %add3A_327, %max3A_329 : vector<16xf32>
        %add3A_331 = arith.addf %add3A_323, %max3A_330 : vector<16xf32>
        %sub3A_332 = arith.constant 1.000000e+00 : f32
        %sub3A_333 = vector.broadcast %sub3A_332 : f32 to vector<16xf32>
        %sub3A_334 = arith.subf %sub3A_333, %scan3A_260#0 : vector<16xf32>
        %add3A_335 = arith.addf %sub3A_334, %scan3A_260#10 : vector<16xf32>
        %max3A_336 = arith.constant 0.000000e+00 : f32
        %max3A_337 = vector.broadcast %max3A_336 : f32 to vector<16xf32>
        %max3A_338 = arith.maximumf %add3A_335, %max3A_337 : vector<16xf32>
        %add3A_339 = arith.addf %add3A_331, %max3A_338 : vector<16xf32>
        %sub3A_340 = arith.constant 1.000000e+00 : f32
        %sub3A_341 = vector.broadcast %sub3A_340 : f32 to vector<16xf32>
        %sub3A_342 = arith.subf %sub3A_341, %scan3A_260#0 : vector<16xf32>
        %add3A_343 = arith.addf %sub3A_342, %scan3A_260#11 : vector<16xf32>
        %max3A_344 = arith.constant 0.000000e+00 : f32
        %max3A_345 = vector.broadcast %max3A_344 : f32 to vector<16xf32>
        %max3A_346 = arith.maximumf %add3A_343, %max3A_345 : vector<16xf32>
        %add3A_347 = arith.addf %add3A_339, %max3A_346 : vector<16xf32>
        %sub3A_348 = arith.constant 1.000000e+00 : f32
        %sub3A_349 = vector.broadcast %sub3A_348 : f32 to vector<16xf32>
        %sub3A_350 = arith.subf %sub3A_349, %scan3A_260#0 : vector<16xf32>
        %add3A_351 = arith.addf %sub3A_350, %scan3A_260#12 : vector<16xf32>
        %max3A_352 = arith.constant 0.000000e+00 : f32
        %max3A_353 = vector.broadcast %max3A_352 : f32 to vector<16xf32>
        %max3A_354 = arith.maximumf %add3A_351, %max3A_353 : vector<16xf32>
        %add3A_355 = arith.addf %add3A_347, %max3A_354 : vector<16xf32>
        %sub3A_356 = arith.constant 1.000000e+00 : f32
        %sub3A_357 = vector.broadcast %sub3A_356 : f32 to vector<16xf32>
        %sub3A_358 = arith.subf %sub3A_357, %scan3A_260#0 : vector<16xf32>
        %add3A_359 = arith.addf %sub3A_358, %scan3A_260#13 : vector<16xf32>
        %max3A_360 = arith.constant 0.000000e+00 : f32
        %max3A_361 = vector.broadcast %max3A_360 : f32 to vector<16xf32>
        %max3A_362 = arith.maximumf %add3A_359, %max3A_361 : vector<16xf32>
        %add3A_363 = arith.addf %add3A_355, %max3A_362 : vector<16xf32>
        %sub3A_364 = arith.constant 1.000000e+00 : f32
        %sub3A_365 = vector.broadcast %sub3A_364 : f32 to vector<16xf32>
        %sub3A_366 = arith.subf %sub3A_365, %scan3A_260#0 : vector<16xf32>
        %add3A_367 = arith.addf %sub3A_366, %scan3A_260#14 : vector<16xf32>
        %max3A_368 = arith.constant 0.000000e+00 : f32
        %max3A_369 = vector.broadcast %max3A_368 : f32 to vector<16xf32>
        %max3A_370 = arith.maximumf %add3A_367, %max3A_369 : vector<16xf32>
        %add3A_371 = arith.addf %add3A_363, %max3A_370 : vector<16xf32>
        %sub3A_372 = arith.constant 1.000000e+00 : f32
        %sub3A_373 = vector.broadcast %sub3A_372 : f32 to vector<16xf32>
        %sub3A_374 = arith.subf %sub3A_373, %scan3A_260#0 : vector<16xf32>
        %add3A_375 = arith.addf %sub3A_374, %scan3A_260#15 : vector<16xf32>
        %max3A_376 = arith.constant 0.000000e+00 : f32
        %max3A_377 = vector.broadcast %max3A_376 : f32 to vector<16xf32>
        %max3A_378 = arith.maximumf %add3A_375, %max3A_377 : vector<16xf32>
        %add3A_379 = arith.addf %add3A_371, %max3A_378 : vector<16xf32>
        %sub3A_380 = arith.constant 1.000000e+00 : f32
        %sub3A_381 = vector.broadcast %sub3A_380 : f32 to vector<16xf32>
        %sub3A_382 = arith.subf %sub3A_381, %scan3A_260#0 : vector<16xf32>
        %add3A_383 = arith.addf %sub3A_382, %scan3A_260#16 : vector<16xf32>
        %max3A_384 = arith.constant 0.000000e+00 : f32
        %max3A_385 = vector.broadcast %max3A_384 : f32 to vector<16xf32>
        %max3A_386 = arith.maximumf %add3A_383, %max3A_385 : vector<16xf32>
        %add3A_387 = arith.addf %add3A_379, %max3A_386 : vector<16xf32>
        %sub3A_388 = arith.constant 1.000000e+00 : f32
        %sub3A_389 = vector.broadcast %sub3A_388 : f32 to vector<16xf32>
        %sub3A_390 = arith.subf %sub3A_389, %scan3A_260#0 : vector<16xf32>
        %add3A_391 = arith.addf %sub3A_390, %scan3A_260#17 : vector<16xf32>
        %max3A_392 = arith.constant 0.000000e+00 : f32
        %max3A_393 = vector.broadcast %max3A_392 : f32 to vector<16xf32>
        %max3A_394 = arith.maximumf %add3A_391, %max3A_393 : vector<16xf32>
        %add3A_395 = arith.addf %add3A_387, %max3A_394 : vector<16xf32>
        %sub3A_396 = arith.constant 1.000000e+00 : f32
        %sub3A_397 = vector.broadcast %sub3A_396 : f32 to vector<16xf32>
        %sub3A_398 = arith.subf %sub3A_397, %scan3A_260#0 : vector<16xf32>
        %add3A_399 = arith.addf %sub3A_398, %scan3A_260#18 : vector<16xf32>
        %max3A_400 = arith.constant 0.000000e+00 : f32
        %max3A_401 = vector.broadcast %max3A_400 : f32 to vector<16xf32>
        %max3A_402 = arith.maximumf %add3A_399, %max3A_401 : vector<16xf32>
        %add3A_403 = arith.addf %add3A_395, %max3A_402 : vector<16xf32>
        %sub3A_404 = arith.constant 1.000000e+00 : f32
        %sub3A_405 = vector.broadcast %sub3A_404 : f32 to vector<16xf32>
        %sub3A_406 = arith.subf %sub3A_405, %scan3A_260#0 : vector<16xf32>
        %add3A_407 = arith.addf %sub3A_406, %scan3A_260#19 : vector<16xf32>
        %max3A_408 = arith.constant 0.000000e+00 : f32
        %max3A_409 = vector.broadcast %max3A_408 : f32 to vector<16xf32>
        %max3A_410 = arith.maximumf %add3A_407, %max3A_409 : vector<16xf32>
        %add3A_411 = arith.addf %add3A_403, %max3A_410 : vector<16xf32>
        %sub3A_412 = arith.constant 1.000000e+00 : f32
        %sub3A_413 = vector.broadcast %sub3A_412 : f32 to vector<16xf32>
        %sub3A_414 = arith.subf %sub3A_413, %scan3A_260#0 : vector<16xf32>
        %add3A_415 = arith.addf %sub3A_414, %scan3A_260#20 : vector<16xf32>
        %max3A_416 = arith.constant 0.000000e+00 : f32
        %max3A_417 = vector.broadcast %max3A_416 : f32 to vector<16xf32>
        %max3A_418 = arith.maximumf %add3A_415, %max3A_417 : vector<16xf32>
        %add3A_419 = arith.addf %add3A_411, %max3A_418 : vector<16xf32>
        %add3A_420 = arith.addf %scan3A_248, %add3A_419 : vector<16xf32>
        scf.yield %add3A_420 : vector<16xf32>
      }
      %scan3A_246 = arith.constant 2 : i32
      scf.yield %scan3A_245 : vector<16xf32>
    }
    %scan3A_127 = arith.constant 16 : i32
    %swap3A = arith.constant 0 : index
    %swap3A_128 = tpu.vector_load %arg13[%swap3A] {strides = array<i32>} : memref<16xf32, #tpu.memory_space<vmem>>, vector<16xf32>,
    tpu.vector_store %arg13[%swap3A], %scan3A_126 {strides = array<i32>} : memref<16xf32, #tpu.memory_space<vmem>>, vector<16xf32>,
    "tpu.region"() ({
      %run_scoped3A = tpu.sem_alloc : memref<!tpu.dma_semaphore, #tpu.memory_space<semaphore_mem>>
      %dma_start3A_129 = arith.constant 0 : i32
      %dma_start3A_130 = tpu.memref_slice %arg6[%add3A, %dma_start3A_129] : memref<32x16xf32, #tpu.memory_space<hbm>> -> memref<1x16xf32, #tpu.memory_space<hbm>>
      %dma_start3A_131 = tpu.memref_squeeze %dma_start3A_130 : memref<1x16xf32, #tpu.memory_space<hbm>> -> memref<16xf32, #tpu.memory_space<hbm>>
      %dma_start3A_132 = arith.constant 0 : i32
      %dma_start3A_133 = tpu.memref_slice %arg6[%add3A, %dma_start3A_132] : memref<32x16xf32, #tpu.memory_space<hbm>> -> memref<1x16xf32, #tpu.memory_space<hbm>>
      %dma_start3A_134 = tpu.memref_squeeze %dma_start3A_133 : memref<1x16xf32, #tpu.memory_space<hbm>> -> memref<16xf32, #tpu.memory_space<hbm>>
      tpu.enqueue_dma source(%arg13 : memref<16xf32, #tpu.memory_space<vmem>>) target(%dma_start3A_134 : memref<16xf32, #tpu.memory_space<hbm>>) target_semaphore(%run_scoped3A : memref<!tpu.dma_semaphore, #tpu.memory_space<semaphore_mem>>)
      %dma_wait3A = arith.constant 0 : i32
      %dma_wait3A_135 = tpu.memref_slice %arg6[%add3A, %dma_wait3A] : memref<32x16xf32, #tpu.memory_space<hbm>> -> memref<1x16xf32, #tpu.memory_space<hbm>>
      %dma_wait3A_136 = tpu.memref_squeeze %dma_wait3A_135 : memref<1x16xf32, #tpu.memory_space<hbm>> -> memref<16xf32, #tpu.memory_space<hbm>>
      %dma_wait3A_137 = arith.constant 0 : i32
      %dma_wait3A_138 = tpu.memref_slice %arg6[%add3A, %dma_wait3A_137] : memref<32x16xf32, #tpu.memory_space<hbm>> -> memref<1x16xf32, #tpu.memory_space<hbm>>
      %dma_wait3A_139 = tpu.memref_squeeze %dma_wait3A_138 : memref<1x16xf32, #tpu.memory_space<hbm>> -> memref<16xf32, #tpu.memory_space<hbm>>
      tpu.wait_dma2 semaphore(%run_scoped3A : memref<!tpu.dma_semaphore, #tpu.memory_space<semaphore_mem>>) src(%arg13 : memref<16xf32, #tpu.memory_space<vmem>>) dst(%dma_wait3A_139 : memref<16xf32, #tpu.memory_space<hbm>>)
      tpu.yield
    }) : () -> ()
    return
  }
}

</mosaic_0001>

<sc_bundles>
// kernel: _margin_loss.4.cloned.1.call-start
scs
__scs_entry_jumppad:
0x0: {  	(pc) =	sbr.rel $0x88, $3  }
0x1: {  	(tag) =	ssettag $0x0;
	lr =	simm.s32 $0x1  }
0x2: {  	[smem:$0x3F9D] =	sst lr;
	_ =	strace $0xD0000000  }
0x3: {  	_ = 	snop  }
0x4: {  	_ = 	snop  }
0x5: {  	_ = 	snop  }
0x6: {  	_ = 	snop  }
0x7: {  	_ = 	snop  }
__scs_overlays_trampoline_lowered:
0x8: {  	[smem:$0x3FAC] =	sst s0  }
0x9: {  	[smem:$0x3FAD] =	sst s1  }
0xa: {  	[smem:$0x3FAE] =	sst s2  }
0xb: {  	[smem:$0x3FAF] =	sst s3  }
0xc: {  	[smem:$0x3FB0] =	sst s4  }
0xd: {  	[smem:$0x3FB1] =	sst s5  }
0xe: {  	[smem:$0x3FB2] =	sst s6  }
0xf: {  	[smem:$0x3FB3] =	sst s7  }
0x10: {  	[smem:$0x3FB4] =	sst s8  }
0x11: {  	[smem:$0x3FB5] =	sst s9;
	s0 =	simm.s32 @!p0 $0x0  }
0x12: {  	s1 =	sld [smem:$0x3F9B];
	s0 =	simm.s32 @p0 $0x1  }
0x13: {  	[smem:$0x3FB6] =	sst s0;
	s0 =	simm.s32 @!p1 $0x0  }
0x14: {  	s2 =	sld [smem:$0x3F9A];
	s0 =	simm.s32 @p1 $0x1  }
0x15: {  	[smem:$0x3FB7] =	sst s0;
	s0 =	simm.s32 @!p2 $0x0  }
0x16: {  	s3 =	sld [smem:$0x3FDB];
	s0 =	simm.s32 @p2 $0x1  }
0x17: {  	s4 =	simm.s32 $0x1BF5;
	[smem:$0x3FB9] =	sst s0  }
0x18: {  	s0 =	sld [smem:$0x3F9C];
	_ =	swait.ge [sflag:s4], $0x0  }
0x19: {  	s7 =	sld [smem:$0x3F9D]  }
0x1a: {  	s8 =	sadd.s32 $0xFFFFE003, lr  }
0x1b: {  	s9 =	sadd.s32 $0xFFFFFEF7, lr;
	s5 =	simm.s32 $0xFFFFFFFF;
	p2 =	slt.u32 s8, $0xFFFFF086  }
0x1c: {  	p1 =	slt.u32 s9, $0xF7A;
	s5 =	simm.s32 @!p2 $0x0  }
0x1d: {  	s5 =	simm.s32 @p1 $0x1;
	p0 =	seq.s32 s7, s2  }
0x1e: {  	s7 =	smul.u32 @!p0 $0xF7A, s2;
	p2 =	seq.s32 @!p0 s5, $0x0  }
0x1f: {  	s9 =	smul.u32 $0xF7A, s1;
	s8 =	simm.s32 @!p0 $0x1BF5;
	p2 =	por !p2, p0  }
0x20: {  	[sflag:s8] =	ssyncset.s32 @!p0 $0xFFFFF086;
	s6 =	sadd.s32 @!p0 s3, s7;
	s7 =	simm.s32 @!p0 $0x108  }
0x21: {  	s3 =	sadd.s32 s3, s9;
	s6 =	sadd.s32 @!p0 $0x88, s6;
	s7 =	simm.s32 @p2 $0x1082  }
0x22: {  	[simem:s7], [sflag:s8] =	dma.local @!p0 [hbm:s6], $0xF7A  }
0x23: {  	s9 =	sor.u32 $0xD0000000, s2;
	s6 =	simm.s32 $0x108;
	_ =	swait.ge @!p0 [sflag:s8], $0x0  }
0x24: {  	s3 =	sadd.s32 $0x88, s3;
	s6 =	simm.s32 @!p1 $0x1082;
	[sflag:s4] =	ssyncset.s32 $0xFFFFF086  }
0x25: {  	[simem:s6], [sflag:s4] =	dma.local [hbm:s3], $0xF7A  }
0x26: {  	[smem:$0x3F9D] =	sst s1;
	(tag) =	ssettag s2;
	_ =	strace s9  }
0x27: {  	s1 =	sld [smem:$0x3FAD]  }
0x28: {  	s2 =	sld [smem:$0x3FAE]  }
0x29: {  	s4 =	sld [smem:$0x3FB0]  }
0x2a: {  	p0 =	seq.s32 s5, $0x0;
	s5 =	sld [smem:$0x3FB1]  }
0x2b: {  	s6 =	sld [smem:$0x3FB2]  }
0x2c: {  	s7 =	sld [smem:$0x3FB3]  }
0x2d: {  	s3 =	simm.s32 $0x108;
	s8 =	sld [smem:$0x3FB4]  }
0x2e: {  	s3 =	simm.s32 @!p0 $0x1082;
	s9 =	sld [smem:$0x3FB5]  }
0x2f: {  	lr =	sadd.s32 s0, s3;
	s0 =	sld [smem:$0x3FAC]  }
0x30: {  	s3 =	sld [smem:$0x3FAF]  }
0x31: {  	[smem:$0x3FB8] =	sst s10  }
0x32: {  	s10 =	sld [smem:$0x3FB6];
	_ =	sdelay $0x3  }
0x33: {  	p0 =	seq.s32 s10, $0x1;
	s10 =	sld [smem:$0x3FB8];
	_ =	sdelay $0x3  }
0x34: {  	[smem:$0x3FB8] =	sst s10  }
0x35: {  	s10 =	sld [smem:$0x3FB7];
	_ =	sdelay $0x3  }
0x36: {  	p1 =	seq.s32 s10, $0x1;
	s10 =	sld [smem:$0x3FB8];
	_ =	sdelay $0x3  }
0x37: {  	[smem:$0x3FB8] =	sst s10  }
0x38: {  	s10 =	sld [smem:$0x3FB9]  }
0x39: {  	_ = 	snop;
	(pc) =	sbr.ind lr, $3  }
0x3a: {  	_ = 	snop  }
0x3b: {  	_ = 	snop  }
0x3c: {  	p2 =	seq.s32 s10, $0x1;
	s10 =	sld [smem:$0x3FB8]  }
0x3d: {  	_ =	shalt  }
0x3e: {  	_ =	shalt  }
0x3f: {  	_ =	shalt  }
0x40: {  	_ =	shalt  }
0x41: {  	_ =	shalt  }
0x42: {  	_ =	shalt  }
0x43: {  	_ =	shalt  }
0x44: {  	_ =	shalt  }
0x45: {  	_ =	shalt  }
0x46: {  	_ =	shalt  }
0x47: {  	_ =	shalt  }
0x48: {  	_ =	shalt  }
0x49: {  	_ =	shalt  }
0x4a: {  	_ =	shalt  }
0x4b: {  	_ =	shalt  }
0x4c: {  	_ =	shalt  }
0x4d: {  	_ =	shalt  }
0x4e: {  	_ =	shalt  }
0x4f: {  	_ =	shalt  }
0x50: {  	_ =	shalt  }
0x51: {  	_ =	shalt  }
0x52: {  	_ =	shalt  }
0x53: {  	_ =	shalt  }
0x54: {  	_ =	shalt  }
0x55: {  	_ =	shalt  }
0x56: {  	_ =	shalt  }
0x57: {  	_ =	shalt  }
0x58: {  	_ =	shalt  }
0x59: {  	_ =	shalt  }
0x5a: {  	_ =	shalt  }
0x5b: {  	_ =	shalt  }
0x5c: {  	_ =	shalt  }
0x5d: {  	_ =	shalt  }
0x5e: {  	_ =	shalt  }
0x5f: {  	_ =	shalt  }
0x60: {  	_ =	shalt  }
0x61: {  	_ =	shalt  }
0x62: {  	_ =	shalt  }
0x63: {  	_ =	shalt  }
0x64: {  	_ =	shalt  }
0x65: {  	_ =	shalt  }
0x66: {  	_ =	shalt  }
0x67: {  	_ =	shalt  }
0x68: {  	_ =	shalt  }
0x69: {  	_ =	shalt  }
0x6a: {  	_ =	shalt  }
0x6b: {  	_ =	shalt  }
0x6c: {  	_ =	shalt  }
0x6d: {  	_ =	shalt  }
0x6e: {  	_ =	shalt  }
0x6f: {  	_ =	shalt  }
0x70: {  	_ =	shalt  }
0x71: {  	_ =	shalt  }
0x72: {  	_ =	shalt  }
0x73: {  	_ =	shalt  }
0x74: {  	_ =	shalt  }
0x75: {  	_ =	shalt  }
0x76: {  	_ =	shalt  }
0x77: {  	_ =	shalt  }
0x78: {  	_ =	shalt  }
0x79: {  	_ =	shalt  }
0x7a: {  	_ =	shalt  }
0x7b: {  	_ =	shalt  }
0x7c: {  	_ =	shalt  }
0x7d: {  	_ =	shalt  }
0x7e: {  	_ =	shalt  }
0x7f: {  	_ =	shalt  }
0x80: {  	_ =	shalt  }
0x81: {  	_ =	shalt  }
0x82: {  	_ =	shalt  }
0x83: {  	_ =	shalt  }
0x84: {  	_ =	shalt  }
0x85: {  	_ =	shalt  }
0x86: {  	_ =	shalt  }
0x87: {  	_ =	shalt  }
.Lfunc_end0:
.L_simem_size_0:
called_computation_lowered:
.L_overlay_start_0:
0x88: {  	s2 =	sld [smem:$0x3FD9]  }
0x89: {  	s3 =	sld [smem:$0x3FFE];
	_ =	sdelay $0x1  }
0x8a: {  	s1 =	srdreg.scid  }
0x8b: {  	s0 =	sand.u32 $0x1, s1  }
0x8c: {  	s17 =	sshll.u32 s0, $0xA;
	s2 =	sadd.s32 s3, s2  }
0x8d: {  	s2 =	sadd.s32 s2, s17  }
0x8e: {  	[smem:$0x3FC4] =	sst s2  }
0x8f: {  	_ = 	snop  }
0x90: {  	s2 =	sld [smem:$0x3FC9];
	(tm) =	ssettm $0x1  }
0x91: {  	s18 =	sld [smem:$0x3FFB];
	_ =	sdelay $0x3  }
0x92: {  	_ =	strace s18  }
0x93: {  	s3 =	sld [smem:$0x3FFC];
	_ =	sdelay $0x3  }
0x94: {  	_ =	strace s3  }
0x95: {  	s3 =	sld [smem:$0x3FFD];
	_ =	sdelay $0x3  }
0x96: {  	_ =	strace s3  }
0x97: {  	_ =	strace $0x8FFFFFFF  }
0x98: {  	s19 =	sld [smem:$0x3FDB];
	_ =	sdelay $0x1  }
0x99: {  	s4 =	simm.s32 $_scs_section_size  }
0x9a: {  	s5 =	simm.s32 $_size__tile_overlayer_lowered;
	s6 =	simm.s32 $_tile_overlayer_lowered  }
0x9b: {  	s22 =	simm.s32 $0x1BFF;
	s21 =	sshll.u32 s6, $0x1;
	s3 =	sadd.s32 s4, s19  }
0x9c: {  	s7 =	simm.s32 $0x0;
	s20 =	sshll.u32 s5, $0x1;
	s5 =	sadd.s32 s21, s3  }
0x9d: {  	[timem:s7], [sflag:s22] =	dma.local [hbm:s5], s20  }
0x9e: {  	_ =	swait.ge [sflag:s22], s20  }
0x9f: {  	s4 =	ssub.s32 $0x0, s20;
	[sflag:s22] =	ssyncset.done $0x0  }
0xa0: {  	[sflag:s22] =	ssyncadd.s32 s4;
	_ =	sdelay $0x1  }
0xa1: {  	s23 =	simm.s32 $0x1B8B  }
0xa2: {  	_ =	swait.ge [sflag:s23], $0x1  }
0xa3: {  	[sflag:s23] =	ssyncset.done $0x0  }
0xa4: {  	s25 =	simm.s32 $0x1B8E;
	s24 =	sld [smem:$0x3FFE];
	[sflag:s23] =	ssyncadd.s32 $0xFFFFFFFF  }
0xa5: {  	s26 =	simm.s32 $execute0_lowered;
	[smem:$0x3FD2] =	sst s25  }
0xa6: {  	s5 =	sshll.u32 s26, $0x1;
	_ =	strace $0x80000046;
	[dreg:$0x1] =	wrdreg $0xFFFFFFFF  }
0xa7: {  	s28 =	simm.s32 $_size_execute0_lowered;
	s3 =	sadd.s32 s3, s5;
	[dreg:$0x0] =	wrdreg $0x0  }
0xa8: {  	s5 =	sshll.u32 s28, $0x1;
	[dreg:$0x2] =	wrdreg s3  }
0xa9: {  	[dreg:$0x3] =	wrdreg s5  }
0xaa: {  	[dreg:$0x4] =	wrdreg $0xC0  }
0xab: {  	_ =	task [dreg:s7], $0x5FFFF  }
0xac: {  	[dreg:$0x1] =	wrdreg $0xFFFFFFFF  }
0xad: {  	[dreg:$0x0] =	wrdreg $0x60  }
0xae: {  	[dreg:$0x2] =	wrdreg s2  }
0xaf: {  	[dreg:$0x3] =	wrdreg s24  }
0xb0: {  	[dreg:$0x4] =	wrdreg $0x9  }
0xb1: {  	_ =	task.clear_ibuf [dreg:s7], $0x5FFFF;
	_ =	strace $0x90000046  }
0xb2: {  	s29 =	simm.s32 $0x9;
	_ =	strace $0x80000048  }
0xb3: {  	_ =	swait.ge [sflag:s29], $0x1  }
0xb4: {  	[sflag:s29] =	ssyncadd.s32 $0xFFFFFFFF  }
0xb5: {  	_ =	strace $0x90000048  }
0xb6: {  	_ =	sfence  }
0xb7: {  	s30 =	sld [smem:$0x0];
	_ =	sdelay $0x2  }
0xb8: {  	s31 =	sshll.u32 s1, $0xD;
	s1 =	sshrl.u32 s1, $0x2  }
0xb9: {  	s3 =	sand.u32 $0x4000, s31;
	s1 =	sadd.s32 s1, s30  }
0xba: {  	s0 =	sor.u32 s3, s0;
	s1 =	sshll.u32 s1, $0x11  }
0xbb: {  	s0 =	sor.u32 s1, s0  }
0xbc: {  	s0 =	sadd.s32 $0x8F2B, s0  }
0xbd: {  	[sflag:s0] =	ssyncadd.remote.s32 $0x1  }
0xbe: {  	_ =	sfence.sel $0xFFFF  }
0xbf: {  	[dreg:$0x0] =	wrdreg $0xFFFFFFFF;
	(pc) =	sbr.abs _section_cstart, $3  }
0xc0: {  	[dreg:$0x1] =	wrdreg $0xFFFFFFFF  }
0xc1: {  	_ =	task.clear_ibuf [dreg:s7], $0x2FFFF;
	_ =	strace $0x9FFFFFFF  }
0xc2: {  	(tm) =	ssettm $0x7FFFFFFF  }
0xc3: {  	_ =	shalt  }
tec
execute0_lowered:
.L_overlay_start_1:
0x0: {  	(tag) =	ssettag $0x1  }
0x1: {  	s8 =	rddreg [dreg:$0x0]  }
0x2: {  	s9 =	rddreg [dreg:$0x1]  }
0x3: {  	s1 =	srdreg.scid;
	s0 =	rddreg [dreg:$0x2]  }
0x4: {  	s2 =	simm.s32 $0x0;
	s14 =	simm.s32 $0x2000;
	s15 =	simm.s32 $0x4000  }
0x5: {  	s16 =	simm.s32 $0x8000;
	s17 =	simm.s32 $0x5;
	s18 =	simm.s32 $0x6  }
0x6: {  	s19 =	simm.s32 $0x7;
	s20 =	simm.s32 $0x8;
	s21 =	simm.s32 $0x9  }
0x7: {  	v0 =	vlaneseq.u32;
	s3 =	sand.u32 $0x1, s1;
	[smem:$0x7FF] =	sst s2;
	s1 =	stileid.u32  }
0x8: {  	v1 =	vshrl.u32 v0, $0x1;
	s10 =	sadd.s32 $0x600, s9;
	v9 =	vand.u32 $0x1, v0;
	s4 =	sshll.u32 s3, $0x4;
	_ =	strace $0x80000047  }
0x9: {  	v10 =	vor.u32 $0x10, v0;
	v11 =	vor.u32 $0x20, v0;
	v12 =	vmul.u32 $0x40, v0;
	s5 =	ssub.s32 $0x2, s3;
	s3 =	sadd.s32 $0x400, s9;
	s12 =	sor.u32 $0x1E80, s1  }
0xa: {  	v13 =	vor.u32 $0x30, v0;
	v14 =	vor.u32 $0x40, v0;
	v15 =	vor.u32 $0x50, v0;
	s9 =	sadd.s32 $0x7A1600, s9;
	s22 =	sor.u32 s1, s4;
	s31 =	sshrl.u32 s5, $0x1  }
0xb: {  	v16 =	vor.u32 $0x60, v0;
	v17 =	vor.u32 $0x70, v0;
	v1 =	vmul.u32 $0x80, v1;
	s13 =	sshll.u32 s12, $0x7;
	s12 =	sshll.u32 s12, $0xA;
	s6 =	sshll.u32 s22, $0x7  }
.Ltmp0:
0xc: {  	v9 =	vmul.u32 $0x40, v9;
	v18 =	vor.u32 $0x400, v12;
	v19 =	vor.u32 $0x800, v12;
	s11 =	ssub.s32 s5, s31;
	s7 =	sshll.u32 s22, $0xA;
	(pc) =	sbr.rel .LBB2_1-.Ltmp0, $4  }
0xd: {  	v20 =	vor.u32 $0xC00, v12;
	v21 =	vor.u32 $0x1000, v12;
	v22 =	vor.u32 $0x1400, v12;
	p0 =	sgt.u32 s22, $0x3;
	p1 =	sne.s32 s22, $0x4;
	s22 =	simm.s32 $0x0  }
0xe: {  	v23 =	vor.u32 $0x1800, v12;
	v24 =	vor.u32 $0x1C00, v12;
	v2 =	vor.u32 $0x400, v1;
	s4 =	sadd.s32 s8, s6;
	s7 =	sadd.s32 s10, s7;
	s8 =	sadd.s32 s8, s13  }
0xf: {  	v3 =	vor.u32 $0x800, v1;
	v4 =	vor.u32 $0xC00, v1;
	v5 =	vor.u32 $0x1000, v1;
	s10 =	sadd.s32 s10, s12;
	s11 =	smax.u32 s11, $0x1;
	s12 =	simm.s32 $0x7A1400  }
0x10: {  	v6 =	vor.u32 $0x1400, v1;
	v7 =	vor.u32 $0x1800, v1;
	v8 =	vor.u32 $0x1C00, v1;
	s13 =	simm.s32 $0x400;
	s5 =	sadd.s32 $0x1000, s4;
	s6 =	sadd.s32 $0x2000, s4  }
.LBB2_9:
0x11: {  	s23 =	simm.s32 @!p1 $0x0;
	s24 =	simm.s32 @!p1 $0x8000;
	s25 =	simm.s32 @!p1 $0x9  }
0x12: {  	[tilespmem:s24], [sflag:$0x9] =	stream.linear.gather @!p1 [hbm4b:s3+s23], $0x1000, $0x38;
	[tilespmem:$0x10000] =	vst v63  }
0x13: {  	_ =	swait.ge @!p1 [sflag:s25], $0x1000  }
0x14: {  	[sflag:s25] =	ssyncset.done @!p1 $0x0  }
0x15: {  	[sflag:s25] =	ssyncadd.s32 @!p1 $0xFFFFF000  }
0x16: {  	[hbm4b:s9+s23] =	stream.linear.scatter @!p1 [tilespmem:s24], [sflag:$0x9], $0x1000, $0x38;
	[tilespmem:$0x10000] =	vst v63  }
0x17: {  	_ =	swait.ge @!p1 [sflag:s25], $0x1000  }
0x18: {  	[sflag:s25] =	ssyncset.done @!p1 $0x0  }
0x19: {  	[sflag:s25] =	ssyncadd.s32 @!p1 $0xFFFFF000  }
.LBB2_10:
0x1a: {  	s22 =	sadd.s32 $0x1, s22  }
0x1b: {  	p2 =	sne.s32 s22, s11  }
.Ltmp1:
0x1c: {  	_ = 	snop;
	(pc) =	sbr.rel @!p2 .LBB2_11-.Ltmp1, $1  }
0x1d: {  	_ =	sdelay $0x3  }
.LBB2_1:
0x1e: {  	[tilespmem:s2], [sflag:$0x1] =	stream.strided.gather [hbm4b:s4+s13], $0x2000, s12, s13, $0x38;
	[tilespmem:$0x10000] =	vst v63  }
0x1f: {  	_ = 	snop  }
0x20: {  	[tilespmem:s14], [sflag:$0x2] =	stream.strided.gather [hbm4b:s5+s13], $0x2000, s12, s13, $0x38;
	[tilespmem:$0x10000] =	vst v63  }
0x21: {  	s23 =	simm.s32 $0x0  }
0x22: {  	[tilespmem:s15], [sflag:$0x3] =	stream.strided.gather [hbm4b:s6+s13], $0x2000, s12, s13, $0x38;
	[tilespmem:$0x10000] =	vst v63  }
.LBB2_2:
0x23: {  	p2 =	sgt.u32 s23, $0xF0  }
0x24: {  	s31 =	simm.s32 $0x0;
	s24 =	sadd.s32 @!p2 $0x3, s23;
	s28 =	simm.s32 @!p2 $0x400  }
0x25: {  	s29 =	simm.s32 @!p2 $0x7A1400;
	s25 =	sand.u32 @!p2 $0x3, s24;
	s24 =	sshll.u32 @!p2 s24, $0xC  }
0x26: {  	s26 =	sshll.u32 @!p2 s25, $0xD;
	s25 =	sadd.s32 @!p2 $0x1, s25;
	s24 =	sadd.s32 @!p2 s24, s4  }
0x27: {  	[tilespmem:s26], [sflag:s25] =	stream.strided.gather @!p2 [hbm4b:s24+s28], $0x2000, s29, s28, $0x38;
	[tilespmem:$0x10000] =	vst v63  }
0x28: {  	v25 =	vadd.s32 s31, v0;
	s24 =	sand.u32 $0x3, s23  }
0x29: {  	v26 =	vand.u32 $0x3F, v25;
	s26 =	sadd.s32 $0x1, s24  }
0x2a: {  	v32 =	vshll.u32 v26, $0x7;
	_ =	swait.ge [sflag:s26], $0x2000  }
0x2b: {  	p2 =	slt.u32 s23, $0x4;
	v27 =	vor.u32 v0, v32;
	[sflag:s26] =	ssyncset.done $0x0  }
0x2c: {  	[sflag:s26] =	ssyncadd.s32 $0xFFFFE000;
	s26 =	sadd.s32 @!p2 $0x5, s24  }
0x2d: {  	_ =	swait.ge @!p2 [sflag:s26], $0x2000  }
0x2e: {  	s25 =	sshll.u32 s24, $0xD;
	[sflag:s26] =	ssyncset.done @!p2 $0x0  }
0x2f: {  	v33 =	vor.u32 v9, v26;
	v25 =	vor.u32 s25, v1;
	[sflag:s26] =	ssyncadd.s32 @!p2 $0xFFFFE000  }
0x30: {  	v28 =	vor.u32 v25, v33;
	v27 =	vld.idx.msk [tilespmem:v27+s25+$0x0], $0xffff  }
0x31: {  	v29 =	vor.u32 v10, v32;
	_ =	sdelay $0x3  }
0x32: {  	v26 =	vor.u32 s25, v2;
	[tilespmem:v28+s16+$0x0] =	vst.idx.msk $0xffff, v27  }
0x33: {  	v28 =	vld.idx.msk [tilespmem:v29+s25+$0x0], $0xffff;
	v29 =	vor.u32 v26, v33  }
0x34: {  	v30 =	vor.u32 v11, v32;
	_ =	sdelay $0x3  }
0x35: {  	v27 =	vor.u32 s25, v3;
	[tilespmem:v29+s16+$0x0] =	vst.idx.msk $0xffff, v28  }
0x36: {  	v29 =	vld.idx.msk [tilespmem:v30+s25+$0x0], $0xffff;
	v30 =	vor.u32 v27, v33  }
0x37: {  	v31 =	vor.u32 v13, v32;
	_ =	sdelay $0x3  }
0x38: {  	v28 =	vor.u32 s25, v4;
	[tilespmem:v30+s16+$0x0] =	vst.idx.msk $0xffff, v29  }
0x39: {  	v30 =	vld.idx.msk [tilespmem:v31+s25+$0x0], $0xffff;
	v31 =	vor.u32 v28, v33  }
0x3a: {  	v34 =	vor.u32 v14, v32;
	_ =	sdelay $0x3  }
0x3b: {  	v29 =	vor.u32 s25, v5;
	[tilespmem:v31+s16+$0x0] =	vst.idx.msk $0xffff, v30  }
0x3c: {  	v54 =	vor.u32 v29, v33;
	v31 =	vld.idx.msk [tilespmem:v34+s25+$0x0], $0xffff  }
0x3d: {  	v35 =	vor.u32 v15, v32;
	_ =	sdelay $0x3  }
0x3e: {  	v30 =	vor.u32 s25, v6;
	[tilespmem:v54+s16+$0x0] =	vst.idx.msk $0xffff, v31  }
0x3f: {  	v55 =	vor.u32 v30, v33;
	v34 =	vld.idx.msk [tilespmem:v35+s25+$0x0], $0xffff  }
0x40: {  	v36 =	vor.u32 v16, v32;
	_ =	sdelay $0x3  }
0x41: {  	v31 =	vor.u32 s25, v7;
	[tilespmem:v55+s16+$0x0] =	vst.idx.msk $0xffff, v34  }
0x42: {  	v56 =	vor.u32 v31, v33;
	v34 =	vld.idx.msk [tilespmem:v36+s25+$0x0], $0xffff  }
0x43: {  	v57 =	vor.u32 v17, v32;
	_ =	sdelay $0x1  }
0x44: {  	s29 =	simm.s32 $0x1  }
0x45: {  	v37 =	vadd.s32 s29, v0  }
0x46: {  	v32 =	vor.u32 s25, v8;
	v58 =	vand.u32 $0x3F, v37;
	[tilespmem:v56+s16+$0x0] =	vst.idx.msk $0xffff, v34  }
0x47: {  	v59 =	vshll.u32 v58, $0x7;
	v33 =	vor.u32 v32, v33;
	v35 =	vld.idx.msk [tilespmem:v57+s25+$0x0], $0xffff  }
0x48: {  	v60 =	vor.u32 v0, v59;
	_ =	sdelay $0x3  }
0x49: {  	v61 =	vor.u32 v9, v58;
	[tilespmem:v33+s16+$0x0] =	vst.idx.msk $0xffff, v35  }
0x4a: {  	v63 =	vor.u32 v25, v61;
	v62 =	vld.idx.msk [tilespmem:v60+s25+$0x0], $0xffff  }
0x4b: {  	v40 =	vor.u32 v10, v59;
	_ =	sdelay $0x3  }
0x4c: {  	[tilespmem:v63+s16+$0x0] =	vst.idx.msk $0xffff, v62  }
0x4d: {  	v41 =	vor.u32 v26, v61;
	v34 =	vld.idx.msk [tilespmem:v40+s25+$0x0], $0xffff  }
0x4e: {  	v42 =	vor.u32 v11, v59;
	_ =	sdelay $0x3  }
0x4f: {  	[tilespmem:v41+s16+$0x0] =	vst.idx.msk $0xffff, v34  }
0x50: {  	v43 =	vor.u32 v27, v61;
	v34 =	vld.idx.msk [tilespmem:v42+s25+$0x0], $0xffff  }
0x51: {  	v44 =	vor.u32 v13, v59;
	_ =	sdelay $0x3  }
0x52: {  	[tilespmem:v43+s16+$0x0] =	vst.idx.msk $0xffff, v34  }
0x53: {  	v45 =	vor.u32 v28, v61;
	v34 =	vld.idx.msk [tilespmem:v44+s25+$0x0], $0xffff  }
0x54: {  	v46 =	vor.u32 v14, v59;
	_ =	sdelay $0x3  }
0x55: {  	[tilespmem:v45+s16+$0x0] =	vst.idx.msk $0xffff, v34  }
0x56: {  	v47 =	vor.u32 v29, v61;
	v34 =	vld.idx.msk [tilespmem:v46+s25+$0x0], $0xffff  }
0x57: {  	v48 =	vor.u32 v15, v59;
	_ =	sdelay $0x3  }
0x58: {  	[tilespmem:v47+s16+$0x0] =	vst.idx.msk $0xffff, v34  }
0x59: {  	v49 =	vor.u32 v30, v61;
	v34 =	vld.idx.msk [tilespmem:v48+s25+$0x0], $0xffff  }
0x5a: {  	v50 =	vor.u32 v16, v59;
	_ =	sdelay $0x3  }
0x5b: {  	[tilespmem:v49+s16+$0x0] =	vst.idx.msk $0xffff, v34  }
0x5c: {  	v51 =	vor.u32 v31, v61;
	v34 =	vld.idx.msk [tilespmem:v50+s25+$0x0], $0xffff  }
0x5d: {  	v36 =	vor.u32 v17, v59;
	_ =	sdelay $0x1  }
0x5e: {  	s30 =	simm.s32 $0x2  }
0x5f: {  	v52 =	vadd.s32 s30, v0  }
0x60: {  	v53 =	vand.u32 $0x3F, v52;
	[tilespmem:v51+s16+$0x0] =	vst.idx.msk $0xffff, v34  }
0x61: {  	v54 =	vshll.u32 v53, $0x7;
	v33 =	vor.u32 v32, v61;
	v35 =	vld.idx.msk [tilespmem:v36+s25+$0x0], $0xffff  }
0x62: {  	v55 =	vor.u32 v0, v54;
	_ =	sdelay $0x3  }
0x63: {  	v56 =	vor.u32 v9, v53;
	[tilespmem:v33+s16+$0x0] =	vst.idx.msk $0xffff, v35  }
0x64: {  	v58 =	vor.u32 v25, v56;
	v57 =	vld.idx.msk [tilespmem:v55+s25+$0x0], $0xffff  }
0x65: {  	v59 =	vor.u32 v10, v54;
	_ =	sdelay $0x3  }
0x66: {  	[tilespmem:v58+s16+$0x0] =	vst.idx.msk $0xffff, v57  }
0x67: {  	v60 =	vor.u32 v26, v56;
	v34 =	vld.idx.msk [tilespmem:v59+s25+$0x0], $0xffff  }
0x68: {  	v61 =	vor.u32 v11, v54;
	_ =	sdelay $0x3  }
0x69: {  	[tilespmem:v60+s16+$0x0] =	vst.idx.msk $0xffff, v34  }
0x6a: {  	v62 =	vor.u32 v27, v56;
	v34 =	vld.idx.msk [tilespmem:v61+s25+$0x0], $0xffff  }
0x6b: {  	v63 =	vor.u32 v13, v54;
	_ =	sdelay $0x3  }
0x6c: {  	[tilespmem:v62+s16+$0x0] =	vst.idx.msk $0xffff, v34  }
0x6d: {  	v40 =	vor.u32 v28, v56;
	v34 =	vld.idx.msk [tilespmem:v63+s25+$0x0], $0xffff  }
0x6e: {  	v41 =	vor.u32 v14, v54;
	_ =	sdelay $0x3  }
0x6f: {  	[tilespmem:v40+s16+$0x0] =	vst.idx.msk $0xffff, v34  }
0x70: {  	v42 =	vor.u32 v29, v56;
	v34 =	vld.idx.msk [tilespmem:v41+s25+$0x0], $0xffff  }
0x71: {  	v43 =	vor.u32 v15, v54;
	_ =	sdelay $0x3  }
0x72: {  	[tilespmem:v42+s16+$0x0] =	vst.idx.msk $0xffff, v34  }
0x73: {  	v44 =	vor.u32 v30, v56;
	v34 =	vld.idx.msk [tilespmem:v43+s25+$0x0], $0xffff  }
0x74: {  	v45 =	vor.u32 v16, v54;
	_ =	sdelay $0x3  }
0x75: {  	[tilespmem:v44+s16+$0x0] =	vst.idx.msk $0xffff, v34  }
0x76: {  	v46 =	vor.u32 v31, v56;
	v34 =	vld.idx.msk [tilespmem:v45+s25+$0x0], $0xffff  }
0x77: {  	v36 =	vor.u32 v17, v54;
	_ =	sdelay $0x1  }
0x78: {  	s31 =	simm.s32 $0x3  }
0x79: {  	v47 =	vadd.s32 s31, v0  }
0x7a: {  	v48 =	vand.u32 $0x3F, v47;
	[tilespmem:v46+s16+$0x0] =	vst.idx.msk $0xffff, v34  }
0x7b: {  	v49 =	vshll.u32 v48, $0x7;
	v33 =	vor.u32 v32, v56;
	v35 =	vld.idx.msk [tilespmem:v36+s25+$0x0], $0xffff  }
0x7c: {  	v50 =	vor.u32 v0, v49;
	_ =	sdelay $0x3  }
0x7d: {  	[tilespmem:v33+s16+$0x0] =	vst.idx.msk $0xffff, v35;
	v33 =	vor.u32 v9, v48  }
0x7e: {  	v51 =	vld.idx.msk [tilespmem:v50+s25+$0x0], $0xffff;
	v52 =	vor.u32 v25, v33  }
0x7f: {  	v53 =	vor.u32 v10, v49;
	_ =	sdelay $0x3  }
0x80: {  	[tilespmem:v52+s16+$0x0] =	vst.idx.msk $0xffff, v51  }
0x81: {  	v54 =	vor.u32 v26, v33;
	v34 =	vld.idx.msk [tilespmem:v53+s25+$0x0], $0xffff  }
0x82: {  	v55 =	vor.u32 v11, v49;
	_ =	sdelay $0x3  }
0x83: {  	[tilespmem:v54+s16+$0x0] =	vst.idx.msk $0xffff, v34  }
0x84: {  	v56 =	vor.u32 v27, v33;
	v34 =	vld.idx.msk [tilespmem:v55+s25+$0x0], $0xffff  }
0x85: {  	v57 =	vor.u32 v13, v49;
	_ =	sdelay $0x3  }
0x86: {  	[tilespmem:v56+s16+$0x0] =	vst.idx.msk $0xffff, v34  }
0x87: {  	v58 =	vor.u32 v28, v33;
	v34 =	vld.idx.msk [tilespmem:v57+s25+$0x0], $0xffff  }
0x88: {  	v59 =	vor.u32 v14, v49;
	_ =	sdelay $0x3  }
0x89: {  	[tilespmem:v58+s16+$0x0] =	vst.idx.msk $0xffff, v34  }
0x8a: {  	v60 =	vor.u32 v29, v33;
	v34 =	vld.idx.msk [tilespmem:v59+s25+$0x0], $0xffff  }
0x8b: {  	v61 =	vor.u32 v15, v49;
	_ =	sdelay $0x3  }
0x8c: {  	[tilespmem:v60+s16+$0x0] =	vst.idx.msk $0xffff, v34  }
0x8d: {  	v62 =	vor.u32 v30, v33;
	v34 =	vld.idx.msk [tilespmem:v61+s25+$0x0], $0xffff  }
0x8e: {  	v63 =	vor.u32 v16, v49;
	_ =	sdelay $0x3  }
0x8f: {  	[tilespmem:v62+s16+$0x0] =	vst.idx.msk $0xffff, v34  }
0x90: {  	v38 =	vor.u32 v31, v33;
	v37 =	vld.idx.msk [tilespmem:v63+s25+$0x0], $0xffff  }
0x91: {  	v34 =	vor.u32 v17, v49;
	_ =	sdelay $0x2  }
0x92: {  	s26 =	simm.s32 $0x4  }
0x93: {  	s28 =	simm.s32 $0x8;
	v35 =	vadd.s32 s26, v0;
	[tilespmem:v38+s16+$0x0] =	vst.idx.msk $0xffff, v37  }
.LBB2_3:
0x94: {  	p2 =	sne.s32 s28, $0x3C;
	v35 =	vand.u32 $0x3F, v35;
	v34 =	vld.idx.msk [tilespmem:v34+s25+$0x0], $0xffff  }
0x95: {  	v33 =	vor.u32 v32, v33;
	v36 =	vshll.u32 v35, $0x7  }
0x96: {  	v37 =	vor.u32 v0, v36;
	_ =	sdelay $0x3  }
0x97: {  	[tilespmem:v33+s16+$0x0] =	vst.idx.msk $0xffff, v34  }
0x98: {  	v34 =	vor.u32 v9, v35;
	v33 =	vld.idx.msk [tilespmem:v37+s25+$0x0], $0xffff  }
0x99: {  	v35 =	vor.u32 v25, v34  }
0x9a: {  	v37 =	vor.u32 v10, v36;
	_ =	sdelay $0x3  }
0x9b: {  	[tilespmem:v35+s16+$0x0] =	vst.idx.msk $0xffff, v33  }
0x9c: {  	v33 =	vld.idx.msk [tilespmem:v37+s25+$0x0], $0xffff  }
0x9d: {  	v35 =	vor.u32 v26, v34  }
0x9e: {  	v37 =	vor.u32 v11, v36;
	_ =	sdelay $0x3  }
0x9f: {  	[tilespmem:v35+s16+$0x0] =	vst.idx.msk $0xffff, v33  }
0xa0: {  	v33 =	vld.idx.msk [tilespmem:v37+s25+$0x0], $0xffff  }
0xa1: {  	v35 =	vor.u32 v27, v34  }
0xa2: {  	v37 =	vor.u32 v13, v36;
	_ =	sdelay $0x3  }
0xa3: {  	[tilespmem:v35+s16+$0x0] =	vst.idx.msk $0xffff, v33  }
0xa4: {  	v33 =	vld.idx.msk [tilespmem:v37+s25+$0x0], $0xffff  }
0xa5: {  	v35 =	vor.u32 v28, v34  }
0xa6: {  	v37 =	vor.u32 v14, v36;
	_ =	sdelay $0x3  }
0xa7: {  	[tilespmem:v35+s16+$0x0] =	vst.idx.msk $0xffff, v33  }
0xa8: {  	v33 =	vld.idx.msk [tilespmem:v37+s25+$0x0], $0xffff  }
0xa9: {  	v35 =	vor.u32 v29, v34  }
0xaa: {  	v37 =	vor.u32 v15, v36;
	_ =	sdelay $0x3  }
0xab: {  	[tilespmem:v35+s16+$0x0] =	vst.idx.msk $0xffff, v33  }
0xac: {  	v33 =	vld.idx.msk [tilespmem:v37+s25+$0x0], $0xffff  }
0xad: {  	v35 =	vor.u32 v30, v34  }
0xae: {  	v37 =	vor.u32 v16, v36;
	_ =	sdelay $0x3  }
0xaf: {  	[tilespmem:v35+s16+$0x0] =	vst.idx.msk $0xffff, v33  }
0xb0: {  	v33 =	vld.idx.msk [tilespmem:v37+s25+$0x0], $0xffff  }
0xb1: {  	v35 =	vor.u32 v31, v34  }
0xb2: {  	v36 =	vor.u32 v17, v36;
	_ =	sdelay $0x2  }
0xb3: {  	s29 =	sadd.s32 $0x1, s26  }
0xb4: {  	[tilespmem:v35+s16+$0x0] =	vst.idx.msk $0xffff, v33;
	v33 =	vadd.s32 s29, v0  }
0xb5: {  	v35 =	vld.idx.msk [tilespmem:v36+s25+$0x0], $0xffff;
	v33 =	vand.u32 $0x3F, v33  }
0xb6: {  	v34 =	vor.u32 v32, v34;
	v36 =	vshll.u32 v33, $0x7  }
0xb7: {  	v37 =	vor.u32 v0, v36;
	_ =	sdelay $0x3  }
0xb8: {  	[tilespmem:v34+s16+$0x0] =	vst.idx.msk $0xffff, v35  }
0xb9: {  	v33 =	vor.u32 v9, v33;
	v34 =	vld.idx.msk [tilespmem:v37+s25+$0x0], $0xffff  }
0xba: {  	v35 =	vor.u32 v25, v33  }
0xbb: {  	v37 =	vor.u32 v10, v36;
	_ =	sdelay $0x3  }
0xbc: {  	[tilespmem:v35+s16+$0x0] =	vst.idx.msk $0xffff, v34  }
0xbd: {  	v34 =	vld.idx.msk [tilespmem:v37+s25+$0x0], $0xffff  }
0xbe: {  	v35 =	vor.u32 v26, v33  }
0xbf: {  	v37 =	vor.u32 v11, v36;
	_ =	sdelay $0x3  }
0xc0: {  	[tilespmem:v35+s16+$0x0] =	vst.idx.msk $0xffff, v34  }
0xc1: {  	v34 =	vld.idx.msk [tilespmem:v37+s25+$0x0], $0xffff  }
0xc2: {  	v35 =	vor.u32 v27, v33  }
0xc3: {  	v37 =	vor.u32 v13, v36;
	_ =	sdelay $0x3  }
0xc4: {  	[tilespmem:v35+s16+$0x0] =	vst.idx.msk $0xffff, v34  }
0xc5: {  	v34 =	vld.idx.msk [tilespmem:v37+s25+$0x0], $0xffff  }
0xc6: {  	v35 =	vor.u32 v28, v33  }
0xc7: {  	v37 =	vor.u32 v14, v36;
	_ =	sdelay $0x3  }
0xc8: {  	[tilespmem:v35+s16+$0x0] =	vst.idx.msk $0xffff, v34  }
0xc9: {  	v34 =	vld.idx.msk [tilespmem:v37+s25+$0x0], $0xffff  }
0xca: {  	v35 =	vor.u32 v29, v33  }
0xcb: {  	v37 =	vor.u32 v15, v36;
	_ =	sdelay $0x3  }
0xcc: {  	[tilespmem:v35+s16+$0x0] =	vst.idx.msk $0xffff, v34  }
0xcd: {  	v34 =	vld.idx.msk [tilespmem:v37+s25+$0x0], $0xffff  }
0xce: {  	v35 =	vor.u32 v30, v33  }
0xcf: {  	v37 =	vor.u32 v16, v36;
	_ =	sdelay $0x3  }
0xd0: {  	[tilespmem:v35+s16+$0x0] =	vst.idx.msk $0xffff, v34  }
0xd1: {  	v34 =	vld.idx.msk [tilespmem:v37+s25+$0x0], $0xffff  }
0xd2: {  	v35 =	vor.u32 v31, v33  }
0xd3: {  	v36 =	vor.u32 v17, v36;
	_ =	sdelay $0x2  }
0xd4: {  	s29 =	sadd.s32 $0x2, s26  }
0xd5: {  	[tilespmem:v35+s16+$0x0] =	vst.idx.msk $0xffff, v34;
	v34 =	vadd.s32 s29, v0  }
0xd6: {  	v35 =	vld.idx.msk [tilespmem:v36+s25+$0x0], $0xffff;
	v34 =	vand.u32 $0x3F, v34  }
0xd7: {  	v33 =	vor.u32 v32, v33;
	v36 =	vshll.u32 v34, $0x7  }
0xd8: {  	v37 =	vor.u32 v0, v36;
	_ =	sdelay $0x3  }
0xd9: {  	[tilespmem:v33+s16+$0x0] =	vst.idx.msk $0xffff, v35  }
0xda: {  	v34 =	vor.u32 v9, v34;
	v33 =	vld.idx.msk [tilespmem:v37+s25+$0x0], $0xffff  }
0xdb: {  	v35 =	vor.u32 v25, v34  }
0xdc: {  	v37 =	vor.u32 v10, v36;
	_ =	sdelay $0x3  }
0xdd: {  	[tilespmem:v35+s16+$0x0] =	vst.idx.msk $0xffff, v33  }
0xde: {  	v33 =	vld.idx.msk [tilespmem:v37+s25+$0x0], $0xffff  }
0xdf: {  	v35 =	vor.u32 v26, v34  }
0xe0: {  	v37 =	vor.u32 v11, v36;
	_ =	sdelay $0x3  }
0xe1: {  	[tilespmem:v35+s16+$0x0] =	vst.idx.msk $0xffff, v33  }
0xe2: {  	v33 =	vld.idx.msk [tilespmem:v37+s25+$0x0], $0xffff  }
0xe3: {  	v35 =	vor.u32 v27, v34  }
0xe4: {  	v37 =	vor.u32 v13, v36;
	_ =	sdelay $0x3  }
0xe5: {  	[tilespmem:v35+s16+$0x0] =	vst.idx.msk $0xffff, v33  }
0xe6: {  	v33 =	vld.idx.msk [tilespmem:v37+s25+$0x0], $0xffff  }
0xe7: {  	v35 =	vor.u32 v28, v34  }
0xe8: {  	v37 =	vor.u32 v14, v36;
	_ =	sdelay $0x3  }
0xe9: {  	[tilespmem:v35+s16+$0x0] =	vst.idx.msk $0xffff, v33  }
0xea: {  	v33 =	vld.idx.msk [tilespmem:v37+s25+$0x0], $0xffff  }
0xeb: {  	v35 =	vor.u32 v29, v34  }
0xec: {  	v37 =	vor.u32 v15, v36;
	_ =	sdelay $0x3  }
0xed: {  	[tilespmem:v35+s16+$0x0] =	vst.idx.msk $0xffff, v33  }
0xee: {  	v33 =	vld.idx.msk [tilespmem:v37+s25+$0x0], $0xffff  }
0xef: {  	v35 =	vor.u32 v30, v34  }
0xf0: {  	v37 =	vor.u32 v16, v36;
	_ =	sdelay $0x3  }
0xf1: {  	[tilespmem:v35+s16+$0x0] =	vst.idx.msk $0xffff, v33  }
0xf2: {  	v33 =	vld.idx.msk [tilespmem:v37+s25+$0x0], $0xffff  }
0xf3: {  	v35 =	vor.u32 v31, v34  }
0xf4: {  	v36 =	vor.u32 v17, v36;
	_ =	sdelay $0x2  }
0xf5: {  	s29 =	sadd.s32 $0x3, s26;
	s26 =	smov.u32 s28  }
0xf6: {  	[tilespmem:v35+s16+$0x0] =	vst.idx.msk $0xffff, v33;
	v33 =	vadd.s32 s29, v0  }
0xf7: {  	v35 =	vld.idx.msk [tilespmem:v36+s25+$0x0], $0xffff;
	v33 =	vand.u32 $0x3F, v33  }
0xf8: {  	v34 =	vor.u32 v32, v34;
	v36 =	vshll.u32 v33, $0x7  }
0xf9: {  	v37 =	vor.u32 v0, v36;
	_ =	sdelay $0x3  }
0xfa: {  	[tilespmem:v34+s16+$0x0] =	vst.idx.msk $0xffff, v35  }
0xfb: {  	v33 =	vor.u32 v9, v33;
	v34 =	vld.idx.msk [tilespmem:v37+s25+$0x0], $0xffff  }
0xfc: {  	v35 =	vor.u32 v25, v33  }
0xfd: {  	v37 =	vor.u32 v10, v36;
	_ =	sdelay $0x3  }
0xfe: {  	[tilespmem:v35+s16+$0x0] =	vst.idx.msk $0xffff, v34  }
0xff: {  	v34 =	vld.idx.msk [tilespmem:v37+s25+$0x0], $0xffff  }
0x100: {  	v35 =	vor.u32 v26, v33  }
0x101: {  	v37 =	vor.u32 v11, v36;
	_ =	sdelay $0x3  }
0x102: {  	[tilespmem:v35+s16+$0x0] =	vst.idx.msk $0xffff, v34  }
0x103: {  	v34 =	vld.idx.msk [tilespmem:v37+s25+$0x0], $0xffff  }
0x104: {  	v35 =	vor.u32 v27, v33  }
0x105: {  	v37 =	vor.u32 v13, v36;
	_ =	sdelay $0x3  }
0x106: {  	[tilespmem:v35+s16+$0x0] =	vst.idx.msk $0xffff, v34  }
0x107: {  	v34 =	vld.idx.msk [tilespmem:v37+s25+$0x0], $0xffff  }
0x108: {  	v35 =	vor.u32 v28, v33  }
0x109: {  	v37 =	vor.u32 v14, v36;
	_ =	sdelay $0x3  }
0x10a: {  	[tilespmem:v35+s16+$0x0] =	vst.idx.msk $0xffff, v34  }
0x10b: {  	v34 =	vld.idx.msk [tilespmem:v37+s25+$0x0], $0xffff  }
0x10c: {  	v35 =	vor.u32 v29, v33  }
0x10d: {  	v37 =	vor.u32 v15, v36;
	_ =	sdelay $0x3  }
0x10e: {  	[tilespmem:v35+s16+$0x0] =	vst.idx.msk $0xffff, v34  }
0x10f: {  	v34 =	vld.idx.msk [tilespmem:v37+s25+$0x0], $0xffff  }
0x110: {  	v35 =	vor.u32 v30, v33  }
0x111: {  	v37 =	vor.u32 v16, v36;
	_ =	sdelay $0x3  }
0x112: {  	[tilespmem:v35+s16+$0x0] =	vst.idx.msk $0xffff, v34  }
0x113: {  	v37 =	vld.idx.msk [tilespmem:v37+s25+$0x0], $0xffff  }
0x114: {  	v38 =	vor.u32 v31, v33  }
.Ltmp2:
0x115: {  	v34 =	vor.u32 v17, v36;
	(pc) =	sbr.rel @p2 .LBB2_3-.Ltmp2, $2  }
0x116: {  	_ =	sdelay $0x2  }
0x117: {  	s28 =	sadd.s32 $0x4, s28;
	v35 =	vadd.s32 s26, v0;
	[tilespmem:v38+s16+$0x0] =	vst.idx.msk $0xffff, v37  }
0x118: {  	_ =	sdelay $0x2  }
0x119: {  	v35 =	vand.u32 $0x3F, v35  }
0x11a: {  	v34 =	vld.idx.msk [tilespmem:v34+s25+$0x0], $0xffff;
	v33 =	vor.u32 v32, v33;
	v36 =	vshll.u32 v35, $0x7  }
0x11b: {  	v37 =	vor.u32 v0, v36;
	_ =	sdelay $0x3  }
0x11c: {  	v53 =	vor.u32 v9, v35;
	[tilespmem:v33+s16+$0x0] =	vst.idx.msk $0xffff, v34  }
0x11d: {  	v35 =	vor.u32 v25, v53;
	v34 =	vld.idx.msk [tilespmem:v37+s25+$0x0], $0xffff  }
0x11e: {  	v54 =	vor.u32 v10, v36;
	_ =	sdelay $0x3  }
0x11f: {  	[tilespmem:v35+s16+$0x0] =	vst.idx.msk $0xffff, v34  }
0x120: {  	v55 =	vor.u32 v26, v53;
	v34 =	vld.idx.msk [tilespmem:v54+s25+$0x0], $0xffff  }
0x121: {  	v56 =	vor.u32 v11, v36;
	_ =	sdelay $0x3  }
0x122: {  	[tilespmem:v55+s16+$0x0] =	vst.idx.msk $0xffff, v34  }
0x123: {  	v57 =	vor.u32 v27, v53;
	v34 =	vld.idx.msk [tilespmem:v56+s25+$0x0], $0xffff  }
0x124: {  	v58 =	vor.u32 v13, v36;
	_ =	sdelay $0x3  }
0x125: {  	[tilespmem:v57+s16+$0x0] =	vst.idx.msk $0xffff, v34  }
0x126: {  	v59 =	vor.u32 v28, v53;
	v34 =	vld.idx.msk [tilespmem:v58+s25+$0x0], $0xffff  }
0x127: {  	v60 =	vor.u32 v14, v36;
	_ =	sdelay $0x3  }
0x128: {  	[tilespmem:v59+s16+$0x0] =	vst.idx.msk $0xffff, v34  }
0x129: {  	v61 =	vor.u32 v29, v53;
	v34 =	vld.idx.msk [tilespmem:v60+s25+$0x0], $0xffff  }
0x12a: {  	v62 =	vor.u32 v15, v36;
	_ =	sdelay $0x3  }
0x12b: {  	[tilespmem:v61+s16+$0x0] =	vst.idx.msk $0xffff, v34  }
0x12c: {  	v63 =	vor.u32 v30, v53;
	v34 =	vld.idx.msk [tilespmem:v62+s25+$0x0], $0xffff  }
0x12d: {  	v40 =	vor.u32 v16, v36;
	_ =	sdelay $0x3  }
0x12e: {  	[tilespmem:v63+s16+$0x0] =	vst.idx.msk $0xffff, v34  }
0x12f: {  	v41 =	vor.u32 v31, v53;
	v34 =	vld.idx.msk [tilespmem:v40+s25+$0x0], $0xffff  }
0x130: {  	v36 =	vor.u32 v17, v36;
	_ =	sdelay $0x1  }
0x131: {  	s28 =	sadd.s32 $0x1, s26  }
0x132: {  	v42 =	vadd.s32 s28, v0  }
0x133: {  	v43 =	vand.u32 $0x3F, v42;
	[tilespmem:v41+s16+$0x0] =	vst.idx.msk $0xffff, v34  }
0x134: {  	v44 =	vshll.u32 v43, $0x7;
	v33 =	vor.u32 v32, v53;
	v35 =	vld.idx.msk [tilespmem:v36+s25+$0x0], $0xffff  }
0x135: {  	v45 =	vor.u32 v0, v44;
	_ =	sdelay $0x3  }
0x136: {  	v46 =	vor.u32 v9, v43;
	[tilespmem:v33+s16+$0x0] =	vst.idx.msk $0xffff, v35  }
0x137: {  	v48 =	vor.u32 v25, v46;
	v47 =	vld.idx.msk [tilespmem:v45+s25+$0x0], $0xffff  }
0x138: {  	v49 =	vor.u32 v10, v44;
	_ =	sdelay $0x3  }
0x139: {  	[tilespmem:v48+s16+$0x0] =	vst.idx.msk $0xffff, v47  }
0x13a: {  	v50 =	vor.u32 v26, v46;
	v34 =	vld.idx.msk [tilespmem:v49+s25+$0x0], $0xffff  }
0x13b: {  	v51 =	vor.u32 v11, v44;
	_ =	sdelay $0x3  }
0x13c: {  	[tilespmem:v50+s16+$0x0] =	vst.idx.msk $0xffff, v34  }
0x13d: {  	v52 =	vor.u32 v27, v46;
	v34 =	vld.idx.msk [tilespmem:v51+s25+$0x0], $0xffff  }
0x13e: {  	v53 =	vor.u32 v13, v44;
	_ =	sdelay $0x3  }
0x13f: {  	[tilespmem:v52+s16+$0x0] =	vst.idx.msk $0xffff, v34  }
0x140: {  	v54 =	vor.u32 v28, v46;
	v34 =	vld.idx.msk [tilespmem:v53+s25+$0x0], $0xffff  }
0x141: {  	v55 =	vor.u32 v14, v44;
	_ =	sdelay $0x3  }
0x142: {  	[tilespmem:v54+s16+$0x0] =	vst.idx.msk $0xffff, v34  }
0x143: {  	v56 =	vor.u32 v29, v46;
	v34 =	vld.idx.msk [tilespmem:v55+s25+$0x0], $0xffff  }
0x144: {  	v57 =	vor.u32 v15, v44;
	_ =	sdelay $0x3  }
0x145: {  	[tilespmem:v56+s16+$0x0] =	vst.idx.msk $0xffff, v34  }
0x146: {  	v58 =	vor.u32 v30, v46;
	v34 =	vld.idx.msk [tilespmem:v57+s25+$0x0], $0xffff  }
0x147: {  	v59 =	vor.u32 v16, v44;
	_ =	sdelay $0x3  }
0x148: {  	[tilespmem:v58+s16+$0x0] =	vst.idx.msk $0xffff, v34  }
0x149: {  	v60 =	vor.u32 v31, v46;
	v34 =	vld.idx.msk [tilespmem:v59+s25+$0x0], $0xffff  }
0x14a: {  	v36 =	vor.u32 v17, v44;
	_ =	sdelay $0x1  }
0x14b: {  	s31 =	sadd.s32 $0x2, s26  }
0x14c: {  	v61 =	vadd.s32 s31, v0  }
0x14d: {  	v62 =	vand.u32 $0x3F, v61;
	[tilespmem:v60+s16+$0x0] =	vst.idx.msk $0xffff, v34  }
0x14e: {  	v63 =	vshll.u32 v62, $0x7;
	v33 =	vor.u32 v32, v46;
	v35 =	vld.idx.msk [tilespmem:v36+s25+$0x0], $0xffff  }
0x14f: {  	v40 =	vor.u32 v0, v63;
	_ =	sdelay $0x3  }
0x150: {  	v41 =	vor.u32 v9, v62;
	[tilespmem:v33+s16+$0x0] =	vst.idx.msk $0xffff, v35  }
0x151: {  	v43 =	vor.u32 v25, v41;
	v42 =	vld.idx.msk [tilespmem:v40+s25+$0x0], $0xffff  }
0x152: {  	v44 =	vor.u32 v10, v63;
	_ =	sdelay $0x3  }
0x153: {  	[tilespmem:v43+s16+$0x0] =	vst.idx.msk $0xffff, v42  }
0x154: {  	v45 =	vor.u32 v26, v41;
	v34 =	vld.idx.msk [tilespmem:v44+s25+$0x0], $0xffff  }
0x155: {  	v46 =	vor.u32 v11, v63;
	_ =	sdelay $0x3  }
0x156: {  	[tilespmem:v45+s16+$0x0] =	vst.idx.msk $0xffff, v34  }
0x157: {  	v47 =	vor.u32 v27, v41;
	v34 =	vld.idx.msk [tilespmem:v46+s25+$0x0], $0xffff  }
0x158: {  	v48 =	vor.u32 v13, v63;
	_ =	sdelay $0x3  }
0x159: {  	[tilespmem:v47+s16+$0x0] =	vst.idx.msk $0xffff, v34  }
0x15a: {  	v49 =	vor.u32 v28, v41;
	v34 =	vld.idx.msk [tilespmem:v48+s25+$0x0], $0xffff  }
0x15b: {  	v50 =	vor.u32 v14, v63;
	_ =	sdelay $0x3  }
0x15c: {  	[tilespmem:v49+s16+$0x0] =	vst.idx.msk $0xffff, v34  }
0x15d: {  	v51 =	vor.u32 v29, v41;
	v34 =	vld.idx.msk [tilespmem:v50+s25+$0x0], $0xffff  }
0x15e: {  	v52 =	vor.u32 v15, v63;
	_ =	sdelay $0x3  }
0x15f: {  	[tilespmem:v51+s16+$0x0] =	vst.idx.msk $0xffff, v34  }
0x160: {  	v53 =	vor.u32 v30, v41;
	v34 =	vld.idx.msk [tilespmem:v52+s25+$0x0], $0xffff  }
0x161: {  	v54 =	vor.u32 v16, v63;
	_ =	sdelay $0x3  }
0x162: {  	[tilespmem:v53+s16+$0x0] =	vst.idx.msk $0xffff, v34  }
0x163: {  	v55 =	vor.u32 v31, v41;
	v34 =	vld.idx.msk [tilespmem:v54+s25+$0x0], $0xffff  }
0x164: {  	v36 =	vor.u32 v17, v63;
	_ =	sdelay $0x1  }
0x165: {  	s29 =	sadd.s32 $0x3, s26  }
0x166: {  	v56 =	vadd.s32 s29, v0  }
0x167: {  	v57 =	vand.u32 $0x3F, v56;
	[tilespmem:v55+s16+$0x0] =	vst.idx.msk $0xffff, v34  }
0x168: {  	v58 =	vshll.u32 v57, $0x7;
	v33 =	vor.u32 v32, v41;
	v35 =	vld.idx.msk [tilespmem:v36+s25+$0x0], $0xffff  }
0x169: {  	v59 =	vor.u32 v0, v58;
	_ =	sdelay $0x3  }
0x16a: {  	v60 =	vor.u32 v9, v57;
	[tilespmem:v33+s16+$0x0] =	vst.idx.msk $0xffff, v35  }
0x16b: {  	v25 =	vor.u32 v25, v60;
	v61 =	vld.idx.msk [tilespmem:v59+s25+$0x0], $0xffff  }
0x16c: {  	v62 =	vor.u32 v10, v58;
	_ =	sdelay $0x3  }
0x16d: {  	[tilespmem:v25+s16+$0x0] =	vst.idx.msk $0xffff, v61  }
0x16e: {  	v26 =	vor.u32 v26, v60;
	v25 =	vld.idx.msk [tilespmem:v62+s25+$0x0], $0xffff  }
0x16f: {  	v63 =	vor.u32 v11, v58;
	_ =	sdelay $0x3  }
0x170: {  	[tilespmem:v26+s16+$0x0] =	vst.idx.msk $0xffff, v25  }
0x171: {  	v26 =	vor.u32 v27, v60;
	v25 =	vld.idx.msk [tilespmem:v63+s25+$0x0], $0xffff  }
0x172: {  	v27 =	vor.u32 v13, v58;
	_ =	sdelay $0x3  }
0x173: {  	[tilespmem:v26+s16+$0x0] =	vst.idx.msk $0xffff, v25  }
0x174: {  	v26 =	vor.u32 v28, v60;
	v25 =	vld.idx.msk [tilespmem:v27+s25+$0x0], $0xffff  }
0x175: {  	v27 =	vor.u32 v14, v58;
	_ =	sdelay $0x3  }
0x176: {  	[tilespmem:v26+s16+$0x0] =	vst.idx.msk $0xffff, v25  }
0x177: {  	v26 =	vor.u32 v29, v60;
	v25 =	vld.idx.msk [tilespmem:v27+s25+$0x0], $0xffff  }
0x178: {  	v27 =	vor.u32 v15, v58;
	_ =	sdelay $0x3  }
0x179: {  	[tilespmem:v26+s16+$0x0] =	vst.idx.msk $0xffff, v25  }
0x17a: {  	v26 =	vor.u32 v30, v60;
	v25 =	vld.idx.msk [tilespmem:v27+s25+$0x0], $0xffff  }
0x17b: {  	v27 =	vor.u32 v16, v58;
	_ =	sdelay $0x3  }
0x17c: {  	[tilespmem:v26+s16+$0x0] =	vst.idx.msk $0xffff, v25  }
0x17d: {  	v26 =	vor.u32 v31, v60;
	v25 =	vld.idx.msk [tilespmem:v27+s25+$0x0], $0xffff  }
0x17e: {  	v27 =	vor.u32 v17, v58;
	_ =	sdelay $0x3  }
0x17f: {  	[tilespmem:v26+s16+$0x0] =	vst.idx.msk $0xffff, v25  }
0x180: {  	s30 =	sshll.u32 s23, $0xF;
	s23 =	sadd.s32 $0x1, s23;
	v26 =	vor.u32 v32, v60;
	v25 =	vld.idx.msk [tilespmem:v27+s25+$0x0], $0xffff  }
0x181: {  	p2 =	sne.s32 s23, $0xF4  }
.Ltmp3:
0x182: {  	_ = 	snop;
	(pc) =	sbr.rel @p2 .LBB2_2-.Ltmp3, $3  }
0x183: {  	_ =	sdelay $0x1  }
0x184: {  	s24 =	sadd.s32 $0x5, s24;
	s26 =	sadd.s32 s30, s7;
	s31 =	sor.u32 $0x8000, s25;
	[tilespmem:v26+s16+$0x0] =	vst.idx.msk $0xffff, v25  }
0x185: {  	[hbm4b:s26+s2] =	stream.linear.scatter [tilespmem:s31], [sflag:s24], $0x2000, $0x38;
	[tilespmem:$0x10000] =	vst v63  }
0x186: {  	_ =	swait.ge [sflag:s17], $0x2000  }
0x187: {  	[sflag:s17] =	ssyncset.done $0x0  }
0x188: {  	[sflag:s17] =	ssyncadd.s32 $0xFFFFE000  }
0x189: {  	_ =	swait.ge [sflag:s18], $0x2000  }
0x18a: {  	[sflag:s18] =	ssyncset.done $0x0  }
0x18b: {  	[sflag:s18] =	ssyncadd.s32 $0xFFFFE000  }
0x18c: {  	_ =	swait.ge [sflag:s19], $0x2000  }
.Ltmp4:
0x18d: {  	[sflag:s19] =	ssyncset.done $0x0;
	(pc) =	sbr.rel @p0 .LBB2_9-.Ltmp4, $4  }
0x18e: {  	[sflag:s19] =	ssyncadd.s32 $0xFFFFE000  }
0x18f: {  	_ =	swait.ge [sflag:s20], $0x2000  }
0x190: {  	[sflag:s20] =	ssyncset.done $0x0  }
0x191: {  	[sflag:s20] =	ssyncadd.s32 $0xFFFFE000  }
0x192: {  	s23 =	simm.s32 $0x0  }
0x193: {  	v25 =	vadd.s32 s23, v0  }
0x194: {  	v25 =	vand.u32 $0x3F, v25  }
0x195: {  	v26 =	vshll.u32 v25, $0x7  }
0x196: {  	v27 =	vor.u32 v0, v26  }
0x197: {  	[tilespmem:s23], [sflag:$0x9] =	stream.strided.gather [hbm4b:s8+s13], $0x2000, s12, s13, $0x38;
	[tilespmem:$0x10000] =	vst v63  }
0x198: {  	_ =	swait.ge [sflag:s21], $0x2000  }
0x199: {  	[sflag:s21] =	ssyncset.done $0x0  }
0x19a: {  	[sflag:s21] =	ssyncadd.s32 $0xFFFFE000  }
0x19b: {  	v28 =	vor.u32 v12, v25;
	v27 =	vld.idx.msk [tilespmem:v27+s2+$0x0], $0xffff  }
0x19c: {  	v29 =	vor.u32 v10, v26;
	_ =	sdelay $0x3  }
0x19d: {  	[tilespmem:v28+s16+$0x0] =	vst.idx.msk $0xffff, v27  }
0x19e: {  	v28 =	vor.u32 v18, v25;
	v27 =	vld.idx.msk [tilespmem:v29+s2+$0x0], $0xffff  }
0x19f: {  	v29 =	vor.u32 v11, v26;
	_ =	sdelay $0x3  }
0x1a0: {  	[tilespmem:v28+s16+$0x0] =	vst.idx.msk $0xffff, v27  }
0x1a1: {  	v28 =	vor.u32 v19, v25;
	v27 =	vld.idx.msk [tilespmem:v29+s2+$0x0], $0xffff  }
0x1a2: {  	v29 =	vor.u32 v13, v26;
	_ =	sdelay $0x3  }
0x1a3: {  	[tilespmem:v28+s16+$0x0] =	vst.idx.msk $0xffff, v27  }
0x1a4: {  	v28 =	vor.u32 v20, v25;
	v27 =	vld.idx.msk [tilespmem:v29+s2+$0x0], $0xffff  }
0x1a5: {  	v29 =	vor.u32 v14, v26;
	_ =	sdelay $0x3  }
0x1a6: {  	[tilespmem:v28+s16+$0x0] =	vst.idx.msk $0xffff, v27  }
0x1a7: {  	v28 =	vor.u32 v21, v25;
	v27 =	vld.idx.msk [tilespmem:v29+s2+$0x0], $0xffff  }
0x1a8: {  	v29 =	vor.u32 v15, v26;
	_ =	sdelay $0x3  }
0x1a9: {  	[tilespmem:v28+s16+$0x0] =	vst.idx.msk $0xffff, v27  }
0x1aa: {  	v28 =	vor.u32 v22, v25;
	v27 =	vld.idx.msk [tilespmem:v29+s2+$0x0], $0xffff  }
0x1ab: {  	v29 =	vor.u32 v16, v26;
	_ =	sdelay $0x3  }
0x1ac: {  	[tilespmem:v28+s16+$0x0] =	vst.idx.msk $0xffff, v27  }
0x1ad: {  	v28 =	vor.u32 v23, v25;
	v27 =	vld.idx.msk [tilespmem:v29+s2+$0x0], $0xffff  }
0x1ae: {  	v26 =	vor.u32 v17, v26;
	_ =	sdelay $0x1  }
0x1af: {  	s29 =	simm.s32 $0x1  }
0x1b0: {  	v29 =	vadd.s32 s29, v0  }
0x1b1: {  	[tilespmem:v28+s16+$0x0] =	vst.idx.msk $0xffff, v27;
	v27 =	vand.u32 $0x3F, v29  }
0x1b2: {  	v25 =	vor.u32 v24, v25;
	v26 =	vld.idx.msk [tilespmem:v26+s2+$0x0], $0xffff;
	v28 =	vshll.u32 v27, $0x7  }
0x1b3: {  	v29 =	vor.u32 v0, v28;
	_ =	sdelay $0x3  }
0x1b4: {  	[tilespmem:v25+s16+$0x0] =	vst.idx.msk $0xffff, v26  }
0x1b5: {  	v26 =	vor.u32 v12, v27;
	v25 =	vld.idx.msk [tilespmem:v29+s2+$0x0], $0xffff  }
0x1b6: {  	v29 =	vor.u32 v10, v28;
	_ =	sdelay $0x3  }
0x1b7: {  	[tilespmem:v26+s16+$0x0] =	vst.idx.msk $0xffff, v25  }
0x1b8: {  	v26 =	vor.u32 v18, v27;
	v25 =	vld.idx.msk [tilespmem:v29+s2+$0x0], $0xffff  }
0x1b9: {  	v29 =	vor.u32 v11, v28;
	_ =	sdelay $0x3  }
0x1ba: {  	[tilespmem:v26+s16+$0x0] =	vst.idx.msk $0xffff, v25  }
0x1bb: {  	v26 =	vor.u32 v19, v27;
	v25 =	vld.idx.msk [tilespmem:v29+s2+$0x0], $0xffff  }
0x1bc: {  	v29 =	vor.u32 v13, v28;
	_ =	sdelay $0x3  }
0x1bd: {  	[tilespmem:v26+s16+$0x0] =	vst.idx.msk $0xffff, v25  }
0x1be: {  	v26 =	vor.u32 v20, v27;
	v25 =	vld.idx.msk [tilespmem:v29+s2+$0x0], $0xffff  }
0x1bf: {  	v29 =	vor.u32 v14, v28;
	_ =	sdelay $0x3  }
0x1c0: {  	[tilespmem:v26+s16+$0x0] =	vst.idx.msk $0xffff, v25  }
0x1c1: {  	v26 =	vor.u32 v21, v27;
	v25 =	vld.idx.msk [tilespmem:v29+s2+$0x0], $0xffff  }
0x1c2: {  	v29 =	vor.u32 v15, v28;
	_ =	sdelay $0x3  }
0x1c3: {  	[tilespmem:v26+s16+$0x0] =	vst.idx.msk $0xffff, v25  }
0x1c4: {  	v26 =	vor.u32 v22, v27;
	v25 =	vld.idx.msk [tilespmem:v29+s2+$0x0], $0xffff  }
0x1c5: {  	v29 =	vor.u32 v16, v28;
	_ =	sdelay $0x3  }
0x1c6: {  	[tilespmem:v26+s16+$0x0] =	vst.idx.msk $0xffff, v25  }
0x1c7: {  	v26 =	vor.u32 v23, v27;
	v25 =	vld.idx.msk [tilespmem:v29+s2+$0x0], $0xffff  }
0x1c8: {  	v28 =	vor.u32 v17, v28;
	_ =	sdelay $0x1  }
0x1c9: {  	s30 =	simm.s32 $0x2  }
0x1ca: {  	v29 =	vadd.s32 s30, v0  }
0x1cb: {  	[tilespmem:v26+s16+$0x0] =	vst.idx.msk $0xffff, v25;
	v26 =	vand.u32 $0x3F, v29  }
0x1cc: {  	v27 =	vor.u32 v24, v27;
	v25 =	vld.idx.msk [tilespmem:v28+s2+$0x0], $0xffff;
	v28 =	vshll.u32 v26, $0x7  }
0x1cd: {  	v29 =	vor.u32 v0, v28;
	_ =	sdelay $0x3  }
0x1ce: {  	[tilespmem:v27+s16+$0x0] =	vst.idx.msk $0xffff, v25  }
0x1cf: {  	v27 =	vor.u32 v12, v26;
	v25 =	vld.idx.msk [tilespmem:v29+s2+$0x0], $0xffff  }
0x1d0: {  	v29 =	vor.u32 v10, v28;
	_ =	sdelay $0x3  }
0x1d1: {  	[tilespmem:v27+s16+$0x0] =	vst.idx.msk $0xffff, v25  }
0x1d2: {  	v27 =	vor.u32 v18, v26;
	v25 =	vld.idx.msk [tilespmem:v29+s2+$0x0], $0xffff  }
0x1d3: {  	v29 =	vor.u32 v11, v28;
	_ =	sdelay $0x3  }
0x1d4: {  	[tilespmem:v27+s16+$0x0] =	vst.idx.msk $0xffff, v25  }
0x1d5: {  	v27 =	vor.u32 v19, v26;
	v25 =	vld.idx.msk [tilespmem:v29+s2+$0x0], $0xffff  }
0x1d6: {  	v29 =	vor.u32 v13, v28;
	_ =	sdelay $0x3  }
0x1d7: {  	[tilespmem:v27+s16+$0x0] =	vst.idx.msk $0xffff, v25  }
0x1d8: {  	v27 =	vor.u32 v20, v26;
	v25 =	vld.idx.msk [tilespmem:v29+s2+$0x0], $0xffff  }
0x1d9: {  	v29 =	vor.u32 v14, v28;
	_ =	sdelay $0x3  }
0x1da: {  	[tilespmem:v27+s16+$0x0] =	vst.idx.msk $0xffff, v25  }
0x1db: {  	v27 =	vor.u32 v21, v26;
	v25 =	vld.idx.msk [tilespmem:v29+s2+$0x0], $0xffff  }
0x1dc: {  	v29 =	vor.u32 v15, v28;
	_ =	sdelay $0x3  }
0x1dd: {  	[tilespmem:v27+s16+$0x0] =	vst.idx.msk $0xffff, v25  }
0x1de: {  	v27 =	vor.u32 v22, v26;
	v25 =	vld.idx.msk [tilespmem:v29+s2+$0x0], $0xffff  }
0x1df: {  	v29 =	vor.u32 v16, v28;
	_ =	sdelay $0x3  }
0x1e0: {  	[tilespmem:v27+s16+$0x0] =	vst.idx.msk $0xffff, v25  }
0x1e1: {  	v27 =	vor.u32 v23, v26;
	v25 =	vld.idx.msk [tilespmem:v29+s2+$0x0], $0xffff  }
0x1e2: {  	v28 =	vor.u32 v17, v28;
	_ =	sdelay $0x1  }
0x1e3: {  	s31 =	simm.s32 $0x3  }
0x1e4: {  	v29 =	vadd.s32 s31, v0  }
0x1e5: {  	[tilespmem:v27+s16+$0x0] =	vst.idx.msk $0xffff, v25;
	v25 =	vand.u32 $0x3F, v29  }
0x1e6: {  	v26 =	vor.u32 v24, v26;
	v27 =	vld.idx.msk [tilespmem:v28+s2+$0x0], $0xffff;
	v28 =	vshll.u32 v25, $0x7  }
0x1e7: {  	v29 =	vor.u32 v0, v28;
	_ =	sdelay $0x3  }
0x1e8: {  	[tilespmem:v26+s16+$0x0] =	vst.idx.msk $0xffff, v27  }
0x1e9: {  	v27 =	vor.u32 v12, v25;
	v26 =	vld.idx.msk [tilespmem:v29+s2+$0x0], $0xffff  }
0x1ea: {  	v29 =	vor.u32 v10, v28;
	_ =	sdelay $0x3  }
0x1eb: {  	[tilespmem:v27+s16+$0x0] =	vst.idx.msk $0xffff, v26  }
0x1ec: {  	v27 =	vor.u32 v18, v25;
	v26 =	vld.idx.msk [tilespmem:v29+s2+$0x0], $0xffff  }
0x1ed: {  	v29 =	vor.u32 v11, v28;
	_ =	sdelay $0x3  }
0x1ee: {  	[tilespmem:v27+s16+$0x0] =	vst.idx.msk $0xffff, v26  }
0x1ef: {  	v27 =	vor.u32 v19, v25;
	v26 =	vld.idx.msk [tilespmem:v29+s2+$0x0], $0xffff  }
0x1f0: {  	v29 =	vor.u32 v13, v28;
	_ =	sdelay $0x3  }
0x1f1: {  	[tilespmem:v27+s16+$0x0] =	vst.idx.msk $0xffff, v26  }
0x1f2: {  	v27 =	vor.u32 v20, v25;
	v26 =	vld.idx.msk [tilespmem:v29+s2+$0x0], $0xffff  }
0x1f3: {  	v29 =	vor.u32 v14, v28;
	_ =	sdelay $0x3  }
0x1f4: {  	[tilespmem:v27+s16+$0x0] =	vst.idx.msk $0xffff, v26  }
0x1f5: {  	v27 =	vor.u32 v21, v25;
	v26 =	vld.idx.msk [tilespmem:v29+s2+$0x0], $0xffff  }
0x1f6: {  	v29 =	vor.u32 v15, v28;
	_ =	sdelay $0x3  }
0x1f7: {  	[tilespmem:v27+s16+$0x0] =	vst.idx.msk $0xffff, v26  }
0x1f8: {  	v27 =	vor.u32 v22, v25;
	v26 =	vld.idx.msk [tilespmem:v29+s2+$0x0], $0xffff  }
0x1f9: {  	v29 =	vor.u32 v16, v28;
	_ =	sdelay $0x3  }
0x1fa: {  	[tilespmem:v27+s16+$0x0] =	vst.idx.msk $0xffff, v26  }
0x1fb: {  	v30 =	vor.u32 v23, v25;
	v29 =	vld.idx.msk [tilespmem:v29+s2+$0x0], $0xffff  }
0x1fc: {  	v26 =	vor.u32 v17, v28;
	_ =	sdelay $0x2  }
0x1fd: {  	s23 =	simm.s32 $0x4  }
0x1fe: {  	s24 =	simm.s32 $0x8;
	v27 =	vadd.s32 s23, v0;
	[tilespmem:v30+s16+$0x0] =	vst.idx.msk $0xffff, v29  }
.LBB2_7:
0x1ff: {  	p2 =	sne.s32 s24, $0x3C;
	v27 =	vand.u32 $0x3F, v27;
	v26 =	vld.idx.msk [tilespmem:v26+s2+$0x0], $0xffff  }
0x200: {  	v25 =	vor.u32 v24, v25;
	v28 =	vshll.u32 v27, $0x7  }
0x201: {  	v29 =	vor.u32 v0, v28;
	_ =	sdelay $0x3  }
0x202: {  	[tilespmem:v25+s16+$0x0] =	vst.idx.msk $0xffff, v26  }
0x203: {  	v25 =	vld.idx.msk [tilespmem:v29+s2+$0x0], $0xffff  }
0x204: {  	v26 =	vor.u32 v12, v27  }
0x205: {  	v29 =	vor.u32 v10, v28;
	_ =	sdelay $0x3  }
0x206: {  	[tilespmem:v26+s16+$0x0] =	vst.idx.msk $0xffff, v25  }
0x207: {  	v25 =	vld.idx.msk [tilespmem:v29+s2+$0x0], $0xffff  }
0x208: {  	v26 =	vor.u32 v18, v27  }
0x209: {  	v29 =	vor.u32 v11, v28;
	_ =	sdelay $0x3  }
0x20a: {  	[tilespmem:v26+s16+$0x0] =	vst.idx.msk $0xffff, v25  }
0x20b: {  	v25 =	vld.idx.msk [tilespmem:v29+s2+$0x0], $0xffff  }
0x20c: {  	v26 =	vor.u32 v19, v27  }
0x20d: {  	v29 =	vor.u32 v13, v28;
	_ =	sdelay $0x3  }
0x20e: {  	[tilespmem:v26+s16+$0x0] =	vst.idx.msk $0xffff, v25  }
0x20f: {  	v25 =	vld.idx.msk [tilespmem:v29+s2+$0x0], $0xffff  }
0x210: {  	v26 =	vor.u32 v20, v27  }
0x211: {  	v29 =	vor.u32 v14, v28;
	_ =	sdelay $0x3  }
0x212: {  	[tilespmem:v26+s16+$0x0] =	vst.idx.msk $0xffff, v25  }
0x213: {  	v25 =	vld.idx.msk [tilespmem:v29+s2+$0x0], $0xffff  }
0x214: {  	v26 =	vor.u32 v21, v27  }
0x215: {  	v29 =	vor.u32 v15, v28;
	_ =	sdelay $0x3  }
0x216: {  	[tilespmem:v26+s16+$0x0] =	vst.idx.msk $0xffff, v25  }
0x217: {  	v25 =	vld.idx.msk [tilespmem:v29+s2+$0x0], $0xffff  }
0x218: {  	v26 =	vor.u32 v22, v27  }
0x219: {  	v29 =	vor.u32 v16, v28;
	_ =	sdelay $0x3  }
0x21a: {  	[tilespmem:v26+s16+$0x0] =	vst.idx.msk $0xffff, v25  }
0x21b: {  	v25 =	vld.idx.msk [tilespmem:v29+s2+$0x0], $0xffff  }
0x21c: {  	v26 =	vor.u32 v23, v27  }
0x21d: {  	v28 =	vor.u32 v17, v28;
	_ =	sdelay $0x2  }
0x21e: {  	s25 =	sadd.s32 $0x1, s23  }
0x21f: {  	[tilespmem:v26+s16+$0x0] =	vst.idx.msk $0xffff, v25;
	v25 =	vadd.s32 s25, v0  }
0x220: {  	v26 =	vld.idx.msk [tilespmem:v28+s2+$0x0], $0xffff;
	v25 =	vand.u32 $0x3F, v25  }
0x221: {  	v27 =	vor.u32 v24, v27;
	v28 =	vshll.u32 v25, $0x7  }
0x222: {  	v29 =	vor.u32 v0, v28;
	_ =	sdelay $0x3  }
0x223: {  	[tilespmem:v27+s16+$0x0] =	vst.idx.msk $0xffff, v26  }
0x224: {  	v26 =	vld.idx.msk [tilespmem:v29+s2+$0x0], $0xffff  }
0x225: {  	v27 =	vor.u32 v12, v25  }
0x226: {  	v29 =	vor.u32 v10, v28;
	_ =	sdelay $0x3  }
0x227: {  	[tilespmem:v27+s16+$0x0] =	vst.idx.msk $0xffff, v26  }
0x228: {  	v26 =	vld.idx.msk [tilespmem:v29+s2+$0x0], $0xffff  }
0x229: {  	v27 =	vor.u32 v18, v25  }
0x22a: {  	v29 =	vor.u32 v11, v28;
	_ =	sdelay $0x3  }
0x22b: {  	[tilespmem:v27+s16+$0x0] =	vst.idx.msk $0xffff, v26  }
0x22c: {  	v26 =	vld.idx.msk [tilespmem:v29+s2+$0x0], $0xffff  }
0x22d: {  	v27 =	vor.u32 v19, v25  }
0x22e: {  	v29 =	vor.u32 v13, v28;
	_ =	sdelay $0x3  }
0x22f: {  	[tilespmem:v27+s16+$0x0] =	vst.idx.msk $0xffff, v26  }
0x230: {  	v26 =	vld.idx.msk [tilespmem:v29+s2+$0x0], $0xffff  }
0x231: {  	v27 =	vor.u32 v20, v25  }
0x232: {  	v29 =	vor.u32 v14, v28;
	_ =	sdelay $0x3  }
0x233: {  	[tilespmem:v27+s16+$0x0] =	vst.idx.msk $0xffff, v26  }
0x234: {  	v26 =	vld.idx.msk [tilespmem:v29+s2+$0x0], $0xffff  }
0x235: {  	v27 =	vor.u32 v21, v25  }
0x236: {  	v29 =	vor.u32 v15, v28;
	_ =	sdelay $0x3  }
0x237: {  	[tilespmem:v27+s16+$0x0] =	vst.idx.msk $0xffff, v26  }
0x238: {  	v26 =	vld.idx.msk [tilespmem:v29+s2+$0x0], $0xffff  }
0x239: {  	v27 =	vor.u32 v22, v25  }
0x23a: {  	v29 =	vor.u32 v16, v28;
	_ =	sdelay $0x3  }
0x23b: {  	[tilespmem:v27+s16+$0x0] =	vst.idx.msk $0xffff, v26  }
0x23c: {  	v26 =	vld.idx.msk [tilespmem:v29+s2+$0x0], $0xffff  }
0x23d: {  	v27 =	vor.u32 v23, v25  }
0x23e: {  	v28 =	vor.u32 v17, v28;
	_ =	sdelay $0x2  }
0x23f: {  	s25 =	sadd.s32 $0x2, s23  }
0x240: {  	[tilespmem:v27+s16+$0x0] =	vst.idx.msk $0xffff, v26;
	v26 =	vadd.s32 s25, v0  }
0x241: {  	v27 =	vld.idx.msk [tilespmem:v28+s2+$0x0], $0xffff;
	v26 =	vand.u32 $0x3F, v26  }
0x242: {  	v25 =	vor.u32 v24, v25;
	v28 =	vshll.u32 v26, $0x7  }
0x243: {  	v29 =	vor.u32 v0, v28;
	_ =	sdelay $0x3  }
0x244: {  	[tilespmem:v25+s16+$0x0] =	vst.idx.msk $0xffff, v27  }
0x245: {  	v25 =	vld.idx.msk [tilespmem:v29+s2+$0x0], $0xffff  }
0x246: {  	v27 =	vor.u32 v12, v26  }
0x247: {  	v29 =	vor.u32 v10, v28;
	_ =	sdelay $0x3  }
0x248: {  	[tilespmem:v27+s16+$0x0] =	vst.idx.msk $0xffff, v25  }
0x249: {  	v25 =	vld.idx.msk [tilespmem:v29+s2+$0x0], $0xffff  }
0x24a: {  	v27 =	vor.u32 v18, v26  }
0x24b: {  	v29 =	vor.u32 v11, v28;
	_ =	sdelay $0x3  }
0x24c: {  	[tilespmem:v27+s16+$0x0] =	vst.idx.msk $0xffff, v25  }
0x24d: {  	v25 =	vld.idx.msk [tilespmem:v29+s2+$0x0], $0xffff  }
0x24e: {  	v27 =	vor.u32 v19, v26  }
0x24f: {  	v29 =	vor.u32 v13, v28;
	_ =	sdelay $0x3  }
0x250: {  	[tilespmem:v27+s16+$0x0] =	vst.idx.msk $0xffff, v25  }
0x251: {  	v25 =	vld.idx.msk [tilespmem:v29+s2+$0x0], $0xffff  }
0x252: {  	v27 =	vor.u32 v20, v26  }
0x253: {  	v29 =	vor.u32 v14, v28;
	_ =	sdelay $0x3  }
0x254: {  	[tilespmem:v27+s16+$0x0] =	vst.idx.msk $0xffff, v25  }
0x255: {  	v25 =	vld.idx.msk [tilespmem:v29+s2+$0x0], $0xffff  }
0x256: {  	v27 =	vor.u32 v21, v26  }
0x257: {  	v29 =	vor.u32 v15, v28;
	_ =	sdelay $0x3  }
0x258: {  	[tilespmem:v27+s16+$0x0] =	vst.idx.msk $0xffff, v25  }
0x259: {  	v25 =	vld.idx.msk [tilespmem:v29+s2+$0x0], $0xffff  }
0x25a: {  	v27 =	vor.u32 v22, v26  }
0x25b: {  	v29 =	vor.u32 v16, v28;
	_ =	sdelay $0x3  }
0x25c: {  	[tilespmem:v27+s16+$0x0] =	vst.idx.msk $0xffff, v25  }
0x25d: {  	v25 =	vld.idx.msk [tilespmem:v29+s2+$0x0], $0xffff  }
0x25e: {  	v27 =	vor.u32 v23, v26  }
0x25f: {  	v28 =	vor.u32 v17, v28;
	_ =	sdelay $0x2  }
0x260: {  	s25 =	sadd.s32 $0x3, s23;
	s23 =	smov.u32 s24  }
0x261: {  	[tilespmem:v27+s16+$0x0] =	vst.idx.msk $0xffff, v25;
	v25 =	vadd.s32 s25, v0  }
0x262: {  	v27 =	vld.idx.msk [tilespmem:v28+s2+$0x0], $0xffff;
	v25 =	vand.u32 $0x3F, v25  }
0x263: {  	v26 =	vor.u32 v24, v26;
	v28 =	vshll.u32 v25, $0x7  }
0x264: {  	v29 =	vor.u32 v0, v28;
	_ =	sdelay $0x3  }
0x265: {  	[tilespmem:v26+s16+$0x0] =	vst.idx.msk $0xffff, v27  }
0x266: {  	v26 =	vld.idx.msk [tilespmem:v29+s2+$0x0], $0xffff  }
0x267: {  	v27 =	vor.u32 v12, v25  }
0x268: {  	v29 =	vor.u32 v10, v28;
	_ =	sdelay $0x3  }
0x269: {  	[tilespmem:v27+s16+$0x0] =	vst.idx.msk $0xffff, v26  }
0x26a: {  	v26 =	vld.idx.msk [tilespmem:v29+s2+$0x0], $0xffff  }
0x26b: {  	v27 =	vor.u32 v18, v25  }
0x26c: {  	v29 =	vor.u32 v11, v28;
	_ =	sdelay $0x3  }
0x26d: {  	[tilespmem:v27+s16+$0x0] =	vst.idx.msk $0xffff, v26  }
0x26e: {  	v26 =	vld.idx.msk [tilespmem:v29+s2+$0x0], $0xffff  }
0x26f: {  	v27 =	vor.u32 v19, v25  }
0x270: {  	v29 =	vor.u32 v13, v28;
	_ =	sdelay $0x3  }
0x271: {  	[tilespmem:v27+s16+$0x0] =	vst.idx.msk $0xffff, v26  }
0x272: {  	v26 =	vld.idx.msk [tilespmem:v29+s2+$0x0], $0xffff  }
0x273: {  	v27 =	vor.u32 v20, v25  }
0x274: {  	v29 =	vor.u32 v14, v28;
	_ =	sdelay $0x3  }
0x275: {  	[tilespmem:v27+s16+$0x0] =	vst.idx.msk $0xffff, v26  }
0x276: {  	v26 =	vld.idx.msk [tilespmem:v29+s2+$0x0], $0xffff  }
0x277: {  	v27 =	vor.u32 v21, v25  }
0x278: {  	v29 =	vor.u32 v15, v28;
	_ =	sdelay $0x3  }
0x279: {  	[tilespmem:v27+s16+$0x0] =	vst.idx.msk $0xffff, v26  }
0x27a: {  	v26 =	vld.idx.msk [tilespmem:v29+s2+$0x0], $0xffff  }
0x27b: {  	v27 =	vor.u32 v22, v25  }
0x27c: {  	v29 =	vor.u32 v16, v28;
	_ =	sdelay $0x3  }
0x27d: {  	[tilespmem:v27+s16+$0x0] =	vst.idx.msk $0xffff, v26  }
0x27e: {  	v29 =	vld.idx.msk [tilespmem:v29+s2+$0x0], $0xffff  }
0x27f: {  	v30 =	vor.u32 v23, v25  }
.Ltmp5:
0x280: {  	v26 =	vor.u32 v17, v28;
	(pc) =	sbr.rel @p2 .LBB2_7-.Ltmp5, $2  }
0x281: {  	_ =	sdelay $0x2  }
0x282: {  	s24 =	sadd.s32 $0x4, s24;
	v27 =	vadd.s32 s23, v0;
	[tilespmem:v30+s16+$0x0] =	vst.idx.msk $0xffff, v29  }
0x283: {  	_ =	sdelay $0x2  }
0x284: {  	v27 =	vand.u32 $0x3F, v27  }
0x285: {  	v26 =	vld.idx.msk [tilespmem:v26+s2+$0x0], $0xffff;
	v25 =	vor.u32 v24, v25;
	v28 =	vshll.u32 v27, $0x7  }
0x286: {  	v29 =	vor.u32 v0, v28;
	_ =	sdelay $0x3  }
0x287: {  	[tilespmem:v25+s16+$0x0] =	vst.idx.msk $0xffff, v26  }
0x288: {  	v26 =	vor.u32 v12, v27;
	v25 =	vld.idx.msk [tilespmem:v29+s2+$0x0], $0xffff  }
0x289: {  	v63 =	vor.u32 v10, v28;
	_ =	sdelay $0x3  }
0x28a: {  	[tilespmem:v26+s16+$0x0] =	vst.idx.msk $0xffff, v25  }
0x28b: {  	v26 =	vor.u32 v18, v27;
	v25 =	vld.idx.msk [tilespmem:v63+s2+$0x0], $0xffff  }
0x28c: {  	v32 =	vor.u32 v11, v28;
	_ =	sdelay $0x3  }
0x28d: {  	[tilespmem:v26+s16+$0x0] =	vst.idx.msk $0xffff, v25  }
0x28e: {  	v26 =	vor.u32 v19, v27;
	v25 =	vld.idx.msk [tilespmem:v32+s2+$0x0], $0xffff  }
0x28f: {  	v33 =	vor.u32 v13, v28;
	_ =	sdelay $0x3  }
0x290: {  	[tilespmem:v26+s16+$0x0] =	vst.idx.msk $0xffff, v25  }
0x291: {  	v26 =	vor.u32 v20, v27;
	v25 =	vld.idx.msk [tilespmem:v33+s2+$0x0], $0xffff  }
0x292: {  	v34 =	vor.u32 v14, v28;
	_ =	sdelay $0x3  }
0x293: {  	[tilespmem:v26+s16+$0x0] =	vst.idx.msk $0xffff, v25  }
0x294: {  	v26 =	vor.u32 v21, v27;
	v25 =	vld.idx.msk [tilespmem:v34+s2+$0x0], $0xffff  }
0x295: {  	v35 =	vor.u32 v15, v28;
	_ =	sdelay $0x3  }
0x296: {  	[tilespmem:v26+s16+$0x0] =	vst.idx.msk $0xffff, v25  }
0x297: {  	v26 =	vor.u32 v22, v27;
	v25 =	vld.idx.msk [tilespmem:v35+s2+$0x0], $0xffff  }
0x298: {  	v36 =	vor.u32 v16, v28;
	_ =	sdelay $0x3  }
0x299: {  	[tilespmem:v26+s16+$0x0] =	vst.idx.msk $0xffff, v25  }
0x29a: {  	v26 =	vor.u32 v23, v27;
	v25 =	vld.idx.msk [tilespmem:v36+s2+$0x0], $0xffff  }
0x29b: {  	v28 =	vor.u32 v17, v28;
	_ =	sdelay $0x1  }
0x29c: {  	s24 =	sadd.s32 $0x1, s23  }
0x29d: {  	v37 =	vadd.s32 s24, v0  }
0x29e: {  	[tilespmem:v26+s16+$0x0] =	vst.idx.msk $0xffff, v25;
	v25 =	vand.u32 $0x3F, v37  }
0x29f: {  	v27 =	vor.u32 v24, v27;
	v26 =	vld.idx.msk [tilespmem:v28+s2+$0x0], $0xffff;
	v38 =	vshll.u32 v25, $0x7  }
0x2a0: {  	v39 =	vor.u32 v0, v38;
	_ =	sdelay $0x3  }
0x2a1: {  	[tilespmem:v27+s16+$0x0] =	vst.idx.msk $0xffff, v26  }
0x2a2: {  	v27 =	vor.u32 v12, v25;
	v26 =	vld.idx.msk [tilespmem:v39+s2+$0x0], $0xffff  }
0x2a3: {  	v40 =	vor.u32 v10, v38;
	_ =	sdelay $0x3  }
0x2a4: {  	[tilespmem:v27+s16+$0x0] =	vst.idx.msk $0xffff, v26  }
0x2a5: {  	v27 =	vor.u32 v18, v25;
	v26 =	vld.idx.msk [tilespmem:v40+s2+$0x0], $0xffff  }
0x2a6: {  	v41 =	vor.u32 v11, v38;
	_ =	sdelay $0x3  }
0x2a7: {  	[tilespmem:v27+s16+$0x0] =	vst.idx.msk $0xffff, v26  }
0x2a8: {  	v27 =	vor.u32 v19, v25;
	v26 =	vld.idx.msk [tilespmem:v41+s2+$0x0], $0xffff  }
0x2a9: {  	v42 =	vor.u32 v13, v38;
	_ =	sdelay $0x3  }
0x2aa: {  	[tilespmem:v27+s16+$0x0] =	vst.idx.msk $0xffff, v26  }
0x2ab: {  	v27 =	vor.u32 v20, v25;
	v26 =	vld.idx.msk [tilespmem:v42+s2+$0x0], $0xffff  }
0x2ac: {  	v43 =	vor.u32 v14, v38;
	_ =	sdelay $0x3  }
0x2ad: {  	[tilespmem:v27+s16+$0x0] =	vst.idx.msk $0xffff, v26  }
0x2ae: {  	v27 =	vor.u32 v21, v25;
	v26 =	vld.idx.msk [tilespmem:v43+s2+$0x0], $0xffff  }
0x2af: {  	v44 =	vor.u32 v15, v38;
	_ =	sdelay $0x3  }
0x2b0: {  	[tilespmem:v27+s16+$0x0] =	vst.idx.msk $0xffff, v26  }
0x2b1: {  	v27 =	vor.u32 v22, v25;
	v26 =	vld.idx.msk [tilespmem:v44+s2+$0x0], $0xffff  }
0x2b2: {  	v45 =	vor.u32 v16, v38;
	_ =	sdelay $0x3  }
0x2b3: {  	[tilespmem:v27+s16+$0x0] =	vst.idx.msk $0xffff, v26  }
0x2b4: {  	v27 =	vor.u32 v23, v25;
	v26 =	vld.idx.msk [tilespmem:v45+s2+$0x0], $0xffff  }
0x2b5: {  	v28 =	vor.u32 v17, v38;
	_ =	sdelay $0x1  }
0x2b6: {  	s30 =	sadd.s32 $0x2, s23  }
0x2b7: {  	v46 =	vadd.s32 s30, v0  }
0x2b8: {  	[tilespmem:v27+s16+$0x0] =	vst.idx.msk $0xffff, v26;
	v26 =	vand.u32 $0x3F, v46  }
0x2b9: {  	v25 =	vor.u32 v24, v25;
	v27 =	vld.idx.msk [tilespmem:v28+s2+$0x0], $0xffff;
	v47 =	vshll.u32 v26, $0x7  }
0x2ba: {  	v48 =	vor.u32 v0, v47;
	_ =	sdelay $0x3  }
0x2bb: {  	[tilespmem:v25+s16+$0x0] =	vst.idx.msk $0xffff, v27  }
0x2bc: {  	v27 =	vor.u32 v12, v26;
	v25 =	vld.idx.msk [tilespmem:v48+s2+$0x0], $0xffff  }
0x2bd: {  	v49 =	vor.u32 v10, v47;
	_ =	sdelay $0x3  }
0x2be: {  	[tilespmem:v27+s16+$0x0] =	vst.idx.msk $0xffff, v25  }
0x2bf: {  	v27 =	vor.u32 v18, v26;
	v25 =	vld.idx.msk [tilespmem:v49+s2+$0x0], $0xffff  }
0x2c0: {  	v50 =	vor.u32 v11, v47;
	_ =	sdelay $0x3  }
0x2c1: {  	[tilespmem:v27+s16+$0x0] =	vst.idx.msk $0xffff, v25  }
0x2c2: {  	v27 =	vor.u32 v19, v26;
	v25 =	vld.idx.msk [tilespmem:v50+s2+$0x0], $0xffff  }
0x2c3: {  	v51 =	vor.u32 v13, v47;
	_ =	sdelay $0x3  }
0x2c4: {  	[tilespmem:v27+s16+$0x0] =	vst.idx.msk $0xffff, v25  }
0x2c5: {  	v27 =	vor.u32 v20, v26;
	v25 =	vld.idx.msk [tilespmem:v51+s2+$0x0], $0xffff  }
0x2c6: {  	v52 =	vor.u32 v14, v47;
	_ =	sdelay $0x3  }
0x2c7: {  	[tilespmem:v27+s16+$0x0] =	vst.idx.msk $0xffff, v25  }
0x2c8: {  	v27 =	vor.u32 v21, v26;
	v25 =	vld.idx.msk [tilespmem:v52+s2+$0x0], $0xffff  }
0x2c9: {  	v53 =	vor.u32 v15, v47;
	_ =	sdelay $0x3  }
0x2ca: {  	[tilespmem:v27+s16+$0x0] =	vst.idx.msk $0xffff, v25  }
0x2cb: {  	v27 =	vor.u32 v22, v26;
	v25 =	vld.idx.msk [tilespmem:v53+s2+$0x0], $0xffff  }
0x2cc: {  	v54 =	vor.u32 v16, v47;
	_ =	sdelay $0x3  }
0x2cd: {  	[tilespmem:v27+s16+$0x0] =	vst.idx.msk $0xffff, v25  }
0x2ce: {  	v27 =	vor.u32 v23, v26;
	v25 =	vld.idx.msk [tilespmem:v54+s2+$0x0], $0xffff  }
0x2cf: {  	v28 =	vor.u32 v17, v47;
	_ =	sdelay $0x1  }
0x2d0: {  	s31 =	sadd.s32 $0x3, s23  }
0x2d1: {  	v55 =	vadd.s32 s31, v0  }
0x2d2: {  	[tilespmem:v27+s16+$0x0] =	vst.idx.msk $0xffff, v25;
	v25 =	vand.u32 $0x3F, v55  }
0x2d3: {  	v26 =	vor.u32 v24, v26;
	v27 =	vld.idx.msk [tilespmem:v28+s2+$0x0], $0xffff;
	v56 =	vshll.u32 v25, $0x7  }
0x2d4: {  	v57 =	vor.u32 v0, v56;
	_ =	sdelay $0x3  }
0x2d5: {  	[tilespmem:v26+s16+$0x0] =	vst.idx.msk $0xffff, v27  }
0x2d6: {  	v27 =	vor.u32 v12, v25;
	v26 =	vld.idx.msk [tilespmem:v57+s2+$0x0], $0xffff  }
0x2d7: {  	v58 =	vor.u32 v10, v56;
	_ =	sdelay $0x3  }
0x2d8: {  	[tilespmem:v27+s16+$0x0] =	vst.idx.msk $0xffff, v26  }
0x2d9: {  	v27 =	vor.u32 v18, v25;
	v26 =	vld.idx.msk [tilespmem:v58+s2+$0x0], $0xffff  }
0x2da: {  	v59 =	vor.u32 v11, v56;
	_ =	sdelay $0x3  }
0x2db: {  	[tilespmem:v27+s16+$0x0] =	vst.idx.msk $0xffff, v26  }
0x2dc: {  	v27 =	vor.u32 v19, v25;
	v26 =	vld.idx.msk [tilespmem:v59+s2+$0x0], $0xffff  }
0x2dd: {  	v60 =	vor.u32 v13, v56;
	_ =	sdelay $0x3  }
0x2de: {  	[tilespmem:v27+s16+$0x0] =	vst.idx.msk $0xffff, v26  }
0x2df: {  	v27 =	vor.u32 v20, v25;
	v26 =	vld.idx.msk [tilespmem:v60+s2+$0x0], $0xffff  }
0x2e0: {  	v61 =	vor.u32 v14, v56;
	_ =	sdelay $0x3  }
0x2e1: {  	[tilespmem:v27+s16+$0x0] =	vst.idx.msk $0xffff, v26  }
0x2e2: {  	v27 =	vor.u32 v21, v25;
	v26 =	vld.idx.msk [tilespmem:v61+s2+$0x0], $0xffff  }
0x2e3: {  	v62 =	vor.u32 v15, v56;
	_ =	sdelay $0x3  }
0x2e4: {  	[tilespmem:v27+s16+$0x0] =	vst.idx.msk $0xffff, v26  }
0x2e5: {  	v27 =	vor.u32 v22, v25;
	v26 =	vld.idx.msk [tilespmem:v62+s2+$0x0], $0xffff  }
0x2e6: {  	v63 =	vor.u32 v16, v56;
	_ =	sdelay $0x3  }
0x2e7: {  	[tilespmem:v27+s16+$0x0] =	vst.idx.msk $0xffff, v26  }
0x2e8: {  	v27 =	vor.u32 v23, v25;
	v26 =	vld.idx.msk [tilespmem:v63+s2+$0x0], $0xffff  }
0x2e9: {  	v28 =	vor.u32 v17, v56;
	_ =	sdelay $0x3  }
0x2ea: {  	[tilespmem:v27+s16+$0x0] =	vst.idx.msk $0xffff, v26  }
0x2eb: {  	v25 =	vor.u32 v24, v25;
	v26 =	vld.idx.msk [tilespmem:v28+s2+$0x0], $0xffff;
	_ =	sdelay $0x4  }
.Ltmp6:
0x2ec: {  	[tilespmem:v25+s16+$0x0] =	vst.idx.msk $0xffff, v26;
	(pc) =	sbr.rel .LBB2_10-.Ltmp6, $4  }
0x2ed: {  	[hbm4b:s10+s2] =	stream.linear.scatter [tilespmem:s16], [sflag:$0x9], $0x2000, $0x38;
	[tilespmem:$0x10000] =	vst v63  }
0x2ee: {  	_ =	swait.ge [sflag:s21], $0x2000  }
0x2ef: {  	[sflag:s21] =	ssyncset.done $0x0  }
0x2f0: {  	[sflag:s21] =	ssyncadd.s32 $0xFFFFE000  }
.LBB2_11:
0x2f1: {  	_ =	sfence.sel $0x180000  }
0x2f2: {  	[bflag:$0x0] =	sbarrier.arrive $0xFFFF  }
0x2f3: {  	p0 =	sne.s32 s1, $0x0;
	_ =	strace $0x90000047  }
0x2f4: {  	s0 =	sadd.s32 @!p0 $0x100000, s0;
	[bflag:$0x2] =	sbarrier.arrive $0xFFFF  }
0x2f5: {  	[sflag:s0] =	ssyncadd.tile.s32 @!p0 $0x1;
	_ =	shalt  }
.Lfunc_end2:
_tile_overlayer_lowered:
.L_overlay_start_2:
0x2f6: {  	(tag) =	ssettag $0x2  }
0x2f7: {  	s0 =	rddreg [dreg:$0x0];
	s2 =	stileid.u32  }
0x2f8: {  	s1 =	rddreg [dreg:$0x1];
	p0 =	sne.s32 s2, $0x0  }
0x2f9: {  	s3 =	rddreg [dreg:$0x2];
	[bflag:$0x3] =	sbarrier.arrive $0xFFFF;
	s2 =	simm.s32 @!p0 $0x1C09  }
0x2fa: {  	[timem:s3], [sflag:s2] =	dma.local @!p0 [hbm:s0], s1  }
0x2fb: {  	s0 =	simm.s32 @!p0 $0x9  }
0x2fc: {  	_ =	swait.ge @!p0 [sflag:s0], s1  }
0x2fd: {  	s1 =	ssub.s32 @!p0 $0x0, s1;
	[sflag:s0] =	ssyncset.done @!p0 $0x0  }
0x2fe: {  	[sflag:s0] =	ssyncadd.s32 @!p0 s1  }
0x2ff: {  	[bflag:$0x3] =	sbarrier.arrive $0xFFFF  }
0x300: {  	_ =	shalt  }

// kernel: _margin_loss.7.cloned.1.call-start
scs
__scs_entry_jumppad:
0x0: {  	(pc) =	sbr.rel $0x88, $3  }
0x1: {  	(tag) =	ssettag $0x0;
	lr =	simm.s32 $0x1  }
0x2: {  	[smem:$0x3F9D] =	sst lr;
	_ =	strace $0xD0000000  }
0x3: {  	_ = 	snop  }
0x4: {  	_ = 	snop  }
0x5: {  	_ = 	snop  }
0x6: {  	_ = 	snop  }
0x7: {  	_ = 	snop  }
__scs_overlays_trampoline_lowered:
0x8: {  	[smem:$0x3FAC] =	sst s0  }
0x9: {  	[smem:$0x3FAD] =	sst s1  }
0xa: {  	[smem:$0x3FAE] =	sst s2  }
0xb: {  	[smem:$0x3FAF] =	sst s3  }
0xc: {  	[smem:$0x3FB0] =	sst s4  }
0xd: {  	[smem:$0x3FB1] =	sst s5  }
0xe: {  	[smem:$0x3FB2] =	sst s6  }
0xf: {  	[smem:$0x3FB3] =	sst s7  }
0x10: {  	[smem:$0x3FB4] =	sst s8  }
0x11: {  	[smem:$0x3FB5] =	sst s9;
	s0 =	simm.s32 @!p0 $0x0  }
0x12: {  	s1 =	sld [smem:$0x3F9B];
	s0 =	simm.s32 @p0 $0x1  }
0x13: {  	[smem:$0x3FB6] =	sst s0;
	s0 =	simm.s32 @!p1 $0x0  }
0x14: {  	s2 =	sld [smem:$0x3F9A];
	s0 =	simm.s32 @p1 $0x1  }
0x15: {  	[smem:$0x3FB7] =	sst s0;
	s0 =	simm.s32 @!p2 $0x0  }
0x16: {  	s3 =	sld [smem:$0x3FDB];
	s0 =	simm.s32 @p2 $0x1  }
0x17: {  	s4 =	simm.s32 $0x1BF5;
	[smem:$0x3FB9] =	sst s0  }
0x18: {  	s0 =	sld [smem:$0x3F9C];
	_ =	swait.ge [sflag:s4], $0x0  }
0x19: {  	s7 =	sld [smem:$0x3F9D]  }
0x1a: {  	s8 =	sadd.s32 $0xFFFFE003, lr  }
0x1b: {  	s9 =	sadd.s32 $0xFFFFFEF7, lr;
	s5 =	simm.s32 $0xFFFFFFFF;
	p2 =	slt.u32 s8, $0xFFFFF086  }
0x1c: {  	p1 =	slt.u32 s9, $0xF7A;
	s5 =	simm.s32 @!p2 $0x0  }
0x1d: {  	s5 =	simm.s32 @p1 $0x1;
	p0 =	seq.s32 s7, s2  }
0x1e: {  	s7 =	smul.u32 @!p0 $0xF7A, s2;
	p2 =	seq.s32 @!p0 s5, $0x0  }
0x1f: {  	s9 =	smul.u32 $0xF7A, s1;
	s8 =	simm.s32 @!p0 $0x1BF5;
	p2 =	por !p2, p0  }
0x20: {  	[sflag:s8] =	ssyncset.s32 @!p0 $0xFFFFF086;
	s6 =	sadd.s32 @!p0 s3, s7;
	s7 =	simm.s32 @!p0 $0x108  }
0x21: {  	s3 =	sadd.s32 s3, s9;
	s6 =	sadd.s32 @!p0 $0x88, s6;
	s7 =	simm.s32 @p2 $0x1082  }
0x22: {  	[simem:s7], [sflag:s8] =	dma.local @!p0 [hbm:s6], $0xF7A  }
0x23: {  	s9 =	sor.u32 $0xD0000000, s2;
	s6 =	simm.s32 $0x108;
	_ =	swait.ge @!p0 [sflag:s8], $0x0  }
0x24: {  	s3 =	sadd.s32 $0x88, s3;
	s6 =	simm.s32 @!p1 $0x1082;
	[sflag:s4] =	ssyncset.s32 $0xFFFFF086  }
0x25: {  	[simem:s6], [sflag:s4] =	dma.local [hbm:s3], $0xF7A  }
0x26: {  	[smem:$0x3F9D] =	sst s1;
	(tag) =	ssettag s2;
	_ =	strace s9  }
0x27: {  	s1 =	sld [smem:$0x3FAD]  }
0x28: {  	s2 =	sld [smem:$0x3FAE]  }
0x29: {  	s4 =	sld [smem:$0x3FB0]  }
0x2a: {  	p0 =	seq.s32 s5, $0x0;
	s5 =	sld [smem:$0x3FB1]  }
0x2b: {  	s6 =	sld [smem:$0x3FB2]  }
0x2c: {  	s7 =	sld [smem:$0x3FB3]  }
0x2d: {  	s3 =	simm.s32 $0x108;
	s8 =	sld [smem:$0x3FB4]  }
0x2e: {  	s3 =	simm.s32 @!p0 $0x1082;
	s9 =	sld [smem:$0x3FB5]  }
0x2f: {  	lr =	sadd.s32 s0, s3;
	s0 =	sld [smem:$0x3FAC]  }
0x30: {  	s3 =	sld [smem:$0x3FAF]  }
0x31: {  	[smem:$0x3FB8] =	sst s10  }
0x32: {  	s10 =	sld [smem:$0x3FB6];
	_ =	sdelay $0x3  }
0x33: {  	p0 =	seq.s32 s10, $0x1;
	s10 =	sld [smem:$0x3FB8];
	_ =	sdelay $0x3  }
0x34: {  	[smem:$0x3FB8] =	sst s10  }
0x35: {  	s10 =	sld [smem:$0x3FB7];
	_ =	sdelay $0x3  }
0x36: {  	p1 =	seq.s32 s10, $0x1;
	s10 =	sld [smem:$0x3FB8];
	_ =	sdelay $0x3  }
0x37: {  	[smem:$0x3FB8] =	sst s10  }
0x38: {  	s10 =	sld [smem:$0x3FB9]  }
0x39: {  	_ = 	snop;
	(pc) =	sbr.ind lr, $3  }
0x3a: {  	_ = 	snop  }
0x3b: {  	_ = 	snop  }
0x3c: {  	p2 =	seq.s32 s10, $0x1;
	s10 =	sld [smem:$0x3FB8]  }
0x3d: {  	_ =	shalt  }
0x3e: {  	_ =	shalt  }
0x3f: {  	_ =	shalt  }
0x40: {  	_ =	shalt  }
0x41: {  	_ =	shalt  }
0x42: {  	_ =	shalt  }
0x43: {  	_ =	shalt  }
0x44: {  	_ =	shalt  }
0x45: {  	_ =	shalt  }
0x46: {  	_ =	shalt  }
0x47: {  	_ =	shalt  }
0x48: {  	_ =	shalt  }
0x49: {  	_ =	shalt  }
0x4a: {  	_ =	shalt  }
0x4b: {  	_ =	shalt  }
0x4c: {  	_ =	shalt  }
0x4d: {  	_ =	shalt  }
0x4e: {  	_ =	shalt  }
0x4f: {  	_ =	shalt  }
0x50: {  	_ =	shalt  }
0x51: {  	_ =	shalt  }
0x52: {  	_ =	shalt  }
0x53: {  	_ =	shalt  }
0x54: {  	_ =	shalt  }
0x55: {  	_ =	shalt  }
0x56: {  	_ =	shalt  }
0x57: {  	_ =	shalt  }
0x58: {  	_ =	shalt  }
0x59: {  	_ =	shalt  }
0x5a: {  	_ =	shalt  }
0x5b: {  	_ =	shalt  }
0x5c: {  	_ =	shalt  }
0x5d: {  	_ =	shalt  }
0x5e: {  	_ =	shalt  }
0x5f: {  	_ =	shalt  }
0x60: {  	_ =	shalt  }
0x61: {  	_ =	shalt  }
0x62: {  	_ =	shalt  }
0x63: {  	_ =	shalt  }
0x64: {  	_ =	shalt  }
0x65: {  	_ =	shalt  }
0x66: {  	_ =	shalt  }
0x67: {  	_ =	shalt  }
0x68: {  	_ =	shalt  }
0x69: {  	_ =	shalt  }
0x6a: {  	_ =	shalt  }
0x6b: {  	_ =	shalt  }
0x6c: {  	_ =	shalt  }
0x6d: {  	_ =	shalt  }
0x6e: {  	_ =	shalt  }
0x6f: {  	_ =	shalt  }
0x70: {  	_ =	shalt  }
0x71: {  	_ =	shalt  }
0x72: {  	_ =	shalt  }
0x73: {  	_ =	shalt  }
0x74: {  	_ =	shalt  }
0x75: {  	_ =	shalt  }
0x76: {  	_ =	shalt  }
0x77: {  	_ =	shalt  }
0x78: {  	_ =	shalt  }
0x79: {  	_ =	shalt  }
0x7a: {  	_ =	shalt  }
0x7b: {  	_ =	shalt  }
0x7c: {  	_ =	shalt  }
0x7d: {  	_ =	shalt  }
0x7e: {  	_ =	shalt  }
0x7f: {  	_ =	shalt  }
0x80: {  	_ =	shalt  }
0x81: {  	_ =	shalt  }
0x82: {  	_ =	shalt  }
0x83: {  	_ =	shalt  }
0x84: {  	_ =	shalt  }
0x85: {  	_ =	shalt  }
0x86: {  	_ =	shalt  }
0x87: {  	_ =	shalt  }
.Lfunc_end0:
.L_simem_size_0:
called_computation.1_lowered:
.L_overlay_start_0:
0x88: {  	s2 =	sld [smem:$0x3FD9]  }
0x89: {  	s3 =	sld [smem:$0x3FFE];
	_ =	sdelay $0x1  }
0x8a: {  	s1 =	srdreg.scid  }
0x8b: {  	s0 =	sand.u32 $0x1, s1  }
0x8c: {  	s17 =	sshll.u32 s0, $0xA;
	s2 =	sadd.s32 s3, s2  }
0x8d: {  	s2 =	sadd.s32 s2, s17  }
0x8e: {  	[smem:$0x3FC4] =	sst s2  }
0x8f: {  	_ = 	snop  }
0x90: {  	s2 =	sld [smem:$0x3FC8]  }
0x91: {  	s18 =	sld [smem:$0x3FC7]  }
0x92: {  	s4 =	sld [smem:$0x3FC6];
	(tm) =	ssettm $0x1  }
0x93: {  	s5 =	sld [smem:$0x3FFB];
	_ =	sdelay $0x3  }
0x94: {  	_ =	strace s5  }
0x95: {  	s5 =	sld [smem:$0x3FFC];
	_ =	sdelay $0x3  }
0x96: {  	_ =	strace s5  }
0x97: {  	s5 =	sld [smem:$0x3FFD];
	_ =	sdelay $0x3  }
0x98: {  	_ =	strace s5  }
0x99: {  	_ =	strace $0x8FFFFFFF  }
0x9a: {  	s19 =	sld [smem:$0x3FDB];
	_ =	sdelay $0x1  }
0x9b: {  	s6 =	simm.s32 $_scs_section_size  }
0x9c: {  	s7 =	simm.s32 $_size__tile_overlayer_lowered;
	s8 =	simm.s32 $_tile_overlayer_lowered  }
0x9d: {  	s22 =	simm.s32 $0x1BFF;
	s21 =	sshll.u32 s8, $0x1;
	s5 =	sadd.s32 s6, s19  }
0x9e: {  	s9 =	simm.s32 $0x0;
	s20 =	sshll.u32 s7, $0x1;
	s7 =	sadd.s32 s21, s5  }
0x9f: {  	[timem:s9], [sflag:s22] =	dma.local [hbm:s7], s20  }
0xa0: {  	_ =	swait.ge [sflag:s22], s20  }
0xa1: {  	s6 =	ssub.s32 $0x0, s20;
	[sflag:s22] =	ssyncset.done $0x0  }
0xa2: {  	[sflag:s22] =	ssyncadd.s32 s6;
	_ =	sdelay $0x1  }
0xa3: {  	s23 =	simm.s32 $0x1B8B  }
0xa4: {  	_ =	swait.ge [sflag:s23], $0x1  }
0xa5: {  	[sflag:s23] =	ssyncset.done $0x0  }
0xa6: {  	s25 =	simm.s32 $0x1B8E;
	s24 =	sld [smem:$0x3FFE];
	[sflag:s23] =	ssyncadd.s32 $0xFFFFFFFF  }
0xa7: {  	s26 =	simm.s32 $execute0_lowered;
	[smem:$0x3FD2] =	sst s25  }
0xa8: {  	s7 =	sshll.u32 s26, $0x1;
	_ =	strace $0x80000049;
	[dreg:$0x1] =	wrdreg $0xFFFFFFFF  }
0xa9: {  	s28 =	simm.s32 $_size_execute0_lowered;
	s5 =	sadd.s32 s5, s7;
	[dreg:$0x0] =	wrdreg $0x0  }
0xaa: {  	s7 =	sshll.u32 s28, $0x1;
	[dreg:$0x2] =	wrdreg s5  }
0xab: {  	[dreg:$0x3] =	wrdreg s7  }
0xac: {  	[dreg:$0x4] =	wrdreg $0xC0  }
0xad: {  	_ =	task [dreg:s9], $0x5FFFF  }
0xae: {  	[dreg:$0x1] =	wrdreg $0xFFFFFFFF  }
0xaf: {  	[dreg:$0x0] =	wrdreg $0x60  }
0xb0: {  	[dreg:$0x2] =	wrdreg s24  }
0xb1: {  	[dreg:$0x3] =	wrdreg s2  }
0xb2: {  	[dreg:$0x4] =	wrdreg s18  }
0xb3: {  	[dreg:$0x5] =	wrdreg s4  }
0xb4: {  	[dreg:$0x6] =	wrdreg $0x9  }
0xb5: {  	_ =	task.clear_ibuf [dreg:s9], $0x7FFFF;
	_ =	strace $0x90000049  }
0xb6: {  	s29 =	simm.s32 $0x9;
	_ =	strace $0x8000004B  }
0xb7: {  	_ =	swait.ge [sflag:s29], $0x1  }
0xb8: {  	[sflag:s29] =	ssyncadd.s32 $0xFFFFFFFF  }
0xb9: {  	_ =	strace $0x9000004B  }
0xba: {  	_ =	sfence  }
0xbb: {  	s30 =	sld [smem:$0x0];
	_ =	sdelay $0x2  }
0xbc: {  	s31 =	sshll.u32 s1, $0xD;
	s1 =	sshrl.u32 s1, $0x2  }
0xbd: {  	s3 =	sand.u32 $0x4000, s31;
	s1 =	sadd.s32 s1, s30  }
0xbe: {  	s0 =	sor.u32 s3, s0;
	s1 =	sshll.u32 s1, $0x11  }
0xbf: {  	s0 =	sor.u32 s1, s0  }
0xc0: {  	s0 =	sadd.s32 $0x8F2B, s0  }
0xc1: {  	[sflag:s0] =	ssyncadd.remote.s32 $0x1  }
0xc2: {  	_ =	sfence.sel $0xFFFF  }
0xc3: {  	[dreg:$0x0] =	wrdreg $0xFFFFFFFF;
	(pc) =	sbr.abs _section_cstart, $3  }
0xc4: {  	[dreg:$0x1] =	wrdreg $0xFFFFFFFF  }
0xc5: {  	_ =	task.clear_ibuf [dreg:s9], $0x2FFFF;
	_ =	strace $0x9FFFFFFF  }
0xc6: {  	(tm) =	ssettm $0x7FFFFFFF  }
0xc7: {  	_ =	shalt  }
tec
execute0_lowered:
.L_overlay_start_1:
0x0: {  	(tag) =	ssettag $0x1  }
0x1: {  	s0 =	rddreg [dreg:$0x0]  }
0x2: {  	s1 =	rddreg [dreg:$0x1]  }
0x3: {  	s5 =	rddreg [dreg:$0x2]  }
0x4: {  	s6 =	rddreg [dreg:$0x3];
	s2 =	srdreg.scid  }
0x5: {  	s7 =	stileid.u32;
	s10 =	simm.s32 $0x200;
	s11 =	simm.s32 $0x400  }
0x6: {  	s12 =	simm.s32 $0x20;
	s15 =	simm.s32 $0x80;
	s16 =	simm.s32 $0x4C00  }
0x7: {  	s17 =	simm.s32 $0x480;
	s18 =	simm.s32 $0x6C00;
	s19 =	simm.s32 $0x500  }
0x8: {  	s20 =	simm.s32 $0x8C00;
	s21 =	simm.s32 $0x580;
	s22 =	simm.s32 $0xAC00  }
0x9: {  	s23 =	simm.s32 $0x600;
	s24 =	simm.s32 $0xCC00;
	s25 =	simm.s32 $0x18C00  }
0xa: {  	s26 =	simm.s32 $0x0;
	s4 =	sand.u32 $0x1, s2;
	s2 =	simm.s32 $0x0  }
0xb: {  	s3 =	sshll.u32 s4, $0x4;
	[smem:$0x7FF] =	sst s2;
	s4 =	ssub.s32 $0x2, s4  }
0xc: {  	s7 =	sor.u32 s7, s3;
	_ =	strace $0x8000004A;
	s3 =	sadd.s32 $0x600, s0  }
0xd: {  	s31 =	sshrl.u32 s4, $0x1;
	s8 =	sshll.u32 s7, $0x1;
	s9 =	sshll.u32 s7, $0x6  }
0xe: {  	s7 =	smul.u32 $0x500, s7;
	s0 =	sadd.s32 s8, s0;
	s8 =	ssub.s32 s4, s31  }
0xf: {  	s4 =	sadd.s32 s1, s9;
	s5 =	sadd.s32 s5, s9;
	s9 =	simm.s32 $0x3  }
0x10: {  	v62 =	vlaneseq.u32;
	s6 =	sadd.s32 s6, s7;
	s7 =	sadd.s32 $0x400, s0;
	s8 =	smax.u32 s8, $0x1  }
.LBB2_1:
0x11: {  	[tilespmem:s2], [sflag:$0x3] =	stream.linear.gather [hbm4b:s4+s2], $0x200, $0x38;
	[tilespmem:$0x18C10] =	vst v63  }
0x12: {  	_ =	swait.ge [sflag:s9], $0x200  }
0x13: {  	[sflag:s9] =	ssyncset.done $0x0  }
0x14: {  	[sflag:s9] =	ssyncadd.s32 $0xFFFFFE00  }
0x15: {  	[tilespmem:s10], [sflag:$0x3] =	stream.linear.gather [hbm4b:s5+s2], $0x200, $0x38;
	[tilespmem:$0x18C10] =	vst v63  }
0x16: {  	_ =	swait.ge [sflag:s9], $0x200  }
0x17: {  	[sflag:s9] =	ssyncset.done $0x0  }
0x18: {  	[sflag:s9] =	ssyncadd.s32 $0xFFFFFE00  }
0x19: {  	[tilespmem:s11], [sflag:$0x3] =	stream.linear.gather [hbm4b:s6+s2], $0x2800, $0x38;
	[tilespmem:$0x18C10] =	vst v63  }
0x1a: {  	_ =	swait.ge [sflag:s9], $0x2800  }
0x1b: {  	[sflag:s9] =	ssyncset.done $0x0  }
0x1c: {  	s0 =	simm.s32 $0x2C00;
	[sflag:s9] =	ssyncadd.s32 $0xFFFFD800  }
0x1d: {  	[tilespmem:s0], [sflag:$0x1] =	stream.indirect.gather [hbm4b:s3+s12], $0x40, s2, s12, $0xb8;
	[tilespmem:$0x18C10] =	vst v63  }
0x1e: {  	s31 =	simm.s32 $0x3C00  }
0x1f: {  	[tilespmem:s31], [sflag:$0x1] =	stream.indirect.gather [hbm4b:s3+s12], $0x40, s10, s12, $0xb8;
	[tilespmem:$0x18C10] =	vst v63  }
0x20: {  	_ = 	snop  }
0x21: {  	[tilespmem:s16], [sflag:$0x1] =	stream.indirect.gather [hbm4b:s3+s15], $0x40, s11, s15, $0xb8;
	[tilespmem:$0x18C10] =	vst v63  }
0x22: {  	_ = 	snop  }
0x23: {  	[tilespmem:s18], [sflag:$0x1] =	stream.indirect.gather [hbm4b:s3+s15], $0x40, s17, s15, $0xb8;
	[tilespmem:$0x18C10] =	vst v63  }
0x24: {  	_ = 	snop  }
0x25: {  	[tilespmem:s20], [sflag:$0x1] =	stream.indirect.gather [hbm4b:s3+s15], $0x40, s19, s15, $0xb8;
	[tilespmem:$0x18C10] =	vst v63  }
0x26: {  	_ = 	snop  }
0x27: {  	[tilespmem:s22], [sflag:$0x1] =	stream.indirect.gather [hbm4b:s3+s15], $0x40, s21, s15, $0xb8;
	[tilespmem:$0x18C10] =	vst v63  }
0x28: {  	s28 =	simm.s32 $0x0  }
0x29: {  	v0 =	vimm.f32 $0.0e+00;
	[tilespmem:s24], [sflag:$0x1] =	stream.indirect.gather [hbm4b:s3+s15], $0x40, s23, s15, $0xb8;
	[tilespmem:$0x18C10] =	vst v63  }
.LBB2_3:
0x2a: {  	s0 =	smov.u32 s28  }
0x2b: {  	s28 =	sadd.s32 $0x1, s28;
	p0 =	seq.s32 s0, $0xF  }
0x2c: {  	s1 =	sand.u32 @!p0 $0x1, s28  }
0x2d: {  	s31 =	sshll.u32 @!p0 s28, $0x5;
	s14 =	simm.s32 @!p0 $0x20;
	s29 =	sshll.u32 @!p0 s1, $0xB  }
0x2e: {  	s13 =	sadd.s32 @!p0 $0x1, s1;
	s1 =	smul.u32 @!p0 $0x28000, s1;
	s30 =	sadd.s32 @!p0 $0x2C00, s29  }
0x2f: {  	[tilespmem:s30], [sflag:s13] =	stream.indirect.gather @!p0 [hbm4b:s3+s14], $0x40, s31, s14, $0xb8;
	[tilespmem:$0x18C10] =	vst v63  }
0x30: {  	s29 =	sadd.s32 @!p0 $0x3C00, s29;
	s30 =	sadd.s32 @!p0 $0x200, s31;
	s31 =	smul.u32 @!p0 $0xA00, s28  }
0x31: {  	[tilespmem:s29], [sflag:s13] =	stream.indirect.gather @!p0 [hbm4b:s3+s14], $0x40, s30, s14, $0xb8;
	[tilespmem:$0x18C10] =	vst v63  }
0x32: {  	s1 =	sshrl.u32 @!p0 s1, $0x2;
	s14 =	sshra.s32 @!p0 s31, $0x2  }
0x33: {  	s29 =	sadd.s32 @!p0 $0x4C00, s1;
	s31 =	simm.s32 @!p0 $0x80;
	s30 =	sadd.s32 @!p0 $0x400, s14  }
0x34: {  	[tilespmem:s29], [sflag:s13] =	stream.indirect.gather @!p0 [hbm4b:s3+s31], $0x40, s30, s31, $0xb8;
	[tilespmem:$0x18C10] =	vst v63  }
0x35: {  	s29 =	sadd.s32 @!p0 $0x6C00, s1;
	s30 =	sadd.s32 @!p0 $0x480, s14  }
0x36: {  	[tilespmem:s29], [sflag:s13] =	stream.indirect.gather @!p0 [hbm4b:s3+s31], $0x40, s30, s31, $0xb8;
	[tilespmem:$0x18C10] =	vst v63  }
0x37: {  	s29 =	sadd.s32 @!p0 $0x8C00, s1;
	s30 =	sadd.s32 @!p0 $0x500, s14  }
0x38: {  	[tilespmem:s29], [sflag:s13] =	stream.indirect.gather @!p0 [hbm4b:s3+s31], $0x40, s30, s31, $0xb8;
	[tilespmem:$0x18C10] =	vst v63  }
0x39: {  	s29 =	sadd.s32 @!p0 $0xAC00, s1;
	s30 =	sadd.s32 @!p0 $0x580, s14  }
0x3a: {  	[tilespmem:s29], [sflag:s13] =	stream.indirect.gather @!p0 [hbm4b:s3+s31], $0x40, s30, s31, $0xb8;
	[tilespmem:$0x18C10] =	vst v63  }
0x3b: {  	s0 =	sand.u32 $0x1, s0;
	s1 =	sadd.s32 @!p0 $0xCC00, s1;
	s14 =	sadd.s32 @!p0 $0x600, s14  }
0x3c: {  	[tilespmem:s1], [sflag:s13] =	stream.indirect.gather @!p0 [hbm4b:s3+s31], $0x40, s14, s31, $0xb8;
	[tilespmem:$0x18C10] =	vst v63  }
0x3d: {  	s13 =	sadd.s32 $0x1, s0  }
0x3e: {  	_ =	swait.ge [sflag:s13], $0x800  }
0x3f: {  	[sflag:s13] =	ssyncset.done $0x0  }
0x40: {  	[sflag:s13] =	ssyncadd.s32 $0xFFFFF800  }
0x41: {  	_ =	swait.ge [sflag:s13], $0x800  }
0x42: {  	[sflag:s13] =	ssyncset.done $0x0  }
0x43: {  	[sflag:s13] =	ssyncadd.s32 $0xFFFFF800  }
0x44: {  	_ =	swait.ge [sflag:s13], $0x2000  }
0x45: {  	[sflag:s13] =	ssyncset.done $0x0  }
0x46: {  	[sflag:s13] =	ssyncadd.s32 $0xFFFFE000  }
0x47: {  	_ =	swait.ge [sflag:s13], $0x2000  }
0x48: {  	[sflag:s13] =	ssyncset.done $0x0  }
0x49: {  	[sflag:s13] =	ssyncadd.s32 $0xFFFFE000  }
0x4a: {  	_ =	swait.ge [sflag:s13], $0x2000  }
0x4b: {  	[sflag:s13] =	ssyncset.done $0x0  }
0x4c: {  	[sflag:s13] =	ssyncadd.s32 $0xFFFFE000  }
0x4d: {  	_ =	swait.ge [sflag:s13], $0x2000  }
0x4e: {  	p1 =	por $0x1, $0x1;
	[sflag:s13] =	ssyncset.done $0x0  }
0x4f: {  	s14 =	smul.u32 $0x28000, s0;
	s0 =	sshll.u32 s0, $0xB;
	[sflag:s13] =	ssyncadd.s32 $0xFFFFE000  }
0x50: {  	s1 =	simm.s32 $0x0;
	s29 =	sadd.s32 $0x2C00, s0;
	_ =	swait.ge [sflag:s13], $0x2000  }
0x51: {  	s30 =	sadd.s32 $0x3C00, s0;
	s14 =	sshrl.u32 s14, $0x2;
	[sflag:s13] =	ssyncset.done $0x0  }
0x52: {  	s0 =	simm.s32 $0x0;
	s31 =	sadd.s32 $0x4C00, s14;
	[sflag:s13] =	ssyncadd.s32 $0xFFFFE000  }
.LBB2_4:
0x53: {  	[tilespmem:$0x1FDC0] =	vst v0;
	v0 =	vor.u32 s1, v62;
	v1 =	vadd.s32 s0, v62  }
0x54: {  	v27 =	vshll.u32 v0, $0x6;
	v1 =	vand.u32 $0x3F, v1  }
0x55: {  	v30 =	vmul.u32 $0x500, v0;
	v0 =	vor.u32 v27, v1;
	_ =	sdelay $0x1  }
0x56: {  	v40 =	vor.u32 $0x40, v30;
	v2 =	vor.u32 v30, v1  }
0x57: {  	v42 =	vor.u32 $0x80, v30;
	v3 =	vor.u32 v40, v1  }
0x58: {  	v44 =	vor.u32 $0xC0, v30;
	v4 =	vor.u32 v42, v1  }
0x59: {  	v51 =	vadd.s32 $0x1C0, v30;
	v6 =	vor.u32 v44, v1;
	v5 =	vld.idx.msk [tilespmem:v0+s29+$0x0], $0xffff  }
0x5a: {  	v52 =	vadd.s32 $0x200, v30;
	v10 =	vor.u32 v51, v1;
	v7 =	vld.idx.msk [tilespmem:v0+s30+$0x0], $0xffff  }
0x5b: {  	v57 =	vadd.s32 $0x300, v30;
	v11 =	vor.u32 v52, v1;
	v8 =	vld.idx.msk [tilespmem:v2+s31+$0x0], $0xffff  }
0x5c: {  	[tilespmem:$0x1FDD0] =	vst v27;
	v58 =	vadd.s32 $0x340, v30;
	v15 =	vor.u32 v57, v1;
	v36 =	vld.idx.msk [tilespmem:v3+s31+$0x0], $0xffff  }
0x5d: {  	v48 =	vadd.s32 $0x100, v30;
	[tilespmem:$0x1FDE0] =	vst v30;
	v16 =	vor.u32 v58, v1;
	v4 =	vld.idx.msk [tilespmem:v4+s31+$0x0], $0xffff  }
0x5e: {  	v49 =	vadd.s32 $0x140, v30;
	[tilespmem:$0x1FDF0] =	vst v40;
	v0 =	vor.u32 v48, v1;
	v6 =	vld.idx.msk [tilespmem:v6+s31+$0x0], $0xffff  }
0x5f: {  	v50 =	vadd.s32 $0x180, v30;
	[tilespmem:$0x1FE00] =	vst v42;
	v2 =	vor.u32 v49, v1;
	v10 =	vld.idx.msk [tilespmem:v10+s31+$0x0], $0xffff  }
0x60: {  	v43 =	vadd.s32 $0x400, v30;
	[tilespmem:$0x1FE30] =	vst v44;
	v3 =	vor.u32 v50, v1;
	v11 =	vld.idx.msk [tilespmem:v11+s31+$0x0], $0xffff  }
0x61: {  	v63 =	vadd.s32 $0x440, v30;
	v20 =	vor.u32 v43, v1;
	[tilespmem:$0x1FEA0] =	vst v48;
	v15 =	vld.idx.msk [tilespmem:v15+s31+$0x0], $0xffff  }
0x62: {  	v53 =	vadd.s32 $0x240, v30;
	v21 =	vor.u32 v63, v1;
	[tilespmem:$0x1FEB0] =	vst v49;
	v16 =	vld.idx.msk [tilespmem:v16+s31+$0x0], $0xffff  }
0x63: {  	v55 =	vadd.s32 $0x280, v30;
	[tilespmem:$0x1FEC0] =	vst v50;
	v12 =	vld.idx.msk [tilespmem:v0+s31+$0x0], $0xffff;
	v0 =	vor.u32 v53, v1  }
0x64: {  	v56 =	vadd.s32 $0x2C0, v30;
	[tilespmem:$0x1FED0] =	vst v51;
	v13 =	vld.idx.msk [tilespmem:v2+s31+$0x0], $0xffff;
	v2 =	vor.u32 v55, v1  }
0x65: {  	[tilespmem:$0x1FEE0] =	vst v52;
	v14 =	vld.idx.msk [tilespmem:v3+s31+$0x0], $0xffff;
	v3 =	vor.u32 v56, v1  }
0x66: {  	v46 =	vadd.s32 $0x480, v30;
	[tilespmem:$0x1FEF0] =	vst v53;
	v20 =	vld.idx.msk [tilespmem:v20+s31+$0x0], $0xffff  }
0x67: {  	v9 =	vimm.f32 $0.0e+00;
	v59 =	vadd.s32 $0x380, v30;
	v22 =	vor.u32 v46, v1;
	[tilespmem:$0x1FF00] =	vst v55;
	v21 =	vld.idx.msk [tilespmem:v21+s31+$0x0], $0xffff  }
0x68: {  	v60 =	vadd.s32 $0x3C0, v30;
	v33 =	vadd.s32 $0x4C0, v30;
	[tilespmem:$0x1FF10] =	vst v56;
	v7 =	vmul.f32 v7, v5;
	v17 =	vld.idx.msk [tilespmem:v0+s31+$0x0], $0xffff  }
0x69: {  	s13 =	simm.s32 $0x1;
	v8 =	vmul.f32 v8, v5;
	v36 =	vmul.f32 v36, v5;
	v0 =	vor.u32 v59, v1;
	v18 =	vld.idx.msk [tilespmem:v2+s31+$0x0], $0xffff  }
0x6a: {  	[tilespmem:$0x1FF70] =	vst v57;
	v39 =	vmul.f32 v4, v5;
	v2 =	vor.u32 v60, v1;
	v19 =	vld.idx.msk [tilespmem:v3+s31+$0x0], $0xffff;
	v3 =	vadd.s32 s13, v62  }
0x6b: {  	[tilespmem:$0x1FF80] =	vst v58;
	v6 =	vmul.f32 v6, v5;
	v1 =	vor.u32 v33, v1;
	v3 =	vand.u32 $0x3F, v3  }
0x6c: {  	v22 =	vld.idx.msk [tilespmem:v22+s31+$0x0], $0xffff;
	v54 =	vmul.f32 v10, v5;
	v4 =	vmul.f32 v11, v5;
	v23 =	vor.u32 v27, v3  }
0x6d: {  	[tilespmem:$0x1FF90] =	vst v59;
	v7 =	vadd.f32 v7, v9;
	v15 =	vmul.f32 v15, v5;
	v20 =	vmul.f32 v20, v5  }
0x6e: {  	s14 =	simm.s32 $0x2;
	v16 =	vmul.f32 v16, v5;
	v8 =	vadd.f32 v8, v9;
	v38 =	vor.u32 v30, v3;
	v24 =	vld.idx.msk [tilespmem:v0+s31+$0x0], $0xffff  }
0x6f: {  	[tilespmem:$0x1FE60] =	vst v20;
	v20 =	vmul.f32 v21, v5;
	s13 =	simm.s32 $0x3;
	v47 =	vor.u32 v42, v3;
	v0 =	vadd.s32 s14, v62;
	v26 =	vld.idx.msk [tilespmem:v2+s31+$0x0], $0xffff  }
0x70: {  	[tilespmem:$0x1FE10] =	vst v15;
	v25 =	vadd.s32 s13, v62;
	v45 =	vor.u32 v44, v3;
	v2 =	vand.u32 $0x3F, v0;
	v41 =	vld.idx.msk [tilespmem:v1+s31+$0x0], $0xffff  }
0x71: {  	[tilespmem:$0x1FE20] =	vst v16;
	v21 =	vmul.f32 v22, v5;
	v0 =	vand.u32 $0x3F, v25;
	v25 =	vor.u32 v27, v2;
	v31 =	vld.idx.msk [tilespmem:v23+s29+$0x0], $0xffff  }
0x72: {  	v6 =	vadd.f32 v6, v9;
	v4 =	vadd.f32 v4, v9;
	v12 =	vmul.f32 v12, v5;
	v37 =	vld.idx.msk [tilespmem:v23+s30+$0x0], $0xffff  }
0x73: {  	v13 =	vmul.f32 v13, v5;
	[tilespmem:$0x1FE70] =	vst v20;
	v27 =	vor.u32 v27, v0;
	v15 =	vld.idx.msk [tilespmem:v38+s31+$0x0], $0xffff  }
0x74: {  	[tilespmem:$0x1FE80] =	vst v21;
	v14 =	vmul.f32 v14, v5;
	v12 =	vadd.f32 v12, v9;
	v20 =	vld.idx.msk [tilespmem:v47+s31+$0x0], $0xffff  }
0x75: {  	v13 =	vadd.f32 v13, v9;
	v10 =	vmul.f32 v18, v5;
	v18 =	vor.u32 v42, v2;
	v21 =	vld.idx.msk [tilespmem:v45+s31+$0x0], $0xffff  }
0x76: {  	v14 =	vadd.f32 v14, v9;
	v28 =	vor.u32 v30, v0;
	v34 =	vor.u32 v30, v2;
	v30 =	vld.idx.msk [tilespmem:v25+s29+$0x0], $0xffff  }
0x77: {  	v1 =	vmul.f32 v17, v5;
	v29 =	vor.u32 v40, v0;
	v32 =	vor.u32 v42, v0;
	v25 =	vld.idx.msk [tilespmem:v25+s30+$0x0], $0xffff  }
0x78: {  	v61 =	vor.u32 v44, v0;
	v35 =	vor.u32 v40, v2;
	v40 =	vor.u32 v40, v3;
	v23 =	vld.idx.msk [tilespmem:v27+s29+$0x0], $0xffff  }
0x79: {  	[tilespmem:$0x1FFF0] =	vst v10;
	v10 =	vmul.f32 v19, v5;
	v19 =	vmul.f32 v24, v5;
	v11 =	vld.idx.msk [tilespmem:v27+s30+$0x0], $0xffff  }
0x7a: {  	v22 =	vor.u32 v49, v0;
	v1 =	vadd.f32 v1, v9;
	v47 =	vor.u32 v33, v0;
	v18 =	vld.idx.msk [tilespmem:v18+s31+$0x0], $0xffff  }
0x7b: {  	[tilespmem:$0x1FE40] =	vst v19;
	v19 =	vmul.f32 v26, v5;
	v26 =	vld.idx.msk [tilespmem:v28+s31+$0x0], $0xffff;
	v17 =	vmul.f32 v37, v31  }
0x7c: {  	v38 =	vor.u32 v46, v3;
	v24 =	vadd.f32 v36, v9;
	v5 =	vmul.f32 v41, v5;
	v27 =	vld.idx.msk [tilespmem:v29+s31+$0x0], $0xffff  }
0x7d: {  	[tilespmem:$0x1FE50] =	vst v19;
	v7 =	vadd.f32 v17, v7;
	v17 =	vor.u32 v44, v2;
	v16 =	vmul.f32 v25, v30  }
0x7e: {  	v28 =	vor.u32 v48, v2;
	v19 =	vld.idx.msk [tilespmem:v40+s31+$0x0], $0xffff;
	[tilespmem:$0x1FE90] =	vst v5;
	v15 =	vmul.f32 v15, v31  }
0x7f: {  	v5 =	vld.idx.msk [tilespmem:v34+s31+$0x0], $0xffff;
	v21 =	vmul.f32 v21, v31;
	v11 =	vmul.f32 v11, v23;
	v7 =	vadd.f32 v16, v7  }
0x80: {  	v29 =	vor.u32 v50, v3;
	v22 =	vld.idx.msk [tilespmem:v22+s31+$0x0], $0xffff;
	v8 =	vadd.f32 v15, v8;
	v15 =	vor.u32 v49, v3  }
0x81: {  	v20 =	vmul.f32 v20, v31;
	v6 =	vadd.f32 v21, v6;
	v37 =	vadd.f32 v11, v7;
	v11 =	vld.idx.msk [tilespmem:v35+s31+$0x0], $0xffff  }
0x82: {  	v25 =	vadd.f32 v39, v9;
	v18 =	vmul.f32 v18, v30;
	v16 =	vor.u32 v48, v0;
	v17 =	vld.idx.msk [tilespmem:v17+s31+$0x0], $0xffff  }
0x83: {  	v21 =	vld.idx.msk [tilespmem:v61+s31+$0x0], $0xffff;
	v26 =	vmul.f32 v26, v23;
	v19 =	vmul.f32 v19, v31;
	v7 =	vor.u32 v48, v3  }
0x84: {  	v27 =	vmul.f32 v27, v23;
	v5 =	vmul.f32 v5, v30;
	v20 =	vadd.f32 v20, v25;
	v25 =	vld.idx.msk [tilespmem:v32+s31+$0x0], $0xffff  }
0x85: {  	v22 =	vmul.f32 v22, v23;
	v19 =	vadd.f32 v19, v24;
	v24 =	vor.u32 v50, v0;
	v15 =	vld.idx.msk [tilespmem:v15+s31+$0x0], $0xffff  }
0x86: {  	v28 =	vld.idx.msk [tilespmem:v28+s31+$0x0], $0xffff;
	v5 =	vadd.f32 v5, v8;
	v8 =	vor.u32 v51, v3;
	v11 =	vmul.f32 v11, v30  }
0x87: {  	v18 =	vadd.f32 v18, v20;
	v20 =	vor.u32 v51, v0;
	v16 =	vld.idx.msk [tilespmem:v16+s31+$0x0], $0xffff;
	v17 =	vmul.f32 v17, v30  }
0x88: {  	v36 =	vadd.f32 v26, v5;
	v7 =	vld.idx.msk [tilespmem:v7+s31+$0x0], $0xffff;
	v11 =	vadd.f32 v11, v19;
	v19 =	vor.u32 v49, v2  }
0x89: {  	v26 =	vld.idx.msk [tilespmem:v29+s31+$0x0], $0xffff;
	v25 =	vmul.f32 v25, v23;
	v6 =	vadd.f32 v17, v6;
	v17 =	vor.u32 v50, v2  }
0x8a: {  	[tilespmem:$0x1FFB0] =	vst v43;
	v15 =	vmul.f32 v15, v31;
	v41 =	vadd.f32 v27, v11;
	v11 =	vor.u32 v51, v2  }
0x8b: {  	v21 =	vmul.f32 v21, v23;
	v48 =	vor.u32 v46, v0;
	v5 =	vor.u32 v52, v0;
	v8 =	vld.idx.msk [tilespmem:v8+s31+$0x0], $0xffff  }
0x8c: {  	v40 =	vadd.f32 v25, v18;
	v25 =	vmul.f32 v28, v30;
	v24 =	vld.idx.msk [tilespmem:v24+s31+$0x0], $0xffff;
	v13 =	vadd.f32 v15, v13  }
0x8d: {  	v15 =	vor.u32 v53, v3;
	v16 =	vmul.f32 v16, v23;
	v7 =	vmul.f32 v7, v31;
	v18 =	vld.idx.msk [tilespmem:v19+s31+$0x0], $0xffff  }
0x8e: {  	v32 =	vadd.f32 v21, v6;
	v6 =	vor.u32 v55, v0;
	v21 =	vmul.f32 v26, v31;
	v17 =	vld.idx.msk [tilespmem:v17+s31+$0x0], $0xffff  }
0x8f: {  	v26 =	vadd.f32 v54, v9;
	v7 =	vadd.f32 v7, v12;
	v12 =	vor.u32 v52, v3;
	v11 =	vld.idx.msk [tilespmem:v11+s31+$0x0], $0xffff  }
0x90: {  	v20 =	vld.idx.msk [tilespmem:v20+s31+$0x0], $0xffff;
	v27 =	vor.u32 v57, v3;
	v8 =	vmul.f32 v8, v31;
	v19 =	vor.u32 v53, v0  }
0x91: {  	v5 =	vld.idx.msk [tilespmem:v5+s31+$0x0], $0xffff;
	v14 =	vadd.f32 v21, v14;
	v21 =	vor.u32 v56, v0;
	v7 =	vadd.f32 v25, v7  }
0x92: {  	v8 =	vadd.f32 v8, v26;
	v26 =	vor.u32 v57, v0;
	v15 =	vld.idx.msk [tilespmem:v15+s31+$0x0], $0xffff;
	v25 =	vor.u32 v58, v0  }
0x93: {  	v42 =	vadd.f32 v16, v7;
	v7 =	vld.idx.msk [tilespmem:v6+s31+$0x0], $0xffff;
	v18 =	vmul.f32 v18, v30;
	v17 =	vmul.f32 v17, v30  }
0x94: {  	v16 =	vor.u32 v63, v0;
	v6 =	vmul.f32 v24, v23;
	v12 =	vld.idx.msk [tilespmem:v12+s31+$0x0], $0xffff;
	v11 =	vmul.f32 v11, v30  }
0x95: {  	v19 =	vld.idx.msk [tilespmem:v19+s31+$0x0], $0xffff;
	v13 =	vadd.f32 v18, v13;
	v18 =	vor.u32 v59, v0;
	v14 =	vadd.f32 v17, v14  }
0x96: {  	v17 =	vor.u32 v60, v0;
	v8 =	vadd.f32 v11, v8;
	v11 =	vor.u32 v43, v0;
	v0 =	vld.idx.msk [tilespmem:v21+s31+$0x0], $0xffff  }
0x97: {  	v29 =	vor.u32 v59, v3;
	v28 =	vadd.f32 v22, v13;
	v13 =	vmul.f32 v20, v23;
	v20 =	vld.idx.msk [tilespmem:v26+s31+$0x0], $0xffff  }
0x98: {  	v39 =	vmul.f32 v5, v23;
	v44 =	vadd.f32 v6, v14;
	v21 =	vor.u32 v52, v2;
	v22 =	vld.idx.msk [tilespmem:v25+s31+$0x0], $0xffff  }
0x99: {  	v9 =	vld.idx.msk [tilespmem:v27+s31+$0x0], $0xffff;
	v6 =	vmul.f32 v15, v31;
	v34 =	vmul.f32 v7, v23;
	v25 =	vor.u32 v58, v2  }
0x9a: {  	v16 =	vld.idx.msk [tilespmem:v16+s31+$0x0], $0xffff;
	v12 =	vmul.f32 v12, v31;
	v61 =	vmul.f32 v19, v23;
	v19 =	vor.u32 v55, v2  }
0x9b: {  	v45 =	vadd.f32 v13, v8;
	v13 =	vor.u32 v53, v2;
	v15 =	vadd.f32 v6, v1;
	v18 =	vld.idx.msk [tilespmem:v18+s31+$0x0], $0xffff  }
0x9c: {  	v14 =	vadd.f32 v12, v4;
	v4 =	vld.idx.msk [tilespmem:v17+s31+$0x0], $0xffff;
	v12 =	vor.u32 v55, v3;
	v8 =	vmul.f32 v0, v23  }
0x9d: {  	v17 =	vor.u32 v56, v3;
	v11 =	vld.idx.msk [tilespmem:v11+s31+$0x0], $0xffff;
	v54 =	vmul.f32 v20, v23;
	v49 =	vmul.f32 v22, v23  }
0x9e: {  	v20 =	vld.idx.msk [tilespmem:v21+s31+$0x0], $0xffff;
	v21 =	vor.u32 v56, v2;
	v22 =	vor.u32 v57, v2;
	v0 =	vor.u32 v59, v2  }
0x9f: {  	v1 =	vld [tilespmem:$0x1FFF0];
	v56 =	vor.u32 v33, v2;
	v52 =	vmul.f32 v16, v23;
	[tilespmem:$0x1FF20] =	vst v0;
	v0 =	vor.u32 v60, v2  }
0xa0: {  	v24 =	vld.idx.msk [tilespmem:v13+s31+$0x0], $0xffff;
	[tilespmem:$0x1FF30] =	vst v0;
	v0 =	vor.u32 v43, v2;
	v13 =	vor.u32 v60, v3  }
0xa1: {  	v27 =	vimm.f32 $0.0e+00;
	v43 =	vor.u32 v43, v3;
	v26 =	vld.idx.msk [tilespmem:v12+s31+$0x0], $0xffff;
	[tilespmem:$0x1FF40] =	vst v0;
	v0 =	vor.u32 v63, v2  }
0xa2: {  	v53 =	vimm.f32 $0.0e+00;
	v51 =	vmul.f32 v18, v23;
	v17 =	vld.idx.msk [tilespmem:v17+s31+$0x0], $0xffff;
	[tilespmem:$0x1FF50] =	vst v0;
	v0 =	vor.u32 v46, v2  }
0xa3: {  	v55 =	vimm.f32 $0.0e+00;
	v50 =	vmul.f32 v4, v23;
	v18 =	vld.idx.msk [tilespmem:v19+s31+$0x0], $0xffff;
	[tilespmem:$0x1FF60] =	vst v0;
	v0 =	vor.u32 v58, v3  }
0xa4: {  	[tilespmem:$0x1FFD0] =	vst v46;
	v4 =	vimm.f32 $0.0e+00;
	v2 =	vor.u32 v63, v3;
	v46 =	vimm.f32 $0.0e+00;
	v19 =	vld.idx.msk [tilespmem:v21+s31+$0x0], $0xffff  }
0xa5: {  	v35 =	vmul.f32 v11, v23;
	v3 =	vor.u32 v33, v3;
	v16 =	vmul.f32 v20, v30;
	v12 =	vld.idx.msk [tilespmem:v22+s31+$0x0], $0xffff  }
0xa6: {  	[tilespmem:$0x1FFE0] =	vst v33;
	v11 =	vld.idx.msk [tilespmem:v25+s31+$0x0], $0xffff;
	v22 =	vadd.f32 v1, v4;
	v33 =	vimm.f32 $0.0e+00;
	v20 =	vmul.f32 v24, v30  }
0xa7: {  	[tilespmem:$0x1FFA0] =	vst v60;
	v24 =	vadd.f32 v10, v4;
	v10 =	vld.idx.msk [tilespmem:v29+s31+$0x0], $0xffff;
	v29 =	vimm.f32 $0.0e+00;
	v21 =	vmul.f32 v26, v31  }
0xa8: {  	p0 =	por p1, p1;
	s1 =	simm.s32 $0x4;
	[tilespmem:$0x1FFC0] =	vst v63;
	v25 =	vmul.f32 v17, v31;
	v18 =	vmul.f32 v18, v30;
	v26 =	vimm.f32 $0.0e+00;
	v17 =	vld.idx.msk [tilespmem:v0+s31+$0x0], $0xffff  }
.LBB2_5:
0xa9: {  	v0 =	vld [tilespmem:$0x1FF20];
	_ =	sdelay $0x7  }
0xaa: {  	v1 =	vld.idx.msk [tilespmem:v0+s31+$0x0], $0xffff  }
0xab: {  	v0 =	vld [tilespmem:$0x1FF30];
	_ =	sdelay $0x5  }
0xac: {  	v21 =	vadd.f32 v21, v22;
	v19 =	vmul.f32 v19, v30;
	v22 =	vadd.f32 v25, v24  }
0xad: {  	v14 =	vadd.f32 v16, v14  }
0xae: {  	v16 =	vadd.f32 v18, v21;
	v18 =	vadd.f32 v19, v22;
	v19 =	vld.idx.msk [tilespmem:v0+s31+$0x0], $0xffff  }
0xaf: {  	v0 =	vld [tilespmem:$0x1FF40];
	_ =	sdelay $0x7  }
0xb0: {  	v15 =	vadd.f32 v20, v15;
	v20 =	vld.idx.msk [tilespmem:v0+s31+$0x0], $0xffff;
	v0 =	vadd.f32 v39, v14;
	_ =	sdelay $0x1  }
0xb1: {  	[tilespmem:$0x1FD00] =	vst v0;
	v0 =	vadd.f32 v61, v15;
	_ =	sdelay $0x1  }
0xb2: {  	[tilespmem:$0x1FD20] =	vst v0;
	v0 =	vld [tilespmem:$0x1FF50];
	_ =	sdelay $0x7  }
0xb3: {  	v6 =	vld.idx.msk [tilespmem:v0+s31+$0x0], $0xffff;
	v0 =	vadd.f32 v34, v16;
	_ =	sdelay $0x1  }
0xb4: {  	[tilespmem:$0x1FD50] =	vst v0;
	v0 =	vadd.f32 v8, v18;
	_ =	sdelay $0x1  }
0xb5: {  	[tilespmem:$0x1FD70] =	vst v0;
	v0 =	vld [tilespmem:$0x1FE10];
	_ =	sdelay $0x4  }
0xb6: {  	v7 =	vadd.f32 v0, v4;
	v0 =	vld [tilespmem:$0x1FE20];
	_ =	sdelay $0x4  }
0xb7: {  	v8 =	vadd.f32 v0, v53;
	v0 =	vld [tilespmem:$0x1FE40];
	_ =	sdelay $0x4  }
0xb8: {  	v15 =	vadd.f32 v0, v55;
	v0 =	vld [tilespmem:$0x1FE50];
	_ =	sdelay $0x3  }
0xb9: {  	v13 =	vld.idx.msk [tilespmem:v13+s31+$0x0], $0xffff  }
0xba: {  	v16 =	vadd.f32 v0, v46;
	v0 =	vld [tilespmem:$0x1FF60];
	_ =	sdelay $0x2  }
0xbb: {  	v9 =	vmul.f32 v9, v31  }
0xbc: {  	v5 =	vmul.f32 v17, v31;
	v10 =	vmul.f32 v10, v31  }
0xbd: {  	v12 =	vmul.f32 v12, v30;
	v13 =	vmul.f32 v13, v31;
	v7 =	vadd.f32 v9, v7  }
0xbe: {  	v2 =	vld.idx.msk [tilespmem:v2+s31+$0x0], $0xffff;
	v1 =	vmul.f32 v1, v30;
	v5 =	vadd.f32 v5, v8;
	v8 =	vadd.f32 v10, v15  }
0xbf: {  	v11 =	vmul.f32 v11, v30;
	v14 =	vld.idx.msk [tilespmem:v43+s31+$0x0], $0xffff;
	v7 =	vadd.f32 v12, v7  }
0xc0: {  	v10 =	vmul.f32 v19, v30;
	v1 =	vadd.f32 v1, v8;
	v9 =	vadd.f32 v13, v16;
	v12 =	vld.idx.msk [tilespmem:v0+s31+$0x0], $0xffff  }
0xc1: {  	v5 =	vadd.f32 v11, v5;
	v0 =	vadd.f32 v54, v7;
	v7 =	vld [tilespmem:$0x1FE70]  }
0xc2: {  	v4 =	vld.idx.msk [tilespmem:v38+s31+$0x0], $0xffff;
	v1 =	vadd.f32 v51, v1;
	v8 =	vadd.f32 v10, v9  }
0xc3: {  	[tilespmem:$0x1FBC0] =	vst v0;
	v0 =	vadd.f32 v49, v5;
	v5 =	vld [tilespmem:$0x1FE60]  }
0xc4: {  	[tilespmem:$0x1FB30] =	vst v1;
	v1 =	vadd.f32 v50, v8;
	v8 =	vld [tilespmem:$0x1FE80];
	_ =	sdelay $0x1  }
0xc5: {  	v2 =	vmul.f32 v2, v31;
	v7 =	vadd.f32 v7, v29  }
0xc6: {  	v3 =	vld.idx.msk [tilespmem:v3+s31+$0x0], $0xffff;
	v6 =	vmul.f32 v6, v30  }
0xc7: {  	v13 =	vld [tilespmem:$0x1FE90];
	v10 =	vmul.f32 v14, v31;
	v5 =	vadd.f32 v5, v33;
	v2 =	vadd.f32 v2, v7  }
0xc8: {  	v4 =	vmul.f32 v4, v31;
	v8 =	vadd.f32 v8, v27  }
0xc9: {  	v11 =	vmul.f32 v20, v30;
	v9 =	vld.idx.msk [tilespmem:v56+s31+$0x0], $0xffff;
	v5 =	vadd.f32 v10, v5;
	v2 =	vadd.f32 v6, v2  }
0xca: {  	[tilespmem:$0x1FBB0] =	vst v0;
	v0 =	vld.idx.msk [tilespmem:v48+s31+$0x0], $0xffff;
	v4 =	vadd.f32 v4, v8;
	v7 =	vmul.f32 v12, v30  }
0xcb: {  	[tilespmem:$0x1FB50] =	vst v1;
	v1 =	vld.idx.msk [tilespmem:v47+s31+$0x0], $0xffff;
	v5 =	vadd.f32 v11, v5;
	v2 =	vadd.f32 v52, v2  }
0xcc: {  	v3 =	vmul.f32 v3, v31;
	v13 =	vadd.f32 v13, v26;
	v4 =	vadd.f32 v7, v4;
	v7 =	vld [tilespmem:$0x1FE30]  }
0xcd: {  	v5 =	vadd.f32 v35, v5;
	[tilespmem:$0x1FCB0] =	vst v2;
	v2 =	vld [tilespmem:$0x1FDF0]  }
0xce: {  	v14 =	vld [tilespmem:$0x1FDD0];
	v3 =	vadd.f32 v3, v13  }
0xcf: {  	v8 =	vmul.f32 v9, v30;
	v0 =	vmul.f32 v0, v23;
	v6 =	vadd.s32 s1, v62;
	[tilespmem:$0x1FBD0] =	vst v5;
	v5 =	vld [tilespmem:$0x1FE00]  }
0xd0: {  	[tilespmem:$0x1FBA0] =	vst v32;
	v32 =	vld [tilespmem:$0x1FDE0];
	v1 =	vmul.f32 v1, v23;
	v9 =	vand.u32 $0x3F, v6  }
0xd1: {  	v3 =	vadd.f32 v8, v3;
	v0 =	vadd.f32 v0, v4;
	v8 =	vor.u32 v7, v9  }
0xd2: {  	[tilespmem:$0x1FB70] =	vst v36;
	v4 =	vor.u32 v2, v9  }
0xd3: {  	v36 =	vld [tilespmem:$0x1FFD0];
	[tilespmem:$0x1FDA0] =	vst v0;
	v0 =	vadd.f32 v1, v3;
	v1 =	vor.u32 v14, v9  }
0xd4: {  	v15 =	vld [tilespmem:$0x1FEB0];
	v6 =	vor.u32 v5, v9  }
0xd5: {  	v13 =	vld [tilespmem:$0x1FEA0];
	v3 =	vor.u32 v32, v9  }
0xd6: {  	v8 =	vld.idx.msk [tilespmem:v8+s31+$0x0], $0xffff  }
0xd7: {  	v4 =	vld.idx.msk [tilespmem:v4+s31+$0x0], $0xffff  }
0xd8: {  	[tilespmem:$0x1FDB0] =	vst v0;
	v0 =	vld.idx.msk [tilespmem:v1+s29+$0x0], $0xffff  }
0xd9: {  	v6 =	vld.idx.msk [tilespmem:v6+s31+$0x0], $0xffff  }
0xda: {  	v3 =	vld.idx.msk [tilespmem:v3+s31+$0x0], $0xffff  }
0xdb: {  	[tilespmem:$0x1FA70] =	vst v8;
	v8 =	vld [tilespmem:$0x1FEE0]  }
0xdc: {  	[tilespmem:$0x1FA50] =	vst v4;
	v4 =	vld [tilespmem:$0x1FEC0]  }
0xdd: {  	v1 =	vld.idx.msk [tilespmem:v1+s30+$0x0], $0xffff  }
0xde: {  	[tilespmem:$0x1FA60] =	vst v6;
	v6 =	vld [tilespmem:$0x1FED0]  }
0xdf: {  	v25 =	vld [tilespmem:$0x1FF70];
	[tilespmem:$0x1FA40] =	vst v3;
	v3 =	vor.u32 v15, v9  }
0xe0: {  	v21 =	vld [tilespmem:$0x1FF10];
	v12 =	vor.u32 v8, v9  }
0xe1: {  	v17 =	vld [tilespmem:$0x1FEF0];
	v10 =	vor.u32 v4, v9  }
0xe2: {  	v18 =	vld [tilespmem:$0x1FF00];
	[tilespmem:$0x1FA30] =	vst v1;
	v1 =	vor.u32 v13, v9  }
0xe3: {  	v26 =	vld [tilespmem:$0x1FF80];
	v11 =	vor.u32 v6, v9  }
0xe4: {  	v3 =	vld.idx.msk [tilespmem:v3+s31+$0x0], $0xffff  }
0xe5: {  	v12 =	vld.idx.msk [tilespmem:v12+s31+$0x0], $0xffff  }
0xe6: {  	v10 =	vld.idx.msk [tilespmem:v10+s31+$0x0], $0xffff  }
0xe7: {  	v50 =	vld.idx.msk [tilespmem:v1+s31+$0x0], $0xffff;
	v1 =	vor.u32 v17, v9  }
0xe8: {  	[tilespmem:$0x1FB10] =	vst v37;
	v11 =	vld.idx.msk [tilespmem:v11+s31+$0x0], $0xffff  }
0xe9: {  	v37 =	vld [tilespmem:$0x1FFE0];
	[tilespmem:$0x1FA80] =	vst v3;
	v3 =	vor.u32 v18, v9  }
0xea: {  	v34 =	vld [tilespmem:$0x1FFB0];
	[tilespmem:$0x1FAB0] =	vst v12;
	v12 =	vor.u32 v26, v9  }
0xeb: {  	v27 =	vld [tilespmem:$0x1FF90];
	[tilespmem:$0x1FA90] =	vst v10;
	v10 =	vor.u32 v21, v9  }
0xec: {  	v1 =	vld.idx.msk [tilespmem:v1+s31+$0x0], $0xffff  }
0xed: {  	v33 =	vld [tilespmem:$0x1FFA0];
	[tilespmem:$0x1FAA0] =	vst v11;
	v11 =	vor.u32 v25, v9  }
0xee: {  	v3 =	vld.idx.msk [tilespmem:v3+s31+$0x0], $0xffff  }
0xef: {  	[tilespmem:$0x1FB80] =	vst v41;
	v12 =	vld.idx.msk [tilespmem:v12+s31+$0x0], $0xffff  }
0xf0: {  	[tilespmem:$0x1FB90] =	vst v40;
	v10 =	vld.idx.msk [tilespmem:v10+s31+$0x0], $0xffff  }
0xf1: {  	v35 =	vld [tilespmem:$0x1FFC0];
	[tilespmem:$0x1FAC0] =	vst v1;
	v1 =	vor.u32 v27, v9  }
0xf2: {  	[tilespmem:$0x1FC60] =	vst v28;
	v11 =	vld.idx.msk [tilespmem:v11+s31+$0x0], $0xffff  }
0xf3: {  	[tilespmem:$0x1FAD0] =	vst v3;
	v3 =	vor.u32 v33, v9  }
0xf4: {  	[tilespmem:$0x1FB00] =	vst v12;
	v12 =	vor.u32 v36, v9  }
0xf5: {  	s13 =	sadd.s32 $0x3, s1;
	[tilespmem:$0x1FAE0] =	vst v10;
	v10 =	vor.u32 v34, v9  }
0xf6: {  	[tilespmem:$0x1FC80] =	vst v44;
	v16 =	vadd.s32 s13, v62;
	v61 =	vld.idx.msk [tilespmem:v1+s31+$0x0], $0xffff;
	v1 =	vor.u32 v37, v9  }
0xf7: {  	s14 =	sadd.s32 $0x2, s1;
	s13 =	sadd.s32 $0x1, s1;
	[tilespmem:$0x1FAF0] =	vst v11;
	v11 =	vor.u32 v35, v9;
	v9 =	vand.u32 $0x3F, v16  }
0xf8: {  	[tilespmem:$0x1FC40] =	vst v42;
	v42 =	vld.idx.msk [tilespmem:v3+s31+$0x0], $0xffff;
	v3 =	vadd.s32 s13, v62;
	v16 =	vadd.s32 s14, v62;
	v19 =	vor.u32 v14, v9  }
0xf9: {  	[tilespmem:$0x1FCA0] =	vst v45;
	v45 =	vld.idx.msk [tilespmem:v12+s31+$0x0], $0xffff;
	v22 =	vand.u32 $0x3F, v16;
	v16 =	vor.u32 v5, v9;
	v20 =	vor.u32 v7, v9  }
0xfa: {  	v12 =	vor.u32 v13, v9;
	v24 =	vor.u32 v15, v9;
	v31 =	vld.idx.msk [tilespmem:v10+s31+$0x0], $0xffff;
	v10 =	vor.u32 v32, v9  }
0xfb: {  	v49 =	vld.idx.msk [tilespmem:v1+s31+$0x0], $0xffff;
	v28 =	vor.u32 v4, v9;
	v29 =	vor.u32 v6, v9;
	v51 =	vor.u32 v8, v9  }
0xfc: {  	v52 =	vor.u32 v17, v9;
	v53 =	vor.u32 v18, v9;
	v54 =	vor.u32 v21, v9;
	v44 =	vld.idx.msk [tilespmem:v11+s31+$0x0], $0xffff  }
0xfd: {  	v55 =	vor.u32 v25, v9;
	v56 =	vor.u32 v26, v9;
	v1 =	vor.u32 v27, v9;
	v23 =	vld.idx.msk [tilespmem:v19+s29+$0x0], $0xffff  }
0xfe: {  	v30 =	vor.u32 v34, v9;
	v38 =	vor.u32 v35, v9;
	v11 =	vor.u32 v2, v9;
	v62 =	vld.idx.msk [tilespmem:v19+s30+$0x0], $0xffff  }
0xff: {  	v19 =	vor.u32 v33, v9;
	v40 =	vld.idx.msk [tilespmem:v10+s31+$0x0], $0xffff;
	v10 =	vor.u32 v36, v9;
	v9 =	vor.u32 v37, v9  }
0x100: {  	[tilespmem:$0x1FC20] =	vst v9;
	v9 =	vor.u32 v5, v22  }
0x101: {  	[tilespmem:$0x1FB20] =	vst v9;
	v9 =	vor.u32 v7, v22  }
0x102: {  	[tilespmem:$0x1FB40] =	vst v9;
	v9 =	vor.u32 v15, v22  }
0x103: {  	[tilespmem:$0x1FB60] =	vst v9;
	v9 =	vor.u32 v4, v22  }
0x104: {  	[tilespmem:$0x1FBE0] =	vst v9;
	v9 =	vor.u32 v6, v22  }
0x105: {  	[tilespmem:$0x1FBF0] =	vst v9;
	v9 =	vor.u32 v8, v22  }
0x106: {  	[tilespmem:$0x1FC00] =	vst v9;
	v9 =	vor.u32 v17, v22  }
0x107: {  	[tilespmem:$0x1FC10] =	vst v9;
	v9 =	vor.u32 v18, v22  }
0x108: {  	[tilespmem:$0x1FCC0] =	vst v9;
	v9 =	vor.u32 v21, v22  }
0x109: {  	[tilespmem:$0x1FCD0] =	vst v9;
	v9 =	vor.u32 v25, v22  }
0x10a: {  	[tilespmem:$0x1FCE0] =	vst v9;
	v9 =	vor.u32 v26, v22  }
0x10b: {  	[tilespmem:$0x1FCF0] =	vst v9;
	v9 =	vor.u32 v27, v22  }
0x10c: {  	[tilespmem:$0x1FF20] =	vst v9;
	v9 =	vor.u32 v33, v22  }
0x10d: {  	[tilespmem:$0x1FF30] =	vst v9;
	v9 =	vor.u32 v34, v22  }
0x10e: {  	v41 =	vld.idx.msk [tilespmem:v11+s31+$0x0], $0xffff;
	[tilespmem:$0x1FF40] =	vst v9;
	v9 =	vor.u32 v35, v22  }
0x10f: {  	v3 =	vand.u32 $0x3F, v3;
	v43 =	vor.u32 v32, v22;
	v11 =	vld [tilespmem:$0x1FA40];
	[tilespmem:$0x1FF50] =	vst v9;
	v9 =	vor.u32 v36, v22  }
0x110: {  	v46 =	vor.u32 v2, v22;
	[tilespmem:$0x1FF60] =	vst v9;
	v9 =	vor.u32 v32, v3;
	v32 =	vor.u32 v2, v3;
	v2 =	vld [tilespmem:$0x1FA50];
	_ =	sdelay $0x3  }
0x111: {  	v57 =	vld.idx.msk [tilespmem:v12+s31+$0x0], $0xffff  }
0x112: {  	v12 =	vmul.f32 v11, v0;
	v11 =	vmul.f32 v2, v0;
	v2 =	vld [tilespmem:$0x1FA60]  }
0x113: {  	v63 =	vor.u32 v14, v3;
	v39 =	vor.u32 v14, v22;
	v14 =	vld [tilespmem:$0x1FA70];
	_ =	sdelay $0x1  }
0x114: {  	v47 =	vld.idx.msk [tilespmem:v16+s31+$0x0], $0xffff  }
0x115: {  	v58 =	vld.idx.msk [tilespmem:v24+s31+$0x0], $0xffff  }
0x116: {  	v16 =	vor.u32 v13, v22;
	v24 =	vor.u32 v37, v22;
	v22 =	vmul.f32 v2, v0;
	v2 =	vld.idx.msk [tilespmem:v53+s31+$0x0], $0xffff  }
0x117: {  	v53 =	vmul.f32 v14, v0;
	v14 =	vmul.f32 v50, v0;
	v50 =	vor.u32 v7, v3;
	v7 =	vld [tilespmem:$0x1FA80];
	_ =	sdelay $0x4  }
0x118: {  	v7 =	vmul.f32 v7, v0;
	_ =	sdelay $0x1  }
0x119: {  	[tilespmem:$0x1FC70] =	vst v7;
	v7 =	vld [tilespmem:$0x1FA90];
	_ =	sdelay $0x4  }
0x11a: {  	v7 =	vmul.f32 v7, v0;
	_ =	sdelay $0x1  }
0x11b: {  	[tilespmem:$0x1FC90] =	vst v7;
	v7 =	vld [tilespmem:$0x1FAA0];
	_ =	sdelay $0x3  }
0x11c: {  	v60 =	vld.idx.msk [tilespmem:v29+s31+$0x0], $0xffff  }
0x11d: {  	v29 =	vmul.f32 v7, v0;
	v7 =	vld [tilespmem:$0x1FAB0];
	_ =	sdelay $0x4  }
0x11e: {  	v7 =	vmul.f32 v7, v0;
	_ =	sdelay $0x1  }
0x11f: {  	[tilespmem:$0x1FD10] =	vst v7;
	v7 =	vld [tilespmem:$0x1FAC0];
	_ =	sdelay $0x4  }
0x120: {  	v7 =	vmul.f32 v7, v0;
	_ =	sdelay $0x1  }
0x121: {  	[tilespmem:$0x1FD30] =	vst v7;
	v7 =	vld [tilespmem:$0x1FAD0];
	_ =	sdelay $0x4  }
0x122: {  	v7 =	vmul.f32 v7, v0;
	_ =	sdelay $0x1  }
0x123: {  	[tilespmem:$0x1FD60] =	vst v7;
	v7 =	vld.idx.msk [tilespmem:v1+s31+$0x0], $0xffff  }
0x124: {  	v1 =	vld [tilespmem:$0x1FAE0];
	_ =	sdelay $0x4  }
0x125: {  	v1 =	vmul.f32 v1, v0;
	_ =	sdelay $0x1  }
0x126: {  	[tilespmem:$0x1FD80] =	vst v1;
	v1 =	vld [tilespmem:$0x1FAF0];
	_ =	sdelay $0x4  }
0x127: {  	v1 =	vmul.f32 v1, v0;
	_ =	sdelay $0x1  }
0x128: {  	[tilespmem:$0x1FE10] =	vst v1;
	v1 =	vld [tilespmem:$0x1FB00];
	_ =	sdelay $0x4  }
0x129: {  	v1 =	vmul.f32 v1, v0;
	_ =	sdelay $0x1  }
0x12a: {  	[tilespmem:$0x1FE20] =	vst v1;
	v1 =	vmul.f32 v61, v0  }
0x12b: {  	[tilespmem:$0x1FC30] =	vst v10  }
0x12c: {  	v10 =	vld [tilespmem:$0x1FA30];
	[tilespmem:$0x1FE40] =	vst v1;
	v1 =	vmul.f32 v42, v0;
	_ =	sdelay $0x1  }
0x12d: {  	v48 =	vld.idx.msk [tilespmem:v20+s31+$0x0], $0xffff;
	[tilespmem:$0x1FE50] =	vst v1;
	v1 =	vmul.f32 v31, v0  }
0x12e: {  	v59 =	vld.idx.msk [tilespmem:v28+s31+$0x0], $0xffff  }
0x12f: {  	v51 =	vld.idx.msk [tilespmem:v51+s31+$0x0], $0xffff;
	v20 =	vor.u32 v15, v3;
	[tilespmem:$0x1FE60] =	vst v1;
	v1 =	vmul.f32 v44, v0  }
0x130: {  	v15 =	vld.idx.msk [tilespmem:v56+s31+$0x0], $0xffff;
	v56 =	vor.u32 v4, v3;
	v4 =	vor.u32 v6, v3;
	v10 =	vmul.f32 v10, v0  }
0x131: {  	v6 =	vor.u32 v8, v3;
	v8 =	vld [tilespmem:$0x1FB10];
	[tilespmem:$0x1FE70] =	vst v1;
	v1 =	vmul.f32 v45, v0;
	v0 =	vmul.f32 v49, v0  }
0x132: {  	v31 =	vld.idx.msk [tilespmem:v63+s29+$0x0], $0xffff  }
0x133: {  	[tilespmem:$0x1FE90] =	vst v0;
	v0 =	vld.idx.msk [tilespmem:v63+s30+$0x0], $0xffff  }
0x134: {  	v52 =	vld.idx.msk [tilespmem:v52+s31+$0x0], $0xffff  }
0x135: {  	v28 =	vld.idx.msk [tilespmem:v30+s31+$0x0], $0xffff  }
0x136: {  	v30 =	vld.idx.msk [tilespmem:v39+s29+$0x0], $0xffff  }
0x137: {  	v42 =	vld.idx.msk [tilespmem:v38+s31+$0x0], $0xffff  }
0x138: {  	v49 =	vld.idx.msk [tilespmem:v39+s30+$0x0], $0xffff;
	v39 =	vmul.f32 v51, v23;
	v51 =	vadd.f32 v10, v8;
	v38 =	vmul.f32 v0, v31;
	_ =	sdelay $0x1  }
0x139: {  	v61 =	vmul.f32 v52, v23;
	v52 =	vadd.f32 v38, v51;
	v51 =	vmul.f32 v7, v23;
	v7 =	vld [tilespmem:$0x1FB40];
	_ =	sdelay $0x7  }
0x13a: {  	v44 =	vor.u32 v18, v3;
	v18 =	vor.u32 v27, v3;
	v27 =	vld.idx.msk [tilespmem:v7+s31+$0x0], $0xffff  }
0x13b: {  	v7 =	vld [tilespmem:$0x1FB60];
	_ =	sdelay $0x6  }
0x13c: {  	[tilespmem:$0x1FC50] =	vst v14;
	v14 =	vor.u32 v13, v3;
	v13 =	vor.u32 v33, v3;
	v33 =	vld.idx.msk [tilespmem:v16+s31+$0x0], $0xffff  }
0x13d: {  	v16 =	vld.idx.msk [tilespmem:v7+s31+$0x0], $0xffff  }
0x13e: {  	v7 =	vld [tilespmem:$0x1FB70]  }
0x13f: {  	[tilespmem:$0x1FE80] =	vst v1;
	v1 =	vor.u32 v25, v3  }
0x140: {  	[tilespmem:$0x1FD40] =	vst v1;
	v1 =	vor.u32 v26, v3  }
0x141: {  	[tilespmem:$0x1FD90] =	vst v1;
	v1 =	vld.idx.msk [tilespmem:v9+s31+$0x0], $0xffff  }
0x142: {  	v9 =	vld [tilespmem:$0x1FB20]  }
0x143: {  	v12 =	vadd.f32 v12, v7;
	v7 =	vld [tilespmem:$0x1FB80];
	_ =	sdelay $0x4  }
0x144: {  	v11 =	vadd.f32 v11, v7;
	v7 =	vld [tilespmem:$0x1FB90];
	_ =	sdelay $0x1  }
0x145: {  	v45 =	vmul.f32 v62, v23;
	v62 =	vmul.f32 v40, v23;
	v40 =	vld.idx.msk [tilespmem:v43+s31+$0x0], $0xffff  }
0x146: {  	v63 =	vor.u32 v21, v3;
	v21 =	vld.idx.msk [tilespmem:v9+s31+$0x0], $0xffff  }
0x147: {  	v9 =	vld.idx.msk [tilespmem:v14+s31+$0x0], $0xffff  }
0x148: {  	v43 =	vor.u32 v34, v3;
	v14 =	vadd.f32 v22, v7;
	v7 =	vld [tilespmem:$0x1FBA0]  }
0x149: {  	v34 =	vmul.f32 v2, v23;
	v2 =	vor.u32 v35, v3;
	v35 =	vmul.f32 v49, v30;
	_ =	sdelay $0x1  }
0x14a: {  	v25 =	vadd.f32 v35, v52  }
0x14b: {  	v5 =	vor.u32 v5, v3;
	v17 =	vor.u32 v17, v3;
	v38 =	vor.u32 v36, v3  }
0x14c: {  	v3 =	vor.u32 v37, v3;
	v37 =	vadd.f32 v45, v25;
	v25 =	vadd.f32 v53, v7;
	v7 =	vld [tilespmem:$0x1FBE0];
	_ =	sdelay $0x2  }
0x14d: {  	v19 =	vld.idx.msk [tilespmem:v19+s31+$0x0], $0xffff;
	_ =	sdelay $0x2  }
0x14e: {  	v0 =	vld.idx.msk [tilespmem:v5+s31+$0x0], $0xffff  }
0x14f: {  	v5 =	vld.idx.msk [tilespmem:v50+s31+$0x0], $0xffff  }
0x150: {  	v50 =	vmul.f32 v19, v23;
	v19 =	vld.idx.msk [tilespmem:v7+s31+$0x0], $0xffff  }
0x151: {  	v7 =	vld [tilespmem:$0x1FBF0];
	_ =	sdelay $0x6  }
0x152: {  	v10 =	vld.idx.msk [tilespmem:v20+s31+$0x0], $0xffff  }
0x153: {  	v20 =	vld.idx.msk [tilespmem:v7+s31+$0x0], $0xffff  }
0x154: {  	v7 =	vld [tilespmem:$0x1FC00];
	_ =	sdelay $0x3  }
0x155: {  	v32 =	vld.idx.msk [tilespmem:v32+s31+$0x0], $0xffff;
	v0 =	vmul.f32 v0, v31  }
0x156: {  	v5 =	vmul.f32 v5, v31  }
0x157: {  	v1 =	vmul.f32 v1, v31;
	v21 =	vmul.f32 v21, v30;
	v0 =	vadd.f32 v0, v14  }
0x158: {  	v47 =	vmul.f32 v47, v23;
	v5 =	vadd.f32 v5, v25;
	v25 =	vmul.f32 v27, v30  }
0x159: {  	v40 =	vmul.f32 v40, v30;
	v1 =	vadd.f32 v1, v12;
	v0 =	vadd.f32 v21, v0;
	v21 =	vld.idx.msk [tilespmem:v7+s31+$0x0], $0xffff  }
0x15a: {  	v48 =	vmul.f32 v48, v23;
	v32 =	vmul.f32 v32, v31;
	v5 =	vadd.f32 v25, v5;
	v7 =	vld [tilespmem:$0x1FC10]  }
0x15b: {  	v1 =	vadd.f32 v40, v1;
	v40 =	vadd.f32 v47, v0;
	v0 =	vld [tilespmem:$0x1FC40]  }
0x15c: {  	v11 =	vadd.f32 v32, v11;
	v32 =	vadd.f32 v48, v5;
	v5 =	vld [tilespmem:$0x1FC50]  }
0x15d: {  	v46 =	vld.idx.msk [tilespmem:v46+s31+$0x0], $0xffff;
	_ =	sdelay $0x2  }
0x15e: {  	v12 =	vld.idx.msk [tilespmem:v56+s31+$0x0], $0xffff  }
0x15f: {  	v52 =	vmul.f32 v42, v23;
	v0 =	vadd.f32 v5, v0;
	v5 =	vld [tilespmem:$0x1FC60]  }
0x160: {  	v42 =	vmul.f32 v46, v30;
	v36 =	vadd.f32 v62, v1;
	v1 =	vmul.f32 v10, v31;
	v10 =	vld.idx.msk [tilespmem:v7+s31+$0x0], $0xffff  }
0x161: {  	v7 =	vld [tilespmem:$0x1FC70]  }
0x162: {  	v41 =	vmul.f32 v41, v23;
	v11 =	vadd.f32 v42, v11;
	_ =	sdelay $0x1  }
0x163: {  	v41 =	vadd.f32 v41, v11;
	v11 =	vmul.f32 v12, v31;
	v12 =	vld.idx.msk [tilespmem:v6+s31+$0x0], $0xffff  }
0x164: {  	v6 =	vld [tilespmem:$0x1FC80]  }
0x165: {  	v5 =	vadd.f32 v7, v5;
	v7 =	vld [tilespmem:$0x1FC90];
	_ =	sdelay $0x4  }
0x166: {  	v49 =	vmul.f32 v15, v23;
	v15 =	vadd.f32 v7, v6;
	v6 =	vld [tilespmem:$0x1FCA0];
	_ =	sdelay $0x4  }
0x167: {  	v22 =	vadd.f32 v29, v6;
	v6 =	vld [tilespmem:$0x1FCC0];
	_ =	sdelay $0x3  }
0x168: {  	v9 =	vmul.f32 v9, v31;
	_ =	sdelay $0x1  }
0x169: {  	v26 =	vmul.f32 v33, v30;
	v0 =	vadd.f32 v9, v0  }
0x16a: {  	v14 =	vld.idx.msk [tilespmem:v4+s31+$0x0], $0xffff  }
0x16b: {  	v0 =	vadd.f32 v26, v0;
	v26 =	vld.idx.msk [tilespmem:v6+s31+$0x0], $0xffff  }
0x16c: {  	v6 =	vld [tilespmem:$0x1FCD0];
	_ =	sdelay $0x2  }
0x16d: {  	v16 =	vmul.f32 v16, v30;
	v1 =	vadd.f32 v1, v5  }
0x16e: {  	v14 =	vmul.f32 v14, v31  }
0x16f: {  	v58 =	vmul.f32 v58, v23;
	v1 =	vadd.f32 v16, v1  }
0x170: {  	v9 =	vmul.f32 v19, v30;
	v19 =	vmul.f32 v20, v30;
	v5 =	vld.idx.msk [tilespmem:v44+s31+$0x0], $0xffff;
	v14 =	vadd.f32 v14, v22  }
0x171: {  	v35 =	vmul.f32 v28, v23;
	v28 =	vadd.f32 v58, v1;
	v1 =	vld [tilespmem:$0x1FCF0]  }
0x172: {  	v14 =	vadd.f32 v19, v14;
	v19 =	vld.idx.msk [tilespmem:v6+s31+$0x0], $0xffff  }
0x173: {  	v6 =	vld [tilespmem:$0x1FCE0];
	_ =	sdelay $0x3  }
0x174: {  	v11 =	vadd.f32 v11, v15  }
0x175: {  	v16 =	vmul.f32 v21, v30;
	v21 =	vmul.f32 v5, v31;
	v5 =	vld [tilespmem:$0x1FD40]  }
0x176: {  	v9 =	vadd.f32 v9, v11;
	v11 =	vld.idx.msk [tilespmem:v1+s31+$0x0], $0xffff  }
0x177: {  	v1 =	vld [tilespmem:$0x1FD00]  }
0x178: {  	v20 =	vmul.f32 v10, v30;
	v10 =	vmul.f32 v12, v31;
	v12 =	vld.idx.msk [tilespmem:v6+s31+$0x0], $0xffff  }
0x179: {  	v6 =	vld [tilespmem:$0x1FD10];
	_ =	sdelay $0x3  }
0x17a: {  	v7 =	vld [tilespmem:$0x1FD30]  }
0x17b: {  	v1 =	vadd.f32 v6, v1;
	v6 =	vld [tilespmem:$0x1FD20]  }
0x17c: {  	v54 =	vld.idx.msk [tilespmem:v54+s31+$0x0], $0xffff;
	v59 =	vmul.f32 v59, v23  }
0x17d: {  	v55 =	vld.idx.msk [tilespmem:v55+s31+$0x0], $0xffff  }
0x17e: {  	v44 =	vadd.f32 v59, v9;
	v9 =	vld.idx.msk [tilespmem:v5+s31+$0x0], $0xffff  }
0x17f: {  	v5 =	vld [tilespmem:$0x1FD50]  }
0x180: {  	v27 =	vadd.f32 v7, v6;
	v6 =	vld [tilespmem:$0x1FD60];
	_ =	sdelay $0x2  }
0x181: {  	v8 =	vmul.f32 v54, v23;
	v54 =	vmul.f32 v55, v23;
	v55 =	vld [tilespmem:$0x1FB30]  }
0x182: {  	v56 =	vmov v24;
	v24 =	vld.idx.msk [tilespmem:v17+s31+$0x0], $0xffff  }
0x183: {  	v22 =	vadd.f32 v6, v5;
	v5 =	vld [tilespmem:$0x1FD70]  }
0x184: {  	v6 =	vld [tilespmem:$0x1FD80]  }
0x185: {  	v33 =	vld [tilespmem:$0x1FBD0]  }
0x186: {  	v46 =	vld [tilespmem:$0x1FB50]  }
0x187: {  	v57 =	vmul.f32 v57, v23;
	v4 =	vld [tilespmem:$0x1FBC0]  }
0x188: {  	v53 =	vld [tilespmem:$0x1FBB0]  }
0x189: {  	v42 =	vadd.f32 v57, v0;
	v0 =	vmul.f32 v24, v31;
	v24 =	vadd.f32 v6, v5;
	v5 =	vld [tilespmem:$0x1FD90]  }
0x18a: {  	v47 =	vld [tilespmem:$0x1FC20]  }
0x18b: {  	v15 =	vld.idx.msk [tilespmem:v63+s31+$0x0], $0xffff  }
0x18c: {  	p1 =	sne.s32 s1, $0x3C;
	v60 =	vmul.f32 v60, v23;
	v48 =	vld [tilespmem:$0x1FC30]  }
.Ltmp0:
0x18d: {  	v29 =	vld [tilespmem:$0x1FCB0];
	(pc) =	sbr.rel @p1 .LBB2_5-.Ltmp0, $4  }
0x18e: {  	v45 =	vadd.f32 v60, v14;
	v14 =	vadd.f32 v10, v1;
	v10 =	vld.idx.msk [tilespmem:v18+s31+$0x0], $0xffff  }
0x18f: {  	v18 =	vmul.f32 v26, v30;
	v26 =	vld [tilespmem:$0x1FDB0]  }
0x190: {  	v25 =	vmul.f32 v15, v31;
	v15 =	vadd.f32 v0, v27;
	v27 =	vld [tilespmem:$0x1FDA0]  }
0x191: {  	s1 =	sadd.s32 $0x4, s1;
	v62 =	vlaneseq.u32;
	v17 =	vld.idx.msk [tilespmem:v5+s31+$0x0], $0xffff  }
0x192: {  	v15 =	vadd.f32 v20, v15;
	_ =	sdelay $0x1  }
0x193: {  	v6 =	vadd.f32 v61, v15;
	v15 =	vsub.f32 $1.000000000e+00, v37  }
0x194: {  	v20 =	vld [tilespmem:$0x1FE20]  }
0x195: {  	v37 =	vadd.f32 v41, v15;
	v41 =	vld [tilespmem:$0x1FF20]  }
0x196: {  	v0 =	vadd.f32 v21, v22;
	v1 =	vadd.f32 v25, v24;
	v5 =	vmul.f32 v19, v30;
	v22 =	vld [tilespmem:$0x1FE40]  }
0x197: {  	v14 =	vadd.f32 v16, v14;
	v25 =	vld [tilespmem:$0x1FE50]  }
0x198: {  	v59 =	vld [tilespmem:$0x1FF30];
	v0 =	vadd.f32 v18, v0;
	v1 =	vadd.f32 v5, v1  }
0x199: {  	v7 =	vld [tilespmem:$0x1FE10];
	v5 =	vadd.f32 v39, v14  }
0x19a: {  	v0 =	vadd.f32 v34, v0;
	v1 =	vadd.f32 v8, v1  }
0x19b: {  	v9 =	vmul.f32 v9, v31;
	v36 =	vadd.f32 v36, v15;
	v57 =	vadd.f32 v40, v15  }
0x19c: {  	v12 =	vmul.f32 v12, v30;
	v21 =	vadd.f32 v20, v53;
	v24 =	vadd.f32 v22, v55  }
0x19d: {  	v34 =	vadd.f32 v25, v46;
	v53 =	vmax.f32 v36, $0.0e+00;
	v55 =	vmax.f32 v37, $0.0e+00;
	v46 =	vld.idx.msk [tilespmem:v41+s31+$0x0], $0xffff  }
0x19e: {  	v13 =	vld.idx.msk [tilespmem:v13+s31+$0x0], $0xffff;
	v17 =	vmul.f32 v17, v31;
	v7 =	vadd.f32 v7, v4;
	v58 =	vadd.f32 v55, v53  }
0x19f: {  	v63 =	vadd.f32 v32, v15;
	v28 =	vadd.f32 v28, v15;
	v61 =	vmax.f32 v57, $0.0e+00  }
0x1a0: {  	v39 =	vmul.f32 v10, v31;
	v7 =	vadd.f32 v9, v7;
	v60 =	vld.idx.msk [tilespmem:v59+s31+$0x0], $0xffff;
	v14 =	vadd.f32 v61, v58  }
0x1a1: {  	v20 =	vmax.f32 v63, $0.0e+00;
	v8 =	vadd.f32 v17, v21;
	v21 =	vadd.f32 v42, v15  }
0x1a2: {  	v2 =	vld.idx.msk [tilespmem:v2+s31+$0x0], $0xffff;
	v9 =	vadd.f32 v39, v24;
	v22 =	vadd.f32 v20, v14;
	v10 =	vmul.f32 v46, v30  }
0x1a3: {  	v3 =	vld.idx.msk [tilespmem:v3+s31+$0x0], $0xffff;
	v40 =	vadd.f32 v45, v15;
	v13 =	vmul.f32 v13, v31;
	v25 =	vmax.f32 v21, $0.0e+00  }
0x1a4: {  	v45 =	vld [tilespmem:$0x1FE70];
	v36 =	vmax.f32 v28, $0.0e+00;
	v32 =	vadd.f32 v25, v22;
	v9 =	vadd.f32 v10, v9  }
0x1a5: {  	v37 =	vadd.f32 v44, v15;
	v44 =	vld.idx.msk [tilespmem:v38+s31+$0x0], $0xffff;
	v13 =	vadd.f32 v13, v34;
	v24 =	vmul.f32 v60, v30  }
0x1a6: {  	v10 =	vadd.f32 v36, v32;
	v9 =	vadd.f32 v51, v9;
	v51 =	vld [tilespmem:$0x1FF40]  }
0x1a7: {  	v42 =	vld [tilespmem:$0x1FE60];
	v7 =	vadd.f32 v12, v7;
	v34 =	vadd.f32 v24, v13;
	v13 =	vmax.f32 v37, $0.0e+00  }
0x1a8: {  	v11 =	vmul.f32 v11, v30;
	v5 =	vadd.f32 v5, v15;
	v53 =	vld [tilespmem:$0x1FF50];
	v10 =	vadd.f32 v13, v10  }
0x1a9: {  	v6 =	vadd.f32 v6, v15;
	v7 =	vadd.f32 v54, v7;
	v54 =	vld [tilespmem:$0x1FF60];
	v41 =	vmax.f32 v40, $0.0e+00  }
0x1aa: {  	v2 =	vmul.f32 v2, v31;
	v0 =	vadd.f32 v0, v15;
	v39 =	vld.idx.msk [tilespmem:v43+s31+$0x0], $0xffff;
	v10 =	vadd.f32 v41, v10  }
0x1ab: {  	v5 =	vmax.f32 v5, $0.0e+00;
	v1 =	vadd.f32 v1, v15;
	v8 =	vadd.f32 v11, v8;
	v46 =	vld [tilespmem:$0x1FE80]  }
0x1ac: {  	v3 =	vmul.f32 v3, v31;
	v11 =	vadd.f32 v50, v34;
	v50 =	vld [tilespmem:$0x1FE90];
	v5 =	vadd.f32 v5, v10  }
0x1ad: {  	v56 =	vld.idx.msk [tilespmem:v56+s31+$0x0], $0xffff;
	v6 =	vmax.f32 v6, $0.0e+00;
	v8 =	vadd.f32 v49, v8;
	v43 =	vadd.f32 v42, v33  }
0x1ae: {  	v0 =	vmax.f32 v0, $0.0e+00;
	v55 =	vadd.f32 v7, v15;
	v5 =	vadd.f32 v6, v5;
	v17 =	vld.idx.msk [tilespmem:v51+s31+$0x0], $0xffff  }
0x1af: {  	v1 =	vmax.f32 v1, $0.0e+00;
	v8 =	vadd.f32 v8, v15;
	v61 =	vadd.f32 v11, v15  }
0x1b0: {  	v4 =	vmul.f32 v44, v31;
	v13 =	vadd.f32 v45, v29;
	v6 =	vld.idx.msk [tilespmem:v53+s31+$0x0], $0xffff;
	v0 =	vadd.f32 v0, v5  }
0x1b1: {  	v49 =	vmul.f32 v39, v31;
	v14 =	vld.idx.msk [tilespmem:v54+s31+$0x0], $0xffff;
	v16 =	vadd.f32 v46, v27;
	v12 =	vadd.f32 v50, v26  }
0x1b2: {  	v7 =	vmul.f32 v56, v30;
	v2 =	vadd.f32 v2, v13;
	v0 =	vadd.f32 v1, v0  }
0x1b3: {  	v10 =	vadd.f32 v49, v43;
	v5 =	vmax.f32 v55, $0.0e+00;
	v1 =	vmul.f32 v17, v30  }
0x1b4: {  	v57 =	vld.idx.msk [tilespmem:v48+s31+$0x0], $0xffff;
	v8 =	vmax.f32 v8, $0.0e+00;
	v9 =	vadd.f32 v9, v15;
	v0 =	vadd.f32 v5, v0  }
0x1b5: {  	v59 =	vld.idx.msk [tilespmem:v47+s31+$0x0], $0xffff;
	v4 =	vadd.f32 v4, v16;
	v6 =	vmul.f32 v6, v30;
	v1 =	vadd.f32 v1, v10  }
0x1b6: {  	v3 =	vadd.f32 v3, v12;
	v58 =	vmul.f32 v14, v30;
	v0 =	vadd.f32 v8, v0  }
0x1b7: {  	v60 =	vmax.f32 v9, $0.0e+00;
	v2 =	vadd.f32 v6, v2;
	v1 =	vadd.f32 v35, v1  }
0x1b8: {  	v63 =	vmax.f32 v61, $0.0e+00;
	v4 =	vadd.f32 v58, v4;
	v0 =	vadd.f32 v60, v0  }
0x1b9: {  	v5 =	vmul.f32 v57, v23;
	v2 =	vadd.f32 v52, v2;
	v1 =	vadd.f32 v1, v15  }
0x1ba: {  	v3 =	vadd.f32 v7, v3;
	v6 =	vmul.f32 v59, v23;
	v0 =	vadd.f32 v63, v0  }
0x1bb: {  	v4 =	vadd.f32 v5, v4;
	v2 =	vadd.f32 v2, v15;
	v1 =	vmax.f32 v1, $0.0e+00  }
0x1bc: {  	v0 =	vadd.f32 v1, v0  }
0x1bd: {  	v2 =	vmax.f32 v2, $0.0e+00;
	v1 =	vadd.f32 v6, v3;
	v3 =	vadd.f32 v4, v15  }
0x1be: {  	v0 =	vadd.f32 v2, v0  }
0x1bf: {  	v1 =	vadd.f32 v1, v15;
	v2 =	vmax.f32 v3, $0.0e+00  }
0x1c0: {  	v0 =	vadd.f32 v2, v0  }
0x1c1: {  	v1 =	vmax.f32 v1, $0.0e+00  }
0x1c2: {  	v0 =	vadd.f32 v1, v0;
	v1 =	vld [tilespmem:$0x1FDC0];
	_ =	sdelay $0x1  }
.Ltmp1:
0x1c3: {  	_ = 	snop;
	(pc) =	sbr.rel @p0 .LBB2_4-.Ltmp1, $3  }
0x1c4: {  	_ =	sdelay $0x1  }
0x1c5: {  	v0 =	vadd.f32 v0, v1  }
0x1c6: {  	s1 =	simm.s32 $0x10;
	p1 =	por $0x0, $0x0  }
0x1c7: {  	p0 =	seq.s32 s28, $0x10  }
.Ltmp2:
0x1c8: {  	_ = 	snop;
	(pc) =	sbr.rel @!p0 .LBB2_3-.Ltmp2, $1  }
0x1c9: {  	_ =	sdelay $0x3  }
0x1ca: {  	s26 =	sadd.s32 $0x1, s26  }
0x1cb: {  	p0 =	sne.s32 s26, s8  }
.Ltmp3:
0x1cc: {  	[tilespmem:$0x18C00] =	vst v0;
	(pc) =	sbr.rel @p0 .LBB2_1-.Ltmp3, $4  }
0x1cd: {  	[hbm4b:s7+s2] =	stream.linear.scatter [tilespmem:s25], [sflag:$0x3], $0x10, $0x38;
	[tilespmem:$0x18C10] =	vst v63  }
0x1ce: {  	_ =	swait.ge [sflag:s9], $0x10  }
0x1cf: {  	[sflag:s9] =	ssyncset.done $0x0  }
0x1d0: {  	[sflag:s9] =	ssyncadd.s32 $0xFFFFFFF0  }
0x1d1: {  	_ =	sfence.sel $0x180000  }
0x1d2: {  	[bflag:$0x0] =	sbarrier.arrive $0xFFFF  }
0x1d3: {  	_ =	strace $0x9000004A  }
0x1d4: {  	s0 =	stileid.u32;
	[bflag:$0x2] =	sbarrier.arrive $0xFFFF  }
0x1d5: {  	p0 =	sne.s32 s0, $0x0;
	s0 =	rddreg [dreg:$0x4]  }
0x1d6: {  	s0 =	sadd.s32 @!p0 $0x100000, s0  }
0x1d7: {  	[sflag:s0] =	ssyncadd.tile.s32 @!p0 $0x1;
	_ =	shalt  }
.Lfunc_end2:
_tile_overlayer_lowered:
.L_overlay_start_2:
0x1d8: {  	(tag) =	ssettag $0x2  }
0x1d9: {  	s0 =	rddreg [dreg:$0x0];
	s2 =	stileid.u32  }
0x1da: {  	s1 =	rddreg [dreg:$0x1];
	p0 =	sne.s32 s2, $0x0  }
0x1db: {  	s3 =	rddreg [dreg:$0x2];
	[bflag:$0x3] =	sbarrier.arrive $0xFFFF;
	s2 =	simm.s32 @!p0 $0x1C03  }
0x1dc: {  	[timem:s3], [sflag:s2] =	dma.local @!p0 [hbm:s0], s1  }
0x1dd: {  	s0 =	simm.s32 @!p0 $0x3  }
0x1de: {  	_ =	swait.ge @!p0 [sflag:s0], s1  }
0x1df: {  	s1 =	ssub.s32 @!p0 $0x0, s1;
	[sflag:s0] =	ssyncset.done @!p0 $0x0  }
0x1e0: {  	[sflag:s0] =	ssyncadd.s32 @!p0 s1  }
0x1e1: {  	[bflag:$0x3] =	sbarrier.arrive $0xFFFF  }
0x1e2: {  	_ =	shalt  }

</sc_bundles>
